<compile_context>
chip_gen: v7x
topology: tpu7x:2x2x1
jax: 0.10.2.dev20260603
libtpu: 0.0.44.dev20260713+nightly
codegen_flags: <defaults>
</compile_context>

<pallas_src>
import functools

import jax
import jax.numpy as jnp
from jax import lax
from jax.experimental import pallas as pl
from jax.experimental.pallas import tpu as pltpu
from jax.experimental.pallas import tpu_sc as plsc

N = 10000
D = 128
E = 320000
CH = 128
NC = 2
NS = 16
NW = NC * NS
NCH = 80
E_PAD = NW * CH * NCH
NPAD = 10112
RPT = NPAD // NS

_mesh = plsc.VectorSubcoreMesh(core_axis_name="c", subcore_axis_name="s")


@functools.partial(
    pl.kernel,
    out_type=jax.ShapeDtypeStruct((NC, NPAD, D), jnp.float32),
    mesh=_mesh,
    scratch_types=[
        pltpu.VMEM((NCH, CH), jnp.int32),
        pltpu.VMEM((CH, D), jnp.float32),
        pltpu.VMEM_SHARED((NPAD, D), jnp.float32),
        pltpu.SemaphoreType.DMA,
    ],
)
def _deg_kernel(dst_hbm, ones_hbm, zeros_hbm, out_hbm, didx, ones_v, acc, sem):
    c = lax.axis_index("c")
    s = lax.axis_index("s")
    wid = s * NC + c
    pltpu.sync_copy(zeros_hbm.at[pl.ds(s * RPT, RPT)], acc.at[pl.ds(s * RPT, RPT)])
    pltpu.sync_copy(ones_hbm, ones_v)
    pltpu.sync_copy(dst_hbm.at[pl.ds(wid * NCH, NCH)], didx)
    plsc.subcore_barrier()

    def body(i, carry):
        pltpu.sync_copy(ones_v, acc.at[didx.at[i]], add=True)
        return carry

    lax.fori_loop(0, NCH, body, 0)
    plsc.subcore_barrier()
    pltpu.sync_copy(acc.at[pl.ds(s * RPT, RPT)], out_hbm.at[c, pl.ds(s * RPT, RPT)])


@functools.partial(
    pl.kernel,
    out_type=jax.ShapeDtypeStruct((NC, NPAD, D), jnp.float32),
    mesh=_mesh,
    scratch_types=[
        pltpu.VMEM((48, CH), jnp.int32),
        pltpu.VMEM((48, CH), jnp.int32),
        pltpu.VMEM((CH, D), jnp.float32),
        pltpu.VMEM((CH, D), jnp.float32),
        pltpu.VMEM_SHARED((NPAD, D), jnp.float32),
        pltpu.SemaphoreType.DMA,
        pltpu.SemaphoreType.DMA,
    ],
)
def _msg_kernel(src_hbm, dst_hbm, h_hbm, zeros_hbm, out_hbm,
                sidx, didx, rows0, rows1, acc, sem0, sem1):
    c = lax.axis_index("c")
    s = lax.axis_index("s")
    pltpu.sync_copy(zeros_hbm.at[pl.ds(s * RPT, RPT)], acc.at[pl.ds(s * RPT, RPT)])
    plsc.subcore_barrier()

    def run_block(base, hch):
        pltpu.sync_copy(src_hbm.at[pl.ds(base, hch)], sidx.at[pl.ds(0, hch)])
        pltpu.sync_copy(dst_hbm.at[pl.ds(base, hch)], didx.at[pl.ds(0, hch)])
        pltpu.async_copy(h_hbm.at[sidx.at[0]], rows0, sem0)
        pltpu.async_copy(h_hbm.at[sidx.at[1]], rows1, sem1)

        def body(j, carry):
            p = 2 * j
            pltpu.make_async_copy(h_hbm.at[sidx.at[p]], rows0, sem0).wait()
            pltpu.sync_copy(rows0, acc.at[didx.at[p]], add=True)
            pltpu.async_copy(h_hbm.at[sidx.at[p + 2]], rows0, sem0)
            pltpu.make_async_copy(h_hbm.at[sidx.at[p + 1]], rows1, sem1).wait()
            pltpu.sync_copy(rows1, acc.at[didx.at[p + 1]], add=True)
            pltpu.async_copy(h_hbm.at[sidx.at[p + 3]], rows1, sem1)
            return carry

        lax.fori_loop(0, hch // 2 - 1, body, 0)
        pltpu.make_async_copy(h_hbm.at[sidx.at[hch - 2]], rows0, sem0).wait()
        pltpu.sync_copy(rows0, acc.at[didx.at[hch - 2]], add=True)
        pltpu.make_async_copy(h_hbm.at[sidx.at[hch - 1]], rows1, sem1).wait()
        pltpu.sync_copy(rows1, acc.at[didx.at[hch - 1]], add=True)

    NCH_C0 = 152
    NCH_C1 = 160 - NCH_C0

    @pl.when(c == 0)
    def _():
        for base, blk in ((0, 48), (48, 48), (96, 48), (144, 8)):
            run_block(s * NCH_C0 + base, blk)

    @pl.when(c == 1)
    def _():
        run_block(NS * NCH_C0 + s * NCH_C1, 8)

    plsc.subcore_barrier()
    pltpu.sync_copy(acc.at[pl.ds(s * RPT, RPT)], out_hbm.at[c, pl.ds(s * RPT, RPT)])


def _tca_body(parts_ref, x_ref, w1_ref, dis_ref, h1p_ref):
    deg = jnp.sum(parts_ref[0, :N, :] + parts_ref[1, :N, :], axis=1,
                  keepdims=True) * (1.0 / D) + 1.0
    dis = lax.rsqrt(deg)
    dis_ref[...] = dis
    h1p_ref[...] = dis * jnp.dot(x_ref[...], w1_ref[...],
                                 preferred_element_type=jnp.float32)


_tca = pl.pallas_call(
    _tca_body,
    out_shape=(jax.ShapeDtypeStruct((N, 1), jnp.float32),
               jax.ShapeDtypeStruct((N, D), jnp.float32)),
)


def _tcb_body(acc_ref, dis_ref, h1p_ref, b1_ref, w2_ref, h2p_ref):
    dis = dis_ref[...]
    z = dis * (acc_ref[0, :N, :] + acc_ref[1, :N, :] + h1p_ref[...]) + b1_ref[...]
    z = jnp.maximum(z, 0.0)
    h2p_ref[...] = dis * jnp.dot(z, w2_ref[...],
                                 preferred_element_type=jnp.float32)


_tcb = pl.pallas_call(
    _tcb_body,
    out_shape=jax.ShapeDtypeStruct((N, D), jnp.float32),
)


def _tcc_body(acc_ref, dis_ref, h2p_ref, b2_ref, out_ref):
    out_ref[...] = (dis_ref[...]
                    * (acc_ref[0, :N, :] + acc_ref[1, :N, :] + h2p_ref[...])
                    + b2_ref[...])


_tcc = pl.pallas_call(
    _tcc_body,
    out_shape=jax.ShapeDtypeStruct((N, D), jnp.float32),
)


def kernel(x, adj, W1, b1, W2, b2):
    src = adj[0].astype(jnp.int32)
    dst = adj[1].astype(jnp.int32)
    pad = E_PAD - E
    src_p = jnp.concatenate([src, jnp.zeros((pad,), jnp.int32)])
    dst_p = jnp.concatenate([dst, jnp.full((pad,), NPAD - 1, jnp.int32)])
    src2d = src_p.reshape(E_PAD // CH, CH)
    dst2d = dst_p.reshape(E_PAD // CH, CH)
    onesD = jnp.ones((CH, D), jnp.float32)
    zerosD = jnp.zeros((NPAD, D), jnp.float32)

    deg_parts = _deg_kernel(dst2d, onesD, zerosD)
    dis, h1p = _tca(deg_parts, x, W1)
    acc1 = _msg_kernel(src2d, dst2d, h1p, zerosD)
    h2p = _tcb(acc1, dis, h1p, b1.reshape(1, D), W2)
    acc2 = _msg_kernel(src2d, dst2d, h2p, zerosD)
    out = _tcc(acc2, dis, h2p, b2.reshape(1, D))
    return out

# --- scband reference (transcript-rebuilt; emitter-appended) ---
"""Pipeline reference for scband-gcn-730144440782 (READ-ONLY COPY).

The authoritative reference and input builder live on the scoring server;
editing this copy changes nothing except your own understanding.
"""

import jax, jax.numpy as jnp
import numpy as np

N_NODES = 10000
N_EDGES = 320000
D_IN = 128
D_HID = 128
D_OUT = 128


def setup_inputs(seed: int = 0) -> dict:
    key = jax.random.key(seed)
    k_x, k_ei, k_w1, k_b1, k_w2, k_b2 = (jax.random.fold_in(key, i) for i in range(6))
    x = jax.random.normal(k_x, (N_NODES, D_IN), dtype=jnp.float32)
    adj = jax.random.randint(k_ei, (2, N_EDGES), 0, N_NODES, dtype=jnp.int64)
    # GCNConv params (Glorot-style scale)
    W1 = jax.random.normal(k_w1, (D_IN, D_HID), dtype=jnp.float32) * (1.0 / np.sqrt(D_IN))
    b1 = jnp.zeros((D_HID,), dtype=jnp.float32)
    W2 = jax.random.normal(k_w2, (D_HID, D_OUT), dtype=jnp.float32) * (1.0 / np.sqrt(D_HID))
    b2 = jnp.zeros((D_OUT,), dtype=jnp.float32)
    return {"x": x, "adj": adj, "W1": W1, "b1": b1, "W2": W2, "b2": b2}


def _gcn_conv(x, src, dst, deg_inv_sqrt, W, b):
    # x' = D^{-1/2} (A + I) D^{-1/2} X W + b, expressed edge-wise with self-loops
    # already folded into (src, dst).
    h = x @ W
    norm = deg_inv_sqrt[src] * deg_inv_sqrt[dst]
    msg = jnp.take(h, src, axis=0) * norm[:, None]
    out = jnp.zeros((x.shape[0], W.shape[1]), dtype=h.dtype).at[dst].add(msg)
    return out + b


def reference(x, adj, W1, b1, W2, b2):
    N = x.shape[0]
    self_loops = jnp.arange(N, dtype=adj.dtype)
    src = jnp.concatenate([adj[0], self_loops])
    dst = jnp.concatenate([adj[1], self_loops])
    # symmetric GCN normalization with self-loops (degree from dst)
    deg = jnp.zeros((N,), dtype=jnp.float32).at[dst].add(1.0)
    deg_inv_sqrt = jnp.where(deg > 0, 1.0 / jnp.sqrt(deg), 0.0)
    # eval mode: dropout is identity
    h = _gcn_conv(x, src, dst, deg_inv_sqrt, W1, b1)
    h = jax.nn.relu(h)
    out = _gcn_conv(h, src, dst, deg_inv_sqrt, W2, b2)
    return out

if __name__ == "__main__":
    import jax
    _d = setup_inputs()
    print(jax.jit(kernel)(*tuple(_d.values())))

</pallas_src>

<mosaic_0001>
#map = affine_map<(d0, d1) -> (0, 0)>
#map1 = affine_map<(d0, d1) -> (0, 0, 0)>
module attributes {stable_mosaic.version = 14 : i64} {
  func.func @_deg_kernel(%arg0: i32, %arg1: i32, %arg2: memref<2560x128xi32, #tpu.memory_space<hbm>>, %arg3: memref<128x128xf32, #tpu.memory_space<hbm>>, %arg4: memref<10112x128xf32, #tpu.memory_space<hbm>>, %arg5: memref<2x10112x128xf32, #tpu.memory_space<hbm>>, %arg6: memref<80x128xi32, #tpu.memory_space<vmem>>, %arg7: memref<128x128xf32, #tpu.memory_space<vmem>>, %arg8: memref<10112x128xf32, #tpu.memory_space<vmem_shared>>, %arg9: memref<!tpu.dma_semaphore, #tpu.memory_space<semaphore_mem>>) attributes {dimension_semantics = [#tpu.dimension_semantics<core_parallel>, #tpu.dimension_semantics<subcore_parallel>], iteration_bounds = array<i64: 2, 16>, scalar_prefetch = 0 : i64, scratch_operands = 4 : i64, tpu.core_type = #tpu.core_type<sc_vector_subcore>, window_params = [{transform_indices = #map}, {transform_indices = #map}, {transform_indices = #map}, {transform_indices = #map1}]} {
    %mul3A = arith.constant 2 : i32
    %mul3A_0 = arith.muli %arg1, %mul3A : i32
    %add3A = arith.addi %mul3A_0, %arg0 : i32
    %mul3A_1 = arith.constant 632 : i32
    %mul3A_2 = arith.muli %arg1, %mul3A_1 : i32
    %mul3A_3 = arith.constant 632 : i32
    %mul3A_4 = arith.muli %arg1, %mul3A_3 : i32
    "tpu.region"() ({
      %run_scoped3A = tpu.sem_alloc : memref<!tpu.dma_semaphore, #tpu.memory_space<semaphore_mem>>
      %dma_start3A = arith.constant 0 : i32
      %dma_start3A_17 = tpu.memref_slice %arg8[%mul3A_4, %dma_start3A] : memref<10112x128xf32, #tpu.memory_space<vmem_shared>> -> memref<632x128xf32, #tpu.memory_space<vmem_shared>>
      %dma_start3A_18 = arith.constant 0 : i32
      %dma_start3A_19 = tpu.memref_slice %arg4[%mul3A_2, %dma_start3A_18] : memref<10112x128xf32, #tpu.memory_space<hbm>> -> memref<632x128xf32, #tpu.memory_space<hbm>>
      tpu.enqueue_dma source(%dma_start3A_19 : memref<632x128xf32, #tpu.memory_space<hbm>>) target(%dma_start3A_17 : memref<632x128xf32, #tpu.memory_space<vmem_shared>>) target_semaphore(%run_scoped3A : memref<!tpu.dma_semaphore, #tpu.memory_space<semaphore_mem>>)
      %dma_wait3A = arith.constant 0 : i32
      %dma_wait3A_20 = tpu.memref_slice %arg8[%mul3A_4, %dma_wait3A] : memref<10112x128xf32, #tpu.memory_space<vmem_shared>> -> memref<632x128xf32, #tpu.memory_space<vmem_shared>>
      %dma_wait3A_21 = arith.constant 0 : i32
      %dma_wait3A_22 = tpu.memref_slice %arg4[%mul3A_2, %dma_wait3A_21] : memref<10112x128xf32, #tpu.memory_space<hbm>> -> memref<632x128xf32, #tpu.memory_space<hbm>>
      tpu.wait_dma2 semaphore(%run_scoped3A : memref<!tpu.dma_semaphore, #tpu.memory_space<semaphore_mem>>) src(%dma_wait3A_22 : memref<632x128xf32, #tpu.memory_space<hbm>>) dst(%dma_wait3A_20 : memref<632x128xf32, #tpu.memory_space<vmem_shared>>)
      tpu.yield
    }) : () -> ()
    "tpu.region"() ({
      %run_scoped3A = tpu.sem_alloc : memref<!tpu.dma_semaphore, #tpu.memory_space<semaphore_mem>>
      tpu.enqueue_dma source(%arg3 : memref<128x128xf32, #tpu.memory_space<hbm>>) target(%arg7 : memref<128x128xf32, #tpu.memory_space<vmem>>) target_semaphore(%run_scoped3A : memref<!tpu.dma_semaphore, #tpu.memory_space<semaphore_mem>>)
      tpu.wait_dma2 semaphore(%run_scoped3A : memref<!tpu.dma_semaphore, #tpu.memory_space<semaphore_mem>>) src(%arg3 : memref<128x128xf32, #tpu.memory_space<hbm>>) dst(%arg7 : memref<128x128xf32, #tpu.memory_space<vmem>>)
      tpu.yield
    }) : () -> ()
    %mul3A_5 = arith.constant 80 : i32
    %mul3A_6 = arith.muli %add3A, %mul3A_5 : i32
    "tpu.region"() ({
      %run_scoped3A = tpu.sem_alloc : memref<!tpu.dma_semaphore, #tpu.memory_space<semaphore_mem>>
      %dma_start3A = arith.constant 0 : i32
      %dma_start3A_17 = tpu.memref_slice %arg2[%mul3A_6, %dma_start3A] : memref<2560x128xi32, #tpu.memory_space<hbm>> -> memref<80x128xi32, #tpu.memory_space<hbm>>
      %dma_start3A_18 = arith.constant 0 : i32
      %dma_start3A_19 = tpu.memref_slice %arg2[%mul3A_6, %dma_start3A_18] : memref<2560x128xi32, #tpu.memory_space<hbm>> -> memref<80x128xi32, #tpu.memory_space<hbm>>
      tpu.enqueue_dma source(%dma_start3A_19 : memref<80x128xi32, #tpu.memory_space<hbm>>) target(%arg6 : memref<80x128xi32, #tpu.memory_space<vmem>>) target_semaphore(%run_scoped3A : memref<!tpu.dma_semaphore, #tpu.memory_space<semaphore_mem>>)
      %dma_wait3A = arith.constant 0 : i32
      %dma_wait3A_20 = tpu.memref_slice %arg2[%mul3A_6, %dma_wait3A] : memref<2560x128xi32, #tpu.memory_space<hbm>> -> memref<80x128xi32, #tpu.memory_space<hbm>>
      %dma_wait3A_21 = arith.constant 0 : i32
      %dma_wait3A_22 = tpu.memref_slice %arg2[%mul3A_6, %dma_wait3A_21] : memref<2560x128xi32, #tpu.memory_space<hbm>> -> memref<80x128xi32, #tpu.memory_space<hbm>>
      tpu.wait_dma2 semaphore(%run_scoped3A : memref<!tpu.dma_semaphore, #tpu.memory_space<semaphore_mem>>) src(%dma_wait3A_22 : memref<80x128xi32, #tpu.memory_space<hbm>>) dst(%arg6 : memref<80x128xi32, #tpu.memory_space<vmem>>)
      tpu.yield
    }) : () -> ()
    %barrier3A = arith.constant 0 : index
    tpu.barrier barrier_id(%barrier3A)
    %scan3A = arith.constant 0 : i32
    %scan3A_7 = arith.constant 0 : i32
    %scan3A_8 = arith.constant 80 : i32
    %scan3A_9 = arith.addi %scan3A_7, %scan3A_8 : i32
    %scan3A_10 = arith.constant 1 : i32
    scf.for %scan3A_17 = %scan3A_7 to %scan3A_9 step %scan3A_10  : i32 {
      "tpu.region"() ({
        %run_scoped3A = tpu.sem_alloc : memref<!tpu.dma_semaphore, #tpu.memory_space<semaphore_mem>>
        %dma_start3A = arith.constant 0 : i32
        %dma_start3A_18 = tpu.memref_slice %arg6[%scan3A_17, %dma_start3A] : memref<80x128xi32, #tpu.memory_space<vmem>> -> memref<1x128xi32, #tpu.memory_space<vmem>>
        %dma_start3A_19 = tpu.memref_squeeze %dma_start3A_18 : memref<1x128xi32, #tpu.memory_space<vmem>> -> memref<128xi32, #tpu.memory_space<vmem>>
        %dma_start3A_20 = arith.constant 0 : i32
        %dma_start3A_21 = arith.constant 0 : i32
        %dma_start3A_22 = tpu.memref_slice %arg8[%dma_start3A_20, %dma_start3A_21] : memref<10112x128xf32, #tpu.memory_space<vmem_shared>> -> memref<10112x128xf32, #tpu.memory_space<vmem_shared>>
        tpu.enqueue_indirect_dma source(%arg7 : memref<128x128xf32, #tpu.memory_space<vmem>>) target(%dma_start3A_22 : memref<10112x128xf32, #tpu.memory_space<vmem_shared>>) offsets(%dma_start3A_19 : memref<128xi32, #tpu.memory_space<vmem>>) semaphore(%run_scoped3A : memref<!tpu.dma_semaphore, #tpu.memory_space<semaphore_mem>>) {add = true}
        %dma_wait3A = arith.constant 0 : i32
        %dma_wait3A_23 = tpu.memref_slice %arg6[%scan3A_17, %dma_wait3A] : memref<80x128xi32, #tpu.memory_space<vmem>> -> memref<1x128xi32, #tpu.memory_space<vmem>>
        %dma_wait3A_24 = tpu.memref_squeeze %dma_wait3A_23 : memref<1x128xi32, #tpu.memory_space<vmem>> -> memref<128xi32, #tpu.memory_space<vmem>>
        %dma_wait3A_25 = arith.constant 0 : i32
        %dma_wait3A_26 = arith.constant 0 : i32
        %dma_wait3A_27 = tpu.memref_slice %arg8[%dma_wait3A_25, %dma_wait3A_26] : memref<10112x128xf32, #tpu.memory_space<vmem_shared>> -> memref<10112x128xf32, #tpu.memory_space<vmem_shared>>
        tpu.wait_indirect_dma semaphore(%run_scoped3A : memref<!tpu.dma_semaphore, #tpu.memory_space<semaphore_mem>>) src(%arg7 : memref<128x128xf32, #tpu.memory_space<vmem>>) dst(%dma_wait3A_27 : memref<10112x128xf32, #tpu.memory_space<vmem_shared>>)
        tpu.yield
      }) : () -> ()
    }
    %scan3A_11 = arith.constant 80 : i32
    %barrier3A_12 = arith.constant 0 : index
    tpu.barrier barrier_id(%barrier3A_12)
    %mul3A_13 = arith.constant 632 : i32
    %mul3A_14 = arith.muli %arg1, %mul3A_13 : i32
    %mul3A_15 = arith.constant 632 : i32
    %mul3A_16 = arith.muli %arg1, %mul3A_15 : i32
    "tpu.region"() ({
      %run_scoped3A = tpu.sem_alloc : memref<!tpu.dma_semaphore, #tpu.memory_space<semaphore_mem>>
      %dma_start3A = arith.constant 0 : i32
      %dma_start3A_17 = tpu.memref_slice %arg5[%arg0, %mul3A_16, %dma_start3A] : memref<2x10112x128xf32, #tpu.memory_space<hbm>> -> memref<1x632x128xf32, #tpu.memory_space<hbm>>
      %dma_start3A_18 = tpu.memref_squeeze %dma_start3A_17 : memref<1x632x128xf32, #tpu.memory_space<hbm>> -> memref<632x128xf32, #tpu.memory_space<hbm>>
      %dma_start3A_19 = arith.constant 0 : i32
      %dma_start3A_20 = tpu.memref_slice %arg8[%mul3A_14, %dma_start3A_19] : memref<10112x128xf32, #tpu.memory_space<vmem_shared>> -> memref<632x128xf32, #tpu.memory_space<vmem_shared>>
      tpu.enqueue_dma source(%dma_start3A_20 : memref<632x128xf32, #tpu.memory_space<vmem_shared>>) target(%dma_start3A_18 : memref<632x128xf32, #tpu.memory_space<hbm>>) target_semaphore(%run_scoped3A : memref<!tpu.dma_semaphore, #tpu.memory_space<semaphore_mem>>)
      %dma_wait3A = arith.constant 0 : i32
      %dma_wait3A_21 = tpu.memref_slice %arg5[%arg0, %mul3A_16, %dma_wait3A] : memref<2x10112x128xf32, #tpu.memory_space<hbm>> -> memref<1x632x128xf32, #tpu.memory_space<hbm>>
      %dma_wait3A_22 = tpu.memref_squeeze %dma_wait3A_21 : memref<1x632x128xf32, #tpu.memory_space<hbm>> -> memref<632x128xf32, #tpu.memory_space<hbm>>
      %dma_wait3A_23 = arith.constant 0 : i32
      %dma_wait3A_24 = tpu.memref_slice %arg8[%mul3A_14, %dma_wait3A_23] : memref<10112x128xf32, #tpu.memory_space<vmem_shared>> -> memref<632x128xf32, #tpu.memory_space<vmem_shared>>
      tpu.wait_dma2 semaphore(%run_scoped3A : memref<!tpu.dma_semaphore, #tpu.memory_space<semaphore_mem>>) src(%dma_wait3A_24 : memref<632x128xf32, #tpu.memory_space<vmem_shared>>) dst(%dma_wait3A_22 : memref<632x128xf32, #tpu.memory_space<hbm>>)
      tpu.yield
    }) : () -> ()
    return
  }
}

#map = affine_map<(d0, d1) -> (0, 0)>
#map1 = affine_map<(d0, d1) -> (0, 0, 0)>
module attributes {stable_mosaic.version = 14 : i64} {
  func.func @_msg_kernel(%arg0: i32, %arg1: i32, %arg2: memref<2560x128xi32, #tpu.memory_space<hbm>>, %arg3: memref<2560x128xi32, #tpu.memory_space<hbm>>, %arg4: memref<10000x128xf32, #tpu.memory_space<hbm>>, %arg5: memref<10112x128xf32, #tpu.memory_space<hbm>>, %arg6: memref<2x10112x128xf32, #tpu.memory_space<hbm>>, %arg7: memref<48x128xi32, #tpu.memory_space<vmem>>, %arg8: memref<48x128xi32, #tpu.memory_space<vmem>>, %arg9: memref<128x128xf32, #tpu.memory_space<vmem>>, %arg10: memref<128x128xf32, #tpu.memory_space<vmem>>, %arg11: memref<10112x128xf32, #tpu.memory_space<vmem_shared>>, %arg12: memref<!tpu.dma_semaphore, #tpu.memory_space<semaphore_mem>>, %arg13: memref<!tpu.dma_semaphore, #tpu.memory_space<semaphore_mem>>) attributes {dimension_semantics = [#tpu.dimension_semantics<core_parallel>, #tpu.dimension_semantics<subcore_parallel>], iteration_bounds = array<i64: 2, 16>, scalar_prefetch = 0 : i64, scratch_operands = 7 : i64, tpu.core_type = #tpu.core_type<sc_vector_subcore>, window_params = [{transform_indices = #map}, {transform_indices = #map}, {transform_indices = #map}, {transform_indices = #map}, {transform_indices = #map1}]} {
    %mul3A = arith.constant 632 : i32
    %mul3A_0 = arith.muli %arg1, %mul3A : i32
    %mul3A_1 = arith.constant 632 : i32
    %mul3A_2 = arith.muli %arg1, %mul3A_1 : i32
    "tpu.region"() ({
      %run_scoped3A = tpu.sem_alloc : memref<!tpu.dma_semaphore, #tpu.memory_space<semaphore_mem>>
      %dma_start3A = arith.constant 0 : i32
      %dma_start3A_15 = tpu.memref_slice %arg11[%mul3A_2, %dma_start3A] : memref<10112x128xf32, #tpu.memory_space<vmem_shared>> -> memref<632x128xf32, #tpu.memory_space<vmem_shared>>
      %dma_start3A_16 = arith.constant 0 : i32
      %dma_start3A_17 = tpu.memref_slice %arg5[%mul3A_0, %dma_start3A_16] : memref<10112x128xf32, #tpu.memory_space<hbm>> -> memref<632x128xf32, #tpu.memory_space<hbm>>
      tpu.enqueue_dma source(%dma_start3A_17 : memref<632x128xf32, #tpu.memory_space<hbm>>) target(%dma_start3A_15 : memref<632x128xf32, #tpu.memory_space<vmem_shared>>) target_semaphore(%run_scoped3A : memref<!tpu.dma_semaphore, #tpu.memory_space<semaphore_mem>>)
      %dma_wait3A = arith.constant 0 : i32
      %dma_wait3A_18 = tpu.memref_slice %arg11[%mul3A_2, %dma_wait3A] : memref<10112x128xf32, #tpu.memory_space<vmem_shared>> -> memref<632x128xf32, #tpu.memory_space<vmem_shared>>
      %dma_wait3A_19 = arith.constant 0 : i32
      %dma_wait3A_20 = tpu.memref_slice %arg5[%mul3A_0, %dma_wait3A_19] : memref<10112x128xf32, #tpu.memory_space<hbm>> -> memref<632x128xf32, #tpu.memory_space<hbm>>
      tpu.wait_dma2 semaphore(%run_scoped3A : memref<!tpu.dma_semaphore, #tpu.memory_space<semaphore_mem>>) src(%dma_wait3A_20 : memref<632x128xf32, #tpu.memory_space<hbm>>) dst(%dma_wait3A_18 : memref<632x128xf32, #tpu.memory_space<vmem_shared>>)
      tpu.yield
    }) : () -> ()
    %barrier3A = arith.constant 0 : index
    tpu.barrier barrier_id(%barrier3A)
    %eq3A = arith.constant 0 : i32
    %eq3A_3 = arith.cmpi eq, %arg0, %eq3A : i32
    %convert_element_type3A = arith.extui %eq3A_3 : i1 to i32
    %cond3A = arith.constant 0 : i32
    %cond3A_4 = arith.cmpi ne, %convert_element_type3A, %cond3A : i32
    scf.if %cond3A_4 {
      %mul3A_15 = arith.constant 152 : i32
      %mul3A_16 = arith.muli %arg1, %mul3A_15 : i32
      %add3A = arith.constant 0 : i32
      %add3A_17 = arith.addi %mul3A_16, %add3A : i32
      "tpu.region"() ({
        %run_scoped3A_170 = tpu.sem_alloc : memref<!tpu.dma_semaphore, #tpu.memory_space<semaphore_mem>>
        %dma_start3A_171 = arith.constant 0 : i32
        %dma_start3A_172 = arith.constant 0 : i32
        %dma_start3A_173 = tpu.memref_slice %arg7[%dma_start3A_171, %dma_start3A_172] : memref<48x128xi32, #tpu.memory_space<vmem>> -> memref<48x128xi32, #tpu.memory_space<vmem>>
        %dma_start3A_174 = arith.constant 0 : i32
        %dma_start3A_175 = tpu.memref_slice %arg2[%add3A_17, %dma_start3A_174] : memref<2560x128xi32, #tpu.memory_space<hbm>> -> memref<48x128xi32, #tpu.memory_space<hbm>>
        %dma_start3A_176 = arith.constant 0 : i32
        %dma_start3A_177 = arith.constant 0 : i32
        %dma_start3A_178 = tpu.memref_slice %arg7[%dma_start3A_176, %dma_start3A_177] : memref<48x128xi32, #tpu.memory_space<vmem>> -> memref<48x128xi32, #tpu.memory_space<vmem>>
        %dma_start3A_179 = arith.constant 0 : i32
        %dma_start3A_180 = tpu.memref_slice %arg2[%add3A_17, %dma_start3A_179] : memref<2560x128xi32, #tpu.memory_space<hbm>> -> memref<48x128xi32, #tpu.memory_space<hbm>>
        tpu.enqueue_dma source(%dma_start3A_180 : memref<48x128xi32, #tpu.memory_space<hbm>>) target(%dma_start3A_178 : memref<48x128xi32, #tpu.memory_space<vmem>>) target_semaphore(%run_scoped3A_170 : memref<!tpu.dma_semaphore, #tpu.memory_space<semaphore_mem>>)
        %dma_wait3A_181 = arith.constant 0 : i32
        %dma_wait3A_182 = arith.constant 0 : i32
        %dma_wait3A_183 = tpu.memref_slice %arg7[%dma_wait3A_181, %dma_wait3A_182] : memref<48x128xi32, #tpu.memory_space<vmem>> -> memref<48x128xi32, #tpu.memory_space<vmem>>
        %dma_wait3A_184 = arith.constant 0 : i32
        %dma_wait3A_185 = tpu.memref_slice %arg2[%add3A_17, %dma_wait3A_184] : memref<2560x128xi32, #tpu.memory_space<hbm>> -> memref<48x128xi32, #tpu.memory_space<hbm>>
        %dma_wait3A_186 = arith.constant 0 : i32
        %dma_wait3A_187 = arith.constant 0 : i32
        %dma_wait3A_188 = tpu.memref_slice %arg7[%dma_wait3A_186, %dma_wait3A_187] : memref<48x128xi32, #tpu.memory_space<vmem>> -> memref<48x128xi32, #tpu.memory_space<vmem>>
        %dma_wait3A_189 = arith.constant 0 : i32
        %dma_wait3A_190 = tpu.memref_slice %arg2[%add3A_17, %dma_wait3A_189] : memref<2560x128xi32, #tpu.memory_space<hbm>> -> memref<48x128xi32, #tpu.memory_space<hbm>>
        tpu.wait_dma2 semaphore(%run_scoped3A_170 : memref<!tpu.dma_semaphore, #tpu.memory_space<semaphore_mem>>) src(%dma_wait3A_190 : memref<48x128xi32, #tpu.memory_space<hbm>>) dst(%dma_wait3A_188 : memref<48x128xi32, #tpu.memory_space<vmem>>)
        tpu.yield
      }) : () -> ()
      "tpu.region"() ({
        %run_scoped3A_170 = tpu.sem_alloc : memref<!tpu.dma_semaphore, #tpu.memory_space<semaphore_mem>>
        %dma_start3A_171 = arith.constant 0 : i32
        %dma_start3A_172 = arith.constant 0 : i32
        %dma_start3A_173 = tpu.memref_slice %arg8[%dma_start3A_171, %dma_start3A_172] : memref<48x128xi32, #tpu.memory_space<vmem>> -> memref<48x128xi32, #tpu.memory_space<vmem>>
        %dma_start3A_174 = arith.constant 0 : i32
        %dma_start3A_175 = tpu.memref_slice %arg3[%add3A_17, %dma_start3A_174] : memref<2560x128xi32, #tpu.memory_space<hbm>> -> memref<48x128xi32, #tpu.memory_space<hbm>>
        %dma_start3A_176 = arith.constant 0 : i32
        %dma_start3A_177 = arith.constant 0 : i32
        %dma_start3A_178 = tpu.memref_slice %arg8[%dma_start3A_176, %dma_start3A_177] : memref<48x128xi32, #tpu.memory_space<vmem>> -> memref<48x128xi32, #tpu.memory_space<vmem>>
        %dma_start3A_179 = arith.constant 0 : i32
        %dma_start3A_180 = tpu.memref_slice %arg3[%add3A_17, %dma_start3A_179] : memref<2560x128xi32, #tpu.memory_space<hbm>> -> memref<48x128xi32, #tpu.memory_space<hbm>>
        tpu.enqueue_dma source(%dma_start3A_180 : memref<48x128xi32, #tpu.memory_space<hbm>>) target(%dma_start3A_178 : memref<48x128xi32, #tpu.memory_space<vmem>>) target_semaphore(%run_scoped3A_170 : memref<!tpu.dma_semaphore, #tpu.memory_space<semaphore_mem>>)
        %dma_wait3A_181 = arith.constant 0 : i32
        %dma_wait3A_182 = arith.constant 0 : i32
        %dma_wait3A_183 = tpu.memref_slice %arg8[%dma_wait3A_181, %dma_wait3A_182] : memref<48x128xi32, #tpu.memory_space<vmem>> -> memref<48x128xi32, #tpu.memory_space<vmem>>
        %dma_wait3A_184 = arith.constant 0 : i32
        %dma_wait3A_185 = tpu.memref_slice %arg3[%add3A_17, %dma_wait3A_184] : memref<2560x128xi32, #tpu.memory_space<hbm>> -> memref<48x128xi32, #tpu.memory_space<hbm>>
        %dma_wait3A_186 = arith.constant 0 : i32
        %dma_wait3A_187 = arith.constant 0 : i32
        %dma_wait3A_188 = tpu.memref_slice %arg8[%dma_wait3A_186, %dma_wait3A_187] : memref<48x128xi32, #tpu.memory_space<vmem>> -> memref<48x128xi32, #tpu.memory_space<vmem>>
        %dma_wait3A_189 = arith.constant 0 : i32
        %dma_wait3A_190 = tpu.memref_slice %arg3[%add3A_17, %dma_wait3A_189] : memref<2560x128xi32, #tpu.memory_space<hbm>> -> memref<48x128xi32, #tpu.memory_space<hbm>>
        tpu.wait_dma2 semaphore(%run_scoped3A_170 : memref<!tpu.dma_semaphore, #tpu.memory_space<semaphore_mem>>) src(%dma_wait3A_190 : memref<48x128xi32, #tpu.memory_space<hbm>>) dst(%dma_wait3A_188 : memref<48x128xi32, #tpu.memory_space<vmem>>)
        tpu.yield
      }) : () -> ()
      %dma_start3A = arith.constant 0 : i32
      %dma_start3A_18 = arith.constant 0 : i32
      %dma_start3A_19 = tpu.memref_slice %arg7[%dma_start3A, %dma_start3A_18] : memref<48x128xi32, #tpu.memory_space<vmem>> -> memref<1x128xi32, #tpu.memory_space<vmem>>
      %dma_start3A_20 = tpu.memref_squeeze %dma_start3A_19 : memref<1x128xi32, #tpu.memory_space<vmem>> -> memref<128xi32, #tpu.memory_space<vmem>>
      %dma_start3A_21 = arith.constant 0 : i32
      %dma_start3A_22 = arith.constant 0 : i32
      %dma_start3A_23 = tpu.memref_slice %arg4[%dma_start3A_21, %dma_start3A_22] : memref<10000x128xf32, #tpu.memory_space<hbm>> -> memref<10000x128xf32, #tpu.memory_space<hbm>>
      tpu.enqueue_indirect_dma source(%dma_start3A_23 : memref<10000x128xf32, #tpu.memory_space<hbm>>) target(%arg9 : memref<128x128xf32, #tpu.memory_space<vmem>>) offsets(%dma_start3A_20 : memref<128xi32, #tpu.memory_space<vmem>>) semaphore(%arg12 : memref<!tpu.dma_semaphore, #tpu.memory_space<semaphore_mem>>)
      %dma_start3A_24 = arith.constant 1 : i32
      %dma_start3A_25 = arith.constant 0 : i32
      %dma_start3A_26 = tpu.memref_slice %arg7[%dma_start3A_24, %dma_start3A_25] : memref<48x128xi32, #tpu.memory_space<vmem>> -> memref<1x128xi32, #tpu.memory_space<vmem>>
      %dma_start3A_27 = tpu.memref_squeeze %dma_start3A_26 : memref<1x128xi32, #tpu.memory_space<vmem>> -> memref<128xi32, #tpu.memory_space<vmem>>
      %dma_start3A_28 = arith.constant 0 : i32
      %dma_start3A_29 = arith.constant 0 : i32
      %dma_start3A_30 = tpu.memref_slice %arg4[%dma_start3A_28, %dma_start3A_29] : memref<10000x128xf32, #tpu.memory_space<hbm>> -> memref<10000x128xf32, #tpu.memory_space<hbm>>
      tpu.enqueue_indirect_dma source(%dma_start3A_30 : memref<10000x128xf32, #tpu.memory_space<hbm>>) target(%arg10 : memref<128x128xf32, #tpu.memory_space<vmem>>) offsets(%dma_start3A_27 : memref<128xi32, #tpu.memory_space<vmem>>) semaphore(%arg13 : memref<!tpu.dma_semaphore, #tpu.memory_space<semaphore_mem>>)
      %scan3A = arith.constant 0 : i32
      %scan3A_31 = arith.constant 0 : i32
      %scan3A_32 = arith.constant 23 : i32
      %scan3A_33 = arith.addi %scan3A_31, %scan3A_32 : i32
      %scan3A_34 = arith.constant 1 : i32
      scf.for %scan3A_170 = %scan3A_31 to %scan3A_33 step %scan3A_34  : i32 {
        %mul3A_171 = arith.constant 2 : i32
        %mul3A_172 = arith.muli %mul3A_171, %scan3A_170 : i32
        %dma_wait3A_173 = arith.constant 0 : i32
        %dma_wait3A_174 = tpu.memref_slice %arg7[%mul3A_172, %dma_wait3A_173] : memref<48x128xi32, #tpu.memory_space<vmem>> -> memref<1x128xi32, #tpu.memory_space<vmem>>
        %dma_wait3A_175 = tpu.memref_squeeze %dma_wait3A_174 : memref<1x128xi32, #tpu.memory_space<vmem>> -> memref<128xi32, #tpu.memory_space<vmem>>
        %dma_wait3A_176 = arith.constant 0 : i32
        %dma_wait3A_177 = arith.constant 0 : i32
        %dma_wait3A_178 = tpu.memref_slice %arg4[%dma_wait3A_176, %dma_wait3A_177] : memref<10000x128xf32, #tpu.memory_space<hbm>> -> memref<10000x128xf32, #tpu.memory_space<hbm>>
        tpu.wait_indirect_dma semaphore(%arg12 : memref<!tpu.dma_semaphore, #tpu.memory_space<semaphore_mem>>) src(%dma_wait3A_178 : memref<10000x128xf32, #tpu.memory_space<hbm>>) dst(%arg9 : memref<128x128xf32, #tpu.memory_space<vmem>>)
        "tpu.region"() ({
          %run_scoped3A_205 = tpu.sem_alloc : memref<!tpu.dma_semaphore, #tpu.memory_space<semaphore_mem>>
          %dma_start3A_206 = arith.constant 0 : i32
          %dma_start3A_207 = tpu.memref_slice %arg8[%mul3A_172, %dma_start3A_206] : memref<48x128xi32, #tpu.memory_space<vmem>> -> memref<1x128xi32, #tpu.memory_space<vmem>>
          %dma_start3A_208 = tpu.memref_squeeze %dma_start3A_207 : memref<1x128xi32, #tpu.memory_space<vmem>> -> memref<128xi32, #tpu.memory_space<vmem>>
          %dma_start3A_209 = arith.constant 0 : i32
          %dma_start3A_210 = arith.constant 0 : i32
          %dma_start3A_211 = tpu.memref_slice %arg11[%dma_start3A_209, %dma_start3A_210] : memref<10112x128xf32, #tpu.memory_space<vmem_shared>> -> memref<10112x128xf32, #tpu.memory_space<vmem_shared>>
          tpu.enqueue_indirect_dma source(%arg9 : memref<128x128xf32, #tpu.memory_space<vmem>>) target(%dma_start3A_211 : memref<10112x128xf32, #tpu.memory_space<vmem_shared>>) offsets(%dma_start3A_208 : memref<128xi32, #tpu.memory_space<vmem>>) semaphore(%run_scoped3A_205 : memref<!tpu.dma_semaphore, #tpu.memory_space<semaphore_mem>>) {add = true}
          %dma_wait3A_212 = arith.constant 0 : i32
          %dma_wait3A_213 = tpu.memref_slice %arg8[%mul3A_172, %dma_wait3A_212] : memref<48x128xi32, #tpu.memory_space<vmem>> -> memref<1x128xi32, #tpu.memory_space<vmem>>
          %dma_wait3A_214 = tpu.memref_squeeze %dma_wait3A_213 : memref<1x128xi32, #tpu.memory_space<vmem>> -> memref<128xi32, #tpu.memory_space<vmem>>
          %dma_wait3A_215 = arith.constant 0 : i32
          %dma_wait3A_216 = arith.constant 0 : i32
          %dma_wait3A_217 = tpu.memref_slice %arg11[%dma_wait3A_215, %dma_wait3A_216] : memref<10112x128xf32, #tpu.memory_space<vmem_shared>> -> memref<10112x128xf32, #tpu.memory_space<vmem_shared>>
          tpu.wait_indirect_dma semaphore(%run_scoped3A_205 : memref<!tpu.dma_semaphore, #tpu.memory_space<semaphore_mem>>) src(%arg9 : memref<128x128xf32, #tpu.memory_space<vmem>>) dst(%dma_wait3A_217 : memref<10112x128xf32, #tpu.memory_space<vmem_shared>>)
          tpu.yield
        }) : () -> ()
        %add3A_179 = arith.constant 2 : i32
        %add3A_180 = arith.addi %mul3A_172, %add3A_179 : i32
        %dma_start3A_181 = arith.constant 0 : i32
        %dma_start3A_182 = tpu.memref_slice %arg7[%add3A_180, %dma_start3A_181] : memref<48x128xi32, #tpu.memory_space<vmem>> -> memref<1x128xi32, #tpu.memory_space<vmem>>
        %dma_start3A_183 = tpu.memref_squeeze %dma_start3A_182 : memref<1x128xi32, #tpu.memory_space<vmem>> -> memref<128xi32, #tpu.memory_space<vmem>>
        %dma_start3A_184 = arith.constant 0 : i32
        %dma_start3A_185 = arith.constant 0 : i32
        %dma_start3A_186 = tpu.memref_slice %arg4[%dma_start3A_184, %dma_start3A_185] : memref<10000x128xf32, #tpu.memory_space<hbm>> -> memref<10000x128xf32, #tpu.memory_space<hbm>>
        tpu.enqueue_indirect_dma source(%dma_start3A_186 : memref<10000x128xf32, #tpu.memory_space<hbm>>) target(%arg9 : memref<128x128xf32, #tpu.memory_space<vmem>>) offsets(%dma_start3A_183 : memref<128xi32, #tpu.memory_space<vmem>>) semaphore(%arg12 : memref<!tpu.dma_semaphore, #tpu.memory_space<semaphore_mem>>)
        %add3A_187 = arith.constant 1 : i32
        %add3A_188 = arith.addi %mul3A_172, %add3A_187 : i32
        %dma_wait3A_189 = arith.constant 0 : i32
        %dma_wait3A_190 = tpu.memref_slice %arg7[%add3A_188, %dma_wait3A_189] : memref<48x128xi32, #tpu.memory_space<vmem>> -> memref<1x128xi32, #tpu.memory_space<vmem>>
        %dma_wait3A_191 = tpu.memref_squeeze %dma_wait3A_190 : memref<1x128xi32, #tpu.memory_space<vmem>> -> memref<128xi32, #tpu.memory_space<vmem>>
        %dma_wait3A_192 = arith.constant 0 : i32
        %dma_wait3A_193 = arith.constant 0 : i32
        %dma_wait3A_194 = tpu.memref_slice %arg4[%dma_wait3A_192, %dma_wait3A_193] : memref<10000x128xf32, #tpu.memory_space<hbm>> -> memref<10000x128xf32, #tpu.memory_space<hbm>>
        tpu.wait_indirect_dma semaphore(%arg13 : memref<!tpu.dma_semaphore, #tpu.memory_space<semaphore_mem>>) src(%dma_wait3A_194 : memref<10000x128xf32, #tpu.memory_space<hbm>>) dst(%arg10 : memref<128x128xf32, #tpu.memory_space<vmem>>)
        %add3A_195 = arith.constant 1 : i32
        %add3A_196 = arith.addi %mul3A_172, %add3A_195 : i32
        "tpu.region"() ({
          %run_scoped3A_205 = tpu.sem_alloc : memref<!tpu.dma_semaphore, #tpu.memory_space<semaphore_mem>>
          %dma_start3A_206 = arith.constant 0 : i32
          %dma_start3A_207 = tpu.memref_slice %arg8[%add3A_196, %dma_start3A_206] : memref<48x128xi32, #tpu.memory_space<vmem>> -> memref<1x128xi32, #tpu.memory_space<vmem>>
          %dma_start3A_208 = tpu.memref_squeeze %dma_start3A_207 : memref<1x128xi32, #tpu.memory_space<vmem>> -> memref<128xi32, #tpu.memory_space<vmem>>
          %dma_start3A_209 = arith.constant 0 : i32
          %dma_start3A_210 = arith.constant 0 : i32
          %dma_start3A_211 = tpu.memref_slice %arg11[%dma_start3A_209, %dma_start3A_210] : memref<10112x128xf32, #tpu.memory_space<vmem_shared>> -> memref<10112x128xf32, #tpu.memory_space<vmem_shared>>
          tpu.enqueue_indirect_dma source(%arg10 : memref<128x128xf32, #tpu.memory_space<vmem>>) target(%dma_start3A_211 : memref<10112x128xf32, #tpu.memory_space<vmem_shared>>) offsets(%dma_start3A_208 : memref<128xi32, #tpu.memory_space<vmem>>) semaphore(%run_scoped3A_205 : memref<!tpu.dma_semaphore, #tpu.memory_space<semaphore_mem>>) {add = true}
          %dma_wait3A_212 = arith.constant 0 : i32
          %dma_wait3A_213 = tpu.memref_slice %arg8[%add3A_196, %dma_wait3A_212] : memref<48x128xi32, #tpu.memory_space<vmem>> -> memref<1x128xi32, #tpu.memory_space<vmem>>
          %dma_wait3A_214 = tpu.memref_squeeze %dma_wait3A_213 : memref<1x128xi32, #tpu.memory_space<vmem>> -> memref<128xi32, #tpu.memory_space<vmem>>
          %dma_wait3A_215 = arith.constant 0 : i32
          %dma_wait3A_216 = arith.constant 0 : i32
          %dma_wait3A_217 = tpu.memref_slice %arg11[%dma_wait3A_215, %dma_wait3A_216] : memref<10112x128xf32, #tpu.memory_space<vmem_shared>> -> memref<10112x128xf32, #tpu.memory_space<vmem_shared>>
          tpu.wait_indirect_dma semaphore(%run_scoped3A_205 : memref<!tpu.dma_semaphore, #tpu.memory_space<semaphore_mem>>) src(%arg10 : memref<128x128xf32, #tpu.memory_space<vmem>>) dst(%dma_wait3A_217 : memref<10112x128xf32, #tpu.memory_space<vmem_shared>>)
          tpu.yield
        }) : () -> ()
        %add3A_197 = arith.constant 3 : i32
        %add3A_198 = arith.addi %mul3A_172, %add3A_197 : i32
        %dma_start3A_199 = arith.constant 0 : i32
        %dma_start3A_200 = tpu.memref_slice %arg7[%add3A_198, %dma_start3A_199] : memref<48x128xi32, #tpu.memory_space<vmem>> -> memref<1x128xi32, #tpu.memory_space<vmem>>
        %dma_start3A_201 = tpu.memref_squeeze %dma_start3A_200 : memref<1x128xi32, #tpu.memory_space<vmem>> -> memref<128xi32, #tpu.memory_space<vmem>>
        %dma_start3A_202 = arith.constant 0 : i32
        %dma_start3A_203 = arith.constant 0 : i32
        %dma_start3A_204 = tpu.memref_slice %arg4[%dma_start3A_202, %dma_start3A_203] : memref<10000x128xf32, #tpu.memory_space<hbm>> -> memref<10000x128xf32, #tpu.memory_space<hbm>>
        tpu.enqueue_indirect_dma source(%dma_start3A_204 : memref<10000x128xf32, #tpu.memory_space<hbm>>) target(%arg10 : memref<128x128xf32, #tpu.memory_space<vmem>>) offsets(%dma_start3A_201 : memref<128xi32, #tpu.memory_space<vmem>>) semaphore(%arg13 : memref<!tpu.dma_semaphore, #tpu.memory_space<semaphore_mem>>)
      }
      %scan3A_35 = arith.constant 23 : i32
      %dma_wait3A = arith.constant 46 : i32
      %dma_wait3A_36 = arith.constant 0 : i32
      %dma_wait3A_37 = tpu.memref_slice %arg7[%dma_wait3A, %dma_wait3A_36] : memref<48x128xi32, #tpu.memory_space<vmem>> -> memref<1x128xi32, #tpu.memory_space<vmem>>
      %dma_wait3A_38 = tpu.memref_squeeze %dma_wait3A_37 : memref<1x128xi32, #tpu.memory_space<vmem>> -> memref<128xi32, #tpu.memory_space<vmem>>
      %dma_wait3A_39 = arith.constant 0 : i32
      %dma_wait3A_40 = arith.constant 0 : i32
      %dma_wait3A_41 = tpu.memref_slice %arg4[%dma_wait3A_39, %dma_wait3A_40] : memref<10000x128xf32, #tpu.memory_space<hbm>> -> memref<10000x128xf32, #tpu.memory_space<hbm>>
      tpu.wait_indirect_dma semaphore(%arg12 : memref<!tpu.dma_semaphore, #tpu.memory_space<semaphore_mem>>) src(%dma_wait3A_41 : memref<10000x128xf32, #tpu.memory_space<hbm>>) dst(%arg9 : memref<128x128xf32, #tpu.memory_space<vmem>>)
      %run_scoped3A = arith.constant 46 : i32
      "tpu.region"() ({
        %run_scoped3A_170 = tpu.sem_alloc : memref<!tpu.dma_semaphore, #tpu.memory_space<semaphore_mem>>
        %dma_start3A_171 = arith.constant 0 : i32
        %dma_start3A_172 = tpu.memref_slice %arg8[%run_scoped3A, %dma_start3A_171] : memref<48x128xi32, #tpu.memory_space<vmem>> -> memref<1x128xi32, #tpu.memory_space<vmem>>
        %dma_start3A_173 = tpu.memref_squeeze %dma_start3A_172 : memref<1x128xi32, #tpu.memory_space<vmem>> -> memref<128xi32, #tpu.memory_space<vmem>>
        %dma_start3A_174 = arith.constant 0 : i32
        %dma_start3A_175 = arith.constant 0 : i32
        %dma_start3A_176 = tpu.memref_slice %arg11[%dma_start3A_174, %dma_start3A_175] : memref<10112x128xf32, #tpu.memory_space<vmem_shared>> -> memref<10112x128xf32, #tpu.memory_space<vmem_shared>>
        tpu.enqueue_indirect_dma source(%arg9 : memref<128x128xf32, #tpu.memory_space<vmem>>) target(%dma_start3A_176 : memref<10112x128xf32, #tpu.memory_space<vmem_shared>>) offsets(%dma_start3A_173 : memref<128xi32, #tpu.memory_space<vmem>>) semaphore(%run_scoped3A_170 : memref<!tpu.dma_semaphore, #tpu.memory_space<semaphore_mem>>) {add = true}
        %dma_wait3A_177 = arith.constant 0 : i32
        %dma_wait3A_178 = tpu.memref_slice %arg8[%run_scoped3A, %dma_wait3A_177] : memref<48x128xi32, #tpu.memory_space<vmem>> -> memref<1x128xi32, #tpu.memory_space<vmem>>
        %dma_wait3A_179 = tpu.memref_squeeze %dma_wait3A_178 : memref<1x128xi32, #tpu.memory_space<vmem>> -> memref<128xi32, #tpu.memory_space<vmem>>
        %dma_wait3A_180 = arith.constant 0 : i32
        %dma_wait3A_181 = arith.constant 0 : i32
        %dma_wait3A_182 = tpu.memref_slice %arg11[%dma_wait3A_180, %dma_wait3A_181] : memref<10112x128xf32, #tpu.memory_space<vmem_shared>> -> memref<10112x128xf32, #tpu.memory_space<vmem_shared>>
        tpu.wait_indirect_dma semaphore(%run_scoped3A_170 : memref<!tpu.dma_semaphore, #tpu.memory_space<semaphore_mem>>) src(%arg9 : memref<128x128xf32, #tpu.memory_space<vmem>>) dst(%dma_wait3A_182 : memref<10112x128xf32, #tpu.memory_space<vmem_shared>>)
        tpu.yield
      }) : () -> ()
      %dma_wait3A_42 = arith.constant 47 : i32
      %dma_wait3A_43 = arith.constant 0 : i32
      %dma_wait3A_44 = tpu.memref_slice %arg7[%dma_wait3A_42, %dma_wait3A_43] : memref<48x128xi32, #tpu.memory_space<vmem>> -> memref<1x128xi32, #tpu.memory_space<vmem>>
      %dma_wait3A_45 = tpu.memref_squeeze %dma_wait3A_44 : memref<1x128xi32, #tpu.memory_space<vmem>> -> memref<128xi32, #tpu.memory_space<vmem>>
      %dma_wait3A_46 = arith.constant 0 : i32
      %dma_wait3A_47 = arith.constant 0 : i32
      %dma_wait3A_48 = tpu.memref_slice %arg4[%dma_wait3A_46, %dma_wait3A_47] : memref<10000x128xf32, #tpu.memory_space<hbm>> -> memref<10000x128xf32, #tpu.memory_space<hbm>>
      tpu.wait_indirect_dma semaphore(%arg13 : memref<!tpu.dma_semaphore, #tpu.memory_space<semaphore_mem>>) src(%dma_wait3A_48 : memref<10000x128xf32, #tpu.memory_space<hbm>>) dst(%arg10 : memref<128x128xf32, #tpu.memory_space<vmem>>)
      %run_scoped3A_49 = arith.constant 47 : i32
      "tpu.region"() ({
        %run_scoped3A_170 = tpu.sem_alloc : memref<!tpu.dma_semaphore, #tpu.memory_space<semaphore_mem>>
        %dma_start3A_171 = arith.constant 0 : i32
        %dma_start3A_172 = tpu.memref_slice %arg8[%run_scoped3A_49, %dma_start3A_171] : memref<48x128xi32, #tpu.memory_space<vmem>> -> memref<1x128xi32, #tpu.memory_space<vmem>>
        %dma_start3A_173 = tpu.memref_squeeze %dma_start3A_172 : memref<1x128xi32, #tpu.memory_space<vmem>> -> memref<128xi32, #tpu.memory_space<vmem>>
        %dma_start3A_174 = arith.constant 0 : i32
        %dma_start3A_175 = arith.constant 0 : i32
        %dma_start3A_176 = tpu.memref_slice %arg11[%dma_start3A_174, %dma_start3A_175] : memref<10112x128xf32, #tpu.memory_space<vmem_shared>> -> memref<10112x128xf32, #tpu.memory_space<vmem_shared>>
        tpu.enqueue_indirect_dma source(%arg10 : memref<128x128xf32, #tpu.memory_space<vmem>>) target(%dma_start3A_176 : memref<10112x128xf32, #tpu.memory_space<vmem_shared>>) offsets(%dma_start3A_173 : memref<128xi32, #tpu.memory_space<vmem>>) semaphore(%run_scoped3A_170 : memref<!tpu.dma_semaphore, #tpu.memory_space<semaphore_mem>>) {add = true}
        %dma_wait3A_177 = arith.constant 0 : i32
        %dma_wait3A_178 = tpu.memref_slice %arg8[%run_scoped3A_49, %dma_wait3A_177] : memref<48x128xi32, #tpu.memory_space<vmem>> -> memref<1x128xi32, #tpu.memory_space<vmem>>
        %dma_wait3A_179 = tpu.memref_squeeze %dma_wait3A_178 : memref<1x128xi32, #tpu.memory_space<vmem>> -> memref<128xi32, #tpu.memory_space<vmem>>
        %dma_wait3A_180 = arith.constant 0 : i32
        %dma_wait3A_181 = arith.constant 0 : i32
        %dma_wait3A_182 = tpu.memref_slice %arg11[%dma_wait3A_180, %dma_wait3A_181] : memref<10112x128xf32, #tpu.memory_space<vmem_shared>> -> memref<10112x128xf32, #tpu.memory_space<vmem_shared>>
        tpu.wait_indirect_dma semaphore(%run_scoped3A_170 : memref<!tpu.dma_semaphore, #tpu.memory_space<semaphore_mem>>) src(%arg10 : memref<128x128xf32, #tpu.memory_space<vmem>>) dst(%dma_wait3A_182 : memref<10112x128xf32, #tpu.memory_space<vmem_shared>>)
        tpu.yield
      }) : () -> ()
      %mul3A_50 = arith.constant 152 : i32
      %mul3A_51 = arith.muli %arg1, %mul3A_50 : i32
      %add3A_52 = arith.constant 48 : i32
      %add3A_53 = arith.addi %mul3A_51, %add3A_52 : i32
      "tpu.region"() ({
        %run_scoped3A_170 = tpu.sem_alloc : memref<!tpu.dma_semaphore, #tpu.memory_space<semaphore_mem>>
        %dma_start3A_171 = arith.constant 0 : i32
        %dma_start3A_172 = arith.constant 0 : i32
        %dma_start3A_173 = tpu.memref_slice %arg7[%dma_start3A_171, %dma_start3A_172] : memref<48x128xi32, #tpu.memory_space<vmem>> -> memref<48x128xi32, #tpu.memory_space<vmem>>
        %dma_start3A_174 = arith.constant 0 : i32
        %dma_start3A_175 = tpu.memref_slice %arg2[%add3A_53, %dma_start3A_174] : memref<2560x128xi32, #tpu.memory_space<hbm>> -> memref<48x128xi32, #tpu.memory_space<hbm>>
        %dma_start3A_176 = arith.constant 0 : i32
        %dma_start3A_177 = arith.constant 0 : i32
        %dma_start3A_178 = tpu.memref_slice %arg7[%dma_start3A_176, %dma_start3A_177] : memref<48x128xi32, #tpu.memory_space<vmem>> -> memref<48x128xi32, #tpu.memory_space<vmem>>
        %dma_start3A_179 = arith.constant 0 : i32
        %dma_start3A_180 = tpu.memref_slice %arg2[%add3A_53, %dma_start3A_179] : memref<2560x128xi32, #tpu.memory_space<hbm>> -> memref<48x128xi32, #tpu.memory_space<hbm>>
        tpu.enqueue_dma source(%dma_start3A_180 : memref<48x128xi32, #tpu.memory_space<hbm>>) target(%dma_start3A_178 : memref<48x128xi32, #tpu.memory_space<vmem>>) target_semaphore(%run_scoped3A_170 : memref<!tpu.dma_semaphore, #tpu.memory_space<semaphore_mem>>)
        %dma_wait3A_181 = arith.constant 0 : i32
        %dma_wait3A_182 = arith.constant 0 : i32
        %dma_wait3A_183 = tpu.memref_slice %arg7[%dma_wait3A_181, %dma_wait3A_182] : memref<48x128xi32, #tpu.memory_space<vmem>> -> memref<48x128xi32, #tpu.memory_space<vmem>>
        %dma_wait3A_184 = arith.constant 0 : i32
        %dma_wait3A_185 = tpu.memref_slice %arg2[%add3A_53, %dma_wait3A_184] : memref<2560x128xi32, #tpu.memory_space<hbm>> -> memref<48x128xi32, #tpu.memory_space<hbm>>
        %dma_wait3A_186 = arith.constant 0 : i32
        %dma_wait3A_187 = arith.constant 0 : i32
        %dma_wait3A_188 = tpu.memref_slice %arg7[%dma_wait3A_186, %dma_wait3A_187] : memref<48x128xi32, #tpu.memory_space<vmem>> -> memref<48x128xi32, #tpu.memory_space<vmem>>
        %dma_wait3A_189 = arith.constant 0 : i32
        %dma_wait3A_190 = tpu.memref_slice %arg2[%add3A_53, %dma_wait3A_189] : memref<2560x128xi32, #tpu.memory_space<hbm>> -> memref<48x128xi32, #tpu.memory_space<hbm>>
        tpu.wait_dma2 semaphore(%run_scoped3A_170 : memref<!tpu.dma_semaphore, #tpu.memory_space<semaphore_mem>>) src(%dma_wait3A_190 : memref<48x128xi32, #tpu.memory_space<hbm>>) dst(%dma_wait3A_188 : memref<48x128xi32, #tpu.memory_space<vmem>>)
        tpu.yield
      }) : () -> ()
      "tpu.region"() ({
        %run_scoped3A_170 = tpu.sem_alloc : memref<!tpu.dma_semaphore, #tpu.memory_space<semaphore_mem>>
        %dma_start3A_171 = arith.constant 0 : i32
        %dma_start3A_172 = arith.constant 0 : i32
        %dma_start3A_173 = tpu.memref_slice %arg8[%dma_start3A_171, %dma_start3A_172] : memref<48x128xi32, #tpu.memory_space<vmem>> -> memref<48x128xi32, #tpu.memory_space<vmem>>
        %dma_start3A_174 = arith.constant 0 : i32
        %dma_start3A_175 = tpu.memref_slice %arg3[%add3A_53, %dma_start3A_174] : memref<2560x128xi32, #tpu.memory_space<hbm>> -> memref<48x128xi32, #tpu.memory_space<hbm>>
        %dma_start3A_176 = arith.constant 0 : i32
        %dma_start3A_177 = arith.constant 0 : i32
        %dma_start3A_178 = tpu.memref_slice %arg8[%dma_start3A_176, %dma_start3A_177] : memref<48x128xi32, #tpu.memory_space<vmem>> -> memref<48x128xi32, #tpu.memory_space<vmem>>
        %dma_start3A_179 = arith.constant 0 : i32
        %dma_start3A_180 = tpu.memref_slice %arg3[%add3A_53, %dma_start3A_179] : memref<2560x128xi32, #tpu.memory_space<hbm>> -> memref<48x128xi32, #tpu.memory_space<hbm>>
        tpu.enqueue_dma source(%dma_start3A_180 : memref<48x128xi32, #tpu.memory_space<hbm>>) target(%dma_start3A_178 : memref<48x128xi32, #tpu.memory_space<vmem>>) target_semaphore(%run_scoped3A_170 : memref<!tpu.dma_semaphore, #tpu.memory_space<semaphore_mem>>)
        %dma_wait3A_181 = arith.constant 0 : i32
        %dma_wait3A_182 = arith.constant 0 : i32
        %dma_wait3A_183 = tpu.memref_slice %arg8[%dma_wait3A_181, %dma_wait3A_182] : memref<48x128xi32, #tpu.memory_space<vmem>> -> memref<48x128xi32, #tpu.memory_space<vmem>>
        %dma_wait3A_184 = arith.constant 0 : i32
        %dma_wait3A_185 = tpu.memref_slice %arg3[%add3A_53, %dma_wait3A_184] : memref<2560x128xi32, #tpu.memory_space<hbm>> -> memref<48x128xi32, #tpu.memory_space<hbm>>
        %dma_wait3A_186 = arith.constant 0 : i32
        %dma_wait3A_187 = arith.constant 0 : i32
        %dma_wait3A_188 = tpu.memref_slice %arg8[%dma_wait3A_186, %dma_wait3A_187] : memref<48x128xi32, #tpu.memory_space<vmem>> -> memref<48x128xi32, #tpu.memory_space<vmem>>
        %dma_wait3A_189 = arith.constant 0 : i32
        %dma_wait3A_190 = tpu.memref_slice %arg3[%add3A_53, %dma_wait3A_189] : memref<2560x128xi32, #tpu.memory_space<hbm>> -> memref<48x128xi32, #tpu.memory_space<hbm>>
        tpu.wait_dma2 semaphore(%run_scoped3A_170 : memref<!tpu.dma_semaphore, #tpu.memory_space<semaphore_mem>>) src(%dma_wait3A_190 : memref<48x128xi32, #tpu.memory_space<hbm>>) dst(%dma_wait3A_188 : memref<48x128xi32, #tpu.memory_space<vmem>>)
        tpu.yield
      }) : () -> ()
      %dma_start3A_54 = arith.constant 0 : i32
      %dma_start3A_55 = arith.constant 0 : i32
      %dma_start3A_56 = tpu.memref_slice %arg7[%dma_start3A_54, %dma_start3A_55] : memref<48x128xi32, #tpu.memory_space<vmem>> -> memref<1x128xi32, #tpu.memory_space<vmem>>
      %dma_start3A_57 = tpu.memref_squeeze %dma_start3A_56 : memref<1x128xi32, #tpu.memory_space<vmem>> -> memref<128xi32, #tpu.memory_space<vmem>>
      %dma_start3A_58 = arith.constant 0 : i32
      %dma_start3A_59 = arith.constant 0 : i32
      %dma_start3A_60 = tpu.memref_slice %arg4[%dma_start3A_58, %dma_start3A_59] : memref<10000x128xf32, #tpu.memory_space<hbm>> -> memref<10000x128xf32, #tpu.memory_space<hbm>>
      tpu.enqueue_indirect_dma source(%dma_start3A_60 : memref<10000x128xf32, #tpu.memory_space<hbm>>) target(%arg9 : memref<128x128xf32, #tpu.memory_space<vmem>>) offsets(%dma_start3A_57 : memref<128xi32, #tpu.memory_space<vmem>>) semaphore(%arg12 : memref<!tpu.dma_semaphore, #tpu.memory_space<semaphore_mem>>)
      %dma_start3A_61 = arith.constant 1 : i32
      %dma_start3A_62 = arith.constant 0 : i32
      %dma_start3A_63 = tpu.memref_slice %arg7[%dma_start3A_61, %dma_start3A_62] : memref<48x128xi32, #tpu.memory_space<vmem>> -> memref<1x128xi32, #tpu.memory_space<vmem>>
      %dma_start3A_64 = tpu.memref_squeeze %dma_start3A_63 : memref<1x128xi32, #tpu.memory_space<vmem>> -> memref<128xi32, #tpu.memory_space<vmem>>
      %dma_start3A_65 = arith.constant 0 : i32
      %dma_start3A_66 = arith.constant 0 : i32
      %dma_start3A_67 = tpu.memref_slice %arg4[%dma_start3A_65, %dma_start3A_66] : memref<10000x128xf32, #tpu.memory_space<hbm>> -> memref<10000x128xf32, #tpu.memory_space<hbm>>
      tpu.enqueue_indirect_dma source(%dma_start3A_67 : memref<10000x128xf32, #tpu.memory_space<hbm>>) target(%arg10 : memref<128x128xf32, #tpu.memory_space<vmem>>) offsets(%dma_start3A_64 : memref<128xi32, #tpu.memory_space<vmem>>) semaphore(%arg13 : memref<!tpu.dma_semaphore, #tpu.memory_space<semaphore_mem>>)
      %scan3A_68 = arith.constant 0 : i32
      %scan3A_69 = arith.constant 0 : i32
      %scan3A_70 = arith.constant 23 : i32
      %scan3A_71 = arith.addi %scan3A_69, %scan3A_70 : i32
      %scan3A_72 = arith.constant 1 : i32
      scf.for %scan3A_170 = %scan3A_69 to %scan3A_71 step %scan3A_72  : i32 {
        %mul3A_171 = arith.constant 2 : i32
        %mul3A_172 = arith.muli %mul3A_171, %scan3A_170 : i32
        %dma_wait3A_173 = arith.constant 0 : i32
        %dma_wait3A_174 = tpu.memref_slice %arg7[%mul3A_172, %dma_wait3A_173] : memref<48x128xi32, #tpu.memory_space<vmem>> -> memref<1x128xi32, #tpu.memory_space<vmem>>
        %dma_wait3A_175 = tpu.memref_squeeze %dma_wait3A_174 : memref<1x128xi32, #tpu.memory_space<vmem>> -> memref<128xi32, #tpu.memory_space<vmem>>
        %dma_wait3A_176 = arith.constant 0 : i32
        %dma_wait3A_177 = arith.constant 0 : i32
        %dma_wait3A_178 = tpu.memref_slice %arg4[%dma_wait3A_176, %dma_wait3A_177] : memref<10000x128xf32, #tpu.memory_space<hbm>> -> memref<10000x128xf32, #tpu.memory_space<hbm>>
        tpu.wait_indirect_dma semaphore(%arg12 : memref<!tpu.dma_semaphore, #tpu.memory_space<semaphore_mem>>) src(%dma_wait3A_178 : memref<10000x128xf32, #tpu.memory_space<hbm>>) dst(%arg9 : memref<128x128xf32, #tpu.memory_space<vmem>>)
        "tpu.region"() ({
          %run_scoped3A_205 = tpu.sem_alloc : memref<!tpu.dma_semaphore, #tpu.memory_space<semaphore_mem>>
          %dma_start3A_206 = arith.constant 0 : i32
          %dma_start3A_207 = tpu.memref_slice %arg8[%mul3A_172, %dma_start3A_206] : memref<48x128xi32, #tpu.memory_space<vmem>> -> memref<1x128xi32, #tpu.memory_space<vmem>>
          %dma_start3A_208 = tpu.memref_squeeze %dma_start3A_207 : memref<1x128xi32, #tpu.memory_space<vmem>> -> memref<128xi32, #tpu.memory_space<vmem>>
          %dma_start3A_209 = arith.constant 0 : i32
          %dma_start3A_210 = arith.constant 0 : i32
          %dma_start3A_211 = tpu.memref_slice %arg11[%dma_start3A_209, %dma_start3A_210] : memref<10112x128xf32, #tpu.memory_space<vmem_shared>> -> memref<10112x128xf32, #tpu.memory_space<vmem_shared>>
          tpu.enqueue_indirect_dma source(%arg9 : memref<128x128xf32, #tpu.memory_space<vmem>>) target(%dma_start3A_211 : memref<10112x128xf32, #tpu.memory_space<vmem_shared>>) offsets(%dma_start3A_208 : memref<128xi32, #tpu.memory_space<vmem>>) semaphore(%run_scoped3A_205 : memref<!tpu.dma_semaphore, #tpu.memory_space<semaphore_mem>>) {add = true}
          %dma_wait3A_212 = arith.constant 0 : i32
          %dma_wait3A_213 = tpu.memref_slice %arg8[%mul3A_172, %dma_wait3A_212] : memref<48x128xi32, #tpu.memory_space<vmem>> -> memref<1x128xi32, #tpu.memory_space<vmem>>
          %dma_wait3A_214 = tpu.memref_squeeze %dma_wait3A_213 : memref<1x128xi32, #tpu.memory_space<vmem>> -> memref<128xi32, #tpu.memory_space<vmem>>
          %dma_wait3A_215 = arith.constant 0 : i32
          %dma_wait3A_216 = arith.constant 0 : i32
          %dma_wait3A_217 = tpu.memref_slice %arg11[%dma_wait3A_215, %dma_wait3A_216] : memref<10112x128xf32, #tpu.memory_space<vmem_shared>> -> memref<10112x128xf32, #tpu.memory_space<vmem_shared>>
          tpu.wait_indirect_dma semaphore(%run_scoped3A_205 : memref<!tpu.dma_semaphore, #tpu.memory_space<semaphore_mem>>) src(%arg9 : memref<128x128xf32, #tpu.memory_space<vmem>>) dst(%dma_wait3A_217 : memref<10112x128xf32, #tpu.memory_space<vmem_shared>>)
          tpu.yield
        }) : () -> ()
        %add3A_179 = arith.constant 2 : i32
        %add3A_180 = arith.addi %mul3A_172, %add3A_179 : i32
        %dma_start3A_181 = arith.constant 0 : i32
        %dma_start3A_182 = tpu.memref_slice %arg7[%add3A_180, %dma_start3A_181] : memref<48x128xi32, #tpu.memory_space<vmem>> -> memref<1x128xi32, #tpu.memory_space<vmem>>
        %dma_start3A_183 = tpu.memref_squeeze %dma_start3A_182 : memref<1x128xi32, #tpu.memory_space<vmem>> -> memref<128xi32, #tpu.memory_space<vmem>>
        %dma_start3A_184 = arith.constant 0 : i32
        %dma_start3A_185 = arith.constant 0 : i32
        %dma_start3A_186 = tpu.memref_slice %arg4[%dma_start3A_184, %dma_start3A_185] : memref<10000x128xf32, #tpu.memory_space<hbm>> -> memref<10000x128xf32, #tpu.memory_space<hbm>>
        tpu.enqueue_indirect_dma source(%dma_start3A_186 : memref<10000x128xf32, #tpu.memory_space<hbm>>) target(%arg9 : memref<128x128xf32, #tpu.memory_space<vmem>>) offsets(%dma_start3A_183 : memref<128xi32, #tpu.memory_space<vmem>>) semaphore(%arg12 : memref<!tpu.dma_semaphore, #tpu.memory_space<semaphore_mem>>)
        %add3A_187 = arith.constant 1 : i32
        %add3A_188 = arith.addi %mul3A_172, %add3A_187 : i32
        %dma_wait3A_189 = arith.constant 0 : i32
        %dma_wait3A_190 = tpu.memref_slice %arg7[%add3A_188, %dma_wait3A_189] : memref<48x128xi32, #tpu.memory_space<vmem>> -> memref<1x128xi32, #tpu.memory_space<vmem>>
        %dma_wait3A_191 = tpu.memref_squeeze %dma_wait3A_190 : memref<1x128xi32, #tpu.memory_space<vmem>> -> memref<128xi32, #tpu.memory_space<vmem>>
        %dma_wait3A_192 = arith.constant 0 : i32
        %dma_wait3A_193 = arith.constant 0 : i32
        %dma_wait3A_194 = tpu.memref_slice %arg4[%dma_wait3A_192, %dma_wait3A_193] : memref<10000x128xf32, #tpu.memory_space<hbm>> -> memref<10000x128xf32, #tpu.memory_space<hbm>>
        tpu.wait_indirect_dma semaphore(%arg13 : memref<!tpu.dma_semaphore, #tpu.memory_space<semaphore_mem>>) src(%dma_wait3A_194 : memref<10000x128xf32, #tpu.memory_space<hbm>>) dst(%arg10 : memref<128x128xf32, #tpu.memory_space<vmem>>)
        %add3A_195 = arith.constant 1 : i32
        %add3A_196 = arith.addi %mul3A_172, %add3A_195 : i32
        "tpu.region"() ({
          %run_scoped3A_205 = tpu.sem_alloc : memref<!tpu.dma_semaphore, #tpu.memory_space<semaphore_mem>>
          %dma_start3A_206 = arith.constant 0 : i32
          %dma_start3A_207 = tpu.memref_slice %arg8[%add3A_196, %dma_start3A_206] : memref<48x128xi32, #tpu.memory_space<vmem>> -> memref<1x128xi32, #tpu.memory_space<vmem>>
          %dma_start3A_208 = tpu.memref_squeeze %dma_start3A_207 : memref<1x128xi32, #tpu.memory_space<vmem>> -> memref<128xi32, #tpu.memory_space<vmem>>
          %dma_start3A_209 = arith.constant 0 : i32
          %dma_start3A_210 = arith.constant 0 : i32
          %dma_start3A_211 = tpu.memref_slice %arg11[%dma_start3A_209, %dma_start3A_210] : memref<10112x128xf32, #tpu.memory_space<vmem_shared>> -> memref<10112x128xf32, #tpu.memory_space<vmem_shared>>
          tpu.enqueue_indirect_dma source(%arg10 : memref<128x128xf32, #tpu.memory_space<vmem>>) target(%dma_start3A_211 : memref<10112x128xf32, #tpu.memory_space<vmem_shared>>) offsets(%dma_start3A_208 : memref<128xi32, #tpu.memory_space<vmem>>) semaphore(%run_scoped3A_205 : memref<!tpu.dma_semaphore, #tpu.memory_space<semaphore_mem>>) {add = true}
          %dma_wait3A_212 = arith.constant 0 : i32
          %dma_wait3A_213 = tpu.memref_slice %arg8[%add3A_196, %dma_wait3A_212] : memref<48x128xi32, #tpu.memory_space<vmem>> -> memref<1x128xi32, #tpu.memory_space<vmem>>
          %dma_wait3A_214 = tpu.memref_squeeze %dma_wait3A_213 : memref<1x128xi32, #tpu.memory_space<vmem>> -> memref<128xi32, #tpu.memory_space<vmem>>
          %dma_wait3A_215 = arith.constant 0 : i32
          %dma_wait3A_216 = arith.constant 0 : i32
          %dma_wait3A_217 = tpu.memref_slice %arg11[%dma_wait3A_215, %dma_wait3A_216] : memref<10112x128xf32, #tpu.memory_space<vmem_shared>> -> memref<10112x128xf32, #tpu.memory_space<vmem_shared>>
          tpu.wait_indirect_dma semaphore(%run_scoped3A_205 : memref<!tpu.dma_semaphore, #tpu.memory_space<semaphore_mem>>) src(%arg10 : memref<128x128xf32, #tpu.memory_space<vmem>>) dst(%dma_wait3A_217 : memref<10112x128xf32, #tpu.memory_space<vmem_shared>>)
          tpu.yield
        }) : () -> ()
        %add3A_197 = arith.constant 3 : i32
        %add3A_198 = arith.addi %mul3A_172, %add3A_197 : i32
        %dma_start3A_199 = arith.constant 0 : i32
        %dma_start3A_200 = tpu.memref_slice %arg7[%add3A_198, %dma_start3A_199] : memref<48x128xi32, #tpu.memory_space<vmem>> -> memref<1x128xi32, #tpu.memory_space<vmem>>
        %dma_start3A_201 = tpu.memref_squeeze %dma_start3A_200 : memref<1x128xi32, #tpu.memory_space<vmem>> -> memref<128xi32, #tpu.memory_space<vmem>>
        %dma_start3A_202 = arith.constant 0 : i32
        %dma_start3A_203 = arith.constant 0 : i32
        %dma_start3A_204 = tpu.memref_slice %arg4[%dma_start3A_202, %dma_start3A_203] : memref<10000x128xf32, #tpu.memory_space<hbm>> -> memref<10000x128xf32, #tpu.memory_space<hbm>>
        tpu.enqueue_indirect_dma source(%dma_start3A_204 : memref<10000x128xf32, #tpu.memory_space<hbm>>) target(%arg10 : memref<128x128xf32, #tpu.memory_space<vmem>>) offsets(%dma_start3A_201 : memref<128xi32, #tpu.memory_space<vmem>>) semaphore(%arg13 : memref<!tpu.dma_semaphore, #tpu.memory_space<semaphore_mem>>)
      }
      %scan3A_73 = arith.constant 23 : i32
      %dma_wait3A_74 = arith.constant 46 : i32
      %dma_wait3A_75 = arith.constant 0 : i32
      %dma_wait3A_76 = tpu.memref_slice %arg7[%dma_wait3A_74, %dma_wait3A_75] : memref<48x128xi32, #tpu.memory_space<vmem>> -> memref<1x128xi32, #tpu.memory_space<vmem>>
      %dma_wait3A_77 = tpu.memref_squeeze %dma_wait3A_76 : memref<1x128xi32, #tpu.memory_space<vmem>> -> memref<128xi32, #tpu.memory_space<vmem>>
      %dma_wait3A_78 = arith.constant 0 : i32
      %dma_wait3A_79 = arith.constant 0 : i32
      %dma_wait3A_80 = tpu.memref_slice %arg4[%dma_wait3A_78, %dma_wait3A_79] : memref<10000x128xf32, #tpu.memory_space<hbm>> -> memref<10000x128xf32, #tpu.memory_space<hbm>>
      tpu.wait_indirect_dma semaphore(%arg12 : memref<!tpu.dma_semaphore, #tpu.memory_space<semaphore_mem>>) src(%dma_wait3A_80 : memref<10000x128xf32, #tpu.memory_space<hbm>>) dst(%arg9 : memref<128x128xf32, #tpu.memory_space<vmem>>)
      %run_scoped3A_81 = arith.constant 46 : i32
      "tpu.region"() ({
        %run_scoped3A_170 = tpu.sem_alloc : memref<!tpu.dma_semaphore, #tpu.memory_space<semaphore_mem>>
        %dma_start3A_171 = arith.constant 0 : i32
        %dma_start3A_172 = tpu.memref_slice %arg8[%run_scoped3A_81, %dma_start3A_171] : memref<48x128xi32, #tpu.memory_space<vmem>> -> memref<1x128xi32, #tpu.memory_space<vmem>>
        %dma_start3A_173 = tpu.memref_squeeze %dma_start3A_172 : memref<1x128xi32, #tpu.memory_space<vmem>> -> memref<128xi32, #tpu.memory_space<vmem>>
        %dma_start3A_174 = arith.constant 0 : i32
        %dma_start3A_175 = arith.constant 0 : i32
        %dma_start3A_176 = tpu.memref_slice %arg11[%dma_start3A_174, %dma_start3A_175] : memref<10112x128xf32, #tpu.memory_space<vmem_shared>> -> memref<10112x128xf32, #tpu.memory_space<vmem_shared>>
        tpu.enqueue_indirect_dma source(%arg9 : memref<128x128xf32, #tpu.memory_space<vmem>>) target(%dma_start3A_176 : memref<10112x128xf32, #tpu.memory_space<vmem_shared>>) offsets(%dma_start3A_173 : memref<128xi32, #tpu.memory_space<vmem>>) semaphore(%run_scoped3A_170 : memref<!tpu.dma_semaphore, #tpu.memory_space<semaphore_mem>>) {add = true}
        %dma_wait3A_177 = arith.constant 0 : i32
        %dma_wait3A_178 = tpu.memref_slice %arg8[%run_scoped3A_81, %dma_wait3A_177] : memref<48x128xi32, #tpu.memory_space<vmem>> -> memref<1x128xi32, #tpu.memory_space<vmem>>
        %dma_wait3A_179 = tpu.memref_squeeze %dma_wait3A_178 : memref<1x128xi32, #tpu.memory_space<vmem>> -> memref<128xi32, #tpu.memory_space<vmem>>
        %dma_wait3A_180 = arith.constant 0 : i32
        %dma_wait3A_181 = arith.constant 0 : i32
        %dma_wait3A_182 = tpu.memref_slice %arg11[%dma_wait3A_180, %dma_wait3A_181] : memref<10112x128xf32, #tpu.memory_space<vmem_shared>> -> memref<10112x128xf32, #tpu.memory_space<vmem_shared>>
        tpu.wait_indirect_dma semaphore(%run_scoped3A_170 : memref<!tpu.dma_semaphore, #tpu.memory_space<semaphore_mem>>) src(%arg9 : memref<128x128xf32, #tpu.memory_space<vmem>>) dst(%dma_wait3A_182 : memref<10112x128xf32, #tpu.memory_space<vmem_shared>>)
        tpu.yield
      }) : () -> ()
      %dma_wait3A_82 = arith.constant 47 : i32
      %dma_wait3A_83 = arith.constant 0 : i32
      %dma_wait3A_84 = tpu.memref_slice %arg7[%dma_wait3A_82, %dma_wait3A_83] : memref<48x128xi32, #tpu.memory_space<vmem>> -> memref<1x128xi32, #tpu.memory_space<vmem>>
      %dma_wait3A_85 = tpu.memref_squeeze %dma_wait3A_84 : memref<1x128xi32, #tpu.memory_space<vmem>> -> memref<128xi32, #tpu.memory_space<vmem>>
      %dma_wait3A_86 = arith.constant 0 : i32
      %dma_wait3A_87 = arith.constant 0 : i32
      %dma_wait3A_88 = tpu.memref_slice %arg4[%dma_wait3A_86, %dma_wait3A_87] : memref<10000x128xf32, #tpu.memory_space<hbm>> -> memref<10000x128xf32, #tpu.memory_space<hbm>>
      tpu.wait_indirect_dma semaphore(%arg13 : memref<!tpu.dma_semaphore, #tpu.memory_space<semaphore_mem>>) src(%dma_wait3A_88 : memref<10000x128xf32, #tpu.memory_space<hbm>>) dst(%arg10 : memref<128x128xf32, #tpu.memory_space<vmem>>)
      %run_scoped3A_89 = arith.constant 47 : i32
      "tpu.region"() ({
        %run_scoped3A_170 = tpu.sem_alloc : memref<!tpu.dma_semaphore, #tpu.memory_space<semaphore_mem>>
        %dma_start3A_171 = arith.constant 0 : i32
        %dma_start3A_172 = tpu.memref_slice %arg8[%run_scoped3A_89, %dma_start3A_171] : memref<48x128xi32, #tpu.memory_space<vmem>> -> memref<1x128xi32, #tpu.memory_space<vmem>>
        %dma_start3A_173 = tpu.memref_squeeze %dma_start3A_172 : memref<1x128xi32, #tpu.memory_space<vmem>> -> memref<128xi32, #tpu.memory_space<vmem>>
        %dma_start3A_174 = arith.constant 0 : i32
        %dma_start3A_175 = arith.constant 0 : i32
        %dma_start3A_176 = tpu.memref_slice %arg11[%dma_start3A_174, %dma_start3A_175] : memref<10112x128xf32, #tpu.memory_space<vmem_shared>> -> memref<10112x128xf32, #tpu.memory_space<vmem_shared>>
        tpu.enqueue_indirect_dma source(%arg10 : memref<128x128xf32, #tpu.memory_space<vmem>>) target(%dma_start3A_176 : memref<10112x128xf32, #tpu.memory_space<vmem_shared>>) offsets(%dma_start3A_173 : memref<128xi32, #tpu.memory_space<vmem>>) semaphore(%run_scoped3A_170 : memref<!tpu.dma_semaphore, #tpu.memory_space<semaphore_mem>>) {add = true}
        %dma_wait3A_177 = arith.constant 0 : i32
        %dma_wait3A_178 = tpu.memref_slice %arg8[%run_scoped3A_89, %dma_wait3A_177] : memref<48x128xi32, #tpu.memory_space<vmem>> -> memref<1x128xi32, #tpu.memory_space<vmem>>
        %dma_wait3A_179 = tpu.memref_squeeze %dma_wait3A_178 : memref<1x128xi32, #tpu.memory_space<vmem>> -> memref<128xi32, #tpu.memory_space<vmem>>
        %dma_wait3A_180 = arith.constant 0 : i32
        %dma_wait3A_181 = arith.constant 0 : i32
        %dma_wait3A_182 = tpu.memref_slice %arg11[%dma_wait3A_180, %dma_wait3A_181] : memref<10112x128xf32, #tpu.memory_space<vmem_shared>> -> memref<10112x128xf32, #tpu.memory_space<vmem_shared>>
        tpu.wait_indirect_dma semaphore(%run_scoped3A_170 : memref<!tpu.dma_semaphore, #tpu.memory_space<semaphore_mem>>) src(%arg10 : memref<128x128xf32, #tpu.memory_space<vmem>>) dst(%dma_wait3A_182 : memref<10112x128xf32, #tpu.memory_space<vmem_shared>>)
        tpu.yield
      }) : () -> ()
      %mul3A_90 = arith.constant 152 : i32
      %mul3A_91 = arith.muli %arg1, %mul3A_90 : i32
      %add3A_92 = arith.constant 96 : i32
      %add3A_93 = arith.addi %mul3A_91, %add3A_92 : i32
      "tpu.region"() ({
        %run_scoped3A_170 = tpu.sem_alloc : memref<!tpu.dma_semaphore, #tpu.memory_space<semaphore_mem>>
        %dma_start3A_171 = arith.constant 0 : i32
        %dma_start3A_172 = arith.constant 0 : i32
        %dma_start3A_173 = tpu.memref_slice %arg7[%dma_start3A_171, %dma_start3A_172] : memref<48x128xi32, #tpu.memory_space<vmem>> -> memref<48x128xi32, #tpu.memory_space<vmem>>
        %dma_start3A_174 = arith.constant 0 : i32
        %dma_start3A_175 = tpu.memref_slice %arg2[%add3A_93, %dma_start3A_174] : memref<2560x128xi32, #tpu.memory_space<hbm>> -> memref<48x128xi32, #tpu.memory_space<hbm>>
        %dma_start3A_176 = arith.constant 0 : i32
        %dma_start3A_177 = arith.constant 0 : i32
        %dma_start3A_178 = tpu.memref_slice %arg7[%dma_start3A_176, %dma_start3A_177] : memref<48x128xi32, #tpu.memory_space<vmem>> -> memref<48x128xi32, #tpu.memory_space<vmem>>
        %dma_start3A_179 = arith.constant 0 : i32
        %dma_start3A_180 = tpu.memref_slice %arg2[%add3A_93, %dma_start3A_179] : memref<2560x128xi32, #tpu.memory_space<hbm>> -> memref<48x128xi32, #tpu.memory_space<hbm>>
        tpu.enqueue_dma source(%dma_start3A_180 : memref<48x128xi32, #tpu.memory_space<hbm>>) target(%dma_start3A_178 : memref<48x128xi32, #tpu.memory_space<vmem>>) target_semaphore(%run_scoped3A_170 : memref<!tpu.dma_semaphore, #tpu.memory_space<semaphore_mem>>)
        %dma_wait3A_181 = arith.constant 0 : i32
        %dma_wait3A_182 = arith.constant 0 : i32
        %dma_wait3A_183 = tpu.memref_slice %arg7[%dma_wait3A_181, %dma_wait3A_182] : memref<48x128xi32, #tpu.memory_space<vmem>> -> memref<48x128xi32, #tpu.memory_space<vmem>>
        %dma_wait3A_184 = arith.constant 0 : i32
        %dma_wait3A_185 = tpu.memref_slice %arg2[%add3A_93, %dma_wait3A_184] : memref<2560x128xi32, #tpu.memory_space<hbm>> -> memref<48x128xi32, #tpu.memory_space<hbm>>
        %dma_wait3A_186 = arith.constant 0 : i32
        %dma_wait3A_187 = arith.constant 0 : i32
        %dma_wait3A_188 = tpu.memref_slice %arg7[%dma_wait3A_186, %dma_wait3A_187] : memref<48x128xi32, #tpu.memory_space<vmem>> -> memref<48x128xi32, #tpu.memory_space<vmem>>
        %dma_wait3A_189 = arith.constant 0 : i32
        %dma_wait3A_190 = tpu.memref_slice %arg2[%add3A_93, %dma_wait3A_189] : memref<2560x128xi32, #tpu.memory_space<hbm>> -> memref<48x128xi32, #tpu.memory_space<hbm>>
        tpu.wait_dma2 semaphore(%run_scoped3A_170 : memref<!tpu.dma_semaphore, #tpu.memory_space<semaphore_mem>>) src(%dma_wait3A_190 : memref<48x128xi32, #tpu.memory_space<hbm>>) dst(%dma_wait3A_188 : memref<48x128xi32, #tpu.memory_space<vmem>>)
        tpu.yield
      }) : () -> ()
      "tpu.region"() ({
        %run_scoped3A_170 = tpu.sem_alloc : memref<!tpu.dma_semaphore, #tpu.memory_space<semaphore_mem>>
        %dma_start3A_171 = arith.constant 0 : i32
        %dma_start3A_172 = arith.constant 0 : i32
        %dma_start3A_173 = tpu.memref_slice %arg8[%dma_start3A_171, %dma_start3A_172] : memref<48x128xi32, #tpu.memory_space<vmem>> -> memref<48x128xi32, #tpu.memory_space<vmem>>
        %dma_start3A_174 = arith.constant 0 : i32
        %dma_start3A_175 = tpu.memref_slice %arg3[%add3A_93, %dma_start3A_174] : memref<2560x128xi32, #tpu.memory_space<hbm>> -> memref<48x128xi32, #tpu.memory_space<hbm>>
        %dma_start3A_176 = arith.constant 0 : i32
        %dma_start3A_177 = arith.constant 0 : i32
        %dma_start3A_178 = tpu.memref_slice %arg8[%dma_start3A_176, %dma_start3A_177] : memref<48x128xi32, #tpu.memory_space<vmem>> -> memref<48x128xi32, #tpu.memory_space<vmem>>
        %dma_start3A_179 = arith.constant 0 : i32
        %dma_start3A_180 = tpu.memref_slice %arg3[%add3A_93, %dma_start3A_179] : memref<2560x128xi32, #tpu.memory_space<hbm>> -> memref<48x128xi32, #tpu.memory_space<hbm>>
        tpu.enqueue_dma source(%dma_start3A_180 : memref<48x128xi32, #tpu.memory_space<hbm>>) target(%dma_start3A_178 : memref<48x128xi32, #tpu.memory_space<vmem>>) target_semaphore(%run_scoped3A_170 : memref<!tpu.dma_semaphore, #tpu.memory_space<semaphore_mem>>)
        %dma_wait3A_181 = arith.constant 0 : i32
        %dma_wait3A_182 = arith.constant 0 : i32
        %dma_wait3A_183 = tpu.memref_slice %arg8[%dma_wait3A_181, %dma_wait3A_182] : memref<48x128xi32, #tpu.memory_space<vmem>> -> memref<48x128xi32, #tpu.memory_space<vmem>>
        %dma_wait3A_184 = arith.constant 0 : i32
        %dma_wait3A_185 = tpu.memref_slice %arg3[%add3A_93, %dma_wait3A_184] : memref<2560x128xi32, #tpu.memory_space<hbm>> -> memref<48x128xi32, #tpu.memory_space<hbm>>
        %dma_wait3A_186 = arith.constant 0 : i32
        %dma_wait3A_187 = arith.constant 0 : i32
        %dma_wait3A_188 = tpu.memref_slice %arg8[%dma_wait3A_186, %dma_wait3A_187] : memref<48x128xi32, #tpu.memory_space<vmem>> -> memref<48x128xi32, #tpu.memory_space<vmem>>
        %dma_wait3A_189 = arith.constant 0 : i32
        %dma_wait3A_190 = tpu.memref_slice %arg3[%add3A_93, %dma_wait3A_189] : memref<2560x128xi32, #tpu.memory_space<hbm>> -> memref<48x128xi32, #tpu.memory_space<hbm>>
        tpu.wait_dma2 semaphore(%run_scoped3A_170 : memref<!tpu.dma_semaphore, #tpu.memory_space<semaphore_mem>>) src(%dma_wait3A_190 : memref<48x128xi32, #tpu.memory_space<hbm>>) dst(%dma_wait3A_188 : memref<48x128xi32, #tpu.memory_space<vmem>>)
        tpu.yield
      }) : () -> ()
      %dma_start3A_94 = arith.constant 0 : i32
      %dma_start3A_95 = arith.constant 0 : i32
      %dma_start3A_96 = tpu.memref_slice %arg7[%dma_start3A_94, %dma_start3A_95] : memref<48x128xi32, #tpu.memory_space<vmem>> -> memref<1x128xi32, #tpu.memory_space<vmem>>
      %dma_start3A_97 = tpu.memref_squeeze %dma_start3A_96 : memref<1x128xi32, #tpu.memory_space<vmem>> -> memref<128xi32, #tpu.memory_space<vmem>>
      %dma_start3A_98 = arith.constant 0 : i32
      %dma_start3A_99 = arith.constant 0 : i32
      %dma_start3A_100 = tpu.memref_slice %arg4[%dma_start3A_98, %dma_start3A_99] : memref<10000x128xf32, #tpu.memory_space<hbm>> -> memref<10000x128xf32, #tpu.memory_space<hbm>>
      tpu.enqueue_indirect_dma source(%dma_start3A_100 : memref<10000x128xf32, #tpu.memory_space<hbm>>) target(%arg9 : memref<128x128xf32, #tpu.memory_space<vmem>>) offsets(%dma_start3A_97 : memref<128xi32, #tpu.memory_space<vmem>>) semaphore(%arg12 : memref<!tpu.dma_semaphore, #tpu.memory_space<semaphore_mem>>)
      %dma_start3A_101 = arith.constant 1 : i32
      %dma_start3A_102 = arith.constant 0 : i32
      %dma_start3A_103 = tpu.memref_slice %arg7[%dma_start3A_101, %dma_start3A_102] : memref<48x128xi32, #tpu.memory_space<vmem>> -> memref<1x128xi32, #tpu.memory_space<vmem>>
      %dma_start3A_104 = tpu.memref_squeeze %dma_start3A_103 : memref<1x128xi32, #tpu.memory_space<vmem>> -> memref<128xi32, #tpu.memory_space<vmem>>
      %dma_start3A_105 = arith.constant 0 : i32
      %dma_start3A_106 = arith.constant 0 : i32
      %dma_start3A_107 = tpu.memref_slice %arg4[%dma_start3A_105, %dma_start3A_106] : memref<10000x128xf32, #tpu.memory_space<hbm>> -> memref<10000x128xf32, #tpu.memory_space<hbm>>
      tpu.enqueue_indirect_dma source(%dma_start3A_107 : memref<10000x128xf32, #tpu.memory_space<hbm>>) target(%arg10 : memref<128x128xf32, #tpu.memory_space<vmem>>) offsets(%dma_start3A_104 : memref<128xi32, #tpu.memory_space<vmem>>) semaphore(%arg13 : memref<!tpu.dma_semaphore, #tpu.memory_space<semaphore_mem>>)
      %scan3A_108 = arith.constant 0 : i32
      %scan3A_109 = arith.constant 0 : i32
      %scan3A_110 = arith.constant 23 : i32
      %scan3A_111 = arith.addi %scan3A_109, %scan3A_110 : i32
      %scan3A_112 = arith.constant 1 : i32
      scf.for %scan3A_170 = %scan3A_109 to %scan3A_111 step %scan3A_112  : i32 {
        %mul3A_171 = arith.constant 2 : i32
        %mul3A_172 = arith.muli %mul3A_171, %scan3A_170 : i32
        %dma_wait3A_173 = arith.constant 0 : i32
        %dma_wait3A_174 = tpu.memref_slice %arg7[%mul3A_172, %dma_wait3A_173] : memref<48x128xi32, #tpu.memory_space<vmem>> -> memref<1x128xi32, #tpu.memory_space<vmem>>
        %dma_wait3A_175 = tpu.memref_squeeze %dma_wait3A_174 : memref<1x128xi32, #tpu.memory_space<vmem>> -> memref<128xi32, #tpu.memory_space<vmem>>
        %dma_wait3A_176 = arith.constant 0 : i32
        %dma_wait3A_177 = arith.constant 0 : i32
        %dma_wait3A_178 = tpu.memref_slice %arg4[%dma_wait3A_176, %dma_wait3A_177] : memref<10000x128xf32, #tpu.memory_space<hbm>> -> memref<10000x128xf32, #tpu.memory_space<hbm>>
        tpu.wait_indirect_dma semaphore(%arg12 : memref<!tpu.dma_semaphore, #tpu.memory_space<semaphore_mem>>) src(%dma_wait3A_178 : memref<10000x128xf32, #tpu.memory_space<hbm>>) dst(%arg9 : memref<128x128xf32, #tpu.memory_space<vmem>>)
        "tpu.region"() ({
          %run_scoped3A_205 = tpu.sem_alloc : memref<!tpu.dma_semaphore, #tpu.memory_space<semaphore_mem>>
          %dma_start3A_206 = arith.constant 0 : i32
          %dma_start3A_207 = tpu.memref_slice %arg8[%mul3A_172, %dma_start3A_206] : memref<48x128xi32, #tpu.memory_space<vmem>> -> memref<1x128xi32, #tpu.memory_space<vmem>>
          %dma_start3A_208 = tpu.memref_squeeze %dma_start3A_207 : memref<1x128xi32, #tpu.memory_space<vmem>> -> memref<128xi32, #tpu.memory_space<vmem>>
          %dma_start3A_209 = arith.constant 0 : i32
          %dma_start3A_210 = arith.constant 0 : i32
          %dma_start3A_211 = tpu.memref_slice %arg11[%dma_start3A_209, %dma_start3A_210] : memref<10112x128xf32, #tpu.memory_space<vmem_shared>> -> memref<10112x128xf32, #tpu.memory_space<vmem_shared>>
          tpu.enqueue_indirect_dma source(%arg9 : memref<128x128xf32, #tpu.memory_space<vmem>>) target(%dma_start3A_211 : memref<10112x128xf32, #tpu.memory_space<vmem_shared>>) offsets(%dma_start3A_208 : memref<128xi32, #tpu.memory_space<vmem>>) semaphore(%run_scoped3A_205 : memref<!tpu.dma_semaphore, #tpu.memory_space<semaphore_mem>>) {add = true}
          %dma_wait3A_212 = arith.constant 0 : i32
          %dma_wait3A_213 = tpu.memref_slice %arg8[%mul3A_172, %dma_wait3A_212] : memref<48x128xi32, #tpu.memory_space<vmem>> -> memref<1x128xi32, #tpu.memory_space<vmem>>
          %dma_wait3A_214 = tpu.memref_squeeze %dma_wait3A_213 : memref<1x128xi32, #tpu.memory_space<vmem>> -> memref<128xi32, #tpu.memory_space<vmem>>
          %dma_wait3A_215 = arith.constant 0 : i32
          %dma_wait3A_216 = arith.constant 0 : i32
          %dma_wait3A_217 = tpu.memref_slice %arg11[%dma_wait3A_215, %dma_wait3A_216] : memref<10112x128xf32, #tpu.memory_space<vmem_shared>> -> memref<10112x128xf32, #tpu.memory_space<vmem_shared>>
          tpu.wait_indirect_dma semaphore(%run_scoped3A_205 : memref<!tpu.dma_semaphore, #tpu.memory_space<semaphore_mem>>) src(%arg9 : memref<128x128xf32, #tpu.memory_space<vmem>>) dst(%dma_wait3A_217 : memref<10112x128xf32, #tpu.memory_space<vmem_shared>>)
          tpu.yield
        }) : () -> ()
        %add3A_179 = arith.constant 2 : i32
        %add3A_180 = arith.addi %mul3A_172, %add3A_179 : i32
        %dma_start3A_181 = arith.constant 0 : i32
        %dma_start3A_182 = tpu.memref_slice %arg7[%add3A_180, %dma_start3A_181] : memref<48x128xi32, #tpu.memory_space<vmem>> -> memref<1x128xi32, #tpu.memory_space<vmem>>
        %dma_start3A_183 = tpu.memref_squeeze %dma_start3A_182 : memref<1x128xi32, #tpu.memory_space<vmem>> -> memref<128xi32, #tpu.memory_space<vmem>>
        %dma_start3A_184 = arith.constant 0 : i32
        %dma_start3A_185 = arith.constant 0 : i32
        %dma_start3A_186 = tpu.memref_slice %arg4[%dma_start3A_184, %dma_start3A_185] : memref<10000x128xf32, #tpu.memory_space<hbm>> -> memref<10000x128xf32, #tpu.memory_space<hbm>>
        tpu.enqueue_indirect_dma source(%dma_start3A_186 : memref<10000x128xf32, #tpu.memory_space<hbm>>) target(%arg9 : memref<128x128xf32, #tpu.memory_space<vmem>>) offsets(%dma_start3A_183 : memref<128xi32, #tpu.memory_space<vmem>>) semaphore(%arg12 : memref<!tpu.dma_semaphore, #tpu.memory_space<semaphore_mem>>)
        %add3A_187 = arith.constant 1 : i32
        %add3A_188 = arith.addi %mul3A_172, %add3A_187 : i32
        %dma_wait3A_189 = arith.constant 0 : i32
        %dma_wait3A_190 = tpu.memref_slice %arg7[%add3A_188, %dma_wait3A_189] : memref<48x128xi32, #tpu.memory_space<vmem>> -> memref<1x128xi32, #tpu.memory_space<vmem>>
        %dma_wait3A_191 = tpu.memref_squeeze %dma_wait3A_190 : memref<1x128xi32, #tpu.memory_space<vmem>> -> memref<128xi32, #tpu.memory_space<vmem>>
        %dma_wait3A_192 = arith.constant 0 : i32
        %dma_wait3A_193 = arith.constant 0 : i32
        %dma_wait3A_194 = tpu.memref_slice %arg4[%dma_wait3A_192, %dma_wait3A_193] : memref<10000x128xf32, #tpu.memory_space<hbm>> -> memref<10000x128xf32, #tpu.memory_space<hbm>>
        tpu.wait_indirect_dma semaphore(%arg13 : memref<!tpu.dma_semaphore, #tpu.memory_space<semaphore_mem>>) src(%dma_wait3A_194 : memref<10000x128xf32, #tpu.memory_space<hbm>>) dst(%arg10 : memref<128x128xf32, #tpu.memory_space<vmem>>)
        %add3A_195 = arith.constant 1 : i32
        %add3A_196 = arith.addi %mul3A_172, %add3A_195 : i32
        "tpu.region"() ({
          %run_scoped3A_205 = tpu.sem_alloc : memref<!tpu.dma_semaphore, #tpu.memory_space<semaphore_mem>>
          %dma_start3A_206 = arith.constant 0 : i32
          %dma_start3A_207 = tpu.memref_slice %arg8[%add3A_196, %dma_start3A_206] : memref<48x128xi32, #tpu.memory_space<vmem>> -> memref<1x128xi32, #tpu.memory_space<vmem>>
          %dma_start3A_208 = tpu.memref_squeeze %dma_start3A_207 : memref<1x128xi32, #tpu.memory_space<vmem>> -> memref<128xi32, #tpu.memory_space<vmem>>
          %dma_start3A_209 = arith.constant 0 : i32
          %dma_start3A_210 = arith.constant 0 : i32
          %dma_start3A_211 = tpu.memref_slice %arg11[%dma_start3A_209, %dma_start3A_210] : memref<10112x128xf32, #tpu.memory_space<vmem_shared>> -> memref<10112x128xf32, #tpu.memory_space<vmem_shared>>
          tpu.enqueue_indirect_dma source(%arg10 : memref<128x128xf32, #tpu.memory_space<vmem>>) target(%dma_start3A_211 : memref<10112x128xf32, #tpu.memory_space<vmem_shared>>) offsets(%dma_start3A_208 : memref<128xi32, #tpu.memory_space<vmem>>) semaphore(%run_scoped3A_205 : memref<!tpu.dma_semaphore, #tpu.memory_space<semaphore_mem>>) {add = true}
          %dma_wait3A_212 = arith.constant 0 : i32
          %dma_wait3A_213 = tpu.memref_slice %arg8[%add3A_196, %dma_wait3A_212] : memref<48x128xi32, #tpu.memory_space<vmem>> -> memref<1x128xi32, #tpu.memory_space<vmem>>
          %dma_wait3A_214 = tpu.memref_squeeze %dma_wait3A_213 : memref<1x128xi32, #tpu.memory_space<vmem>> -> memref<128xi32, #tpu.memory_space<vmem>>
          %dma_wait3A_215 = arith.constant 0 : i32
          %dma_wait3A_216 = arith.constant 0 : i32
          %dma_wait3A_217 = tpu.memref_slice %arg11[%dma_wait3A_215, %dma_wait3A_216] : memref<10112x128xf32, #tpu.memory_space<vmem_shared>> -> memref<10112x128xf32, #tpu.memory_space<vmem_shared>>
          tpu.wait_indirect_dma semaphore(%run_scoped3A_205 : memref<!tpu.dma_semaphore, #tpu.memory_space<semaphore_mem>>) src(%arg10 : memref<128x128xf32, #tpu.memory_space<vmem>>) dst(%dma_wait3A_217 : memref<10112x128xf32, #tpu.memory_space<vmem_shared>>)
          tpu.yield
        }) : () -> ()
        %add3A_197 = arith.constant 3 : i32
        %add3A_198 = arith.addi %mul3A_172, %add3A_197 : i32
        %dma_start3A_199 = arith.constant 0 : i32
        %dma_start3A_200 = tpu.memref_slice %arg7[%add3A_198, %dma_start3A_199] : memref<48x128xi32, #tpu.memory_space<vmem>> -> memref<1x128xi32, #tpu.memory_space<vmem>>
        %dma_start3A_201 = tpu.memref_squeeze %dma_start3A_200 : memref<1x128xi32, #tpu.memory_space<vmem>> -> memref<128xi32, #tpu.memory_space<vmem>>
        %dma_start3A_202 = arith.constant 0 : i32
        %dma_start3A_203 = arith.constant 0 : i32
        %dma_start3A_204 = tpu.memref_slice %arg4[%dma_start3A_202, %dma_start3A_203] : memref<10000x128xf32, #tpu.memory_space<hbm>> -> memref<10000x128xf32, #tpu.memory_space<hbm>>
        tpu.enqueue_indirect_dma source(%dma_start3A_204 : memref<10000x128xf32, #tpu.memory_space<hbm>>) target(%arg10 : memref<128x128xf32, #tpu.memory_space<vmem>>) offsets(%dma_start3A_201 : memref<128xi32, #tpu.memory_space<vmem>>) semaphore(%arg13 : memref<!tpu.dma_semaphore, #tpu.memory_space<semaphore_mem>>)
      }
      %scan3A_113 = arith.constant 23 : i32
      %dma_wait3A_114 = arith.constant 46 : i32
      %dma_wait3A_115 = arith.constant 0 : i32
      %dma_wait3A_116 = tpu.memref_slice %arg7[%dma_wait3A_114, %dma_wait3A_115] : memref<48x128xi32, #tpu.memory_space<vmem>> -> memref<1x128xi32, #tpu.memory_space<vmem>>
      %dma_wait3A_117 = tpu.memref_squeeze %dma_wait3A_116 : memref<1x128xi32, #tpu.memory_space<vmem>> -> memref<128xi32, #tpu.memory_space<vmem>>
      %dma_wait3A_118 = arith.constant 0 : i32
      %dma_wait3A_119 = arith.constant 0 : i32
      %dma_wait3A_120 = tpu.memref_slice %arg4[%dma_wait3A_118, %dma_wait3A_119] : memref<10000x128xf32, #tpu.memory_space<hbm>> -> memref<10000x128xf32, #tpu.memory_space<hbm>>
      tpu.wait_indirect_dma semaphore(%arg12 : memref<!tpu.dma_semaphore, #tpu.memory_space<semaphore_mem>>) src(%dma_wait3A_120 : memref<10000x128xf32, #tpu.memory_space<hbm>>) dst(%arg9 : memref<128x128xf32, #tpu.memory_space<vmem>>)
      %run_scoped3A_121 = arith.constant 46 : i32
      "tpu.region"() ({
        %run_scoped3A_170 = tpu.sem_alloc : memref<!tpu.dma_semaphore, #tpu.memory_space<semaphore_mem>>
        %dma_start3A_171 = arith.constant 0 : i32
        %dma_start3A_172 = tpu.memref_slice %arg8[%run_scoped3A_121, %dma_start3A_171] : memref<48x128xi32, #tpu.memory_space<vmem>> -> memref<1x128xi32, #tpu.memory_space<vmem>>
        %dma_start3A_173 = tpu.memref_squeeze %dma_start3A_172 : memref<1x128xi32, #tpu.memory_space<vmem>> -> memref<128xi32, #tpu.memory_space<vmem>>
        %dma_start3A_174 = arith.constant 0 : i32
        %dma_start3A_175 = arith.constant 0 : i32
        %dma_start3A_176 = tpu.memref_slice %arg11[%dma_start3A_174, %dma_start3A_175] : memref<10112x128xf32, #tpu.memory_space<vmem_shared>> -> memref<10112x128xf32, #tpu.memory_space<vmem_shared>>
        tpu.enqueue_indirect_dma source(%arg9 : memref<128x128xf32, #tpu.memory_space<vmem>>) target(%dma_start3A_176 : memref<10112x128xf32, #tpu.memory_space<vmem_shared>>) offsets(%dma_start3A_173 : memref<128xi32, #tpu.memory_space<vmem>>) semaphore(%run_scoped3A_170 : memref<!tpu.dma_semaphore, #tpu.memory_space<semaphore_mem>>) {add = true}
        %dma_wait3A_177 = arith.constant 0 : i32
        %dma_wait3A_178 = tpu.memref_slice %arg8[%run_scoped3A_121, %dma_wait3A_177] : memref<48x128xi32, #tpu.memory_space<vmem>> -> memref<1x128xi32, #tpu.memory_space<vmem>>
        %dma_wait3A_179 = tpu.memref_squeeze %dma_wait3A_178 : memref<1x128xi32, #tpu.memory_space<vmem>> -> memref<128xi32, #tpu.memory_space<vmem>>
        %dma_wait3A_180 = arith.constant 0 : i32
        %dma_wait3A_181 = arith.constant 0 : i32
        %dma_wait3A_182 = tpu.memref_slice %arg11[%dma_wait3A_180, %dma_wait3A_181] : memref<10112x128xf32, #tpu.memory_space<vmem_shared>> -> memref<10112x128xf32, #tpu.memory_space<vmem_shared>>
        tpu.wait_indirect_dma semaphore(%run_scoped3A_170 : memref<!tpu.dma_semaphore, #tpu.memory_space<semaphore_mem>>) src(%arg9 : memref<128x128xf32, #tpu.memory_space<vmem>>) dst(%dma_wait3A_182 : memref<10112x128xf32, #tpu.memory_space<vmem_shared>>)
        tpu.yield
      }) : () -> ()
      %dma_wait3A_122 = arith.constant 47 : i32
      %dma_wait3A_123 = arith.constant 0 : i32
      %dma_wait3A_124 = tpu.memref_slice %arg7[%dma_wait3A_122, %dma_wait3A_123] : memref<48x128xi32, #tpu.memory_space<vmem>> -> memref<1x128xi32, #tpu.memory_space<vmem>>
      %dma_wait3A_125 = tpu.memref_squeeze %dma_wait3A_124 : memref<1x128xi32, #tpu.memory_space<vmem>> -> memref<128xi32, #tpu.memory_space<vmem>>
      %dma_wait3A_126 = arith.constant 0 : i32
      %dma_wait3A_127 = arith.constant 0 : i32
      %dma_wait3A_128 = tpu.memref_slice %arg4[%dma_wait3A_126, %dma_wait3A_127] : memref<10000x128xf32, #tpu.memory_space<hbm>> -> memref<10000x128xf32, #tpu.memory_space<hbm>>
      tpu.wait_indirect_dma semaphore(%arg13 : memref<!tpu.dma_semaphore, #tpu.memory_space<semaphore_mem>>) src(%dma_wait3A_128 : memref<10000x128xf32, #tpu.memory_space<hbm>>) dst(%arg10 : memref<128x128xf32, #tpu.memory_space<vmem>>)
      %run_scoped3A_129 = arith.constant 47 : i32
      "tpu.region"() ({
        %run_scoped3A_170 = tpu.sem_alloc : memref<!tpu.dma_semaphore, #tpu.memory_space<semaphore_mem>>
        %dma_start3A_171 = arith.constant 0 : i32
        %dma_start3A_172 = tpu.memref_slice %arg8[%run_scoped3A_129, %dma_start3A_171] : memref<48x128xi32, #tpu.memory_space<vmem>> -> memref<1x128xi32, #tpu.memory_space<vmem>>
        %dma_start3A_173 = tpu.memref_squeeze %dma_start3A_172 : memref<1x128xi32, #tpu.memory_space<vmem>> -> memref<128xi32, #tpu.memory_space<vmem>>
        %dma_start3A_174 = arith.constant 0 : i32
        %dma_start3A_175 = arith.constant 0 : i32
        %dma_start3A_176 = tpu.memref_slice %arg11[%dma_start3A_174, %dma_start3A_175] : memref<10112x128xf32, #tpu.memory_space<vmem_shared>> -> memref<10112x128xf32, #tpu.memory_space<vmem_shared>>
        tpu.enqueue_indirect_dma source(%arg10 : memref<128x128xf32, #tpu.memory_space<vmem>>) target(%dma_start3A_176 : memref<10112x128xf32, #tpu.memory_space<vmem_shared>>) offsets(%dma_start3A_173 : memref<128xi32, #tpu.memory_space<vmem>>) semaphore(%run_scoped3A_170 : memref<!tpu.dma_semaphore, #tpu.memory_space<semaphore_mem>>) {add = true}
        %dma_wait3A_177 = arith.constant 0 : i32
        %dma_wait3A_178 = tpu.memref_slice %arg8[%run_scoped3A_129, %dma_wait3A_177] : memref<48x128xi32, #tpu.memory_space<vmem>> -> memref<1x128xi32, #tpu.memory_space<vmem>>
        %dma_wait3A_179 = tpu.memref_squeeze %dma_wait3A_178 : memref<1x128xi32, #tpu.memory_space<vmem>> -> memref<128xi32, #tpu.memory_space<vmem>>
        %dma_wait3A_180 = arith.constant 0 : i32
        %dma_wait3A_181 = arith.constant 0 : i32
        %dma_wait3A_182 = tpu.memref_slice %arg11[%dma_wait3A_180, %dma_wait3A_181] : memref<10112x128xf32, #tpu.memory_space<vmem_shared>> -> memref<10112x128xf32, #tpu.memory_space<vmem_shared>>
        tpu.wait_indirect_dma semaphore(%run_scoped3A_170 : memref<!tpu.dma_semaphore, #tpu.memory_space<semaphore_mem>>) src(%arg10 : memref<128x128xf32, #tpu.memory_space<vmem>>) dst(%dma_wait3A_182 : memref<10112x128xf32, #tpu.memory_space<vmem_shared>>)
        tpu.yield
      }) : () -> ()
      %mul3A_130 = arith.constant 152 : i32
      %mul3A_131 = arith.muli %arg1, %mul3A_130 : i32
      %add3A_132 = arith.constant 144 : i32
      %add3A_133 = arith.addi %mul3A_131, %add3A_132 : i32
      "tpu.region"() ({
        %run_scoped3A_170 = tpu.sem_alloc : memref<!tpu.dma_semaphore, #tpu.memory_space<semaphore_mem>>
        %dma_start3A_171 = arith.constant 0 : i32
        %dma_start3A_172 = arith.constant 0 : i32
        %dma_start3A_173 = tpu.memref_slice %arg7[%dma_start3A_171, %dma_start3A_172] : memref<48x128xi32, #tpu.memory_space<vmem>> -> memref<8x128xi32, #tpu.memory_space<vmem>>
        %dma_start3A_174 = arith.constant 0 : i32
        %dma_start3A_175 = tpu.memref_slice %arg2[%add3A_133, %dma_start3A_174] : memref<2560x128xi32, #tpu.memory_space<hbm>> -> memref<8x128xi32, #tpu.memory_space<hbm>>
        %dma_start3A_176 = arith.constant 0 : i32
        %dma_start3A_177 = arith.constant 0 : i32
        %dma_start3A_178 = tpu.memref_slice %arg7[%dma_start3A_176, %dma_start3A_177] : memref<48x128xi32, #tpu.memory_space<vmem>> -> memref<8x128xi32, #tpu.memory_space<vmem>>
        %dma_start3A_179 = arith.constant 0 : i32
        %dma_start3A_180 = tpu.memref_slice %arg2[%add3A_133, %dma_start3A_179] : memref<2560x128xi32, #tpu.memory_space<hbm>> -> memref<8x128xi32, #tpu.memory_space<hbm>>
        tpu.enqueue_dma source(%dma_start3A_180 : memref<8x128xi32, #tpu.memory_space<hbm>>) target(%dma_start3A_178 : memref<8x128xi32, #tpu.memory_space<vmem>>) target_semaphore(%run_scoped3A_170 : memref<!tpu.dma_semaphore, #tpu.memory_space<semaphore_mem>>)
        %dma_wait3A_181 = arith.constant 0 : i32
        %dma_wait3A_182 = arith.constant 0 : i32
        %dma_wait3A_183 = tpu.memref_slice %arg7[%dma_wait3A_181, %dma_wait3A_182] : memref<48x128xi32, #tpu.memory_space<vmem>> -> memref<8x128xi32, #tpu.memory_space<vmem>>
        %dma_wait3A_184 = arith.constant 0 : i32
        %dma_wait3A_185 = tpu.memref_slice %arg2[%add3A_133, %dma_wait3A_184] : memref<2560x128xi32, #tpu.memory_space<hbm>> -> memref<8x128xi32, #tpu.memory_space<hbm>>
        %dma_wait3A_186 = arith.constant 0 : i32
        %dma_wait3A_187 = arith.constant 0 : i32
        %dma_wait3A_188 = tpu.memref_slice %arg7[%dma_wait3A_186, %dma_wait3A_187] : memref<48x128xi32, #tpu.memory_space<vmem>> -> memref<8x128xi32, #tpu.memory_space<vmem>>
        %dma_wait3A_189 = arith.constant 0 : i32
        %dma_wait3A_190 = tpu.memref_slice %arg2[%add3A_133, %dma_wait3A_189] : memref<2560x128xi32, #tpu.memory_space<hbm>> -> memref<8x128xi32, #tpu.memory_space<hbm>>
        tpu.wait_dma2 semaphore(%run_scoped3A_170 : memref<!tpu.dma_semaphore, #tpu.memory_space<semaphore_mem>>) src(%dma_wait3A_190 : memref<8x128xi32, #tpu.memory_space<hbm>>) dst(%dma_wait3A_188 : memref<8x128xi32, #tpu.memory_space<vmem>>)
        tpu.yield
      }) : () -> ()
      "tpu.region"() ({
        %run_scoped3A_170 = tpu.sem_alloc : memref<!tpu.dma_semaphore, #tpu.memory_space<semaphore_mem>>
        %dma_start3A_171 = arith.constant 0 : i32
        %dma_start3A_172 = arith.constant 0 : i32
        %dma_start3A_173 = tpu.memref_slice %arg8[%dma_start3A_171, %dma_start3A_172] : memref<48x128xi32, #tpu.memory_space<vmem>> -> memref<8x128xi32, #tpu.memory_space<vmem>>
        %dma_start3A_174 = arith.constant 0 : i32
        %dma_start3A_175 = tpu.memref_slice %arg3[%add3A_133, %dma_start3A_174] : memref<2560x128xi32, #tpu.memory_space<hbm>> -> memref<8x128xi32, #tpu.memory_space<hbm>>
        %dma_start3A_176 = arith.constant 0 : i32
        %dma_start3A_177 = arith.constant 0 : i32
        %dma_start3A_178 = tpu.memref_slice %arg8[%dma_start3A_176, %dma_start3A_177] : memref<48x128xi32, #tpu.memory_space<vmem>> -> memref<8x128xi32, #tpu.memory_space<vmem>>
        %dma_start3A_179 = arith.constant 0 : i32
        %dma_start3A_180 = tpu.memref_slice %arg3[%add3A_133, %dma_start3A_179] : memref<2560x128xi32, #tpu.memory_space<hbm>> -> memref<8x128xi32, #tpu.memory_space<hbm>>
        tpu.enqueue_dma source(%dma_start3A_180 : memref<8x128xi32, #tpu.memory_space<hbm>>) target(%dma_start3A_178 : memref<8x128xi32, #tpu.memory_space<vmem>>) target_semaphore(%run_scoped3A_170 : memref<!tpu.dma_semaphore, #tpu.memory_space<semaphore_mem>>)
        %dma_wait3A_181 = arith.constant 0 : i32
        %dma_wait3A_182 = arith.constant 0 : i32
        %dma_wait3A_183 = tpu.memref_slice %arg8[%dma_wait3A_181, %dma_wait3A_182] : memref<48x128xi32, #tpu.memory_space<vmem>> -> memref<8x128xi32, #tpu.memory_space<vmem>>
        %dma_wait3A_184 = arith.constant 0 : i32
        %dma_wait3A_185 = tpu.memref_slice %arg3[%add3A_133, %dma_wait3A_184] : memref<2560x128xi32, #tpu.memory_space<hbm>> -> memref<8x128xi32, #tpu.memory_space<hbm>>
        %dma_wait3A_186 = arith.constant 0 : i32
        %dma_wait3A_187 = arith.constant 0 : i32
        %dma_wait3A_188 = tpu.memref_slice %arg8[%dma_wait3A_186, %dma_wait3A_187] : memref<48x128xi32, #tpu.memory_space<vmem>> -> memref<8x128xi32, #tpu.memory_space<vmem>>
        %dma_wait3A_189 = arith.constant 0 : i32
        %dma_wait3A_190 = tpu.memref_slice %arg3[%add3A_133, %dma_wait3A_189] : memref<2560x128xi32, #tpu.memory_space<hbm>> -> memref<8x128xi32, #tpu.memory_space<hbm>>
        tpu.wait_dma2 semaphore(%run_scoped3A_170 : memref<!tpu.dma_semaphore, #tpu.memory_space<semaphore_mem>>) src(%dma_wait3A_190 : memref<8x128xi32, #tpu.memory_space<hbm>>) dst(%dma_wait3A_188 : memref<8x128xi32, #tpu.memory_space<vmem>>)
        tpu.yield
      }) : () -> ()
      %dma_start3A_134 = arith.constant 0 : i32
      %dma_start3A_135 = arith.constant 0 : i32
      %dma_start3A_136 = tpu.memref_slice %arg7[%dma_start3A_134, %dma_start3A_135] : memref<48x128xi32, #tpu.memory_space<vmem>> -> memref<1x128xi32, #tpu.memory_space<vmem>>
      %dma_start3A_137 = tpu.memref_squeeze %dma_start3A_136 : memref<1x128xi32, #tpu.memory_space<vmem>> -> memref<128xi32, #tpu.memory_space<vmem>>
      %dma_start3A_138 = arith.constant 0 : i32
      %dma_start3A_139 = arith.constant 0 : i32
      %dma_start3A_140 = tpu.memref_slice %arg4[%dma_start3A_138, %dma_start3A_139] : memref<10000x128xf32, #tpu.memory_space<hbm>> -> memref<10000x128xf32, #tpu.memory_space<hbm>>
      tpu.enqueue_indirect_dma source(%dma_start3A_140 : memref<10000x128xf32, #tpu.memory_space<hbm>>) target(%arg9 : memref<128x128xf32, #tpu.memory_space<vmem>>) offsets(%dma_start3A_137 : memref<128xi32, #tpu.memory_space<vmem>>) semaphore(%arg12 : memref<!tpu.dma_semaphore, #tpu.memory_space<semaphore_mem>>)
      %dma_start3A_141 = arith.constant 1 : i32
      %dma_start3A_142 = arith.constant 0 : i32
      %dma_start3A_143 = tpu.memref_slice %arg7[%dma_start3A_141, %dma_start3A_142] : memref<48x128xi32, #tpu.memory_space<vmem>> -> memref<1x128xi32, #tpu.memory_space<vmem>>
      %dma_start3A_144 = tpu.memref_squeeze %dma_start3A_143 : memref<1x128xi32, #tpu.memory_space<vmem>> -> memref<128xi32, #tpu.memory_space<vmem>>
      %dma_start3A_145 = arith.constant 0 : i32
      %dma_start3A_146 = arith.constant 0 : i32
      %dma_start3A_147 = tpu.memref_slice %arg4[%dma_start3A_145, %dma_start3A_146] : memref<10000x128xf32, #tpu.memory_space<hbm>> -> memref<10000x128xf32, #tpu.memory_space<hbm>>
      tpu.enqueue_indirect_dma source(%dma_start3A_147 : memref<10000x128xf32, #tpu.memory_space<hbm>>) target(%arg10 : memref<128x128xf32, #tpu.memory_space<vmem>>) offsets(%dma_start3A_144 : memref<128xi32, #tpu.memory_space<vmem>>) semaphore(%arg13 : memref<!tpu.dma_semaphore, #tpu.memory_space<semaphore_mem>>)
      %scan3A_148 = arith.constant 0 : i32
      %scan3A_149 = arith.constant 0 : i32
      %scan3A_150 = arith.constant 3 : i32
      %scan3A_151 = arith.addi %scan3A_149, %scan3A_150 : i32
      %scan3A_152 = arith.constant 1 : i32
      scf.for %scan3A_170 = %scan3A_149 to %scan3A_151 step %scan3A_152  : i32 {
        %mul3A_171 = arith.constant 2 : i32
        %mul3A_172 = arith.muli %mul3A_171, %scan3A_170 : i32
        %dma_wait3A_173 = arith.constant 0 : i32
        %dma_wait3A_174 = tpu.memref_slice %arg7[%mul3A_172, %dma_wait3A_173] : memref<48x128xi32, #tpu.memory_space<vmem>> -> memref<1x128xi32, #tpu.memory_space<vmem>>
        %dma_wait3A_175 = tpu.memref_squeeze %dma_wait3A_174 : memref<1x128xi32, #tpu.memory_space<vmem>> -> memref<128xi32, #tpu.memory_space<vmem>>
        %dma_wait3A_176 = arith.constant 0 : i32
        %dma_wait3A_177 = arith.constant 0 : i32
        %dma_wait3A_178 = tpu.memref_slice %arg4[%dma_wait3A_176, %dma_wait3A_177] : memref<10000x128xf32, #tpu.memory_space<hbm>> -> memref<10000x128xf32, #tpu.memory_space<hbm>>
        tpu.wait_indirect_dma semaphore(%arg12 : memref<!tpu.dma_semaphore, #tpu.memory_space<semaphore_mem>>) src(%dma_wait3A_178 : memref<10000x128xf32, #tpu.memory_space<hbm>>) dst(%arg9 : memref<128x128xf32, #tpu.memory_space<vmem>>)
        "tpu.region"() ({
          %run_scoped3A_205 = tpu.sem_alloc : memref<!tpu.dma_semaphore, #tpu.memory_space<semaphore_mem>>
          %dma_start3A_206 = arith.constant 0 : i32
          %dma_start3A_207 = tpu.memref_slice %arg8[%mul3A_172, %dma_start3A_206] : memref<48x128xi32, #tpu.memory_space<vmem>> -> memref<1x128xi32, #tpu.memory_space<vmem>>
          %dma_start3A_208 = tpu.memref_squeeze %dma_start3A_207 : memref<1x128xi32, #tpu.memory_space<vmem>> -> memref<128xi32, #tpu.memory_space<vmem>>
          %dma_start3A_209 = arith.constant 0 : i32
          %dma_start3A_210 = arith.constant 0 : i32
          %dma_start3A_211 = tpu.memref_slice %arg11[%dma_start3A_209, %dma_start3A_210] : memref<10112x128xf32, #tpu.memory_space<vmem_shared>> -> memref<10112x128xf32, #tpu.memory_space<vmem_shared>>
          tpu.enqueue_indirect_dma source(%arg9 : memref<128x128xf32, #tpu.memory_space<vmem>>) target(%dma_start3A_211 : memref<10112x128xf32, #tpu.memory_space<vmem_shared>>) offsets(%dma_start3A_208 : memref<128xi32, #tpu.memory_space<vmem>>) semaphore(%run_scoped3A_205 : memref<!tpu.dma_semaphore, #tpu.memory_space<semaphore_mem>>) {add = true}
          %dma_wait3A_212 = arith.constant 0 : i32
          %dma_wait3A_213 = tpu.memref_slice %arg8[%mul3A_172, %dma_wait3A_212] : memref<48x128xi32, #tpu.memory_space<vmem>> -> memref<1x128xi32, #tpu.memory_space<vmem>>
          %dma_wait3A_214 = tpu.memref_squeeze %dma_wait3A_213 : memref<1x128xi32, #tpu.memory_space<vmem>> -> memref<128xi32, #tpu.memory_space<vmem>>
          %dma_wait3A_215 = arith.constant 0 : i32
          %dma_wait3A_216 = arith.constant 0 : i32
          %dma_wait3A_217 = tpu.memref_slice %arg11[%dma_wait3A_215, %dma_wait3A_216] : memref<10112x128xf32, #tpu.memory_space<vmem_shared>> -> memref<10112x128xf32, #tpu.memory_space<vmem_shared>>
          tpu.wait_indirect_dma semaphore(%run_scoped3A_205 : memref<!tpu.dma_semaphore, #tpu.memory_space<semaphore_mem>>) src(%arg9 : memref<128x128xf32, #tpu.memory_space<vmem>>) dst(%dma_wait3A_217 : memref<10112x128xf32, #tpu.memory_space<vmem_shared>>)
          tpu.yield
        }) : () -> ()
        %add3A_179 = arith.constant 2 : i32
        %add3A_180 = arith.addi %mul3A_172, %add3A_179 : i32
        %dma_start3A_181 = arith.constant 0 : i32
        %dma_start3A_182 = tpu.memref_slice %arg7[%add3A_180, %dma_start3A_181] : memref<48x128xi32, #tpu.memory_space<vmem>> -> memref<1x128xi32, #tpu.memory_space<vmem>>
        %dma_start3A_183 = tpu.memref_squeeze %dma_start3A_182 : memref<1x128xi32, #tpu.memory_space<vmem>> -> memref<128xi32, #tpu.memory_space<vmem>>
        %dma_start3A_184 = arith.constant 0 : i32
        %dma_start3A_185 = arith.constant 0 : i32
        %dma_start3A_186 = tpu.memref_slice %arg4[%dma_start3A_184, %dma_start3A_185] : memref<10000x128xf32, #tpu.memory_space<hbm>> -> memref<10000x128xf32, #tpu.memory_space<hbm>>
        tpu.enqueue_indirect_dma source(%dma_start3A_186 : memref<10000x128xf32, #tpu.memory_space<hbm>>) target(%arg9 : memref<128x128xf32, #tpu.memory_space<vmem>>) offsets(%dma_start3A_183 : memref<128xi32, #tpu.memory_space<vmem>>) semaphore(%arg12 : memref<!tpu.dma_semaphore, #tpu.memory_space<semaphore_mem>>)
        %add3A_187 = arith.constant 1 : i32
        %add3A_188 = arith.addi %mul3A_172, %add3A_187 : i32
        %dma_wait3A_189 = arith.constant 0 : i32
        %dma_wait3A_190 = tpu.memref_slice %arg7[%add3A_188, %dma_wait3A_189] : memref<48x128xi32, #tpu.memory_space<vmem>> -> memref<1x128xi32, #tpu.memory_space<vmem>>
        %dma_wait3A_191 = tpu.memref_squeeze %dma_wait3A_190 : memref<1x128xi32, #tpu.memory_space<vmem>> -> memref<128xi32, #tpu.memory_space<vmem>>
        %dma_wait3A_192 = arith.constant 0 : i32
        %dma_wait3A_193 = arith.constant 0 : i32
        %dma_wait3A_194 = tpu.memref_slice %arg4[%dma_wait3A_192, %dma_wait3A_193] : memref<10000x128xf32, #tpu.memory_space<hbm>> -> memref<10000x128xf32, #tpu.memory_space<hbm>>
        tpu.wait_indirect_dma semaphore(%arg13 : memref<!tpu.dma_semaphore, #tpu.memory_space<semaphore_mem>>) src(%dma_wait3A_194 : memref<10000x128xf32, #tpu.memory_space<hbm>>) dst(%arg10 : memref<128x128xf32, #tpu.memory_space<vmem>>)
        %add3A_195 = arith.constant 1 : i32
        %add3A_196 = arith.addi %mul3A_172, %add3A_195 : i32
        "tpu.region"() ({
          %run_scoped3A_205 = tpu.sem_alloc : memref<!tpu.dma_semaphore, #tpu.memory_space<semaphore_mem>>
          %dma_start3A_206 = arith.constant 0 : i32
          %dma_start3A_207 = tpu.memref_slice %arg8[%add3A_196, %dma_start3A_206] : memref<48x128xi32, #tpu.memory_space<vmem>> -> memref<1x128xi32, #tpu.memory_space<vmem>>
          %dma_start3A_208 = tpu.memref_squeeze %dma_start3A_207 : memref<1x128xi32, #tpu.memory_space<vmem>> -> memref<128xi32, #tpu.memory_space<vmem>>
          %dma_start3A_209 = arith.constant 0 : i32
          %dma_start3A_210 = arith.constant 0 : i32
          %dma_start3A_211 = tpu.memref_slice %arg11[%dma_start3A_209, %dma_start3A_210] : memref<10112x128xf32, #tpu.memory_space<vmem_shared>> -> memref<10112x128xf32, #tpu.memory_space<vmem_shared>>
          tpu.enqueue_indirect_dma source(%arg10 : memref<128x128xf32, #tpu.memory_space<vmem>>) target(%dma_start3A_211 : memref<10112x128xf32, #tpu.memory_space<vmem_shared>>) offsets(%dma_start3A_208 : memref<128xi32, #tpu.memory_space<vmem>>) semaphore(%run_scoped3A_205 : memref<!tpu.dma_semaphore, #tpu.memory_space<semaphore_mem>>) {add = true}
          %dma_wait3A_212 = arith.constant 0 : i32
          %dma_wait3A_213 = tpu.memref_slice %arg8[%add3A_196, %dma_wait3A_212] : memref<48x128xi32, #tpu.memory_space<vmem>> -> memref<1x128xi32, #tpu.memory_space<vmem>>
          %dma_wait3A_214 = tpu.memref_squeeze %dma_wait3A_213 : memref<1x128xi32, #tpu.memory_space<vmem>> -> memref<128xi32, #tpu.memory_space<vmem>>
          %dma_wait3A_215 = arith.constant 0 : i32
          %dma_wait3A_216 = arith.constant 0 : i32
          %dma_wait3A_217 = tpu.memref_slice %arg11[%dma_wait3A_215, %dma_wait3A_216] : memref<10112x128xf32, #tpu.memory_space<vmem_shared>> -> memref<10112x128xf32, #tpu.memory_space<vmem_shared>>
          tpu.wait_indirect_dma semaphore(%run_scoped3A_205 : memref<!tpu.dma_semaphore, #tpu.memory_space<semaphore_mem>>) src(%arg10 : memref<128x128xf32, #tpu.memory_space<vmem>>) dst(%dma_wait3A_217 : memref<10112x128xf32, #tpu.memory_space<vmem_shared>>)
          tpu.yield
        }) : () -> ()
        %add3A_197 = arith.constant 3 : i32
        %add3A_198 = arith.addi %mul3A_172, %add3A_197 : i32
        %dma_start3A_199 = arith.constant 0 : i32
        %dma_start3A_200 = tpu.memref_slice %arg7[%add3A_198, %dma_start3A_199] : memref<48x128xi32, #tpu.memory_space<vmem>> -> memref<1x128xi32, #tpu.memory_space<vmem>>
        %dma_start3A_201 = tpu.memref_squeeze %dma_start3A_200 : memref<1x128xi32, #tpu.memory_space<vmem>> -> memref<128xi32, #tpu.memory_space<vmem>>
        %dma_start3A_202 = arith.constant 0 : i32
        %dma_start3A_203 = arith.constant 0 : i32
        %dma_start3A_204 = tpu.memref_slice %arg4[%dma_start3A_202, %dma_start3A_203] : memref<10000x128xf32, #tpu.memory_space<hbm>> -> memref<10000x128xf32, #tpu.memory_space<hbm>>
        tpu.enqueue_indirect_dma source(%dma_start3A_204 : memref<10000x128xf32, #tpu.memory_space<hbm>>) target(%arg10 : memref<128x128xf32, #tpu.memory_space<vmem>>) offsets(%dma_start3A_201 : memref<128xi32, #tpu.memory_space<vmem>>) semaphore(%arg13 : memref<!tpu.dma_semaphore, #tpu.memory_space<semaphore_mem>>)
      }
      %scan3A_153 = arith.constant 3 : i32
      %dma_wait3A_154 = arith.constant 6 : i32
      %dma_wait3A_155 = arith.constant 0 : i32
      %dma_wait3A_156 = tpu.memref_slice %arg7[%dma_wait3A_154, %dma_wait3A_155] : memref<48x128xi32, #tpu.memory_space<vmem>> -> memref<1x128xi32, #tpu.memory_space<vmem>>
      %dma_wait3A_157 = tpu.memref_squeeze %dma_wait3A_156 : memref<1x128xi32, #tpu.memory_space<vmem>> -> memref<128xi32, #tpu.memory_space<vmem>>
      %dma_wait3A_158 = arith.constant 0 : i32
      %dma_wait3A_159 = arith.constant 0 : i32
      %dma_wait3A_160 = tpu.memref_slice %arg4[%dma_wait3A_158, %dma_wait3A_159] : memref<10000x128xf32, #tpu.memory_space<hbm>> -> memref<10000x128xf32, #tpu.memory_space<hbm>>
      tpu.wait_indirect_dma semaphore(%arg12 : memref<!tpu.dma_semaphore, #tpu.memory_space<semaphore_mem>>) src(%dma_wait3A_160 : memref<10000x128xf32, #tpu.memory_space<hbm>>) dst(%arg9 : memref<128x128xf32, #tpu.memory_space<vmem>>)
      %run_scoped3A_161 = arith.constant 6 : i32
      "tpu.region"() ({
        %run_scoped3A_170 = tpu.sem_alloc : memref<!tpu.dma_semaphore, #tpu.memory_space<semaphore_mem>>
        %dma_start3A_171 = arith.constant 0 : i32
        %dma_start3A_172 = tpu.memref_slice %arg8[%run_scoped3A_161, %dma_start3A_171] : memref<48x128xi32, #tpu.memory_space<vmem>> -> memref<1x128xi32, #tpu.memory_space<vmem>>
        %dma_start3A_173 = tpu.memref_squeeze %dma_start3A_172 : memref<1x128xi32, #tpu.memory_space<vmem>> -> memref<128xi32, #tpu.memory_space<vmem>>
        %dma_start3A_174 = arith.constant 0 : i32
        %dma_start3A_175 = arith.constant 0 : i32
        %dma_start3A_176 = tpu.memref_slice %arg11[%dma_start3A_174, %dma_start3A_175] : memref<10112x128xf32, #tpu.memory_space<vmem_shared>> -> memref<10112x128xf32, #tpu.memory_space<vmem_shared>>
        tpu.enqueue_indirect_dma source(%arg9 : memref<128x128xf32, #tpu.memory_space<vmem>>) target(%dma_start3A_176 : memref<10112x128xf32, #tpu.memory_space<vmem_shared>>) offsets(%dma_start3A_173 : memref<128xi32, #tpu.memory_space<vmem>>) semaphore(%run_scoped3A_170 : memref<!tpu.dma_semaphore, #tpu.memory_space<semaphore_mem>>) {add = true}
        %dma_wait3A_177 = arith.constant 0 : i32
        %dma_wait3A_178 = tpu.memref_slice %arg8[%run_scoped3A_161, %dma_wait3A_177] : memref<48x128xi32, #tpu.memory_space<vmem>> -> memref<1x128xi32, #tpu.memory_space<vmem>>
        %dma_wait3A_179 = tpu.memref_squeeze %dma_wait3A_178 : memref<1x128xi32, #tpu.memory_space<vmem>> -> memref<128xi32, #tpu.memory_space<vmem>>
        %dma_wait3A_180 = arith.constant 0 : i32
        %dma_wait3A_181 = arith.constant 0 : i32
        %dma_wait3A_182 = tpu.memref_slice %arg11[%dma_wait3A_180, %dma_wait3A_181] : memref<10112x128xf32, #tpu.memory_space<vmem_shared>> -> memref<10112x128xf32, #tpu.memory_space<vmem_shared>>
        tpu.wait_indirect_dma semaphore(%run_scoped3A_170 : memref<!tpu.dma_semaphore, #tpu.memory_space<semaphore_mem>>) src(%arg9 : memref<128x128xf32, #tpu.memory_space<vmem>>) dst(%dma_wait3A_182 : memref<10112x128xf32, #tpu.memory_space<vmem_shared>>)
        tpu.yield
      }) : () -> ()
      %dma_wait3A_162 = arith.constant 7 : i32
      %dma_wait3A_163 = arith.constant 0 : i32
      %dma_wait3A_164 = tpu.memref_slice %arg7[%dma_wait3A_162, %dma_wait3A_163] : memref<48x128xi32, #tpu.memory_space<vmem>> -> memref<1x128xi32, #tpu.memory_space<vmem>>
      %dma_wait3A_165 = tpu.memref_squeeze %dma_wait3A_164 : memref<1x128xi32, #tpu.memory_space<vmem>> -> memref<128xi32, #tpu.memory_space<vmem>>
      %dma_wait3A_166 = arith.constant 0 : i32
      %dma_wait3A_167 = arith.constant 0 : i32
      %dma_wait3A_168 = tpu.memref_slice %arg4[%dma_wait3A_166, %dma_wait3A_167] : memref<10000x128xf32, #tpu.memory_space<hbm>> -> memref<10000x128xf32, #tpu.memory_space<hbm>>
      tpu.wait_indirect_dma semaphore(%arg13 : memref<!tpu.dma_semaphore, #tpu.memory_space<semaphore_mem>>) src(%dma_wait3A_168 : memref<10000x128xf32, #tpu.memory_space<hbm>>) dst(%arg10 : memref<128x128xf32, #tpu.memory_space<vmem>>)
      %run_scoped3A_169 = arith.constant 7 : i32
      "tpu.region"() ({
        %run_scoped3A_170 = tpu.sem_alloc : memref<!tpu.dma_semaphore, #tpu.memory_space<semaphore_mem>>
        %dma_start3A_171 = arith.constant 0 : i32
        %dma_start3A_172 = tpu.memref_slice %arg8[%run_scoped3A_169, %dma_start3A_171] : memref<48x128xi32, #tpu.memory_space<vmem>> -> memref<1x128xi32, #tpu.memory_space<vmem>>
        %dma_start3A_173 = tpu.memref_squeeze %dma_start3A_172 : memref<1x128xi32, #tpu.memory_space<vmem>> -> memref<128xi32, #tpu.memory_space<vmem>>
        %dma_start3A_174 = arith.constant 0 : i32
        %dma_start3A_175 = arith.constant 0 : i32
        %dma_start3A_176 = tpu.memref_slice %arg11[%dma_start3A_174, %dma_start3A_175] : memref<10112x128xf32, #tpu.memory_space<vmem_shared>> -> memref<10112x128xf32, #tpu.memory_space<vmem_shared>>
        tpu.enqueue_indirect_dma source(%arg10 : memref<128x128xf32, #tpu.memory_space<vmem>>) target(%dma_start3A_176 : memref<10112x128xf32, #tpu.memory_space<vmem_shared>>) offsets(%dma_start3A_173 : memref<128xi32, #tpu.memory_space<vmem>>) semaphore(%run_scoped3A_170 : memref<!tpu.dma_semaphore, #tpu.memory_space<semaphore_mem>>) {add = true}
        %dma_wait3A_177 = arith.constant 0 : i32
        %dma_wait3A_178 = tpu.memref_slice %arg8[%run_scoped3A_169, %dma_wait3A_177] : memref<48x128xi32, #tpu.memory_space<vmem>> -> memref<1x128xi32, #tpu.memory_space<vmem>>
        %dma_wait3A_179 = tpu.memref_squeeze %dma_wait3A_178 : memref<1x128xi32, #tpu.memory_space<vmem>> -> memref<128xi32, #tpu.memory_space<vmem>>
        %dma_wait3A_180 = arith.constant 0 : i32
        %dma_wait3A_181 = arith.constant 0 : i32
        %dma_wait3A_182 = tpu.memref_slice %arg11[%dma_wait3A_180, %dma_wait3A_181] : memref<10112x128xf32, #tpu.memory_space<vmem_shared>> -> memref<10112x128xf32, #tpu.memory_space<vmem_shared>>
        tpu.wait_indirect_dma semaphore(%run_scoped3A_170 : memref<!tpu.dma_semaphore, #tpu.memory_space<semaphore_mem>>) src(%arg10 : memref<128x128xf32, #tpu.memory_space<vmem>>) dst(%dma_wait3A_182 : memref<10112x128xf32, #tpu.memory_space<vmem_shared>>)
        tpu.yield
      }) : () -> ()
    } else {
    }
    %eq3A_5 = arith.constant 1 : i32
    %eq3A_6 = arith.cmpi eq, %arg0, %eq3A_5 : i32
    %convert_element_type3A_7 = arith.extui %eq3A_6 : i1 to i32
    %cond3A_8 = arith.constant 0 : i32
    %cond3A_9 = arith.cmpi ne, %convert_element_type3A_7, %cond3A_8 : i32
    scf.if %cond3A_9 {
      %mul3A_15 = arith.constant 8 : i32
      %mul3A_16 = arith.muli %arg1, %mul3A_15 : i32
      %add3A = arith.constant 2432 : i32
      %add3A_17 = arith.addi %add3A, %mul3A_16 : i32
      "tpu.region"() ({
        %run_scoped3A_50 = tpu.sem_alloc : memref<!tpu.dma_semaphore, #tpu.memory_space<semaphore_mem>>
        %dma_start3A_51 = arith.constant 0 : i32
        %dma_start3A_52 = arith.constant 0 : i32
        %dma_start3A_53 = tpu.memref_slice %arg7[%dma_start3A_51, %dma_start3A_52] : memref<48x128xi32, #tpu.memory_space<vmem>> -> memref<8x128xi32, #tpu.memory_space<vmem>>
        %dma_start3A_54 = arith.constant 0 : i32
        %dma_start3A_55 = tpu.memref_slice %arg2[%add3A_17, %dma_start3A_54] : memref<2560x128xi32, #tpu.memory_space<hbm>> -> memref<8x128xi32, #tpu.memory_space<hbm>>
        %dma_start3A_56 = arith.constant 0 : i32
        %dma_start3A_57 = arith.constant 0 : i32
        %dma_start3A_58 = tpu.memref_slice %arg7[%dma_start3A_56, %dma_start3A_57] : memref<48x128xi32, #tpu.memory_space<vmem>> -> memref<8x128xi32, #tpu.memory_space<vmem>>
        %dma_start3A_59 = arith.constant 0 : i32
        %dma_start3A_60 = tpu.memref_slice %arg2[%add3A_17, %dma_start3A_59] : memref<2560x128xi32, #tpu.memory_space<hbm>> -> memref<8x128xi32, #tpu.memory_space<hbm>>
        tpu.enqueue_dma source(%dma_start3A_60 : memref<8x128xi32, #tpu.memory_space<hbm>>) target(%dma_start3A_58 : memref<8x128xi32, #tpu.memory_space<vmem>>) target_semaphore(%run_scoped3A_50 : memref<!tpu.dma_semaphore, #tpu.memory_space<semaphore_mem>>)
        %dma_wait3A_61 = arith.constant 0 : i32
        %dma_wait3A_62 = arith.constant 0 : i32
        %dma_wait3A_63 = tpu.memref_slice %arg7[%dma_wait3A_61, %dma_wait3A_62] : memref<48x128xi32, #tpu.memory_space<vmem>> -> memref<8x128xi32, #tpu.memory_space<vmem>>
        %dma_wait3A_64 = arith.constant 0 : i32
        %dma_wait3A_65 = tpu.memref_slice %arg2[%add3A_17, %dma_wait3A_64] : memref<2560x128xi32, #tpu.memory_space<hbm>> -> memref<8x128xi32, #tpu.memory_space<hbm>>
        %dma_wait3A_66 = arith.constant 0 : i32
        %dma_wait3A_67 = arith.constant 0 : i32
        %dma_wait3A_68 = tpu.memref_slice %arg7[%dma_wait3A_66, %dma_wait3A_67] : memref<48x128xi32, #tpu.memory_space<vmem>> -> memref<8x128xi32, #tpu.memory_space<vmem>>
        %dma_wait3A_69 = arith.constant 0 : i32
        %dma_wait3A_70 = tpu.memref_slice %arg2[%add3A_17, %dma_wait3A_69] : memref<2560x128xi32, #tpu.memory_space<hbm>> -> memref<8x128xi32, #tpu.memory_space<hbm>>
        tpu.wait_dma2 semaphore(%run_scoped3A_50 : memref<!tpu.dma_semaphore, #tpu.memory_space<semaphore_mem>>) src(%dma_wait3A_70 : memref<8x128xi32, #tpu.memory_space<hbm>>) dst(%dma_wait3A_68 : memref<8x128xi32, #tpu.memory_space<vmem>>)
        tpu.yield
      }) : () -> ()
      "tpu.region"() ({
        %run_scoped3A_50 = tpu.sem_alloc : memref<!tpu.dma_semaphore, #tpu.memory_space<semaphore_mem>>
        %dma_start3A_51 = arith.constant 0 : i32
        %dma_start3A_52 = arith.constant 0 : i32
        %dma_start3A_53 = tpu.memref_slice %arg8[%dma_start3A_51, %dma_start3A_52] : memref<48x128xi32, #tpu.memory_space<vmem>> -> memref<8x128xi32, #tpu.memory_space<vmem>>
        %dma_start3A_54 = arith.constant 0 : i32
        %dma_start3A_55 = tpu.memref_slice %arg3[%add3A_17, %dma_start3A_54] : memref<2560x128xi32, #tpu.memory_space<hbm>> -> memref<8x128xi32, #tpu.memory_space<hbm>>
        %dma_start3A_56 = arith.constant 0 : i32
        %dma_start3A_57 = arith.constant 0 : i32
        %dma_start3A_58 = tpu.memref_slice %arg8[%dma_start3A_56, %dma_start3A_57] : memref<48x128xi32, #tpu.memory_space<vmem>> -> memref<8x128xi32, #tpu.memory_space<vmem>>
        %dma_start3A_59 = arith.constant 0 : i32
        %dma_start3A_60 = tpu.memref_slice %arg3[%add3A_17, %dma_start3A_59] : memref<2560x128xi32, #tpu.memory_space<hbm>> -> memref<8x128xi32, #tpu.memory_space<hbm>>
        tpu.enqueue_dma source(%dma_start3A_60 : memref<8x128xi32, #tpu.memory_space<hbm>>) target(%dma_start3A_58 : memref<8x128xi32, #tpu.memory_space<vmem>>) target_semaphore(%run_scoped3A_50 : memref<!tpu.dma_semaphore, #tpu.memory_space<semaphore_mem>>)
        %dma_wait3A_61 = arith.constant 0 : i32
        %dma_wait3A_62 = arith.constant 0 : i32
        %dma_wait3A_63 = tpu.memref_slice %arg8[%dma_wait3A_61, %dma_wait3A_62] : memref<48x128xi32, #tpu.memory_space<vmem>> -> memref<8x128xi32, #tpu.memory_space<vmem>>
        %dma_wait3A_64 = arith.constant 0 : i32
        %dma_wait3A_65 = tpu.memref_slice %arg3[%add3A_17, %dma_wait3A_64] : memref<2560x128xi32, #tpu.memory_space<hbm>> -> memref<8x128xi32, #tpu.memory_space<hbm>>
        %dma_wait3A_66 = arith.constant 0 : i32
        %dma_wait3A_67 = arith.constant 0 : i32
        %dma_wait3A_68 = tpu.memref_slice %arg8[%dma_wait3A_66, %dma_wait3A_67] : memref<48x128xi32, #tpu.memory_space<vmem>> -> memref<8x128xi32, #tpu.memory_space<vmem>>
        %dma_wait3A_69 = arith.constant 0 : i32
        %dma_wait3A_70 = tpu.memref_slice %arg3[%add3A_17, %dma_wait3A_69] : memref<2560x128xi32, #tpu.memory_space<hbm>> -> memref<8x128xi32, #tpu.memory_space<hbm>>
        tpu.wait_dma2 semaphore(%run_scoped3A_50 : memref<!tpu.dma_semaphore, #tpu.memory_space<semaphore_mem>>) src(%dma_wait3A_70 : memref<8x128xi32, #tpu.memory_space<hbm>>) dst(%dma_wait3A_68 : memref<8x128xi32, #tpu.memory_space<vmem>>)
        tpu.yield
      }) : () -> ()
      %dma_start3A = arith.constant 0 : i32
      %dma_start3A_18 = arith.constant 0 : i32
      %dma_start3A_19 = tpu.memref_slice %arg7[%dma_start3A, %dma_start3A_18] : memref<48x128xi32, #tpu.memory_space<vmem>> -> memref<1x128xi32, #tpu.memory_space<vmem>>
      %dma_start3A_20 = tpu.memref_squeeze %dma_start3A_19 : memref<1x128xi32, #tpu.memory_space<vmem>> -> memref<128xi32, #tpu.memory_space<vmem>>
      %dma_start3A_21 = arith.constant 0 : i32
      %dma_start3A_22 = arith.constant 0 : i32
      %dma_start3A_23 = tpu.memref_slice %arg4[%dma_start3A_21, %dma_start3A_22] : memref<10000x128xf32, #tpu.memory_space<hbm>> -> memref<10000x128xf32, #tpu.memory_space<hbm>>
      tpu.enqueue_indirect_dma source(%dma_start3A_23 : memref<10000x128xf32, #tpu.memory_space<hbm>>) target(%arg9 : memref<128x128xf32, #tpu.memory_space<vmem>>) offsets(%dma_start3A_20 : memref<128xi32, #tpu.memory_space<vmem>>) semaphore(%arg12 : memref<!tpu.dma_semaphore, #tpu.memory_space<semaphore_mem>>)
      %dma_start3A_24 = arith.constant 1 : i32
      %dma_start3A_25 = arith.constant 0 : i32
      %dma_start3A_26 = tpu.memref_slice %arg7[%dma_start3A_24, %dma_start3A_25] : memref<48x128xi32, #tpu.memory_space<vmem>> -> memref<1x128xi32, #tpu.memory_space<vmem>>
      %dma_start3A_27 = tpu.memref_squeeze %dma_start3A_26 : memref<1x128xi32, #tpu.memory_space<vmem>> -> memref<128xi32, #tpu.memory_space<vmem>>
      %dma_start3A_28 = arith.constant 0 : i32
      %dma_start3A_29 = arith.constant 0 : i32
      %dma_start3A_30 = tpu.memref_slice %arg4[%dma_start3A_28, %dma_start3A_29] : memref<10000x128xf32, #tpu.memory_space<hbm>> -> memref<10000x128xf32, #tpu.memory_space<hbm>>
      tpu.enqueue_indirect_dma source(%dma_start3A_30 : memref<10000x128xf32, #tpu.memory_space<hbm>>) target(%arg10 : memref<128x128xf32, #tpu.memory_space<vmem>>) offsets(%dma_start3A_27 : memref<128xi32, #tpu.memory_space<vmem>>) semaphore(%arg13 : memref<!tpu.dma_semaphore, #tpu.memory_space<semaphore_mem>>)
      %scan3A = arith.constant 0 : i32
      %scan3A_31 = arith.constant 0 : i32
      %scan3A_32 = arith.constant 3 : i32
      %scan3A_33 = arith.addi %scan3A_31, %scan3A_32 : i32
      %scan3A_34 = arith.constant 1 : i32
      scf.for %scan3A_50 = %scan3A_31 to %scan3A_33 step %scan3A_34  : i32 {
        %mul3A_51 = arith.constant 2 : i32
        %mul3A_52 = arith.muli %mul3A_51, %scan3A_50 : i32
        %dma_wait3A_53 = arith.constant 0 : i32
        %dma_wait3A_54 = tpu.memref_slice %arg7[%mul3A_52, %dma_wait3A_53] : memref<48x128xi32, #tpu.memory_space<vmem>> -> memref<1x128xi32, #tpu.memory_space<vmem>>
        %dma_wait3A_55 = tpu.memref_squeeze %dma_wait3A_54 : memref<1x128xi32, #tpu.memory_space<vmem>> -> memref<128xi32, #tpu.memory_space<vmem>>
        %dma_wait3A_56 = arith.constant 0 : i32
        %dma_wait3A_57 = arith.constant 0 : i32
        %dma_wait3A_58 = tpu.memref_slice %arg4[%dma_wait3A_56, %dma_wait3A_57] : memref<10000x128xf32, #tpu.memory_space<hbm>> -> memref<10000x128xf32, #tpu.memory_space<hbm>>
        tpu.wait_indirect_dma semaphore(%arg12 : memref<!tpu.dma_semaphore, #tpu.memory_space<semaphore_mem>>) src(%dma_wait3A_58 : memref<10000x128xf32, #tpu.memory_space<hbm>>) dst(%arg9 : memref<128x128xf32, #tpu.memory_space<vmem>>)
        "tpu.region"() ({
          %run_scoped3A_85 = tpu.sem_alloc : memref<!tpu.dma_semaphore, #tpu.memory_space<semaphore_mem>>
          %dma_start3A_86 = arith.constant 0 : i32
          %dma_start3A_87 = tpu.memref_slice %arg8[%mul3A_52, %dma_start3A_86] : memref<48x128xi32, #tpu.memory_space<vmem>> -> memref<1x128xi32, #tpu.memory_space<vmem>>
          %dma_start3A_88 = tpu.memref_squeeze %dma_start3A_87 : memref<1x128xi32, #tpu.memory_space<vmem>> -> memref<128xi32, #tpu.memory_space<vmem>>
          %dma_start3A_89 = arith.constant 0 : i32
          %dma_start3A_90 = arith.constant 0 : i32
          %dma_start3A_91 = tpu.memref_slice %arg11[%dma_start3A_89, %dma_start3A_90] : memref<10112x128xf32, #tpu.memory_space<vmem_shared>> -> memref<10112x128xf32, #tpu.memory_space<vmem_shared>>
          tpu.enqueue_indirect_dma source(%arg9 : memref<128x128xf32, #tpu.memory_space<vmem>>) target(%dma_start3A_91 : memref<10112x128xf32, #tpu.memory_space<vmem_shared>>) offsets(%dma_start3A_88 : memref<128xi32, #tpu.memory_space<vmem>>) semaphore(%run_scoped3A_85 : memref<!tpu.dma_semaphore, #tpu.memory_space<semaphore_mem>>) {add = true}
          %dma_wait3A_92 = arith.constant 0 : i32
          %dma_wait3A_93 = tpu.memref_slice %arg8[%mul3A_52, %dma_wait3A_92] : memref<48x128xi32, #tpu.memory_space<vmem>> -> memref<1x128xi32, #tpu.memory_space<vmem>>
          %dma_wait3A_94 = tpu.memref_squeeze %dma_wait3A_93 : memref<1x128xi32, #tpu.memory_space<vmem>> -> memref<128xi32, #tpu.memory_space<vmem>>
          %dma_wait3A_95 = arith.constant 0 : i32
          %dma_wait3A_96 = arith.constant 0 : i32
          %dma_wait3A_97 = tpu.memref_slice %arg11[%dma_wait3A_95, %dma_wait3A_96] : memref<10112x128xf32, #tpu.memory_space<vmem_shared>> -> memref<10112x128xf32, #tpu.memory_space<vmem_shared>>
          tpu.wait_indirect_dma semaphore(%run_scoped3A_85 : memref<!tpu.dma_semaphore, #tpu.memory_space<semaphore_mem>>) src(%arg9 : memref<128x128xf32, #tpu.memory_space<vmem>>) dst(%dma_wait3A_97 : memref<10112x128xf32, #tpu.memory_space<vmem_shared>>)
          tpu.yield
        }) : () -> ()
        %add3A_59 = arith.constant 2 : i32
        %add3A_60 = arith.addi %mul3A_52, %add3A_59 : i32
        %dma_start3A_61 = arith.constant 0 : i32
        %dma_start3A_62 = tpu.memref_slice %arg7[%add3A_60, %dma_start3A_61] : memref<48x128xi32, #tpu.memory_space<vmem>> -> memref<1x128xi32, #tpu.memory_space<vmem>>
        %dma_start3A_63 = tpu.memref_squeeze %dma_start3A_62 : memref<1x128xi32, #tpu.memory_space<vmem>> -> memref<128xi32, #tpu.memory_space<vmem>>
        %dma_start3A_64 = arith.constant 0 : i32
        %dma_start3A_65 = arith.constant 0 : i32
        %dma_start3A_66 = tpu.memref_slice %arg4[%dma_start3A_64, %dma_start3A_65] : memref<10000x128xf32, #tpu.memory_space<hbm>> -> memref<10000x128xf32, #tpu.memory_space<hbm>>
        tpu.enqueue_indirect_dma source(%dma_start3A_66 : memref<10000x128xf32, #tpu.memory_space<hbm>>) target(%arg9 : memref<128x128xf32, #tpu.memory_space<vmem>>) offsets(%dma_start3A_63 : memref<128xi32, #tpu.memory_space<vmem>>) semaphore(%arg12 : memref<!tpu.dma_semaphore, #tpu.memory_space<semaphore_mem>>)
        %add3A_67 = arith.constant 1 : i32
        %add3A_68 = arith.addi %mul3A_52, %add3A_67 : i32
        %dma_wait3A_69 = arith.constant 0 : i32
        %dma_wait3A_70 = tpu.memref_slice %arg7[%add3A_68, %dma_wait3A_69] : memref<48x128xi32, #tpu.memory_space<vmem>> -> memref<1x128xi32, #tpu.memory_space<vmem>>
        %dma_wait3A_71 = tpu.memref_squeeze %dma_wait3A_70 : memref<1x128xi32, #tpu.memory_space<vmem>> -> memref<128xi32, #tpu.memory_space<vmem>>
        %dma_wait3A_72 = arith.constant 0 : i32
        %dma_wait3A_73 = arith.constant 0 : i32
        %dma_wait3A_74 = tpu.memref_slice %arg4[%dma_wait3A_72, %dma_wait3A_73] : memref<10000x128xf32, #tpu.memory_space<hbm>> -> memref<10000x128xf32, #tpu.memory_space<hbm>>
        tpu.wait_indirect_dma semaphore(%arg13 : memref<!tpu.dma_semaphore, #tpu.memory_space<semaphore_mem>>) src(%dma_wait3A_74 : memref<10000x128xf32, #tpu.memory_space<hbm>>) dst(%arg10 : memref<128x128xf32, #tpu.memory_space<vmem>>)
        %add3A_75 = arith.constant 1 : i32
        %add3A_76 = arith.addi %mul3A_52, %add3A_75 : i32
        "tpu.region"() ({
          %run_scoped3A_85 = tpu.sem_alloc : memref<!tpu.dma_semaphore, #tpu.memory_space<semaphore_mem>>
          %dma_start3A_86 = arith.constant 0 : i32
          %dma_start3A_87 = tpu.memref_slice %arg8[%add3A_76, %dma_start3A_86] : memref<48x128xi32, #tpu.memory_space<vmem>> -> memref<1x128xi32, #tpu.memory_space<vmem>>
          %dma_start3A_88 = tpu.memref_squeeze %dma_start3A_87 : memref<1x128xi32, #tpu.memory_space<vmem>> -> memref<128xi32, #tpu.memory_space<vmem>>
          %dma_start3A_89 = arith.constant 0 : i32
          %dma_start3A_90 = arith.constant 0 : i32
          %dma_start3A_91 = tpu.memref_slice %arg11[%dma_start3A_89, %dma_start3A_90] : memref<10112x128xf32, #tpu.memory_space<vmem_shared>> -> memref<10112x128xf32, #tpu.memory_space<vmem_shared>>
          tpu.enqueue_indirect_dma source(%arg10 : memref<128x128xf32, #tpu.memory_space<vmem>>) target(%dma_start3A_91 : memref<10112x128xf32, #tpu.memory_space<vmem_shared>>) offsets(%dma_start3A_88 : memref<128xi32, #tpu.memory_space<vmem>>) semaphore(%run_scoped3A_85 : memref<!tpu.dma_semaphore, #tpu.memory_space<semaphore_mem>>) {add = true}
          %dma_wait3A_92 = arith.constant 0 : i32
          %dma_wait3A_93 = tpu.memref_slice %arg8[%add3A_76, %dma_wait3A_92] : memref<48x128xi32, #tpu.memory_space<vmem>> -> memref<1x128xi32, #tpu.memory_space<vmem>>
          %dma_wait3A_94 = tpu.memref_squeeze %dma_wait3A_93 : memref<1x128xi32, #tpu.memory_space<vmem>> -> memref<128xi32, #tpu.memory_space<vmem>>
          %dma_wait3A_95 = arith.constant 0 : i32
          %dma_wait3A_96 = arith.constant 0 : i32
          %dma_wait3A_97 = tpu.memref_slice %arg11[%dma_wait3A_95, %dma_wait3A_96] : memref<10112x128xf32, #tpu.memory_space<vmem_shared>> -> memref<10112x128xf32, #tpu.memory_space<vmem_shared>>
          tpu.wait_indirect_dma semaphore(%run_scoped3A_85 : memref<!tpu.dma_semaphore, #tpu.memory_space<semaphore_mem>>) src(%arg10 : memref<128x128xf32, #tpu.memory_space<vmem>>) dst(%dma_wait3A_97 : memref<10112x128xf32, #tpu.memory_space<vmem_shared>>)
          tpu.yield
        }) : () -> ()
        %add3A_77 = arith.constant 3 : i32
        %add3A_78 = arith.addi %mul3A_52, %add3A_77 : i32
        %dma_start3A_79 = arith.constant 0 : i32
        %dma_start3A_80 = tpu.memref_slice %arg7[%add3A_78, %dma_start3A_79] : memref<48x128xi32, #tpu.memory_space<vmem>> -> memref<1x128xi32, #tpu.memory_space<vmem>>
        %dma_start3A_81 = tpu.memref_squeeze %dma_start3A_80 : memref<1x128xi32, #tpu.memory_space<vmem>> -> memref<128xi32, #tpu.memory_space<vmem>>
        %dma_start3A_82 = arith.constant 0 : i32
        %dma_start3A_83 = arith.constant 0 : i32
        %dma_start3A_84 = tpu.memref_slice %arg4[%dma_start3A_82, %dma_start3A_83] : memref<10000x128xf32, #tpu.memory_space<hbm>> -> memref<10000x128xf32, #tpu.memory_space<hbm>>
        tpu.enqueue_indirect_dma source(%dma_start3A_84 : memref<10000x128xf32, #tpu.memory_space<hbm>>) target(%arg10 : memref<128x128xf32, #tpu.memory_space<vmem>>) offsets(%dma_start3A_81 : memref<128xi32, #tpu.memory_space<vmem>>) semaphore(%arg13 : memref<!tpu.dma_semaphore, #tpu.memory_space<semaphore_mem>>)
      }
      %scan3A_35 = arith.constant 3 : i32
      %dma_wait3A = arith.constant 6 : i32
      %dma_wait3A_36 = arith.constant 0 : i32
      %dma_wait3A_37 = tpu.memref_slice %arg7[%dma_wait3A, %dma_wait3A_36] : memref<48x128xi32, #tpu.memory_space<vmem>> -> memref<1x128xi32, #tpu.memory_space<vmem>>
      %dma_wait3A_38 = tpu.memref_squeeze %dma_wait3A_37 : memref<1x128xi32, #tpu.memory_space<vmem>> -> memref<128xi32, #tpu.memory_space<vmem>>
      %dma_wait3A_39 = arith.constant 0 : i32
      %dma_wait3A_40 = arith.constant 0 : i32
      %dma_wait3A_41 = tpu.memref_slice %arg4[%dma_wait3A_39, %dma_wait3A_40] : memref<10000x128xf32, #tpu.memory_space<hbm>> -> memref<10000x128xf32, #tpu.memory_space<hbm>>
      tpu.wait_indirect_dma semaphore(%arg12 : memref<!tpu.dma_semaphore, #tpu.memory_space<semaphore_mem>>) src(%dma_wait3A_41 : memref<10000x128xf32, #tpu.memory_space<hbm>>) dst(%arg9 : memref<128x128xf32, #tpu.memory_space<vmem>>)
      %run_scoped3A = arith.constant 6 : i32
      "tpu.region"() ({
        %run_scoped3A_50 = tpu.sem_alloc : memref<!tpu.dma_semaphore, #tpu.memory_space<semaphore_mem>>
        %dma_start3A_51 = arith.constant 0 : i32
        %dma_start3A_52 = tpu.memref_slice %arg8[%run_scoped3A, %dma_start3A_51] : memref<48x128xi32, #tpu.memory_space<vmem>> -> memref<1x128xi32, #tpu.memory_space<vmem>>
        %dma_start3A_53 = tpu.memref_squeeze %dma_start3A_52 : memref<1x128xi32, #tpu.memory_space<vmem>> -> memref<128xi32, #tpu.memory_space<vmem>>
        %dma_start3A_54 = arith.constant 0 : i32
        %dma_start3A_55 = arith.constant 0 : i32
        %dma_start3A_56 = tpu.memref_slice %arg11[%dma_start3A_54, %dma_start3A_55] : memref<10112x128xf32, #tpu.memory_space<vmem_shared>> -> memref<10112x128xf32, #tpu.memory_space<vmem_shared>>
        tpu.enqueue_indirect_dma source(%arg9 : memref<128x128xf32, #tpu.memory_space<vmem>>) target(%dma_start3A_56 : memref<10112x128xf32, #tpu.memory_space<vmem_shared>>) offsets(%dma_start3A_53 : memref<128xi32, #tpu.memory_space<vmem>>) semaphore(%run_scoped3A_50 : memref<!tpu.dma_semaphore, #tpu.memory_space<semaphore_mem>>) {add = true}
        %dma_wait3A_57 = arith.constant 0 : i32
        %dma_wait3A_58 = tpu.memref_slice %arg8[%run_scoped3A, %dma_wait3A_57] : memref<48x128xi32, #tpu.memory_space<vmem>> -> memref<1x128xi32, #tpu.memory_space<vmem>>
        %dma_wait3A_59 = tpu.memref_squeeze %dma_wait3A_58 : memref<1x128xi32, #tpu.memory_space<vmem>> -> memref<128xi32, #tpu.memory_space<vmem>>
        %dma_wait3A_60 = arith.constant 0 : i32
        %dma_wait3A_61 = arith.constant 0 : i32
        %dma_wait3A_62 = tpu.memref_slice %arg11[%dma_wait3A_60, %dma_wait3A_61] : memref<10112x128xf32, #tpu.memory_space<vmem_shared>> -> memref<10112x128xf32, #tpu.memory_space<vmem_shared>>
        tpu.wait_indirect_dma semaphore(%run_scoped3A_50 : memref<!tpu.dma_semaphore, #tpu.memory_space<semaphore_mem>>) src(%arg9 : memref<128x128xf32, #tpu.memory_space<vmem>>) dst(%dma_wait3A_62 : memref<10112x128xf32, #tpu.memory_space<vmem_shared>>)
        tpu.yield
      }) : () -> ()
      %dma_wait3A_42 = arith.constant 7 : i32
      %dma_wait3A_43 = arith.constant 0 : i32
      %dma_wait3A_44 = tpu.memref_slice %arg7[%dma_wait3A_42, %dma_wait3A_43] : memref<48x128xi32, #tpu.memory_space<vmem>> -> memref<1x128xi32, #tpu.memory_space<vmem>>
      %dma_wait3A_45 = tpu.memref_squeeze %dma_wait3A_44 : memref<1x128xi32, #tpu.memory_space<vmem>> -> memref<128xi32, #tpu.memory_space<vmem>>
      %dma_wait3A_46 = arith.constant 0 : i32
      %dma_wait3A_47 = arith.constant 0 : i32
      %dma_wait3A_48 = tpu.memref_slice %arg4[%dma_wait3A_46, %dma_wait3A_47] : memref<10000x128xf32, #tpu.memory_space<hbm>> -> memref<10000x128xf32, #tpu.memory_space<hbm>>
      tpu.wait_indirect_dma semaphore(%arg13 : memref<!tpu.dma_semaphore, #tpu.memory_space<semaphore_mem>>) src(%dma_wait3A_48 : memref<10000x128xf32, #tpu.memory_space<hbm>>) dst(%arg10 : memref<128x128xf32, #tpu.memory_space<vmem>>)
      %run_scoped3A_49 = arith.constant 7 : i32
      "tpu.region"() ({
        %run_scoped3A_50 = tpu.sem_alloc : memref<!tpu.dma_semaphore, #tpu.memory_space<semaphore_mem>>
        %dma_start3A_51 = arith.constant 0 : i32
        %dma_start3A_52 = tpu.memref_slice %arg8[%run_scoped3A_49, %dma_start3A_51] : memref<48x128xi32, #tpu.memory_space<vmem>> -> memref<1x128xi32, #tpu.memory_space<vmem>>
        %dma_start3A_53 = tpu.memref_squeeze %dma_start3A_52 : memref<1x128xi32, #tpu.memory_space<vmem>> -> memref<128xi32, #tpu.memory_space<vmem>>
        %dma_start3A_54 = arith.constant 0 : i32
        %dma_start3A_55 = arith.constant 0 : i32
        %dma_start3A_56 = tpu.memref_slice %arg11[%dma_start3A_54, %dma_start3A_55] : memref<10112x128xf32, #tpu.memory_space<vmem_shared>> -> memref<10112x128xf32, #tpu.memory_space<vmem_shared>>
        tpu.enqueue_indirect_dma source(%arg10 : memref<128x128xf32, #tpu.memory_space<vmem>>) target(%dma_start3A_56 : memref<10112x128xf32, #tpu.memory_space<vmem_shared>>) offsets(%dma_start3A_53 : memref<128xi32, #tpu.memory_space<vmem>>) semaphore(%run_scoped3A_50 : memref<!tpu.dma_semaphore, #tpu.memory_space<semaphore_mem>>) {add = true}
        %dma_wait3A_57 = arith.constant 0 : i32
        %dma_wait3A_58 = tpu.memref_slice %arg8[%run_scoped3A_49, %dma_wait3A_57] : memref<48x128xi32, #tpu.memory_space<vmem>> -> memref<1x128xi32, #tpu.memory_space<vmem>>
        %dma_wait3A_59 = tpu.memref_squeeze %dma_wait3A_58 : memref<1x128xi32, #tpu.memory_space<vmem>> -> memref<128xi32, #tpu.memory_space<vmem>>
        %dma_wait3A_60 = arith.constant 0 : i32
        %dma_wait3A_61 = arith.constant 0 : i32
        %dma_wait3A_62 = tpu.memref_slice %arg11[%dma_wait3A_60, %dma_wait3A_61] : memref<10112x128xf32, #tpu.memory_space<vmem_shared>> -> memref<10112x128xf32, #tpu.memory_space<vmem_shared>>
        tpu.wait_indirect_dma semaphore(%run_scoped3A_50 : memref<!tpu.dma_semaphore, #tpu.memory_space<semaphore_mem>>) src(%arg10 : memref<128x128xf32, #tpu.memory_space<vmem>>) dst(%dma_wait3A_62 : memref<10112x128xf32, #tpu.memory_space<vmem_shared>>)
        tpu.yield
      }) : () -> ()
    } else {
    }
    %barrier3A_10 = arith.constant 0 : index
    tpu.barrier barrier_id(%barrier3A_10)
    %mul3A_11 = arith.constant 632 : i32
    %mul3A_12 = arith.muli %arg1, %mul3A_11 : i32
    %mul3A_13 = arith.constant 632 : i32
    %mul3A_14 = arith.muli %arg1, %mul3A_13 : i32
    "tpu.region"() ({
      %run_scoped3A = tpu.sem_alloc : memref<!tpu.dma_semaphore, #tpu.memory_space<semaphore_mem>>
      %dma_start3A = arith.constant 0 : i32
      %dma_start3A_15 = tpu.memref_slice %arg6[%arg0, %mul3A_14, %dma_start3A] : memref<2x10112x128xf32, #tpu.memory_space<hbm>> -> memref<1x632x128xf32, #tpu.memory_space<hbm>>
      %dma_start3A_16 = tpu.memref_squeeze %dma_start3A_15 : memref<1x632x128xf32, #tpu.memory_space<hbm>> -> memref<632x128xf32, #tpu.memory_space<hbm>>
      %dma_start3A_17 = arith.constant 0 : i32
      %dma_start3A_18 = tpu.memref_slice %arg11[%mul3A_12, %dma_start3A_17] : memref<10112x128xf32, #tpu.memory_space<vmem_shared>> -> memref<632x128xf32, #tpu.memory_space<vmem_shared>>
      tpu.enqueue_dma source(%dma_start3A_18 : memref<632x128xf32, #tpu.memory_space<vmem_shared>>) target(%dma_start3A_16 : memref<632x128xf32, #tpu.memory_space<hbm>>) target_semaphore(%run_scoped3A : memref<!tpu.dma_semaphore, #tpu.memory_space<semaphore_mem>>)
      %dma_wait3A = arith.constant 0 : i32
      %dma_wait3A_19 = tpu.memref_slice %arg6[%arg0, %mul3A_14, %dma_wait3A] : memref<2x10112x128xf32, #tpu.memory_space<hbm>> -> memref<1x632x128xf32, #tpu.memory_space<hbm>>
      %dma_wait3A_20 = tpu.memref_squeeze %dma_wait3A_19 : memref<1x632x128xf32, #tpu.memory_space<hbm>> -> memref<632x128xf32, #tpu.memory_space<hbm>>
      %dma_wait3A_21 = arith.constant 0 : i32
      %dma_wait3A_22 = tpu.memref_slice %arg11[%mul3A_12, %dma_wait3A_21] : memref<10112x128xf32, #tpu.memory_space<vmem_shared>> -> memref<632x128xf32, #tpu.memory_space<vmem_shared>>
      tpu.wait_dma2 semaphore(%run_scoped3A : memref<!tpu.dma_semaphore, #tpu.memory_space<semaphore_mem>>) src(%dma_wait3A_22 : memref<632x128xf32, #tpu.memory_space<vmem_shared>>) dst(%dma_wait3A_20 : memref<632x128xf32, #tpu.memory_space<hbm>>)
      tpu.yield
    }) : () -> ()
    return
  }
}

#map = affine_map<(d0, d1) -> (0, 0)>
#map1 = affine_map<(d0, d1) -> (0, 0, 0)>
module attributes {stable_mosaic.version = 14 : i64} {
  func.func @_msg_kernel(%arg0: i32, %arg1: i32, %arg2: memref<2560x128xi32, #tpu.memory_space<hbm>>, %arg3: memref<2560x128xi32, #tpu.memory_space<hbm>>, %arg4: memref<10000x128xf32, #tpu.memory_space<hbm>>, %arg5: memref<10112x128xf32, #tpu.memory_space<hbm>>, %arg6: memref<2x10112x128xf32, #tpu.memory_space<hbm>>, %arg7: memref<48x128xi32, #tpu.memory_space<vmem>>, %arg8: memref<48x128xi32, #tpu.memory_space<vmem>>, %arg9: memref<128x128xf32, #tpu.memory_space<vmem>>, %arg10: memref<128x128xf32, #tpu.memory_space<vmem>>, %arg11: memref<10112x128xf32, #tpu.memory_space<vmem_shared>>, %arg12: memref<!tpu.dma_semaphore, #tpu.memory_space<semaphore_mem>>, %arg13: memref<!tpu.dma_semaphore, #tpu.memory_space<semaphore_mem>>) attributes {dimension_semantics = [#tpu.dimension_semantics<core_parallel>, #tpu.dimension_semantics<subcore_parallel>], iteration_bounds = array<i64: 2, 16>, scalar_prefetch = 0 : i64, scratch_operands = 7 : i64, tpu.core_type = #tpu.core_type<sc_vector_subcore>, window_params = [{transform_indices = #map}, {transform_indices = #map}, {transform_indices = #map}, {transform_indices = #map}, {transform_indices = #map1}]} {
    %mul3A = arith.constant 632 : i32
    %mul3A_0 = arith.muli %arg1, %mul3A : i32
    %mul3A_1 = arith.constant 632 : i32
    %mul3A_2 = arith.muli %arg1, %mul3A_1 : i32
    "tpu.region"() ({
      %run_scoped3A = tpu.sem_alloc : memref<!tpu.dma_semaphore, #tpu.memory_space<semaphore_mem>>
      %dma_start3A = arith.constant 0 : i32
      %dma_start3A_15 = tpu.memref_slice %arg11[%mul3A_2, %dma_start3A] : memref<10112x128xf32, #tpu.memory_space<vmem_shared>> -> memref<632x128xf32, #tpu.memory_space<vmem_shared>>
      %dma_start3A_16 = arith.constant 0 : i32
      %dma_start3A_17 = tpu.memref_slice %arg5[%mul3A_0, %dma_start3A_16] : memref<10112x128xf32, #tpu.memory_space<hbm>> -> memref<632x128xf32, #tpu.memory_space<hbm>>
      tpu.enqueue_dma source(%dma_start3A_17 : memref<632x128xf32, #tpu.memory_space<hbm>>) target(%dma_start3A_15 : memref<632x128xf32, #tpu.memory_space<vmem_shared>>) target_semaphore(%run_scoped3A : memref<!tpu.dma_semaphore, #tpu.memory_space<semaphore_mem>>)
      %dma_wait3A = arith.constant 0 : i32
      %dma_wait3A_18 = tpu.memref_slice %arg11[%mul3A_2, %dma_wait3A] : memref<10112x128xf32, #tpu.memory_space<vmem_shared>> -> memref<632x128xf32, #tpu.memory_space<vmem_shared>>
      %dma_wait3A_19 = arith.constant 0 : i32
      %dma_wait3A_20 = tpu.memref_slice %arg5[%mul3A_0, %dma_wait3A_19] : memref<10112x128xf32, #tpu.memory_space<hbm>> -> memref<632x128xf32, #tpu.memory_space<hbm>>
      tpu.wait_dma2 semaphore(%run_scoped3A : memref<!tpu.dma_semaphore, #tpu.memory_space<semaphore_mem>>) src(%dma_wait3A_20 : memref<632x128xf32, #tpu.memory_space<hbm>>) dst(%dma_wait3A_18 : memref<632x128xf32, #tpu.memory_space<vmem_shared>>)
      tpu.yield
    }) : () -> ()
    %barrier3A = arith.constant 0 : index
    tpu.barrier barrier_id(%barrier3A)
    %eq3A = arith.constant 0 : i32
    %eq3A_3 = arith.cmpi eq, %arg0, %eq3A : i32
    %convert_element_type3A = arith.extui %eq3A_3 : i1 to i32
    %cond3A = arith.constant 0 : i32
    %cond3A_4 = arith.cmpi ne, %convert_element_type3A, %cond3A : i32
    scf.if %cond3A_4 {
      %mul3A_15 = arith.constant 152 : i32
      %mul3A_16 = arith.muli %arg1, %mul3A_15 : i32
      %add3A = arith.constant 0 : i32
      %add3A_17 = arith.addi %mul3A_16, %add3A : i32
      "tpu.region"() ({
        %run_scoped3A_170 = tpu.sem_alloc : memref<!tpu.dma_semaphore, #tpu.memory_space<semaphore_mem>>
        %dma_start3A_171 = arith.constant 0 : i32
        %dma_start3A_172 = arith.constant 0 : i32
        %dma_start3A_173 = tpu.memref_slice %arg7[%dma_start3A_171, %dma_start3A_172] : memref<48x128xi32, #tpu.memory_space<vmem>> -> memref<48x128xi32, #tpu.memory_space<vmem>>
        %dma_start3A_174 = arith.constant 0 : i32
        %dma_start3A_175 = tpu.memref_slice %arg2[%add3A_17, %dma_start3A_174] : memref<2560x128xi32, #tpu.memory_space<hbm>> -> memref<48x128xi32, #tpu.memory_space<hbm>>
        %dma_start3A_176 = arith.constant 0 : i32
        %dma_start3A_177 = arith.constant 0 : i32
        %dma_start3A_178 = tpu.memref_slice %arg7[%dma_start3A_176, %dma_start3A_177] : memref<48x128xi32, #tpu.memory_space<vmem>> -> memref<48x128xi32, #tpu.memory_space<vmem>>
        %dma_start3A_179 = arith.constant 0 : i32
        %dma_start3A_180 = tpu.memref_slice %arg2[%add3A_17, %dma_start3A_179] : memref<2560x128xi32, #tpu.memory_space<hbm>> -> memref<48x128xi32, #tpu.memory_space<hbm>>
        tpu.enqueue_dma source(%dma_start3A_180 : memref<48x128xi32, #tpu.memory_space<hbm>>) target(%dma_start3A_178 : memref<48x128xi32, #tpu.memory_space<vmem>>) target_semaphore(%run_scoped3A_170 : memref<!tpu.dma_semaphore, #tpu.memory_space<semaphore_mem>>)
        %dma_wait3A_181 = arith.constant 0 : i32
        %dma_wait3A_182 = arith.constant 0 : i32
        %dma_wait3A_183 = tpu.memref_slice %arg7[%dma_wait3A_181, %dma_wait3A_182] : memref<48x128xi32, #tpu.memory_space<vmem>> -> memref<48x128xi32, #tpu.memory_space<vmem>>
        %dma_wait3A_184 = arith.constant 0 : i32
        %dma_wait3A_185 = tpu.memref_slice %arg2[%add3A_17, %dma_wait3A_184] : memref<2560x128xi32, #tpu.memory_space<hbm>> -> memref<48x128xi32, #tpu.memory_space<hbm>>
        %dma_wait3A_186 = arith.constant 0 : i32
        %dma_wait3A_187 = arith.constant 0 : i32
        %dma_wait3A_188 = tpu.memref_slice %arg7[%dma_wait3A_186, %dma_wait3A_187] : memref<48x128xi32, #tpu.memory_space<vmem>> -> memref<48x128xi32, #tpu.memory_space<vmem>>
        %dma_wait3A_189 = arith.constant 0 : i32
        %dma_wait3A_190 = tpu.memref_slice %arg2[%add3A_17, %dma_wait3A_189] : memref<2560x128xi32, #tpu.memory_space<hbm>> -> memref<48x128xi32, #tpu.memory_space<hbm>>
        tpu.wait_dma2 semaphore(%run_scoped3A_170 : memref<!tpu.dma_semaphore, #tpu.memory_space<semaphore_mem>>) src(%dma_wait3A_190 : memref<48x128xi32, #tpu.memory_space<hbm>>) dst(%dma_wait3A_188 : memref<48x128xi32, #tpu.memory_space<vmem>>)
        tpu.yield
      }) : () -> ()
      "tpu.region"() ({
        %run_scoped3A_170 = tpu.sem_alloc : memref<!tpu.dma_semaphore, #tpu.memory_space<semaphore_mem>>
        %dma_start3A_171 = arith.constant 0 : i32
        %dma_start3A_172 = arith.constant 0 : i32
        %dma_start3A_173 = tpu.memref_slice %arg8[%dma_start3A_171, %dma_start3A_172] : memref<48x128xi32, #tpu.memory_space<vmem>> -> memref<48x128xi32, #tpu.memory_space<vmem>>
        %dma_start3A_174 = arith.constant 0 : i32
        %dma_start3A_175 = tpu.memref_slice %arg3[%add3A_17, %dma_start3A_174] : memref<2560x128xi32, #tpu.memory_space<hbm>> -> memref<48x128xi32, #tpu.memory_space<hbm>>
        %dma_start3A_176 = arith.constant 0 : i32
        %dma_start3A_177 = arith.constant 0 : i32
        %dma_start3A_178 = tpu.memref_slice %arg8[%dma_start3A_176, %dma_start3A_177] : memref<48x128xi32, #tpu.memory_space<vmem>> -> memref<48x128xi32, #tpu.memory_space<vmem>>
        %dma_start3A_179 = arith.constant 0 : i32
        %dma_start3A_180 = tpu.memref_slice %arg3[%add3A_17, %dma_start3A_179] : memref<2560x128xi32, #tpu.memory_space<hbm>> -> memref<48x128xi32, #tpu.memory_space<hbm>>
        tpu.enqueue_dma source(%dma_start3A_180 : memref<48x128xi32, #tpu.memory_space<hbm>>) target(%dma_start3A_178 : memref<48x128xi32, #tpu.memory_space<vmem>>) target_semaphore(%run_scoped3A_170 : memref<!tpu.dma_semaphore, #tpu.memory_space<semaphore_mem>>)
        %dma_wait3A_181 = arith.constant 0 : i32
        %dma_wait3A_182 = arith.constant 0 : i32
        %dma_wait3A_183 = tpu.memref_slice %arg8[%dma_wait3A_181, %dma_wait3A_182] : memref<48x128xi32, #tpu.memory_space<vmem>> -> memref<48x128xi32, #tpu.memory_space<vmem>>
        %dma_wait3A_184 = arith.constant 0 : i32
        %dma_wait3A_185 = tpu.memref_slice %arg3[%add3A_17, %dma_wait3A_184] : memref<2560x128xi32, #tpu.memory_space<hbm>> -> memref<48x128xi32, #tpu.memory_space<hbm>>
        %dma_wait3A_186 = arith.constant 0 : i32
        %dma_wait3A_187 = arith.constant 0 : i32
        %dma_wait3A_188 = tpu.memref_slice %arg8[%dma_wait3A_186, %dma_wait3A_187] : memref<48x128xi32, #tpu.memory_space<vmem>> -> memref<48x128xi32, #tpu.memory_space<vmem>>
        %dma_wait3A_189 = arith.constant 0 : i32
        %dma_wait3A_190 = tpu.memref_slice %arg3[%add3A_17, %dma_wait3A_189] : memref<2560x128xi32, #tpu.memory_space<hbm>> -> memref<48x128xi32, #tpu.memory_space<hbm>>
        tpu.wait_dma2 semaphore(%run_scoped3A_170 : memref<!tpu.dma_semaphore, #tpu.memory_space<semaphore_mem>>) src(%dma_wait3A_190 : memref<48x128xi32, #tpu.memory_space<hbm>>) dst(%dma_wait3A_188 : memref<48x128xi32, #tpu.memory_space<vmem>>)
        tpu.yield
      }) : () -> ()
      %dma_start3A = arith.constant 0 : i32
      %dma_start3A_18 = arith.constant 0 : i32
      %dma_start3A_19 = tpu.memref_slice %arg7[%dma_start3A, %dma_start3A_18] : memref<48x128xi32, #tpu.memory_space<vmem>> -> memref<1x128xi32, #tpu.memory_space<vmem>>
      %dma_start3A_20 = tpu.memref_squeeze %dma_start3A_19 : memref<1x128xi32, #tpu.memory_space<vmem>> -> memref<128xi32, #tpu.memory_space<vmem>>
      %dma_start3A_21 = arith.constant 0 : i32
      %dma_start3A_22 = arith.constant 0 : i32
      %dma_start3A_23 = tpu.memref_slice %arg4[%dma_start3A_21, %dma_start3A_22] : memref<10000x128xf32, #tpu.memory_space<hbm>> -> memref<10000x128xf32, #tpu.memory_space<hbm>>
      tpu.enqueue_indirect_dma source(%dma_start3A_23 : memref<10000x128xf32, #tpu.memory_space<hbm>>) target(%arg9 : memref<128x128xf32, #tpu.memory_space<vmem>>) offsets(%dma_start3A_20 : memref<128xi32, #tpu.memory_space<vmem>>) semaphore(%arg12 : memref<!tpu.dma_semaphore, #tpu.memory_space<semaphore_mem>>)
      %dma_start3A_24 = arith.constant 1 : i32
      %dma_start3A_25 = arith.constant 0 : i32
      %dma_start3A_26 = tpu.memref_slice %arg7[%dma_start3A_24, %dma_start3A_25] : memref<48x128xi32, #tpu.memory_space<vmem>> -> memref<1x128xi32, #tpu.memory_space<vmem>>
      %dma_start3A_27 = tpu.memref_squeeze %dma_start3A_26 : memref<1x128xi32, #tpu.memory_space<vmem>> -> memref<128xi32, #tpu.memory_space<vmem>>
      %dma_start3A_28 = arith.constant 0 : i32
      %dma_start3A_29 = arith.constant 0 : i32
      %dma_start3A_30 = tpu.memref_slice %arg4[%dma_start3A_28, %dma_start3A_29] : memref<10000x128xf32, #tpu.memory_space<hbm>> -> memref<10000x128xf32, #tpu.memory_space<hbm>>
      tpu.enqueue_indirect_dma source(%dma_start3A_30 : memref<10000x128xf32, #tpu.memory_space<hbm>>) target(%arg10 : memref<128x128xf32, #tpu.memory_space<vmem>>) offsets(%dma_start3A_27 : memref<128xi32, #tpu.memory_space<vmem>>) semaphore(%arg13 : memref<!tpu.dma_semaphore, #tpu.memory_space<semaphore_mem>>)
      %scan3A = arith.constant 0 : i32
      %scan3A_31 = arith.constant 0 : i32
      %scan3A_32 = arith.constant 23 : i32
      %scan3A_33 = arith.addi %scan3A_31, %scan3A_32 : i32
      %scan3A_34 = arith.constant 1 : i32
      scf.for %scan3A_170 = %scan3A_31 to %scan3A_33 step %scan3A_34  : i32 {
        %mul3A_171 = arith.constant 2 : i32
        %mul3A_172 = arith.muli %mul3A_171, %scan3A_170 : i32
        %dma_wait3A_173 = arith.constant 0 : i32
        %dma_wait3A_174 = tpu.memref_slice %arg7[%mul3A_172, %dma_wait3A_173] : memref<48x128xi32, #tpu.memory_space<vmem>> -> memref<1x128xi32, #tpu.memory_space<vmem>>
        %dma_wait3A_175 = tpu.memref_squeeze %dma_wait3A_174 : memref<1x128xi32, #tpu.memory_space<vmem>> -> memref<128xi32, #tpu.memory_space<vmem>>
        %dma_wait3A_176 = arith.constant 0 : i32
        %dma_wait3A_177 = arith.constant 0 : i32
        %dma_wait3A_178 = tpu.memref_slice %arg4[%dma_wait3A_176, %dma_wait3A_177] : memref<10000x128xf32, #tpu.memory_space<hbm>> -> memref<10000x128xf32, #tpu.memory_space<hbm>>
        tpu.wait_indirect_dma semaphore(%arg12 : memref<!tpu.dma_semaphore, #tpu.memory_space<semaphore_mem>>) src(%dma_wait3A_178 : memref<10000x128xf32, #tpu.memory_space<hbm>>) dst(%arg9 : memref<128x128xf32, #tpu.memory_space<vmem>>)
        "tpu.region"() ({
          %run_scoped3A_205 = tpu.sem_alloc : memref<!tpu.dma_semaphore, #tpu.memory_space<semaphore_mem>>
          %dma_start3A_206 = arith.constant 0 : i32
          %dma_start3A_207 = tpu.memref_slice %arg8[%mul3A_172, %dma_start3A_206] : memref<48x128xi32, #tpu.memory_space<vmem>> -> memref<1x128xi32, #tpu.memory_space<vmem>>
          %dma_start3A_208 = tpu.memref_squeeze %dma_start3A_207 : memref<1x128xi32, #tpu.memory_space<vmem>> -> memref<128xi32, #tpu.memory_space<vmem>>
          %dma_start3A_209 = arith.constant 0 : i32
          %dma_start3A_210 = arith.constant 0 : i32
          %dma_start3A_211 = tpu.memref_slice %arg11[%dma_start3A_209, %dma_start3A_210] : memref<10112x128xf32, #tpu.memory_space<vmem_shared>> -> memref<10112x128xf32, #tpu.memory_space<vmem_shared>>
          tpu.enqueue_indirect_dma source(%arg9 : memref<128x128xf32, #tpu.memory_space<vmem>>) target(%dma_start3A_211 : memref<10112x128xf32, #tpu.memory_space<vmem_shared>>) offsets(%dma_start3A_208 : memref<128xi32, #tpu.memory_space<vmem>>) semaphore(%run_scoped3A_205 : memref<!tpu.dma_semaphore, #tpu.memory_space<semaphore_mem>>) {add = true}
          %dma_wait3A_212 = arith.constant 0 : i32
          %dma_wait3A_213 = tpu.memref_slice %arg8[%mul3A_172, %dma_wait3A_212] : memref<48x128xi32, #tpu.memory_space<vmem>> -> memref<1x128xi32, #tpu.memory_space<vmem>>
          %dma_wait3A_214 = tpu.memref_squeeze %dma_wait3A_213 : memref<1x128xi32, #tpu.memory_space<vmem>> -> memref<128xi32, #tpu.memory_space<vmem>>
          %dma_wait3A_215 = arith.constant 0 : i32
          %dma_wait3A_216 = arith.constant 0 : i32
          %dma_wait3A_217 = tpu.memref_slice %arg11[%dma_wait3A_215, %dma_wait3A_216] : memref<10112x128xf32, #tpu.memory_space<vmem_shared>> -> memref<10112x128xf32, #tpu.memory_space<vmem_shared>>
          tpu.wait_indirect_dma semaphore(%run_scoped3A_205 : memref<!tpu.dma_semaphore, #tpu.memory_space<semaphore_mem>>) src(%arg9 : memref<128x128xf32, #tpu.memory_space<vmem>>) dst(%dma_wait3A_217 : memref<10112x128xf32, #tpu.memory_space<vmem_shared>>)
          tpu.yield
        }) : () -> ()
        %add3A_179 = arith.constant 2 : i32
        %add3A_180 = arith.addi %mul3A_172, %add3A_179 : i32
        %dma_start3A_181 = arith.constant 0 : i32
        %dma_start3A_182 = tpu.memref_slice %arg7[%add3A_180, %dma_start3A_181] : memref<48x128xi32, #tpu.memory_space<vmem>> -> memref<1x128xi32, #tpu.memory_space<vmem>>
        %dma_start3A_183 = tpu.memref_squeeze %dma_start3A_182 : memref<1x128xi32, #tpu.memory_space<vmem>> -> memref<128xi32, #tpu.memory_space<vmem>>
        %dma_start3A_184 = arith.constant 0 : i32
        %dma_start3A_185 = arith.constant 0 : i32
        %dma_start3A_186 = tpu.memref_slice %arg4[%dma_start3A_184, %dma_start3A_185] : memref<10000x128xf32, #tpu.memory_space<hbm>> -> memref<10000x128xf32, #tpu.memory_space<hbm>>
        tpu.enqueue_indirect_dma source(%dma_start3A_186 : memref<10000x128xf32, #tpu.memory_space<hbm>>) target(%arg9 : memref<128x128xf32, #tpu.memory_space<vmem>>) offsets(%dma_start3A_183 : memref<128xi32, #tpu.memory_space<vmem>>) semaphore(%arg12 : memref<!tpu.dma_semaphore, #tpu.memory_space<semaphore_mem>>)
        %add3A_187 = arith.constant 1 : i32
        %add3A_188 = arith.addi %mul3A_172, %add3A_187 : i32
        %dma_wait3A_189 = arith.constant 0 : i32
        %dma_wait3A_190 = tpu.memref_slice %arg7[%add3A_188, %dma_wait3A_189] : memref<48x128xi32, #tpu.memory_space<vmem>> -> memref<1x128xi32, #tpu.memory_space<vmem>>
        %dma_wait3A_191 = tpu.memref_squeeze %dma_wait3A_190 : memref<1x128xi32, #tpu.memory_space<vmem>> -> memref<128xi32, #tpu.memory_space<vmem>>
        %dma_wait3A_192 = arith.constant 0 : i32
        %dma_wait3A_193 = arith.constant 0 : i32
        %dma_wait3A_194 = tpu.memref_slice %arg4[%dma_wait3A_192, %dma_wait3A_193] : memref<10000x128xf32, #tpu.memory_space<hbm>> -> memref<10000x128xf32, #tpu.memory_space<hbm>>
        tpu.wait_indirect_dma semaphore(%arg13 : memref<!tpu.dma_semaphore, #tpu.memory_space<semaphore_mem>>) src(%dma_wait3A_194 : memref<10000x128xf32, #tpu.memory_space<hbm>>) dst(%arg10 : memref<128x128xf32, #tpu.memory_space<vmem>>)
        %add3A_195 = arith.constant 1 : i32
        %add3A_196 = arith.addi %mul3A_172, %add3A_195 : i32
        "tpu.region"() ({
          %run_scoped3A_205 = tpu.sem_alloc : memref<!tpu.dma_semaphore, #tpu.memory_space<semaphore_mem>>
          %dma_start3A_206 = arith.constant 0 : i32
          %dma_start3A_207 = tpu.memref_slice %arg8[%add3A_196, %dma_start3A_206] : memref<48x128xi32, #tpu.memory_space<vmem>> -> memref<1x128xi32, #tpu.memory_space<vmem>>
          %dma_start3A_208 = tpu.memref_squeeze %dma_start3A_207 : memref<1x128xi32, #tpu.memory_space<vmem>> -> memref<128xi32, #tpu.memory_space<vmem>>
          %dma_start3A_209 = arith.constant 0 : i32
          %dma_start3A_210 = arith.constant 0 : i32
          %dma_start3A_211 = tpu.memref_slice %arg11[%dma_start3A_209, %dma_start3A_210] : memref<10112x128xf32, #tpu.memory_space<vmem_shared>> -> memref<10112x128xf32, #tpu.memory_space<vmem_shared>>
          tpu.enqueue_indirect_dma source(%arg10 : memref<128x128xf32, #tpu.memory_space<vmem>>) target(%dma_start3A_211 : memref<10112x128xf32, #tpu.memory_space<vmem_shared>>) offsets(%dma_start3A_208 : memref<128xi32, #tpu.memory_space<vmem>>) semaphore(%run_scoped3A_205 : memref<!tpu.dma_semaphore, #tpu.memory_space<semaphore_mem>>) {add = true}
          %dma_wait3A_212 = arith.constant 0 : i32
          %dma_wait3A_213 = tpu.memref_slice %arg8[%add3A_196, %dma_wait3A_212] : memref<48x128xi32, #tpu.memory_space<vmem>> -> memref<1x128xi32, #tpu.memory_space<vmem>>
          %dma_wait3A_214 = tpu.memref_squeeze %dma_wait3A_213 : memref<1x128xi32, #tpu.memory_space<vmem>> -> memref<128xi32, #tpu.memory_space<vmem>>
          %dma_wait3A_215 = arith.constant 0 : i32
          %dma_wait3A_216 = arith.constant 0 : i32
          %dma_wait3A_217 = tpu.memref_slice %arg11[%dma_wait3A_215, %dma_wait3A_216] : memref<10112x128xf32, #tpu.memory_space<vmem_shared>> -> memref<10112x128xf32, #tpu.memory_space<vmem_shared>>
          tpu.wait_indirect_dma semaphore(%run_scoped3A_205 : memref<!tpu.dma_semaphore, #tpu.memory_space<semaphore_mem>>) src(%arg10 : memref<128x128xf32, #tpu.memory_space<vmem>>) dst(%dma_wait3A_217 : memref<10112x128xf32, #tpu.memory_space<vmem_shared>>)
          tpu.yield
        }) : () -> ()
        %add3A_197 = arith.constant 3 : i32
        %add3A_198 = arith.addi %mul3A_172, %add3A_197 : i32
        %dma_start3A_199 = arith.constant 0 : i32
        %dma_start3A_200 = tpu.memref_slice %arg7[%add3A_198, %dma_start3A_199] : memref<48x128xi32, #tpu.memory_space<vmem>> -> memref<1x128xi32, #tpu.memory_space<vmem>>
        %dma_start3A_201 = tpu.memref_squeeze %dma_start3A_200 : memref<1x128xi32, #tpu.memory_space<vmem>> -> memref<128xi32, #tpu.memory_space<vmem>>
        %dma_start3A_202 = arith.constant 0 : i32
        %dma_start3A_203 = arith.constant 0 : i32
        %dma_start3A_204 = tpu.memref_slice %arg4[%dma_start3A_202, %dma_start3A_203] : memref<10000x128xf32, #tpu.memory_space<hbm>> -> memref<10000x128xf32, #tpu.memory_space<hbm>>
        tpu.enqueue_indirect_dma source(%dma_start3A_204 : memref<10000x128xf32, #tpu.memory_space<hbm>>) target(%arg10 : memref<128x128xf32, #tpu.memory_space<vmem>>) offsets(%dma_start3A_201 : memref<128xi32, #tpu.memory_space<vmem>>) semaphore(%arg13 : memref<!tpu.dma_semaphore, #tpu.memory_space<semaphore_mem>>)
      }
      %scan3A_35 = arith.constant 23 : i32
      %dma_wait3A = arith.constant 46 : i32
      %dma_wait3A_36 = arith.constant 0 : i32
      %dma_wait3A_37 = tpu.memref_slice %arg7[%dma_wait3A, %dma_wait3A_36] : memref<48x128xi32, #tpu.memory_space<vmem>> -> memref<1x128xi32, #tpu.memory_space<vmem>>
      %dma_wait3A_38 = tpu.memref_squeeze %dma_wait3A_37 : memref<1x128xi32, #tpu.memory_space<vmem>> -> memref<128xi32, #tpu.memory_space<vmem>>
      %dma_wait3A_39 = arith.constant 0 : i32
      %dma_wait3A_40 = arith.constant 0 : i32
      %dma_wait3A_41 = tpu.memref_slice %arg4[%dma_wait3A_39, %dma_wait3A_40] : memref<10000x128xf32, #tpu.memory_space<hbm>> -> memref<10000x128xf32, #tpu.memory_space<hbm>>
      tpu.wait_indirect_dma semaphore(%arg12 : memref<!tpu.dma_semaphore, #tpu.memory_space<semaphore_mem>>) src(%dma_wait3A_41 : memref<10000x128xf32, #tpu.memory_space<hbm>>) dst(%arg9 : memref<128x128xf32, #tpu.memory_space<vmem>>)
      %run_scoped3A = arith.constant 46 : i32
      "tpu.region"() ({
        %run_scoped3A_170 = tpu.sem_alloc : memref<!tpu.dma_semaphore, #tpu.memory_space<semaphore_mem>>
        %dma_start3A_171 = arith.constant 0 : i32
        %dma_start3A_172 = tpu.memref_slice %arg8[%run_scoped3A, %dma_start3A_171] : memref<48x128xi32, #tpu.memory_space<vmem>> -> memref<1x128xi32, #tpu.memory_space<vmem>>
        %dma_start3A_173 = tpu.memref_squeeze %dma_start3A_172 : memref<1x128xi32, #tpu.memory_space<vmem>> -> memref<128xi32, #tpu.memory_space<vmem>>
        %dma_start3A_174 = arith.constant 0 : i32
        %dma_start3A_175 = arith.constant 0 : i32
        %dma_start3A_176 = tpu.memref_slice %arg11[%dma_start3A_174, %dma_start3A_175] : memref<10112x128xf32, #tpu.memory_space<vmem_shared>> -> memref<10112x128xf32, #tpu.memory_space<vmem_shared>>
        tpu.enqueue_indirect_dma source(%arg9 : memref<128x128xf32, #tpu.memory_space<vmem>>) target(%dma_start3A_176 : memref<10112x128xf32, #tpu.memory_space<vmem_shared>>) offsets(%dma_start3A_173 : memref<128xi32, #tpu.memory_space<vmem>>) semaphore(%run_scoped3A_170 : memref<!tpu.dma_semaphore, #tpu.memory_space<semaphore_mem>>) {add = true}
        %dma_wait3A_177 = arith.constant 0 : i32
        %dma_wait3A_178 = tpu.memref_slice %arg8[%run_scoped3A, %dma_wait3A_177] : memref<48x128xi32, #tpu.memory_space<vmem>> -> memref<1x128xi32, #tpu.memory_space<vmem>>
        %dma_wait3A_179 = tpu.memref_squeeze %dma_wait3A_178 : memref<1x128xi32, #tpu.memory_space<vmem>> -> memref<128xi32, #tpu.memory_space<vmem>>
        %dma_wait3A_180 = arith.constant 0 : i32
        %dma_wait3A_181 = arith.constant 0 : i32
        %dma_wait3A_182 = tpu.memref_slice %arg11[%dma_wait3A_180, %dma_wait3A_181] : memref<10112x128xf32, #tpu.memory_space<vmem_shared>> -> memref<10112x128xf32, #tpu.memory_space<vmem_shared>>
        tpu.wait_indirect_dma semaphore(%run_scoped3A_170 : memref<!tpu.dma_semaphore, #tpu.memory_space<semaphore_mem>>) src(%arg9 : memref<128x128xf32, #tpu.memory_space<vmem>>) dst(%dma_wait3A_182 : memref<10112x128xf32, #tpu.memory_space<vmem_shared>>)
        tpu.yield
      }) : () -> ()
      %dma_wait3A_42 = arith.constant 47 : i32
      %dma_wait3A_43 = arith.constant 0 : i32
      %dma_wait3A_44 = tpu.memref_slice %arg7[%dma_wait3A_42, %dma_wait3A_43] : memref<48x128xi32, #tpu.memory_space<vmem>> -> memref<1x128xi32, #tpu.memory_space<vmem>>
      %dma_wait3A_45 = tpu.memref_squeeze %dma_wait3A_44 : memref<1x128xi32, #tpu.memory_space<vmem>> -> memref<128xi32, #tpu.memory_space<vmem>>
      %dma_wait3A_46 = arith.constant 0 : i32
      %dma_wait3A_47 = arith.constant 0 : i32
      %dma_wait3A_48 = tpu.memref_slice %arg4[%dma_wait3A_46, %dma_wait3A_47] : memref<10000x128xf32, #tpu.memory_space<hbm>> -> memref<10000x128xf32, #tpu.memory_space<hbm>>
      tpu.wait_indirect_dma semaphore(%arg13 : memref<!tpu.dma_semaphore, #tpu.memory_space<semaphore_mem>>) src(%dma_wait3A_48 : memref<10000x128xf32, #tpu.memory_space<hbm>>) dst(%arg10 : memref<128x128xf32, #tpu.memory_space<vmem>>)
      %run_scoped3A_49 = arith.constant 47 : i32
      "tpu.region"() ({
        %run_scoped3A_170 = tpu.sem_alloc : memref<!tpu.dma_semaphore, #tpu.memory_space<semaphore_mem>>
        %dma_start3A_171 = arith.constant 0 : i32
        %dma_start3A_172 = tpu.memref_slice %arg8[%run_scoped3A_49, %dma_start3A_171] : memref<48x128xi32, #tpu.memory_space<vmem>> -> memref<1x128xi32, #tpu.memory_space<vmem>>
        %dma_start3A_173 = tpu.memref_squeeze %dma_start3A_172 : memref<1x128xi32, #tpu.memory_space<vmem>> -> memref<128xi32, #tpu.memory_space<vmem>>
        %dma_start3A_174 = arith.constant 0 : i32
        %dma_start3A_175 = arith.constant 0 : i32
        %dma_start3A_176 = tpu.memref_slice %arg11[%dma_start3A_174, %dma_start3A_175] : memref<10112x128xf32, #tpu.memory_space<vmem_shared>> -> memref<10112x128xf32, #tpu.memory_space<vmem_shared>>
        tpu.enqueue_indirect_dma source(%arg10 : memref<128x128xf32, #tpu.memory_space<vmem>>) target(%dma_start3A_176 : memref<10112x128xf32, #tpu.memory_space<vmem_shared>>) offsets(%dma_start3A_173 : memref<128xi32, #tpu.memory_space<vmem>>) semaphore(%run_scoped3A_170 : memref<!tpu.dma_semaphore, #tpu.memory_space<semaphore_mem>>) {add = true}
        %dma_wait3A_177 = arith.constant 0 : i32
        %dma_wait3A_178 = tpu.memref_slice %arg8[%run_scoped3A_49, %dma_wait3A_177] : memref<48x128xi32, #tpu.memory_space<vmem>> -> memref<1x128xi32, #tpu.memory_space<vmem>>
        %dma_wait3A_179 = tpu.memref_squeeze %dma_wait3A_178 : memref<1x128xi32, #tpu.memory_space<vmem>> -> memref<128xi32, #tpu.memory_space<vmem>>
        %dma_wait3A_180 = arith.constant 0 : i32
        %dma_wait3A_181 = arith.constant 0 : i32
        %dma_wait3A_182 = tpu.memref_slice %arg11[%dma_wait3A_180, %dma_wait3A_181] : memref<10112x128xf32, #tpu.memory_space<vmem_shared>> -> memref<10112x128xf32, #tpu.memory_space<vmem_shared>>
        tpu.wait_indirect_dma semaphore(%run_scoped3A_170 : memref<!tpu.dma_semaphore, #tpu.memory_space<semaphore_mem>>) src(%arg10 : memref<128x128xf32, #tpu.memory_space<vmem>>) dst(%dma_wait3A_182 : memref<10112x128xf32, #tpu.memory_space<vmem_shared>>)
        tpu.yield
      }) : () -> ()
      %mul3A_50 = arith.constant 152 : i32
      %mul3A_51 = arith.muli %arg1, %mul3A_50 : i32
      %add3A_52 = arith.constant 48 : i32
      %add3A_53 = arith.addi %mul3A_51, %add3A_52 : i32
      "tpu.region"() ({
        %run_scoped3A_170 = tpu.sem_alloc : memref<!tpu.dma_semaphore, #tpu.memory_space<semaphore_mem>>
        %dma_start3A_171 = arith.constant 0 : i32
        %dma_start3A_172 = arith.constant 0 : i32
        %dma_start3A_173 = tpu.memref_slice %arg7[%dma_start3A_171, %dma_start3A_172] : memref<48x128xi32, #tpu.memory_space<vmem>> -> memref<48x128xi32, #tpu.memory_space<vmem>>
        %dma_start3A_174 = arith.constant 0 : i32
        %dma_start3A_175 = tpu.memref_slice %arg2[%add3A_53, %dma_start3A_174] : memref<2560x128xi32, #tpu.memory_space<hbm>> -> memref<48x128xi32, #tpu.memory_space<hbm>>
        %dma_start3A_176 = arith.constant 0 : i32
        %dma_start3A_177 = arith.constant 0 : i32
        %dma_start3A_178 = tpu.memref_slice %arg7[%dma_start3A_176, %dma_start3A_177] : memref<48x128xi32, #tpu.memory_space<vmem>> -> memref<48x128xi32, #tpu.memory_space<vmem>>
        %dma_start3A_179 = arith.constant 0 : i32
        %dma_start3A_180 = tpu.memref_slice %arg2[%add3A_53, %dma_start3A_179] : memref<2560x128xi32, #tpu.memory_space<hbm>> -> memref<48x128xi32, #tpu.memory_space<hbm>>
        tpu.enqueue_dma source(%dma_start3A_180 : memref<48x128xi32, #tpu.memory_space<hbm>>) target(%dma_start3A_178 : memref<48x128xi32, #tpu.memory_space<vmem>>) target_semaphore(%run_scoped3A_170 : memref<!tpu.dma_semaphore, #tpu.memory_space<semaphore_mem>>)
        %dma_wait3A_181 = arith.constant 0 : i32
        %dma_wait3A_182 = arith.constant 0 : i32
        %dma_wait3A_183 = tpu.memref_slice %arg7[%dma_wait3A_181, %dma_wait3A_182] : memref<48x128xi32, #tpu.memory_space<vmem>> -> memref<48x128xi32, #tpu.memory_space<vmem>>
        %dma_wait3A_184 = arith.constant 0 : i32
        %dma_wait3A_185 = tpu.memref_slice %arg2[%add3A_53, %dma_wait3A_184] : memref<2560x128xi32, #tpu.memory_space<hbm>> -> memref<48x128xi32, #tpu.memory_space<hbm>>
        %dma_wait3A_186 = arith.constant 0 : i32
        %dma_wait3A_187 = arith.constant 0 : i32
        %dma_wait3A_188 = tpu.memref_slice %arg7[%dma_wait3A_186, %dma_wait3A_187] : memref<48x128xi32, #tpu.memory_space<vmem>> -> memref<48x128xi32, #tpu.memory_space<vmem>>
        %dma_wait3A_189 = arith.constant 0 : i32
        %dma_wait3A_190 = tpu.memref_slice %arg2[%add3A_53, %dma_wait3A_189] : memref<2560x128xi32, #tpu.memory_space<hbm>> -> memref<48x128xi32, #tpu.memory_space<hbm>>
        tpu.wait_dma2 semaphore(%run_scoped3A_170 : memref<!tpu.dma_semaphore, #tpu.memory_space<semaphore_mem>>) src(%dma_wait3A_190 : memref<48x128xi32, #tpu.memory_space<hbm>>) dst(%dma_wait3A_188 : memref<48x128xi32, #tpu.memory_space<vmem>>)
        tpu.yield
      }) : () -> ()
      "tpu.region"() ({
        %run_scoped3A_170 = tpu.sem_alloc : memref<!tpu.dma_semaphore, #tpu.memory_space<semaphore_mem>>
        %dma_start3A_171 = arith.constant 0 : i32
        %dma_start3A_172 = arith.constant 0 : i32
        %dma_start3A_173 = tpu.memref_slice %arg8[%dma_start3A_171, %dma_start3A_172] : memref<48x128xi32, #tpu.memory_space<vmem>> -> memref<48x128xi32, #tpu.memory_space<vmem>>
        %dma_start3A_174 = arith.constant 0 : i32
        %dma_start3A_175 = tpu.memref_slice %arg3[%add3A_53, %dma_start3A_174] : memref<2560x128xi32, #tpu.memory_space<hbm>> -> memref<48x128xi32, #tpu.memory_space<hbm>>
        %dma_start3A_176 = arith.constant 0 : i32
        %dma_start3A_177 = arith.constant 0 : i32
        %dma_start3A_178 = tpu.memref_slice %arg8[%dma_start3A_176, %dma_start3A_177] : memref<48x128xi32, #tpu.memory_space<vmem>> -> memref<48x128xi32, #tpu.memory_space<vmem>>
        %dma_start3A_179 = arith.constant 0 : i32
        %dma_start3A_180 = tpu.memref_slice %arg3[%add3A_53, %dma_start3A_179] : memref<2560x128xi32, #tpu.memory_space<hbm>> -> memref<48x128xi32, #tpu.memory_space<hbm>>
        tpu.enqueue_dma source(%dma_start3A_180 : memref<48x128xi32, #tpu.memory_space<hbm>>) target(%dma_start3A_178 : memref<48x128xi32, #tpu.memory_space<vmem>>) target_semaphore(%run_scoped3A_170 : memref<!tpu.dma_semaphore, #tpu.memory_space<semaphore_mem>>)
        %dma_wait3A_181 = arith.constant 0 : i32
        %dma_wait3A_182 = arith.constant 0 : i32
        %dma_wait3A_183 = tpu.memref_slice %arg8[%dma_wait3A_181, %dma_wait3A_182] : memref<48x128xi32, #tpu.memory_space<vmem>> -> memref<48x128xi32, #tpu.memory_space<vmem>>
        %dma_wait3A_184 = arith.constant 0 : i32
        %dma_wait3A_185 = tpu.memref_slice %arg3[%add3A_53, %dma_wait3A_184] : memref<2560x128xi32, #tpu.memory_space<hbm>> -> memref<48x128xi32, #tpu.memory_space<hbm>>
        %dma_wait3A_186 = arith.constant 0 : i32
        %dma_wait3A_187 = arith.constant 0 : i32
        %dma_wait3A_188 = tpu.memref_slice %arg8[%dma_wait3A_186, %dma_wait3A_187] : memref<48x128xi32, #tpu.memory_space<vmem>> -> memref<48x128xi32, #tpu.memory_space<vmem>>
        %dma_wait3A_189 = arith.constant 0 : i32
        %dma_wait3A_190 = tpu.memref_slice %arg3[%add3A_53, %dma_wait3A_189] : memref<2560x128xi32, #tpu.memory_space<hbm>> -> memref<48x128xi32, #tpu.memory_space<hbm>>
        tpu.wait_dma2 semaphore(%run_scoped3A_170 : memref<!tpu.dma_semaphore, #tpu.memory_space<semaphore_mem>>) src(%dma_wait3A_190 : memref<48x128xi32, #tpu.memory_space<hbm>>) dst(%dma_wait3A_188 : memref<48x128xi32, #tpu.memory_space<vmem>>)
        tpu.yield
      }) : () -> ()
      %dma_start3A_54 = arith.constant 0 : i32
      %dma_start3A_55 = arith.constant 0 : i32
      %dma_start3A_56 = tpu.memref_slice %arg7[%dma_start3A_54, %dma_start3A_55] : memref<48x128xi32, #tpu.memory_space<vmem>> -> memref<1x128xi32, #tpu.memory_space<vmem>>
      %dma_start3A_57 = tpu.memref_squeeze %dma_start3A_56 : memref<1x128xi32, #tpu.memory_space<vmem>> -> memref<128xi32, #tpu.memory_space<vmem>>
      %dma_start3A_58 = arith.constant 0 : i32
      %dma_start3A_59 = arith.constant 0 : i32
      %dma_start3A_60 = tpu.memref_slice %arg4[%dma_start3A_58, %dma_start3A_59] : memref<10000x128xf32, #tpu.memory_space<hbm>> -> memref<10000x128xf32, #tpu.memory_space<hbm>>
      tpu.enqueue_indirect_dma source(%dma_start3A_60 : memref<10000x128xf32, #tpu.memory_space<hbm>>) target(%arg9 : memref<128x128xf32, #tpu.memory_space<vmem>>) offsets(%dma_start3A_57 : memref<128xi32, #tpu.memory_space<vmem>>) semaphore(%arg12 : memref<!tpu.dma_semaphore, #tpu.memory_space<semaphore_mem>>)
      %dma_start3A_61 = arith.constant 1 : i32
      %dma_start3A_62 = arith.constant 0 : i32
      %dma_start3A_63 = tpu.memref_slice %arg7[%dma_start3A_61, %dma_start3A_62] : memref<48x128xi32, #tpu.memory_space<vmem>> -> memref<1x128xi32, #tpu.memory_space<vmem>>
      %dma_start3A_64 = tpu.memref_squeeze %dma_start3A_63 : memref<1x128xi32, #tpu.memory_space<vmem>> -> memref<128xi32, #tpu.memory_space<vmem>>
      %dma_start3A_65 = arith.constant 0 : i32
      %dma_start3A_66 = arith.constant 0 : i32
      %dma_start3A_67 = tpu.memref_slice %arg4[%dma_start3A_65, %dma_start3A_66] : memref<10000x128xf32, #tpu.memory_space<hbm>> -> memref<10000x128xf32, #tpu.memory_space<hbm>>
      tpu.enqueue_indirect_dma source(%dma_start3A_67 : memref<10000x128xf32, #tpu.memory_space<hbm>>) target(%arg10 : memref<128x128xf32, #tpu.memory_space<vmem>>) offsets(%dma_start3A_64 : memref<128xi32, #tpu.memory_space<vmem>>) semaphore(%arg13 : memref<!tpu.dma_semaphore, #tpu.memory_space<semaphore_mem>>)
      %scan3A_68 = arith.constant 0 : i32
      %scan3A_69 = arith.constant 0 : i32
      %scan3A_70 = arith.constant 23 : i32
      %scan3A_71 = arith.addi %scan3A_69, %scan3A_70 : i32
      %scan3A_72 = arith.constant 1 : i32
      scf.for %scan3A_170 = %scan3A_69 to %scan3A_71 step %scan3A_72  : i32 {
        %mul3A_171 = arith.constant 2 : i32
        %mul3A_172 = arith.muli %mul3A_171, %scan3A_170 : i32
        %dma_wait3A_173 = arith.constant 0 : i32
        %dma_wait3A_174 = tpu.memref_slice %arg7[%mul3A_172, %dma_wait3A_173] : memref<48x128xi32, #tpu.memory_space<vmem>> -> memref<1x128xi32, #tpu.memory_space<vmem>>
        %dma_wait3A_175 = tpu.memref_squeeze %dma_wait3A_174 : memref<1x128xi32, #tpu.memory_space<vmem>> -> memref<128xi32, #tpu.memory_space<vmem>>
        %dma_wait3A_176 = arith.constant 0 : i32
        %dma_wait3A_177 = arith.constant 0 : i32
        %dma_wait3A_178 = tpu.memref_slice %arg4[%dma_wait3A_176, %dma_wait3A_177] : memref<10000x128xf32, #tpu.memory_space<hbm>> -> memref<10000x128xf32, #tpu.memory_space<hbm>>
        tpu.wait_indirect_dma semaphore(%arg12 : memref<!tpu.dma_semaphore, #tpu.memory_space<semaphore_mem>>) src(%dma_wait3A_178 : memref<10000x128xf32, #tpu.memory_space<hbm>>) dst(%arg9 : memref<128x128xf32, #tpu.memory_space<vmem>>)
        "tpu.region"() ({
          %run_scoped3A_205 = tpu.sem_alloc : memref<!tpu.dma_semaphore, #tpu.memory_space<semaphore_mem>>
          %dma_start3A_206 = arith.constant 0 : i32
          %dma_start3A_207 = tpu.memref_slice %arg8[%mul3A_172, %dma_start3A_206] : memref<48x128xi32, #tpu.memory_space<vmem>> -> memref<1x128xi32, #tpu.memory_space<vmem>>
          %dma_start3A_208 = tpu.memref_squeeze %dma_start3A_207 : memref<1x128xi32, #tpu.memory_space<vmem>> -> memref<128xi32, #tpu.memory_space<vmem>>
          %dma_start3A_209 = arith.constant 0 : i32
          %dma_start3A_210 = arith.constant 0 : i32
          %dma_start3A_211 = tpu.memref_slice %arg11[%dma_start3A_209, %dma_start3A_210] : memref<10112x128xf32, #tpu.memory_space<vmem_shared>> -> memref<10112x128xf32, #tpu.memory_space<vmem_shared>>
          tpu.enqueue_indirect_dma source(%arg9 : memref<128x128xf32, #tpu.memory_space<vmem>>) target(%dma_start3A_211 : memref<10112x128xf32, #tpu.memory_space<vmem_shared>>) offsets(%dma_start3A_208 : memref<128xi32, #tpu.memory_space<vmem>>) semaphore(%run_scoped3A_205 : memref<!tpu.dma_semaphore, #tpu.memory_space<semaphore_mem>>) {add = true}
          %dma_wait3A_212 = arith.constant 0 : i32
          %dma_wait3A_213 = tpu.memref_slice %arg8[%mul3A_172, %dma_wait3A_212] : memref<48x128xi32, #tpu.memory_space<vmem>> -> memref<1x128xi32, #tpu.memory_space<vmem>>
          %dma_wait3A_214 = tpu.memref_squeeze %dma_wait3A_213 : memref<1x128xi32, #tpu.memory_space<vmem>> -> memref<128xi32, #tpu.memory_space<vmem>>
          %dma_wait3A_215 = arith.constant 0 : i32
          %dma_wait3A_216 = arith.constant 0 : i32
          %dma_wait3A_217 = tpu.memref_slice %arg11[%dma_wait3A_215, %dma_wait3A_216] : memref<10112x128xf32, #tpu.memory_space<vmem_shared>> -> memref<10112x128xf32, #tpu.memory_space<vmem_shared>>
          tpu.wait_indirect_dma semaphore(%run_scoped3A_205 : memref<!tpu.dma_semaphore, #tpu.memory_space<semaphore_mem>>) src(%arg9 : memref<128x128xf32, #tpu.memory_space<vmem>>) dst(%dma_wait3A_217 : memref<10112x128xf32, #tpu.memory_space<vmem_shared>>)
          tpu.yield
        }) : () -> ()
        %add3A_179 = arith.constant 2 : i32
        %add3A_180 = arith.addi %mul3A_172, %add3A_179 : i32
        %dma_start3A_181 = arith.constant 0 : i32
        %dma_start3A_182 = tpu.memref_slice %arg7[%add3A_180, %dma_start3A_181] : memref<48x128xi32, #tpu.memory_space<vmem>> -> memref<1x128xi32, #tpu.memory_space<vmem>>
        %dma_start3A_183 = tpu.memref_squeeze %dma_start3A_182 : memref<1x128xi32, #tpu.memory_space<vmem>> -> memref<128xi32, #tpu.memory_space<vmem>>
        %dma_start3A_184 = arith.constant 0 : i32
        %dma_start3A_185 = arith.constant 0 : i32
        %dma_start3A_186 = tpu.memref_slice %arg4[%dma_start3A_184, %dma_start3A_185] : memref<10000x128xf32, #tpu.memory_space<hbm>> -> memref<10000x128xf32, #tpu.memory_space<hbm>>
        tpu.enqueue_indirect_dma source(%dma_start3A_186 : memref<10000x128xf32, #tpu.memory_space<hbm>>) target(%arg9 : memref<128x128xf32, #tpu.memory_space<vmem>>) offsets(%dma_start3A_183 : memref<128xi32, #tpu.memory_space<vmem>>) semaphore(%arg12 : memref<!tpu.dma_semaphore, #tpu.memory_space<semaphore_mem>>)
        %add3A_187 = arith.constant 1 : i32
        %add3A_188 = arith.addi %mul3A_172, %add3A_187 : i32
        %dma_wait3A_189 = arith.constant 0 : i32
        %dma_wait3A_190 = tpu.memref_slice %arg7[%add3A_188, %dma_wait3A_189] : memref<48x128xi32, #tpu.memory_space<vmem>> -> memref<1x128xi32, #tpu.memory_space<vmem>>
        %dma_wait3A_191 = tpu.memref_squeeze %dma_wait3A_190 : memref<1x128xi32, #tpu.memory_space<vmem>> -> memref<128xi32, #tpu.memory_space<vmem>>
        %dma_wait3A_192 = arith.constant 0 : i32
        %dma_wait3A_193 = arith.constant 0 : i32
        %dma_wait3A_194 = tpu.memref_slice %arg4[%dma_wait3A_192, %dma_wait3A_193] : memref<10000x128xf32, #tpu.memory_space<hbm>> -> memref<10000x128xf32, #tpu.memory_space<hbm>>
        tpu.wait_indirect_dma semaphore(%arg13 : memref<!tpu.dma_semaphore, #tpu.memory_space<semaphore_mem>>) src(%dma_wait3A_194 : memref<10000x128xf32, #tpu.memory_space<hbm>>) dst(%arg10 : memref<128x128xf32, #tpu.memory_space<vmem>>)
        %add3A_195 = arith.constant 1 : i32
        %add3A_196 = arith.addi %mul3A_172, %add3A_195 : i32
        "tpu.region"() ({
          %run_scoped3A_205 = tpu.sem_alloc : memref<!tpu.dma_semaphore, #tpu.memory_space<semaphore_mem>>
          %dma_start3A_206 = arith.constant 0 : i32
          %dma_start3A_207 = tpu.memref_slice %arg8[%add3A_196, %dma_start3A_206] : memref<48x128xi32, #tpu.memory_space<vmem>> -> memref<1x128xi32, #tpu.memory_space<vmem>>
          %dma_start3A_208 = tpu.memref_squeeze %dma_start3A_207 : memref<1x128xi32, #tpu.memory_space<vmem>> -> memref<128xi32, #tpu.memory_space<vmem>>
          %dma_start3A_209 = arith.constant 0 : i32
          %dma_start3A_210 = arith.constant 0 : i32
          %dma_start3A_211 = tpu.memref_slice %arg11[%dma_start3A_209, %dma_start3A_210] : memref<10112x128xf32, #tpu.memory_space<vmem_shared>> -> memref<10112x128xf32, #tpu.memory_space<vmem_shared>>
          tpu.enqueue_indirect_dma source(%arg10 : memref<128x128xf32, #tpu.memory_space<vmem>>) target(%dma_start3A_211 : memref<10112x128xf32, #tpu.memory_space<vmem_shared>>) offsets(%dma_start3A_208 : memref<128xi32, #tpu.memory_space<vmem>>) semaphore(%run_scoped3A_205 : memref<!tpu.dma_semaphore, #tpu.memory_space<semaphore_mem>>) {add = true}
          %dma_wait3A_212 = arith.constant 0 : i32
          %dma_wait3A_213 = tpu.memref_slice %arg8[%add3A_196, %dma_wait3A_212] : memref<48x128xi32, #tpu.memory_space<vmem>> -> memref<1x128xi32, #tpu.memory_space<vmem>>
          %dma_wait3A_214 = tpu.memref_squeeze %dma_wait3A_213 : memref<1x128xi32, #tpu.memory_space<vmem>> -> memref<128xi32, #tpu.memory_space<vmem>>
          %dma_wait3A_215 = arith.constant 0 : i32
          %dma_wait3A_216 = arith.constant 0 : i32
          %dma_wait3A_217 = tpu.memref_slice %arg11[%dma_wait3A_215, %dma_wait3A_216] : memref<10112x128xf32, #tpu.memory_space<vmem_shared>> -> memref<10112x128xf32, #tpu.memory_space<vmem_shared>>
          tpu.wait_indirect_dma semaphore(%run_scoped3A_205 : memref<!tpu.dma_semaphore, #tpu.memory_space<semaphore_mem>>) src(%arg10 : memref<128x128xf32, #tpu.memory_space<vmem>>) dst(%dma_wait3A_217 : memref<10112x128xf32, #tpu.memory_space<vmem_shared>>)
          tpu.yield
        }) : () -> ()
        %add3A_197 = arith.constant 3 : i32
        %add3A_198 = arith.addi %mul3A_172, %add3A_197 : i32
        %dma_start3A_199 = arith.constant 0 : i32
        %dma_start3A_200 = tpu.memref_slice %arg7[%add3A_198, %dma_start3A_199] : memref<48x128xi32, #tpu.memory_space<vmem>> -> memref<1x128xi32, #tpu.memory_space<vmem>>
        %dma_start3A_201 = tpu.memref_squeeze %dma_start3A_200 : memref<1x128xi32, #tpu.memory_space<vmem>> -> memref<128xi32, #tpu.memory_space<vmem>>
        %dma_start3A_202 = arith.constant 0 : i32
        %dma_start3A_203 = arith.constant 0 : i32
        %dma_start3A_204 = tpu.memref_slice %arg4[%dma_start3A_202, %dma_start3A_203] : memref<10000x128xf32, #tpu.memory_space<hbm>> -> memref<10000x128xf32, #tpu.memory_space<hbm>>
        tpu.enqueue_indirect_dma source(%dma_start3A_204 : memref<10000x128xf32, #tpu.memory_space<hbm>>) target(%arg10 : memref<128x128xf32, #tpu.memory_space<vmem>>) offsets(%dma_start3A_201 : memref<128xi32, #tpu.memory_space<vmem>>) semaphore(%arg13 : memref<!tpu.dma_semaphore, #tpu.memory_space<semaphore_mem>>)
      }
      %scan3A_73 = arith.constant 23 : i32
      %dma_wait3A_74 = arith.constant 46 : i32
      %dma_wait3A_75 = arith.constant 0 : i32
      %dma_wait3A_76 = tpu.memref_slice %arg7[%dma_wait3A_74, %dma_wait3A_75] : memref<48x128xi32, #tpu.memory_space<vmem>> -> memref<1x128xi32, #tpu.memory_space<vmem>>
      %dma_wait3A_77 = tpu.memref_squeeze %dma_wait3A_76 : memref<1x128xi32, #tpu.memory_space<vmem>> -> memref<128xi32, #tpu.memory_space<vmem>>
      %dma_wait3A_78 = arith.constant 0 : i32
      %dma_wait3A_79 = arith.constant 0 : i32
      %dma_wait3A_80 = tpu.memref_slice %arg4[%dma_wait3A_78, %dma_wait3A_79] : memref<10000x128xf32, #tpu.memory_space<hbm>> -> memref<10000x128xf32, #tpu.memory_space<hbm>>
      tpu.wait_indirect_dma semaphore(%arg12 : memref<!tpu.dma_semaphore, #tpu.memory_space<semaphore_mem>>) src(%dma_wait3A_80 : memref<10000x128xf32, #tpu.memory_space<hbm>>) dst(%arg9 : memref<128x128xf32, #tpu.memory_space<vmem>>)
      %run_scoped3A_81 = arith.constant 46 : i32
      "tpu.region"() ({
        %run_scoped3A_170 = tpu.sem_alloc : memref<!tpu.dma_semaphore, #tpu.memory_space<semaphore_mem>>
        %dma_start3A_171 = arith.constant 0 : i32
        %dma_start3A_172 = tpu.memref_slice %arg8[%run_scoped3A_81, %dma_start3A_171] : memref<48x128xi32, #tpu.memory_space<vmem>> -> memref<1x128xi32, #tpu.memory_space<vmem>>
        %dma_start3A_173 = tpu.memref_squeeze %dma_start3A_172 : memref<1x128xi32, #tpu.memory_space<vmem>> -> memref<128xi32, #tpu.memory_space<vmem>>
        %dma_start3A_174 = arith.constant 0 : i32
        %dma_start3A_175 = arith.constant 0 : i32
        %dma_start3A_176 = tpu.memref_slice %arg11[%dma_start3A_174, %dma_start3A_175] : memref<10112x128xf32, #tpu.memory_space<vmem_shared>> -> memref<10112x128xf32, #tpu.memory_space<vmem_shared>>
        tpu.enqueue_indirect_dma source(%arg9 : memref<128x128xf32, #tpu.memory_space<vmem>>) target(%dma_start3A_176 : memref<10112x128xf32, #tpu.memory_space<vmem_shared>>) offsets(%dma_start3A_173 : memref<128xi32, #tpu.memory_space<vmem>>) semaphore(%run_scoped3A_170 : memref<!tpu.dma_semaphore, #tpu.memory_space<semaphore_mem>>) {add = true}
        %dma_wait3A_177 = arith.constant 0 : i32
        %dma_wait3A_178 = tpu.memref_slice %arg8[%run_scoped3A_81, %dma_wait3A_177] : memref<48x128xi32, #tpu.memory_space<vmem>> -> memref<1x128xi32, #tpu.memory_space<vmem>>
        %dma_wait3A_179 = tpu.memref_squeeze %dma_wait3A_178 : memref<1x128xi32, #tpu.memory_space<vmem>> -> memref<128xi32, #tpu.memory_space<vmem>>
        %dma_wait3A_180 = arith.constant 0 : i32
        %dma_wait3A_181 = arith.constant 0 : i32
        %dma_wait3A_182 = tpu.memref_slice %arg11[%dma_wait3A_180, %dma_wait3A_181] : memref<10112x128xf32, #tpu.memory_space<vmem_shared>> -> memref<10112x128xf32, #tpu.memory_space<vmem_shared>>
        tpu.wait_indirect_dma semaphore(%run_scoped3A_170 : memref<!tpu.dma_semaphore, #tpu.memory_space<semaphore_mem>>) src(%arg9 : memref<128x128xf32, #tpu.memory_space<vmem>>) dst(%dma_wait3A_182 : memref<10112x128xf32, #tpu.memory_space<vmem_shared>>)
        tpu.yield
      }) : () -> ()
      %dma_wait3A_82 = arith.constant 47 : i32
      %dma_wait3A_83 = arith.constant 0 : i32
      %dma_wait3A_84 = tpu.memref_slice %arg7[%dma_wait3A_82, %dma_wait3A_83] : memref<48x128xi32, #tpu.memory_space<vmem>> -> memref<1x128xi32, #tpu.memory_space<vmem>>
      %dma_wait3A_85 = tpu.memref_squeeze %dma_wait3A_84 : memref<1x128xi32, #tpu.memory_space<vmem>> -> memref<128xi32, #tpu.memory_space<vmem>>
      %dma_wait3A_86 = arith.constant 0 : i32
      %dma_wait3A_87 = arith.constant 0 : i32
      %dma_wait3A_88 = tpu.memref_slice %arg4[%dma_wait3A_86, %dma_wait3A_87] : memref<10000x128xf32, #tpu.memory_space<hbm>> -> memref<10000x128xf32, #tpu.memory_space<hbm>>
      tpu.wait_indirect_dma semaphore(%arg13 : memref<!tpu.dma_semaphore, #tpu.memory_space<semaphore_mem>>) src(%dma_wait3A_88 : memref<10000x128xf32, #tpu.memory_space<hbm>>) dst(%arg10 : memref<128x128xf32, #tpu.memory_space<vmem>>)
      %run_scoped3A_89 = arith.constant 47 : i32
      "tpu.region"() ({
        %run_scoped3A_170 = tpu.sem_alloc : memref<!tpu.dma_semaphore, #tpu.memory_space<semaphore_mem>>
        %dma_start3A_171 = arith.constant 0 : i32
        %dma_start3A_172 = tpu.memref_slice %arg8[%run_scoped3A_89, %dma_start3A_171] : memref<48x128xi32, #tpu.memory_space<vmem>> -> memref<1x128xi32, #tpu.memory_space<vmem>>
        %dma_start3A_173 = tpu.memref_squeeze %dma_start3A_172 : memref<1x128xi32, #tpu.memory_space<vmem>> -> memref<128xi32, #tpu.memory_space<vmem>>
        %dma_start3A_174 = arith.constant 0 : i32
        %dma_start3A_175 = arith.constant 0 : i32
        %dma_start3A_176 = tpu.memref_slice %arg11[%dma_start3A_174, %dma_start3A_175] : memref<10112x128xf32, #tpu.memory_space<vmem_shared>> -> memref<10112x128xf32, #tpu.memory_space<vmem_shared>>
        tpu.enqueue_indirect_dma source(%arg10 : memref<128x128xf32, #tpu.memory_space<vmem>>) target(%dma_start3A_176 : memref<10112x128xf32, #tpu.memory_space<vmem_shared>>) offsets(%dma_start3A_173 : memref<128xi32, #tpu.memory_space<vmem>>) semaphore(%run_scoped3A_170 : memref<!tpu.dma_semaphore, #tpu.memory_space<semaphore_mem>>) {add = true}
        %dma_wait3A_177 = arith.constant 0 : i32
        %dma_wait3A_178 = tpu.memref_slice %arg8[%run_scoped3A_89, %dma_wait3A_177] : memref<48x128xi32, #tpu.memory_space<vmem>> -> memref<1x128xi32, #tpu.memory_space<vmem>>
        %dma_wait3A_179 = tpu.memref_squeeze %dma_wait3A_178 : memref<1x128xi32, #tpu.memory_space<vmem>> -> memref<128xi32, #tpu.memory_space<vmem>>
        %dma_wait3A_180 = arith.constant 0 : i32
        %dma_wait3A_181 = arith.constant 0 : i32
        %dma_wait3A_182 = tpu.memref_slice %arg11[%dma_wait3A_180, %dma_wait3A_181] : memref<10112x128xf32, #tpu.memory_space<vmem_shared>> -> memref<10112x128xf32, #tpu.memory_space<vmem_shared>>
        tpu.wait_indirect_dma semaphore(%run_scoped3A_170 : memref<!tpu.dma_semaphore, #tpu.memory_space<semaphore_mem>>) src(%arg10 : memref<128x128xf32, #tpu.memory_space<vmem>>) dst(%dma_wait3A_182 : memref<10112x128xf32, #tpu.memory_space<vmem_shared>>)
        tpu.yield
      }) : () -> ()
      %mul3A_90 = arith.constant 152 : i32
      %mul3A_91 = arith.muli %arg1, %mul3A_90 : i32
      %add3A_92 = arith.constant 96 : i32
      %add3A_93 = arith.addi %mul3A_91, %add3A_92 : i32
      "tpu.region"() ({
        %run_scoped3A_170 = tpu.sem_alloc : memref<!tpu.dma_semaphore, #tpu.memory_space<semaphore_mem>>
        %dma_start3A_171 = arith.constant 0 : i32
        %dma_start3A_172 = arith.constant 0 : i32
        %dma_start3A_173 = tpu.memref_slice %arg7[%dma_start3A_171, %dma_start3A_172] : memref<48x128xi32, #tpu.memory_space<vmem>> -> memref<48x128xi32, #tpu.memory_space<vmem>>
        %dma_start3A_174 = arith.constant 0 : i32
        %dma_start3A_175 = tpu.memref_slice %arg2[%add3A_93, %dma_start3A_174] : memref<2560x128xi32, #tpu.memory_space<hbm>> -> memref<48x128xi32, #tpu.memory_space<hbm>>
        %dma_start3A_176 = arith.constant 0 : i32
        %dma_start3A_177 = arith.constant 0 : i32
        %dma_start3A_178 = tpu.memref_slice %arg7[%dma_start3A_176, %dma_start3A_177] : memref<48x128xi32, #tpu.memory_space<vmem>> -> memref<48x128xi32, #tpu.memory_space<vmem>>
        %dma_start3A_179 = arith.constant 0 : i32
        %dma_start3A_180 = tpu.memref_slice %arg2[%add3A_93, %dma_start3A_179] : memref<2560x128xi32, #tpu.memory_space<hbm>> -> memref<48x128xi32, #tpu.memory_space<hbm>>
        tpu.enqueue_dma source(%dma_start3A_180 : memref<48x128xi32, #tpu.memory_space<hbm>>) target(%dma_start3A_178 : memref<48x128xi32, #tpu.memory_space<vmem>>) target_semaphore(%run_scoped3A_170 : memref<!tpu.dma_semaphore, #tpu.memory_space<semaphore_mem>>)
        %dma_wait3A_181 = arith.constant 0 : i32
        %dma_wait3A_182 = arith.constant 0 : i32
        %dma_wait3A_183 = tpu.memref_slice %arg7[%dma_wait3A_181, %dma_wait3A_182] : memref<48x128xi32, #tpu.memory_space<vmem>> -> memref<48x128xi32, #tpu.memory_space<vmem>>
        %dma_wait3A_184 = arith.constant 0 : i32
        %dma_wait3A_185 = tpu.memref_slice %arg2[%add3A_93, %dma_wait3A_184] : memref<2560x128xi32, #tpu.memory_space<hbm>> -> memref<48x128xi32, #tpu.memory_space<hbm>>
        %dma_wait3A_186 = arith.constant 0 : i32
        %dma_wait3A_187 = arith.constant 0 : i32
        %dma_wait3A_188 = tpu.memref_slice %arg7[%dma_wait3A_186, %dma_wait3A_187] : memref<48x128xi32, #tpu.memory_space<vmem>> -> memref<48x128xi32, #tpu.memory_space<vmem>>
        %dma_wait3A_189 = arith.constant 0 : i32
        %dma_wait3A_190 = tpu.memref_slice %arg2[%add3A_93, %dma_wait3A_189] : memref<2560x128xi32, #tpu.memory_space<hbm>> -> memref<48x128xi32, #tpu.memory_space<hbm>>
        tpu.wait_dma2 semaphore(%run_scoped3A_170 : memref<!tpu.dma_semaphore, #tpu.memory_space<semaphore_mem>>) src(%dma_wait3A_190 : memref<48x128xi32, #tpu.memory_space<hbm>>) dst(%dma_wait3A_188 : memref<48x128xi32, #tpu.memory_space<vmem>>)
        tpu.yield
      }) : () -> ()
      "tpu.region"() ({
        %run_scoped3A_170 = tpu.sem_alloc : memref<!tpu.dma_semaphore, #tpu.memory_space<semaphore_mem>>
        %dma_start3A_171 = arith.constant 0 : i32
        %dma_start3A_172 = arith.constant 0 : i32
        %dma_start3A_173 = tpu.memref_slice %arg8[%dma_start3A_171, %dma_start3A_172] : memref<48x128xi32, #tpu.memory_space<vmem>> -> memref<48x128xi32, #tpu.memory_space<vmem>>
        %dma_start3A_174 = arith.constant 0 : i32
        %dma_start3A_175 = tpu.memref_slice %arg3[%add3A_93, %dma_start3A_174] : memref<2560x128xi32, #tpu.memory_space<hbm>> -> memref<48x128xi32, #tpu.memory_space<hbm>>
        %dma_start3A_176 = arith.constant 0 : i32
        %dma_start3A_177 = arith.constant 0 : i32
        %dma_start3A_178 = tpu.memref_slice %arg8[%dma_start3A_176, %dma_start3A_177] : memref<48x128xi32, #tpu.memory_space<vmem>> -> memref<48x128xi32, #tpu.memory_space<vmem>>
        %dma_start3A_179 = arith.constant 0 : i32
        %dma_start3A_180 = tpu.memref_slice %arg3[%add3A_93, %dma_start3A_179] : memref<2560x128xi32, #tpu.memory_space<hbm>> -> memref<48x128xi32, #tpu.memory_space<hbm>>
        tpu.enqueue_dma source(%dma_start3A_180 : memref<48x128xi32, #tpu.memory_space<hbm>>) target(%dma_start3A_178 : memref<48x128xi32, #tpu.memory_space<vmem>>) target_semaphore(%run_scoped3A_170 : memref<!tpu.dma_semaphore, #tpu.memory_space<semaphore_mem>>)
        %dma_wait3A_181 = arith.constant 0 : i32
        %dma_wait3A_182 = arith.constant 0 : i32
        %dma_wait3A_183 = tpu.memref_slice %arg8[%dma_wait3A_181, %dma_wait3A_182] : memref<48x128xi32, #tpu.memory_space<vmem>> -> memref<48x128xi32, #tpu.memory_space<vmem>>
        %dma_wait3A_184 = arith.constant 0 : i32
        %dma_wait3A_185 = tpu.memref_slice %arg3[%add3A_93, %dma_wait3A_184] : memref<2560x128xi32, #tpu.memory_space<hbm>> -> memref<48x128xi32, #tpu.memory_space<hbm>>
        %dma_wait3A_186 = arith.constant 0 : i32
        %dma_wait3A_187 = arith.constant 0 : i32
        %dma_wait3A_188 = tpu.memref_slice %arg8[%dma_wait3A_186, %dma_wait3A_187] : memref<48x128xi32, #tpu.memory_space<vmem>> -> memref<48x128xi32, #tpu.memory_space<vmem>>
        %dma_wait3A_189 = arith.constant 0 : i32
        %dma_wait3A_190 = tpu.memref_slice %arg3[%add3A_93, %dma_wait3A_189] : memref<2560x128xi32, #tpu.memory_space<hbm>> -> memref<48x128xi32, #tpu.memory_space<hbm>>
        tpu.wait_dma2 semaphore(%run_scoped3A_170 : memref<!tpu.dma_semaphore, #tpu.memory_space<semaphore_mem>>) src(%dma_wait3A_190 : memref<48x128xi32, #tpu.memory_space<hbm>>) dst(%dma_wait3A_188 : memref<48x128xi32, #tpu.memory_space<vmem>>)
        tpu.yield
      }) : () -> ()
      %dma_start3A_94 = arith.constant 0 : i32
      %dma_start3A_95 = arith.constant 0 : i32
      %dma_start3A_96 = tpu.memref_slice %arg7[%dma_start3A_94, %dma_start3A_95] : memref<48x128xi32, #tpu.memory_space<vmem>> -> memref<1x128xi32, #tpu.memory_space<vmem>>
      %dma_start3A_97 = tpu.memref_squeeze %dma_start3A_96 : memref<1x128xi32, #tpu.memory_space<vmem>> -> memref<128xi32, #tpu.memory_space<vmem>>
      %dma_start3A_98 = arith.constant 0 : i32
      %dma_start3A_99 = arith.constant 0 : i32
      %dma_start3A_100 = tpu.memref_slice %arg4[%dma_start3A_98, %dma_start3A_99] : memref<10000x128xf32, #tpu.memory_space<hbm>> -> memref<10000x128xf32, #tpu.memory_space<hbm>>
      tpu.enqueue_indirect_dma source(%dma_start3A_100 : memref<10000x128xf32, #tpu.memory_space<hbm>>) target(%arg9 : memref<128x128xf32, #tpu.memory_space<vmem>>) offsets(%dma_start3A_97 : memref<128xi32, #tpu.memory_space<vmem>>) semaphore(%arg12 : memref<!tpu.dma_semaphore, #tpu.memory_space<semaphore_mem>>)
      %dma_start3A_101 = arith.constant 1 : i32
      %dma_start3A_102 = arith.constant 0 : i32
      %dma_start3A_103 = tpu.memref_slice %arg7[%dma_start3A_101, %dma_start3A_102] : memref<48x128xi32, #tpu.memory_space<vmem>> -> memref<1x128xi32, #tpu.memory_space<vmem>>
      %dma_start3A_104 = tpu.memref_squeeze %dma_start3A_103 : memref<1x128xi32, #tpu.memory_space<vmem>> -> memref<128xi32, #tpu.memory_space<vmem>>
      %dma_start3A_105 = arith.constant 0 : i32
      %dma_start3A_106 = arith.constant 0 : i32
      %dma_start3A_107 = tpu.memref_slice %arg4[%dma_start3A_105, %dma_start3A_106] : memref<10000x128xf32, #tpu.memory_space<hbm>> -> memref<10000x128xf32, #tpu.memory_space<hbm>>
      tpu.enqueue_indirect_dma source(%dma_start3A_107 : memref<10000x128xf32, #tpu.memory_space<hbm>>) target(%arg10 : memref<128x128xf32, #tpu.memory_space<vmem>>) offsets(%dma_start3A_104 : memref<128xi32, #tpu.memory_space<vmem>>) semaphore(%arg13 : memref<!tpu.dma_semaphore, #tpu.memory_space<semaphore_mem>>)
      %scan3A_108 = arith.constant 0 : i32
      %scan3A_109 = arith.constant 0 : i32
      %scan3A_110 = arith.constant 23 : i32
      %scan3A_111 = arith.addi %scan3A_109, %scan3A_110 : i32
      %scan3A_112 = arith.constant 1 : i32
      scf.for %scan3A_170 = %scan3A_109 to %scan3A_111 step %scan3A_112  : i32 {
        %mul3A_171 = arith.constant 2 : i32
        %mul3A_172 = arith.muli %mul3A_171, %scan3A_170 : i32
        %dma_wait3A_173 = arith.constant 0 : i32
        %dma_wait3A_174 = tpu.memref_slice %arg7[%mul3A_172, %dma_wait3A_173] : memref<48x128xi32, #tpu.memory_space<vmem>> -> memref<1x128xi32, #tpu.memory_space<vmem>>
        %dma_wait3A_175 = tpu.memref_squeeze %dma_wait3A_174 : memref<1x128xi32, #tpu.memory_space<vmem>> -> memref<128xi32, #tpu.memory_space<vmem>>
        %dma_wait3A_176 = arith.constant 0 : i32
        %dma_wait3A_177 = arith.constant 0 : i32
        %dma_wait3A_178 = tpu.memref_slice %arg4[%dma_wait3A_176, %dma_wait3A_177] : memref<10000x128xf32, #tpu.memory_space<hbm>> -> memref<10000x128xf32, #tpu.memory_space<hbm>>
        tpu.wait_indirect_dma semaphore(%arg12 : memref<!tpu.dma_semaphore, #tpu.memory_space<semaphore_mem>>) src(%dma_wait3A_178 : memref<10000x128xf32, #tpu.memory_space<hbm>>) dst(%arg9 : memref<128x128xf32, #tpu.memory_space<vmem>>)
        "tpu.region"() ({
          %run_scoped3A_205 = tpu.sem_alloc : memref<!tpu.dma_semaphore, #tpu.memory_space<semaphore_mem>>
          %dma_start3A_206 = arith.constant 0 : i32
          %dma_start3A_207 = tpu.memref_slice %arg8[%mul3A_172, %dma_start3A_206] : memref<48x128xi32, #tpu.memory_space<vmem>> -> memref<1x128xi32, #tpu.memory_space<vmem>>
          %dma_start3A_208 = tpu.memref_squeeze %dma_start3A_207 : memref<1x128xi32, #tpu.memory_space<vmem>> -> memref<128xi32, #tpu.memory_space<vmem>>
          %dma_start3A_209 = arith.constant 0 : i32
          %dma_start3A_210 = arith.constant 0 : i32
          %dma_start3A_211 = tpu.memref_slice %arg11[%dma_start3A_209, %dma_start3A_210] : memref<10112x128xf32, #tpu.memory_space<vmem_shared>> -> memref<10112x128xf32, #tpu.memory_space<vmem_shared>>
          tpu.enqueue_indirect_dma source(%arg9 : memref<128x128xf32, #tpu.memory_space<vmem>>) target(%dma_start3A_211 : memref<10112x128xf32, #tpu.memory_space<vmem_shared>>) offsets(%dma_start3A_208 : memref<128xi32, #tpu.memory_space<vmem>>) semaphore(%run_scoped3A_205 : memref<!tpu.dma_semaphore, #tpu.memory_space<semaphore_mem>>) {add = true}
          %dma_wait3A_212 = arith.constant 0 : i32
          %dma_wait3A_213 = tpu.memref_slice %arg8[%mul3A_172, %dma_wait3A_212] : memref<48x128xi32, #tpu.memory_space<vmem>> -> memref<1x128xi32, #tpu.memory_space<vmem>>
          %dma_wait3A_214 = tpu.memref_squeeze %dma_wait3A_213 : memref<1x128xi32, #tpu.memory_space<vmem>> -> memref<128xi32, #tpu.memory_space<vmem>>
          %dma_wait3A_215 = arith.constant 0 : i32
          %dma_wait3A_216 = arith.constant 0 : i32
          %dma_wait3A_217 = tpu.memref_slice %arg11[%dma_wait3A_215, %dma_wait3A_216] : memref<10112x128xf32, #tpu.memory_space<vmem_shared>> -> memref<10112x128xf32, #tpu.memory_space<vmem_shared>>
          tpu.wait_indirect_dma semaphore(%run_scoped3A_205 : memref<!tpu.dma_semaphore, #tpu.memory_space<semaphore_mem>>) src(%arg9 : memref<128x128xf32, #tpu.memory_space<vmem>>) dst(%dma_wait3A_217 : memref<10112x128xf32, #tpu.memory_space<vmem_shared>>)
          tpu.yield
        }) : () -> ()
        %add3A_179 = arith.constant 2 : i32
        %add3A_180 = arith.addi %mul3A_172, %add3A_179 : i32
        %dma_start3A_181 = arith.constant 0 : i32
        %dma_start3A_182 = tpu.memref_slice %arg7[%add3A_180, %dma_start3A_181] : memref<48x128xi32, #tpu.memory_space<vmem>> -> memref<1x128xi32, #tpu.memory_space<vmem>>
        %dma_start3A_183 = tpu.memref_squeeze %dma_start3A_182 : memref<1x128xi32, #tpu.memory_space<vmem>> -> memref<128xi32, #tpu.memory_space<vmem>>
        %dma_start3A_184 = arith.constant 0 : i32
        %dma_start3A_185 = arith.constant 0 : i32
        %dma_start3A_186 = tpu.memref_slice %arg4[%dma_start3A_184, %dma_start3A_185] : memref<10000x128xf32, #tpu.memory_space<hbm>> -> memref<10000x128xf32, #tpu.memory_space<hbm>>
        tpu.enqueue_indirect_dma source(%dma_start3A_186 : memref<10000x128xf32, #tpu.memory_space<hbm>>) target(%arg9 : memref<128x128xf32, #tpu.memory_space<vmem>>) offsets(%dma_start3A_183 : memref<128xi32, #tpu.memory_space<vmem>>) semaphore(%arg12 : memref<!tpu.dma_semaphore, #tpu.memory_space<semaphore_mem>>)
        %add3A_187 = arith.constant 1 : i32
        %add3A_188 = arith.addi %mul3A_172, %add3A_187 : i32
        %dma_wait3A_189 = arith.constant 0 : i32
        %dma_wait3A_190 = tpu.memref_slice %arg7[%add3A_188, %dma_wait3A_189] : memref<48x128xi32, #tpu.memory_space<vmem>> -> memref<1x128xi32, #tpu.memory_space<vmem>>
        %dma_wait3A_191 = tpu.memref_squeeze %dma_wait3A_190 : memref<1x128xi32, #tpu.memory_space<vmem>> -> memref<128xi32, #tpu.memory_space<vmem>>
        %dma_wait3A_192 = arith.constant 0 : i32
        %dma_wait3A_193 = arith.constant 0 : i32
        %dma_wait3A_194 = tpu.memref_slice %arg4[%dma_wait3A_192, %dma_wait3A_193] : memref<10000x128xf32, #tpu.memory_space<hbm>> -> memref<10000x128xf32, #tpu.memory_space<hbm>>
        tpu.wait_indirect_dma semaphore(%arg13 : memref<!tpu.dma_semaphore, #tpu.memory_space<semaphore_mem>>) src(%dma_wait3A_194 : memref<10000x128xf32, #tpu.memory_space<hbm>>) dst(%arg10 : memref<128x128xf32, #tpu.memory_space<vmem>>)
        %add3A_195 = arith.constant 1 : i32
        %add3A_196 = arith.addi %mul3A_172, %add3A_195 : i32
        "tpu.region"() ({
          %run_scoped3A_205 = tpu.sem_alloc : memref<!tpu.dma_semaphore, #tpu.memory_space<semaphore_mem>>
          %dma_start3A_206 = arith.constant 0 : i32
          %dma_start3A_207 = tpu.memref_slice %arg8[%add3A_196, %dma_start3A_206] : memref<48x128xi32, #tpu.memory_space<vmem>> -> memref<1x128xi32, #tpu.memory_space<vmem>>
          %dma_start3A_208 = tpu.memref_squeeze %dma_start3A_207 : memref<1x128xi32, #tpu.memory_space<vmem>> -> memref<128xi32, #tpu.memory_space<vmem>>
          %dma_start3A_209 = arith.constant 0 : i32
          %dma_start3A_210 = arith.constant 0 : i32
          %dma_start3A_211 = tpu.memref_slice %arg11[%dma_start3A_209, %dma_start3A_210] : memref<10112x128xf32, #tpu.memory_space<vmem_shared>> -> memref<10112x128xf32, #tpu.memory_space<vmem_shared>>
          tpu.enqueue_indirect_dma source(%arg10 : memref<128x128xf32, #tpu.memory_space<vmem>>) target(%dma_start3A_211 : memref<10112x128xf32, #tpu.memory_space<vmem_shared>>) offsets(%dma_start3A_208 : memref<128xi32, #tpu.memory_space<vmem>>) semaphore(%run_scoped3A_205 : memref<!tpu.dma_semaphore, #tpu.memory_space<semaphore_mem>>) {add = true}
          %dma_wait3A_212 = arith.constant 0 : i32
          %dma_wait3A_213 = tpu.memref_slice %arg8[%add3A_196, %dma_wait3A_212] : memref<48x128xi32, #tpu.memory_space<vmem>> -> memref<1x128xi32, #tpu.memory_space<vmem>>
          %dma_wait3A_214 = tpu.memref_squeeze %dma_wait3A_213 : memref<1x128xi32, #tpu.memory_space<vmem>> -> memref<128xi32, #tpu.memory_space<vmem>>
          %dma_wait3A_215 = arith.constant 0 : i32
          %dma_wait3A_216 = arith.constant 0 : i32
          %dma_wait3A_217 = tpu.memref_slice %arg11[%dma_wait3A_215, %dma_wait3A_216] : memref<10112x128xf32, #tpu.memory_space<vmem_shared>> -> memref<10112x128xf32, #tpu.memory_space<vmem_shared>>
          tpu.wait_indirect_dma semaphore(%run_scoped3A_205 : memref<!tpu.dma_semaphore, #tpu.memory_space<semaphore_mem>>) src(%arg10 : memref<128x128xf32, #tpu.memory_space<vmem>>) dst(%dma_wait3A_217 : memref<10112x128xf32, #tpu.memory_space<vmem_shared>>)
          tpu.yield
        }) : () -> ()
        %add3A_197 = arith.constant 3 : i32
        %add3A_198 = arith.addi %mul3A_172, %add3A_197 : i32
        %dma_start3A_199 = arith.constant 0 : i32
        %dma_start3A_200 = tpu.memref_slice %arg7[%add3A_198, %dma_start3A_199] : memref<48x128xi32, #tpu.memory_space<vmem>> -> memref<1x128xi32, #tpu.memory_space<vmem>>
        %dma_start3A_201 = tpu.memref_squeeze %dma_start3A_200 : memref<1x128xi32, #tpu.memory_space<vmem>> -> memref<128xi32, #tpu.memory_space<vmem>>
        %dma_start3A_202 = arith.constant 0 : i32
        %dma_start3A_203 = arith.constant 0 : i32
        %dma_start3A_204 = tpu.memref_slice %arg4[%dma_start3A_202, %dma_start3A_203] : memref<10000x128xf32, #tpu.memory_space<hbm>> -> memref<10000x128xf32, #tpu.memory_space<hbm>>
        tpu.enqueue_indirect_dma source(%dma_start3A_204 : memref<10000x128xf32, #tpu.memory_space<hbm>>) target(%arg10 : memref<128x128xf32, #tpu.memory_space<vmem>>) offsets(%dma_start3A_201 : memref<128xi32, #tpu.memory_space<vmem>>) semaphore(%arg13 : memref<!tpu.dma_semaphore, #tpu.memory_space<semaphore_mem>>)
      }
      %scan3A_113 = arith.constant 23 : i32
      %dma_wait3A_114 = arith.constant 46 : i32
      %dma_wait3A_115 = arith.constant 0 : i32
      %dma_wait3A_116 = tpu.memref_slice %arg7[%dma_wait3A_114, %dma_wait3A_115] : memref<48x128xi32, #tpu.memory_space<vmem>> -> memref<1x128xi32, #tpu.memory_space<vmem>>
      %dma_wait3A_117 = tpu.memref_squeeze %dma_wait3A_116 : memref<1x128xi32, #tpu.memory_space<vmem>> -> memref<128xi32, #tpu.memory_space<vmem>>
      %dma_wait3A_118 = arith.constant 0 : i32
      %dma_wait3A_119 = arith.constant 0 : i32
      %dma_wait3A_120 = tpu.memref_slice %arg4[%dma_wait3A_118, %dma_wait3A_119] : memref<10000x128xf32, #tpu.memory_space<hbm>> -> memref<10000x128xf32, #tpu.memory_space<hbm>>
      tpu.wait_indirect_dma semaphore(%arg12 : memref<!tpu.dma_semaphore, #tpu.memory_space<semaphore_mem>>) src(%dma_wait3A_120 : memref<10000x128xf32, #tpu.memory_space<hbm>>) dst(%arg9 : memref<128x128xf32, #tpu.memory_space<vmem>>)
      %run_scoped3A_121 = arith.constant 46 : i32
      "tpu.region"() ({
        %run_scoped3A_170 = tpu.sem_alloc : memref<!tpu.dma_semaphore, #tpu.memory_space<semaphore_mem>>
        %dma_start3A_171 = arith.constant 0 : i32
        %dma_start3A_172 = tpu.memref_slice %arg8[%run_scoped3A_121, %dma_start3A_171] : memref<48x128xi32, #tpu.memory_space<vmem>> -> memref<1x128xi32, #tpu.memory_space<vmem>>
        %dma_start3A_173 = tpu.memref_squeeze %dma_start3A_172 : memref<1x128xi32, #tpu.memory_space<vmem>> -> memref<128xi32, #tpu.memory_space<vmem>>
        %dma_start3A_174 = arith.constant 0 : i32
        %dma_start3A_175 = arith.constant 0 : i32
        %dma_start3A_176 = tpu.memref_slice %arg11[%dma_start3A_174, %dma_start3A_175] : memref<10112x128xf32, #tpu.memory_space<vmem_shared>> -> memref<10112x128xf32, #tpu.memory_space<vmem_shared>>
        tpu.enqueue_indirect_dma source(%arg9 : memref<128x128xf32, #tpu.memory_space<vmem>>) target(%dma_start3A_176 : memref<10112x128xf32, #tpu.memory_space<vmem_shared>>) offsets(%dma_start3A_173 : memref<128xi32, #tpu.memory_space<vmem>>) semaphore(%run_scoped3A_170 : memref<!tpu.dma_semaphore, #tpu.memory_space<semaphore_mem>>) {add = true}
        %dma_wait3A_177 = arith.constant 0 : i32
        %dma_wait3A_178 = tpu.memref_slice %arg8[%run_scoped3A_121, %dma_wait3A_177] : memref<48x128xi32, #tpu.memory_space<vmem>> -> memref<1x128xi32, #tpu.memory_space<vmem>>
        %dma_wait3A_179 = tpu.memref_squeeze %dma_wait3A_178 : memref<1x128xi32, #tpu.memory_space<vmem>> -> memref<128xi32, #tpu.memory_space<vmem>>
        %dma_wait3A_180 = arith.constant 0 : i32
        %dma_wait3A_181 = arith.constant 0 : i32
        %dma_wait3A_182 = tpu.memref_slice %arg11[%dma_wait3A_180, %dma_wait3A_181] : memref<10112x128xf32, #tpu.memory_space<vmem_shared>> -> memref<10112x128xf32, #tpu.memory_space<vmem_shared>>
        tpu.wait_indirect_dma semaphore(%run_scoped3A_170 : memref<!tpu.dma_semaphore, #tpu.memory_space<semaphore_mem>>) src(%arg9 : memref<128x128xf32, #tpu.memory_space<vmem>>) dst(%dma_wait3A_182 : memref<10112x128xf32, #tpu.memory_space<vmem_shared>>)
        tpu.yield
      }) : () -> ()
      %dma_wait3A_122 = arith.constant 47 : i32
      %dma_wait3A_123 = arith.constant 0 : i32
      %dma_wait3A_124 = tpu.memref_slice %arg7[%dma_wait3A_122, %dma_wait3A_123] : memref<48x128xi32, #tpu.memory_space<vmem>> -> memref<1x128xi32, #tpu.memory_space<vmem>>
      %dma_wait3A_125 = tpu.memref_squeeze %dma_wait3A_124 : memref<1x128xi32, #tpu.memory_space<vmem>> -> memref<128xi32, #tpu.memory_space<vmem>>
      %dma_wait3A_126 = arith.constant 0 : i32
      %dma_wait3A_127 = arith.constant 0 : i32
      %dma_wait3A_128 = tpu.memref_slice %arg4[%dma_wait3A_126, %dma_wait3A_127] : memref<10000x128xf32, #tpu.memory_space<hbm>> -> memref<10000x128xf32, #tpu.memory_space<hbm>>
      tpu.wait_indirect_dma semaphore(%arg13 : memref<!tpu.dma_semaphore, #tpu.memory_space<semaphore_mem>>) src(%dma_wait3A_128 : memref<10000x128xf32, #tpu.memory_space<hbm>>) dst(%arg10 : memref<128x128xf32, #tpu.memory_space<vmem>>)
      %run_scoped3A_129 = arith.constant 47 : i32
      "tpu.region"() ({
        %run_scoped3A_170 = tpu.sem_alloc : memref<!tpu.dma_semaphore, #tpu.memory_space<semaphore_mem>>
        %dma_start3A_171 = arith.constant 0 : i32
        %dma_start3A_172 = tpu.memref_slice %arg8[%run_scoped3A_129, %dma_start3A_171] : memref<48x128xi32, #tpu.memory_space<vmem>> -> memref<1x128xi32, #tpu.memory_space<vmem>>
        %dma_start3A_173 = tpu.memref_squeeze %dma_start3A_172 : memref<1x128xi32, #tpu.memory_space<vmem>> -> memref<128xi32, #tpu.memory_space<vmem>>
        %dma_start3A_174 = arith.constant 0 : i32
        %dma_start3A_175 = arith.constant 0 : i32
        %dma_start3A_176 = tpu.memref_slice %arg11[%dma_start3A_174, %dma_start3A_175] : memref<10112x128xf32, #tpu.memory_space<vmem_shared>> -> memref<10112x128xf32, #tpu.memory_space<vmem_shared>>
        tpu.enqueue_indirect_dma source(%arg10 : memref<128x128xf32, #tpu.memory_space<vmem>>) target(%dma_start3A_176 : memref<10112x128xf32, #tpu.memory_space<vmem_shared>>) offsets(%dma_start3A_173 : memref<128xi32, #tpu.memory_space<vmem>>) semaphore(%run_scoped3A_170 : memref<!tpu.dma_semaphore, #tpu.memory_space<semaphore_mem>>) {add = true}
        %dma_wait3A_177 = arith.constant 0 : i32
        %dma_wait3A_178 = tpu.memref_slice %arg8[%run_scoped3A_129, %dma_wait3A_177] : memref<48x128xi32, #tpu.memory_space<vmem>> -> memref<1x128xi32, #tpu.memory_space<vmem>>
        %dma_wait3A_179 = tpu.memref_squeeze %dma_wait3A_178 : memref<1x128xi32, #tpu.memory_space<vmem>> -> memref<128xi32, #tpu.memory_space<vmem>>
        %dma_wait3A_180 = arith.constant 0 : i32
        %dma_wait3A_181 = arith.constant 0 : i32
        %dma_wait3A_182 = tpu.memref_slice %arg11[%dma_wait3A_180, %dma_wait3A_181] : memref<10112x128xf32, #tpu.memory_space<vmem_shared>> -> memref<10112x128xf32, #tpu.memory_space<vmem_shared>>
        tpu.wait_indirect_dma semaphore(%run_scoped3A_170 : memref<!tpu.dma_semaphore, #tpu.memory_space<semaphore_mem>>) src(%arg10 : memref<128x128xf32, #tpu.memory_space<vmem>>) dst(%dma_wait3A_182 : memref<10112x128xf32, #tpu.memory_space<vmem_shared>>)
        tpu.yield
      }) : () -> ()
      %mul3A_130 = arith.constant 152 : i32
      %mul3A_131 = arith.muli %arg1, %mul3A_130 : i32
      %add3A_132 = arith.constant 144 : i32
      %add3A_133 = arith.addi %mul3A_131, %add3A_132 : i32
      "tpu.region"() ({
        %run_scoped3A_170 = tpu.sem_alloc : memref<!tpu.dma_semaphore, #tpu.memory_space<semaphore_mem>>
        %dma_start3A_171 = arith.constant 0 : i32
        %dma_start3A_172 = arith.constant 0 : i32
        %dma_start3A_173 = tpu.memref_slice %arg7[%dma_start3A_171, %dma_start3A_172] : memref<48x128xi32, #tpu.memory_space<vmem>> -> memref<8x128xi32, #tpu.memory_space<vmem>>
        %dma_start3A_174 = arith.constant 0 : i32
        %dma_start3A_175 = tpu.memref_slice %arg2[%add3A_133, %dma_start3A_174] : memref<2560x128xi32, #tpu.memory_space<hbm>> -> memref<8x128xi32, #tpu.memory_space<hbm>>
        %dma_start3A_176 = arith.constant 0 : i32
        %dma_start3A_177 = arith.constant 0 : i32
        %dma_start3A_178 = tpu.memref_slice %arg7[%dma_start3A_176, %dma_start3A_177] : memref<48x128xi32, #tpu.memory_space<vmem>> -> memref<8x128xi32, #tpu.memory_space<vmem>>
        %dma_start3A_179 = arith.constant 0 : i32
        %dma_start3A_180 = tpu.memref_slice %arg2[%add3A_133, %dma_start3A_179] : memref<2560x128xi32, #tpu.memory_space<hbm>> -> memref<8x128xi32, #tpu.memory_space<hbm>>
        tpu.enqueue_dma source(%dma_start3A_180 : memref<8x128xi32, #tpu.memory_space<hbm>>) target(%dma_start3A_178 : memref<8x128xi32, #tpu.memory_space<vmem>>) target_semaphore(%run_scoped3A_170 : memref<!tpu.dma_semaphore, #tpu.memory_space<semaphore_mem>>)
        %dma_wait3A_181 = arith.constant 0 : i32
        %dma_wait3A_182 = arith.constant 0 : i32
        %dma_wait3A_183 = tpu.memref_slice %arg7[%dma_wait3A_181, %dma_wait3A_182] : memref<48x128xi32, #tpu.memory_space<vmem>> -> memref<8x128xi32, #tpu.memory_space<vmem>>
        %dma_wait3A_184 = arith.constant 0 : i32
        %dma_wait3A_185 = tpu.memref_slice %arg2[%add3A_133, %dma_wait3A_184] : memref<2560x128xi32, #tpu.memory_space<hbm>> -> memref<8x128xi32, #tpu.memory_space<hbm>>
        %dma_wait3A_186 = arith.constant 0 : i32
        %dma_wait3A_187 = arith.constant 0 : i32
        %dma_wait3A_188 = tpu.memref_slice %arg7[%dma_wait3A_186, %dma_wait3A_187] : memref<48x128xi32, #tpu.memory_space<vmem>> -> memref<8x128xi32, #tpu.memory_space<vmem>>
        %dma_wait3A_189 = arith.constant 0 : i32
        %dma_wait3A_190 = tpu.memref_slice %arg2[%add3A_133, %dma_wait3A_189] : memref<2560x128xi32, #tpu.memory_space<hbm>> -> memref<8x128xi32, #tpu.memory_space<hbm>>
        tpu.wait_dma2 semaphore(%run_scoped3A_170 : memref<!tpu.dma_semaphore, #tpu.memory_space<semaphore_mem>>) src(%dma_wait3A_190 : memref<8x128xi32, #tpu.memory_space<hbm>>) dst(%dma_wait3A_188 : memref<8x128xi32, #tpu.memory_space<vmem>>)
        tpu.yield
      }) : () -> ()
      "tpu.region"() ({
        %run_scoped3A_170 = tpu.sem_alloc : memref<!tpu.dma_semaphore, #tpu.memory_space<semaphore_mem>>
        %dma_start3A_171 = arith.constant 0 : i32
        %dma_start3A_172 = arith.constant 0 : i32
        %dma_start3A_173 = tpu.memref_slice %arg8[%dma_start3A_171, %dma_start3A_172] : memref<48x128xi32, #tpu.memory_space<vmem>> -> memref<8x128xi32, #tpu.memory_space<vmem>>
        %dma_start3A_174 = arith.constant 0 : i32
        %dma_start3A_175 = tpu.memref_slice %arg3[%add3A_133, %dma_start3A_174] : memref<2560x128xi32, #tpu.memory_space<hbm>> -> memref<8x128xi32, #tpu.memory_space<hbm>>
        %dma_start3A_176 = arith.constant 0 : i32
        %dma_start3A_177 = arith.constant 0 : i32
        %dma_start3A_178 = tpu.memref_slice %arg8[%dma_start3A_176, %dma_start3A_177] : memref<48x128xi32, #tpu.memory_space<vmem>> -> memref<8x128xi32, #tpu.memory_space<vmem>>
        %dma_start3A_179 = arith.constant 0 : i32
        %dma_start3A_180 = tpu.memref_slice %arg3[%add3A_133, %dma_start3A_179] : memref<2560x128xi32, #tpu.memory_space<hbm>> -> memref<8x128xi32, #tpu.memory_space<hbm>>
        tpu.enqueue_dma source(%dma_start3A_180 : memref<8x128xi32, #tpu.memory_space<hbm>>) target(%dma_start3A_178 : memref<8x128xi32, #tpu.memory_space<vmem>>) target_semaphore(%run_scoped3A_170 : memref<!tpu.dma_semaphore, #tpu.memory_space<semaphore_mem>>)
        %dma_wait3A_181 = arith.constant 0 : i32
        %dma_wait3A_182 = arith.constant 0 : i32
        %dma_wait3A_183 = tpu.memref_slice %arg8[%dma_wait3A_181, %dma_wait3A_182] : memref<48x128xi32, #tpu.memory_space<vmem>> -> memref<8x128xi32, #tpu.memory_space<vmem>>
        %dma_wait3A_184 = arith.constant 0 : i32
        %dma_wait3A_185 = tpu.memref_slice %arg3[%add3A_133, %dma_wait3A_184] : memref<2560x128xi32, #tpu.memory_space<hbm>> -> memref<8x128xi32, #tpu.memory_space<hbm>>
        %dma_wait3A_186 = arith.constant 0 : i32
        %dma_wait3A_187 = arith.constant 0 : i32
        %dma_wait3A_188 = tpu.memref_slice %arg8[%dma_wait3A_186, %dma_wait3A_187] : memref<48x128xi32, #tpu.memory_space<vmem>> -> memref<8x128xi32, #tpu.memory_space<vmem>>
        %dma_wait3A_189 = arith.constant 0 : i32
        %dma_wait3A_190 = tpu.memref_slice %arg3[%add3A_133, %dma_wait3A_189] : memref<2560x128xi32, #tpu.memory_space<hbm>> -> memref<8x128xi32, #tpu.memory_space<hbm>>
        tpu.wait_dma2 semaphore(%run_scoped3A_170 : memref<!tpu.dma_semaphore, #tpu.memory_space<semaphore_mem>>) src(%dma_wait3A_190 : memref<8x128xi32, #tpu.memory_space<hbm>>) dst(%dma_wait3A_188 : memref<8x128xi32, #tpu.memory_space<vmem>>)
        tpu.yield
      }) : () -> ()
      %dma_start3A_134 = arith.constant 0 : i32
      %dma_start3A_135 = arith.constant 0 : i32
      %dma_start3A_136 = tpu.memref_slice %arg7[%dma_start3A_134, %dma_start3A_135] : memref<48x128xi32, #tpu.memory_space<vmem>> -> memref<1x128xi32, #tpu.memory_space<vmem>>
      %dma_start3A_137 = tpu.memref_squeeze %dma_start3A_136 : memref<1x128xi32, #tpu.memory_space<vmem>> -> memref<128xi32, #tpu.memory_space<vmem>>
      %dma_start3A_138 = arith.constant 0 : i32
      %dma_start3A_139 = arith.constant 0 : i32
      %dma_start3A_140 = tpu.memref_slice %arg4[%dma_start3A_138, %dma_start3A_139] : memref<10000x128xf32, #tpu.memory_space<hbm>> -> memref<10000x128xf32, #tpu.memory_space<hbm>>
      tpu.enqueue_indirect_dma source(%dma_start3A_140 : memref<10000x128xf32, #tpu.memory_space<hbm>>) target(%arg9 : memref<128x128xf32, #tpu.memory_space<vmem>>) offsets(%dma_start3A_137 : memref<128xi32, #tpu.memory_space<vmem>>) semaphore(%arg12 : memref<!tpu.dma_semaphore, #tpu.memory_space<semaphore_mem>>)
      %dma_start3A_141 = arith.constant 1 : i32
      %dma_start3A_142 = arith.constant 0 : i32
      %dma_start3A_143 = tpu.memref_slice %arg7[%dma_start3A_141, %dma_start3A_142] : memref<48x128xi32, #tpu.memory_space<vmem>> -> memref<1x128xi32, #tpu.memory_space<vmem>>
      %dma_start3A_144 = tpu.memref_squeeze %dma_start3A_143 : memref<1x128xi32, #tpu.memory_space<vmem>> -> memref<128xi32, #tpu.memory_space<vmem>>
      %dma_start3A_145 = arith.constant 0 : i32
      %dma_start3A_146 = arith.constant 0 : i32
      %dma_start3A_147 = tpu.memref_slice %arg4[%dma_start3A_145, %dma_start3A_146] : memref<10000x128xf32, #tpu.memory_space<hbm>> -> memref<10000x128xf32, #tpu.memory_space<hbm>>
      tpu.enqueue_indirect_dma source(%dma_start3A_147 : memref<10000x128xf32, #tpu.memory_space<hbm>>) target(%arg10 : memref<128x128xf32, #tpu.memory_space<vmem>>) offsets(%dma_start3A_144 : memref<128xi32, #tpu.memory_space<vmem>>) semaphore(%arg13 : memref<!tpu.dma_semaphore, #tpu.memory_space<semaphore_mem>>)
      %scan3A_148 = arith.constant 0 : i32
      %scan3A_149 = arith.constant 0 : i32
      %scan3A_150 = arith.constant 3 : i32
      %scan3A_151 = arith.addi %scan3A_149, %scan3A_150 : i32
      %scan3A_152 = arith.constant 1 : i32
      scf.for %scan3A_170 = %scan3A_149 to %scan3A_151 step %scan3A_152  : i32 {
        %mul3A_171 = arith.constant 2 : i32
        %mul3A_172 = arith.muli %mul3A_171, %scan3A_170 : i32
        %dma_wait3A_173 = arith.constant 0 : i32
        %dma_wait3A_174 = tpu.memref_slice %arg7[%mul3A_172, %dma_wait3A_173] : memref<48x128xi32, #tpu.memory_space<vmem>> -> memref<1x128xi32, #tpu.memory_space<vmem>>
        %dma_wait3A_175 = tpu.memref_squeeze %dma_wait3A_174 : memref<1x128xi32, #tpu.memory_space<vmem>> -> memref<128xi32, #tpu.memory_space<vmem>>
        %dma_wait3A_176 = arith.constant 0 : i32
        %dma_wait3A_177 = arith.constant 0 : i32
        %dma_wait3A_178 = tpu.memref_slice %arg4[%dma_wait3A_176, %dma_wait3A_177] : memref<10000x128xf32, #tpu.memory_space<hbm>> -> memref<10000x128xf32, #tpu.memory_space<hbm>>
        tpu.wait_indirect_dma semaphore(%arg12 : memref<!tpu.dma_semaphore, #tpu.memory_space<semaphore_mem>>) src(%dma_wait3A_178 : memref<10000x128xf32, #tpu.memory_space<hbm>>) dst(%arg9 : memref<128x128xf32, #tpu.memory_space<vmem>>)
        "tpu.region"() ({
          %run_scoped3A_205 = tpu.sem_alloc : memref<!tpu.dma_semaphore, #tpu.memory_space<semaphore_mem>>
          %dma_start3A_206 = arith.constant 0 : i32
          %dma_start3A_207 = tpu.memref_slice %arg8[%mul3A_172, %dma_start3A_206] : memref<48x128xi32, #tpu.memory_space<vmem>> -> memref<1x128xi32, #tpu.memory_space<vmem>>
          %dma_start3A_208 = tpu.memref_squeeze %dma_start3A_207 : memref<1x128xi32, #tpu.memory_space<vmem>> -> memref<128xi32, #tpu.memory_space<vmem>>
          %dma_start3A_209 = arith.constant 0 : i32
          %dma_start3A_210 = arith.constant 0 : i32
          %dma_start3A_211 = tpu.memref_slice %arg11[%dma_start3A_209, %dma_start3A_210] : memref<10112x128xf32, #tpu.memory_space<vmem_shared>> -> memref<10112x128xf32, #tpu.memory_space<vmem_shared>>
          tpu.enqueue_indirect_dma source(%arg9 : memref<128x128xf32, #tpu.memory_space<vmem>>) target(%dma_start3A_211 : memref<10112x128xf32, #tpu.memory_space<vmem_shared>>) offsets(%dma_start3A_208 : memref<128xi32, #tpu.memory_space<vmem>>) semaphore(%run_scoped3A_205 : memref<!tpu.dma_semaphore, #tpu.memory_space<semaphore_mem>>) {add = true}
          %dma_wait3A_212 = arith.constant 0 : i32
          %dma_wait3A_213 = tpu.memref_slice %arg8[%mul3A_172, %dma_wait3A_212] : memref<48x128xi32, #tpu.memory_space<vmem>> -> memref<1x128xi32, #tpu.memory_space<vmem>>
          %dma_wait3A_214 = tpu.memref_squeeze %dma_wait3A_213 : memref<1x128xi32, #tpu.memory_space<vmem>> -> memref<128xi32, #tpu.memory_space<vmem>>
          %dma_wait3A_215 = arith.constant 0 : i32
          %dma_wait3A_216 = arith.constant 0 : i32
          %dma_wait3A_217 = tpu.memref_slice %arg11[%dma_wait3A_215, %dma_wait3A_216] : memref<10112x128xf32, #tpu.memory_space<vmem_shared>> -> memref<10112x128xf32, #tpu.memory_space<vmem_shared>>
          tpu.wait_indirect_dma semaphore(%run_scoped3A_205 : memref<!tpu.dma_semaphore, #tpu.memory_space<semaphore_mem>>) src(%arg9 : memref<128x128xf32, #tpu.memory_space<vmem>>) dst(%dma_wait3A_217 : memref<10112x128xf32, #tpu.memory_space<vmem_shared>>)
          tpu.yield
        }) : () -> ()
        %add3A_179 = arith.constant 2 : i32
        %add3A_180 = arith.addi %mul3A_172, %add3A_179 : i32
        %dma_start3A_181 = arith.constant 0 : i32
        %dma_start3A_182 = tpu.memref_slice %arg7[%add3A_180, %dma_start3A_181] : memref<48x128xi32, #tpu.memory_space<vmem>> -> memref<1x128xi32, #tpu.memory_space<vmem>>
        %dma_start3A_183 = tpu.memref_squeeze %dma_start3A_182 : memref<1x128xi32, #tpu.memory_space<vmem>> -> memref<128xi32, #tpu.memory_space<vmem>>
        %dma_start3A_184 = arith.constant 0 : i32
        %dma_start3A_185 = arith.constant 0 : i32
        %dma_start3A_186 = tpu.memref_slice %arg4[%dma_start3A_184, %dma_start3A_185] : memref<10000x128xf32, #tpu.memory_space<hbm>> -> memref<10000x128xf32, #tpu.memory_space<hbm>>
        tpu.enqueue_indirect_dma source(%dma_start3A_186 : memref<10000x128xf32, #tpu.memory_space<hbm>>) target(%arg9 : memref<128x128xf32, #tpu.memory_space<vmem>>) offsets(%dma_start3A_183 : memref<128xi32, #tpu.memory_space<vmem>>) semaphore(%arg12 : memref<!tpu.dma_semaphore, #tpu.memory_space<semaphore_mem>>)
        %add3A_187 = arith.constant 1 : i32
        %add3A_188 = arith.addi %mul3A_172, %add3A_187 : i32
        %dma_wait3A_189 = arith.constant 0 : i32
        %dma_wait3A_190 = tpu.memref_slice %arg7[%add3A_188, %dma_wait3A_189] : memref<48x128xi32, #tpu.memory_space<vmem>> -> memref<1x128xi32, #tpu.memory_space<vmem>>
        %dma_wait3A_191 = tpu.memref_squeeze %dma_wait3A_190 : memref<1x128xi32, #tpu.memory_space<vmem>> -> memref<128xi32, #tpu.memory_space<vmem>>
        %dma_wait3A_192 = arith.constant 0 : i32
        %dma_wait3A_193 = arith.constant 0 : i32
        %dma_wait3A_194 = tpu.memref_slice %arg4[%dma_wait3A_192, %dma_wait3A_193] : memref<10000x128xf32, #tpu.memory_space<hbm>> -> memref<10000x128xf32, #tpu.memory_space<hbm>>
        tpu.wait_indirect_dma semaphore(%arg13 : memref<!tpu.dma_semaphore, #tpu.memory_space<semaphore_mem>>) src(%dma_wait3A_194 : memref<10000x128xf32, #tpu.memory_space<hbm>>) dst(%arg10 : memref<128x128xf32, #tpu.memory_space<vmem>>)
        %add3A_195 = arith.constant 1 : i32
        %add3A_196 = arith.addi %mul3A_172, %add3A_195 : i32
        "tpu.region"() ({
          %run_scoped3A_205 = tpu.sem_alloc : memref<!tpu.dma_semaphore, #tpu.memory_space<semaphore_mem>>
          %dma_start3A_206 = arith.constant 0 : i32
          %dma_start3A_207 = tpu.memref_slice %arg8[%add3A_196, %dma_start3A_206] : memref<48x128xi32, #tpu.memory_space<vmem>> -> memref<1x128xi32, #tpu.memory_space<vmem>>
          %dma_start3A_208 = tpu.memref_squeeze %dma_start3A_207 : memref<1x128xi32, #tpu.memory_space<vmem>> -> memref<128xi32, #tpu.memory_space<vmem>>
          %dma_start3A_209 = arith.constant 0 : i32
          %dma_start3A_210 = arith.constant 0 : i32
          %dma_start3A_211 = tpu.memref_slice %arg11[%dma_start3A_209, %dma_start3A_210] : memref<10112x128xf32, #tpu.memory_space<vmem_shared>> -> memref<10112x128xf32, #tpu.memory_space<vmem_shared>>
          tpu.enqueue_indirect_dma source(%arg10 : memref<128x128xf32, #tpu.memory_space<vmem>>) target(%dma_start3A_211 : memref<10112x128xf32, #tpu.memory_space<vmem_shared>>) offsets(%dma_start3A_208 : memref<128xi32, #tpu.memory_space<vmem>>) semaphore(%run_scoped3A_205 : memref<!tpu.dma_semaphore, #tpu.memory_space<semaphore_mem>>) {add = true}
          %dma_wait3A_212 = arith.constant 0 : i32
          %dma_wait3A_213 = tpu.memref_slice %arg8[%add3A_196, %dma_wait3A_212] : memref<48x128xi32, #tpu.memory_space<vmem>> -> memref<1x128xi32, #tpu.memory_space<vmem>>
          %dma_wait3A_214 = tpu.memref_squeeze %dma_wait3A_213 : memref<1x128xi32, #tpu.memory_space<vmem>> -> memref<128xi32, #tpu.memory_space<vmem>>
          %dma_wait3A_215 = arith.constant 0 : i32
          %dma_wait3A_216 = arith.constant 0 : i32
          %dma_wait3A_217 = tpu.memref_slice %arg11[%dma_wait3A_215, %dma_wait3A_216] : memref<10112x128xf32, #tpu.memory_space<vmem_shared>> -> memref<10112x128xf32, #tpu.memory_space<vmem_shared>>
          tpu.wait_indirect_dma semaphore(%run_scoped3A_205 : memref<!tpu.dma_semaphore, #tpu.memory_space<semaphore_mem>>) src(%arg10 : memref<128x128xf32, #tpu.memory_space<vmem>>) dst(%dma_wait3A_217 : memref<10112x128xf32, #tpu.memory_space<vmem_shared>>)
          tpu.yield
        }) : () -> ()
        %add3A_197 = arith.constant 3 : i32
        %add3A_198 = arith.addi %mul3A_172, %add3A_197 : i32
        %dma_start3A_199 = arith.constant 0 : i32
        %dma_start3A_200 = tpu.memref_slice %arg7[%add3A_198, %dma_start3A_199] : memref<48x128xi32, #tpu.memory_space<vmem>> -> memref<1x128xi32, #tpu.memory_space<vmem>>
        %dma_start3A_201 = tpu.memref_squeeze %dma_start3A_200 : memref<1x128xi32, #tpu.memory_space<vmem>> -> memref<128xi32, #tpu.memory_space<vmem>>
        %dma_start3A_202 = arith.constant 0 : i32
        %dma_start3A_203 = arith.constant 0 : i32
        %dma_start3A_204 = tpu.memref_slice %arg4[%dma_start3A_202, %dma_start3A_203] : memref<10000x128xf32, #tpu.memory_space<hbm>> -> memref<10000x128xf32, #tpu.memory_space<hbm>>
        tpu.enqueue_indirect_dma source(%dma_start3A_204 : memref<10000x128xf32, #tpu.memory_space<hbm>>) target(%arg10 : memref<128x128xf32, #tpu.memory_space<vmem>>) offsets(%dma_start3A_201 : memref<128xi32, #tpu.memory_space<vmem>>) semaphore(%arg13 : memref<!tpu.dma_semaphore, #tpu.memory_space<semaphore_mem>>)
      }
      %scan3A_153 = arith.constant 3 : i32
      %dma_wait3A_154 = arith.constant 6 : i32
      %dma_wait3A_155 = arith.constant 0 : i32
      %dma_wait3A_156 = tpu.memref_slice %arg7[%dma_wait3A_154, %dma_wait3A_155] : memref<48x128xi32, #tpu.memory_space<vmem>> -> memref<1x128xi32, #tpu.memory_space<vmem>>
      %dma_wait3A_157 = tpu.memref_squeeze %dma_wait3A_156 : memref<1x128xi32, #tpu.memory_space<vmem>> -> memref<128xi32, #tpu.memory_space<vmem>>
      %dma_wait3A_158 = arith.constant 0 : i32
      %dma_wait3A_159 = arith.constant 0 : i32
      %dma_wait3A_160 = tpu.memref_slice %arg4[%dma_wait3A_158, %dma_wait3A_159] : memref<10000x128xf32, #tpu.memory_space<hbm>> -> memref<10000x128xf32, #tpu.memory_space<hbm>>
      tpu.wait_indirect_dma semaphore(%arg12 : memref<!tpu.dma_semaphore, #tpu.memory_space<semaphore_mem>>) src(%dma_wait3A_160 : memref<10000x128xf32, #tpu.memory_space<hbm>>) dst(%arg9 : memref<128x128xf32, #tpu.memory_space<vmem>>)
      %run_scoped3A_161 = arith.constant 6 : i32
      "tpu.region"() ({
        %run_scoped3A_170 = tpu.sem_alloc : memref<!tpu.dma_semaphore, #tpu.memory_space<semaphore_mem>>
        %dma_start3A_171 = arith.constant 0 : i32
        %dma_start3A_172 = tpu.memref_slice %arg8[%run_scoped3A_161, %dma_start3A_171] : memref<48x128xi32, #tpu.memory_space<vmem>> -> memref<1x128xi32, #tpu.memory_space<vmem>>
        %dma_start3A_173 = tpu.memref_squeeze %dma_start3A_172 : memref<1x128xi32, #tpu.memory_space<vmem>> -> memref<128xi32, #tpu.memory_space<vmem>>
        %dma_start3A_174 = arith.constant 0 : i32
        %dma_start3A_175 = arith.constant 0 : i32
        %dma_start3A_176 = tpu.memref_slice %arg11[%dma_start3A_174, %dma_start3A_175] : memref<10112x128xf32, #tpu.memory_space<vmem_shared>> -> memref<10112x128xf32, #tpu.memory_space<vmem_shared>>
        tpu.enqueue_indirect_dma source(%arg9 : memref<128x128xf32, #tpu.memory_space<vmem>>) target(%dma_start3A_176 : memref<10112x128xf32, #tpu.memory_space<vmem_shared>>) offsets(%dma_start3A_173 : memref<128xi32, #tpu.memory_space<vmem>>) semaphore(%run_scoped3A_170 : memref<!tpu.dma_semaphore, #tpu.memory_space<semaphore_mem>>) {add = true}
        %dma_wait3A_177 = arith.constant 0 : i32
        %dma_wait3A_178 = tpu.memref_slice %arg8[%run_scoped3A_161, %dma_wait3A_177] : memref<48x128xi32, #tpu.memory_space<vmem>> -> memref<1x128xi32, #tpu.memory_space<vmem>>
        %dma_wait3A_179 = tpu.memref_squeeze %dma_wait3A_178 : memref<1x128xi32, #tpu.memory_space<vmem>> -> memref<128xi32, #tpu.memory_space<vmem>>
        %dma_wait3A_180 = arith.constant 0 : i32
        %dma_wait3A_181 = arith.constant 0 : i32
        %dma_wait3A_182 = tpu.memref_slice %arg11[%dma_wait3A_180, %dma_wait3A_181] : memref<10112x128xf32, #tpu.memory_space<vmem_shared>> -> memref<10112x128xf32, #tpu.memory_space<vmem_shared>>
        tpu.wait_indirect_dma semaphore(%run_scoped3A_170 : memref<!tpu.dma_semaphore, #tpu.memory_space<semaphore_mem>>) src(%arg9 : memref<128x128xf32, #tpu.memory_space<vmem>>) dst(%dma_wait3A_182 : memref<10112x128xf32, #tpu.memory_space<vmem_shared>>)
        tpu.yield
      }) : () -> ()
      %dma_wait3A_162 = arith.constant 7 : i32
      %dma_wait3A_163 = arith.constant 0 : i32
      %dma_wait3A_164 = tpu.memref_slice %arg7[%dma_wait3A_162, %dma_wait3A_163] : memref<48x128xi32, #tpu.memory_space<vmem>> -> memref<1x128xi32, #tpu.memory_space<vmem>>
      %dma_wait3A_165 = tpu.memref_squeeze %dma_wait3A_164 : memref<1x128xi32, #tpu.memory_space<vmem>> -> memref<128xi32, #tpu.memory_space<vmem>>
      %dma_wait3A_166 = arith.constant 0 : i32
      %dma_wait3A_167 = arith.constant 0 : i32
      %dma_wait3A_168 = tpu.memref_slice %arg4[%dma_wait3A_166, %dma_wait3A_167] : memref<10000x128xf32, #tpu.memory_space<hbm>> -> memref<10000x128xf32, #tpu.memory_space<hbm>>
      tpu.wait_indirect_dma semaphore(%arg13 : memref<!tpu.dma_semaphore, #tpu.memory_space<semaphore_mem>>) src(%dma_wait3A_168 : memref<10000x128xf32, #tpu.memory_space<hbm>>) dst(%arg10 : memref<128x128xf32, #tpu.memory_space<vmem>>)
      %run_scoped3A_169 = arith.constant 7 : i32
      "tpu.region"() ({
        %run_scoped3A_170 = tpu.sem_alloc : memref<!tpu.dma_semaphore, #tpu.memory_space<semaphore_mem>>
        %dma_start3A_171 = arith.constant 0 : i32
        %dma_start3A_172 = tpu.memref_slice %arg8[%run_scoped3A_169, %dma_start3A_171] : memref<48x128xi32, #tpu.memory_space<vmem>> -> memref<1x128xi32, #tpu.memory_space<vmem>>
        %dma_start3A_173 = tpu.memref_squeeze %dma_start3A_172 : memref<1x128xi32, #tpu.memory_space<vmem>> -> memref<128xi32, #tpu.memory_space<vmem>>
        %dma_start3A_174 = arith.constant 0 : i32
        %dma_start3A_175 = arith.constant 0 : i32
        %dma_start3A_176 = tpu.memref_slice %arg11[%dma_start3A_174, %dma_start3A_175] : memref<10112x128xf32, #tpu.memory_space<vmem_shared>> -> memref<10112x128xf32, #tpu.memory_space<vmem_shared>>
        tpu.enqueue_indirect_dma source(%arg10 : memref<128x128xf32, #tpu.memory_space<vmem>>) target(%dma_start3A_176 : memref<10112x128xf32, #tpu.memory_space<vmem_shared>>) offsets(%dma_start3A_173 : memref<128xi32, #tpu.memory_space<vmem>>) semaphore(%run_scoped3A_170 : memref<!tpu.dma_semaphore, #tpu.memory_space<semaphore_mem>>) {add = true}
        %dma_wait3A_177 = arith.constant 0 : i32
        %dma_wait3A_178 = tpu.memref_slice %arg8[%run_scoped3A_169, %dma_wait3A_177] : memref<48x128xi32, #tpu.memory_space<vmem>> -> memref<1x128xi32, #tpu.memory_space<vmem>>
        %dma_wait3A_179 = tpu.memref_squeeze %dma_wait3A_178 : memref<1x128xi32, #tpu.memory_space<vmem>> -> memref<128xi32, #tpu.memory_space<vmem>>
        %dma_wait3A_180 = arith.constant 0 : i32
        %dma_wait3A_181 = arith.constant 0 : i32
        %dma_wait3A_182 = tpu.memref_slice %arg11[%dma_wait3A_180, %dma_wait3A_181] : memref<10112x128xf32, #tpu.memory_space<vmem_shared>> -> memref<10112x128xf32, #tpu.memory_space<vmem_shared>>
        tpu.wait_indirect_dma semaphore(%run_scoped3A_170 : memref<!tpu.dma_semaphore, #tpu.memory_space<semaphore_mem>>) src(%arg10 : memref<128x128xf32, #tpu.memory_space<vmem>>) dst(%dma_wait3A_182 : memref<10112x128xf32, #tpu.memory_space<vmem_shared>>)
        tpu.yield
      }) : () -> ()
    } else {
    }
    %eq3A_5 = arith.constant 1 : i32
    %eq3A_6 = arith.cmpi eq, %arg0, %eq3A_5 : i32
    %convert_element_type3A_7 = arith.extui %eq3A_6 : i1 to i32
    %cond3A_8 = arith.constant 0 : i32
    %cond3A_9 = arith.cmpi ne, %convert_element_type3A_7, %cond3A_8 : i32
    scf.if %cond3A_9 {
      %mul3A_15 = arith.constant 8 : i32
      %mul3A_16 = arith.muli %arg1, %mul3A_15 : i32
      %add3A = arith.constant 2432 : i32
      %add3A_17 = arith.addi %add3A, %mul3A_16 : i32
      "tpu.region"() ({
        %run_scoped3A_50 = tpu.sem_alloc : memref<!tpu.dma_semaphore, #tpu.memory_space<semaphore_mem>>
        %dma_start3A_51 = arith.constant 0 : i32
        %dma_start3A_52 = arith.constant 0 : i32
        %dma_start3A_53 = tpu.memref_slice %arg7[%dma_start3A_51, %dma_start3A_52] : memref<48x128xi32, #tpu.memory_space<vmem>> -> memref<8x128xi32, #tpu.memory_space<vmem>>
        %dma_start3A_54 = arith.constant 0 : i32
        %dma_start3A_55 = tpu.memref_slice %arg2[%add3A_17, %dma_start3A_54] : memref<2560x128xi32, #tpu.memory_space<hbm>> -> memref<8x128xi32, #tpu.memory_space<hbm>>
        %dma_start3A_56 = arith.constant 0 : i32
        %dma_start3A_57 = arith.constant 0 : i32
        %dma_start3A_58 = tpu.memref_slice %arg7[%dma_start3A_56, %dma_start3A_57] : memref<48x128xi32, #tpu.memory_space<vmem>> -> memref<8x128xi32, #tpu.memory_space<vmem>>
        %dma_start3A_59 = arith.constant 0 : i32
        %dma_start3A_60 = tpu.memref_slice %arg2[%add3A_17, %dma_start3A_59] : memref<2560x128xi32, #tpu.memory_space<hbm>> -> memref<8x128xi32, #tpu.memory_space<hbm>>
        tpu.enqueue_dma source(%dma_start3A_60 : memref<8x128xi32, #tpu.memory_space<hbm>>) target(%dma_start3A_58 : memref<8x128xi32, #tpu.memory_space<vmem>>) target_semaphore(%run_scoped3A_50 : memref<!tpu.dma_semaphore, #tpu.memory_space<semaphore_mem>>)
        %dma_wait3A_61 = arith.constant 0 : i32
        %dma_wait3A_62 = arith.constant 0 : i32
        %dma_wait3A_63 = tpu.memref_slice %arg7[%dma_wait3A_61, %dma_wait3A_62] : memref<48x128xi32, #tpu.memory_space<vmem>> -> memref<8x128xi32, #tpu.memory_space<vmem>>
        %dma_wait3A_64 = arith.constant 0 : i32
        %dma_wait3A_65 = tpu.memref_slice %arg2[%add3A_17, %dma_wait3A_64] : memref<2560x128xi32, #tpu.memory_space<hbm>> -> memref<8x128xi32, #tpu.memory_space<hbm>>
        %dma_wait3A_66 = arith.constant 0 : i32
        %dma_wait3A_67 = arith.constant 0 : i32
        %dma_wait3A_68 = tpu.memref_slice %arg7[%dma_wait3A_66, %dma_wait3A_67] : memref<48x128xi32, #tpu.memory_space<vmem>> -> memref<8x128xi32, #tpu.memory_space<vmem>>
        %dma_wait3A_69 = arith.constant 0 : i32
        %dma_wait3A_70 = tpu.memref_slice %arg2[%add3A_17, %dma_wait3A_69] : memref<2560x128xi32, #tpu.memory_space<hbm>> -> memref<8x128xi32, #tpu.memory_space<hbm>>
        tpu.wait_dma2 semaphore(%run_scoped3A_50 : memref<!tpu.dma_semaphore, #tpu.memory_space<semaphore_mem>>) src(%dma_wait3A_70 : memref<8x128xi32, #tpu.memory_space<hbm>>) dst(%dma_wait3A_68 : memref<8x128xi32, #tpu.memory_space<vmem>>)
        tpu.yield
      }) : () -> ()
      "tpu.region"() ({
        %run_scoped3A_50 = tpu.sem_alloc : memref<!tpu.dma_semaphore, #tpu.memory_space<semaphore_mem>>
        %dma_start3A_51 = arith.constant 0 : i32
        %dma_start3A_52 = arith.constant 0 : i32
        %dma_start3A_53 = tpu.memref_slice %arg8[%dma_start3A_51, %dma_start3A_52] : memref<48x128xi32, #tpu.memory_space<vmem>> -> memref<8x128xi32, #tpu.memory_space<vmem>>
        %dma_start3A_54 = arith.constant 0 : i32
        %dma_start3A_55 = tpu.memref_slice %arg3[%add3A_17, %dma_start3A_54] : memref<2560x128xi32, #tpu.memory_space<hbm>> -> memref<8x128xi32, #tpu.memory_space<hbm>>
        %dma_start3A_56 = arith.constant 0 : i32
        %dma_start3A_57 = arith.constant 0 : i32
        %dma_start3A_58 = tpu.memref_slice %arg8[%dma_start3A_56, %dma_start3A_57] : memref<48x128xi32, #tpu.memory_space<vmem>> -> memref<8x128xi32, #tpu.memory_space<vmem>>
        %dma_start3A_59 = arith.constant 0 : i32
        %dma_start3A_60 = tpu.memref_slice %arg3[%add3A_17, %dma_start3A_59] : memref<2560x128xi32, #tpu.memory_space<hbm>> -> memref<8x128xi32, #tpu.memory_space<hbm>>
        tpu.enqueue_dma source(%dma_start3A_60 : memref<8x128xi32, #tpu.memory_space<hbm>>) target(%dma_start3A_58 : memref<8x128xi32, #tpu.memory_space<vmem>>) target_semaphore(%run_scoped3A_50 : memref<!tpu.dma_semaphore, #tpu.memory_space<semaphore_mem>>)
        %dma_wait3A_61 = arith.constant 0 : i32
        %dma_wait3A_62 = arith.constant 0 : i32
        %dma_wait3A_63 = tpu.memref_slice %arg8[%dma_wait3A_61, %dma_wait3A_62] : memref<48x128xi32, #tpu.memory_space<vmem>> -> memref<8x128xi32, #tpu.memory_space<vmem>>
        %dma_wait3A_64 = arith.constant 0 : i32
        %dma_wait3A_65 = tpu.memref_slice %arg3[%add3A_17, %dma_wait3A_64] : memref<2560x128xi32, #tpu.memory_space<hbm>> -> memref<8x128xi32, #tpu.memory_space<hbm>>
        %dma_wait3A_66 = arith.constant 0 : i32
        %dma_wait3A_67 = arith.constant 0 : i32
        %dma_wait3A_68 = tpu.memref_slice %arg8[%dma_wait3A_66, %dma_wait3A_67] : memref<48x128xi32, #tpu.memory_space<vmem>> -> memref<8x128xi32, #tpu.memory_space<vmem>>
        %dma_wait3A_69 = arith.constant 0 : i32
        %dma_wait3A_70 = tpu.memref_slice %arg3[%add3A_17, %dma_wait3A_69] : memref<2560x128xi32, #tpu.memory_space<hbm>> -> memref<8x128xi32, #tpu.memory_space<hbm>>
        tpu.wait_dma2 semaphore(%run_scoped3A_50 : memref<!tpu.dma_semaphore, #tpu.memory_space<semaphore_mem>>) src(%dma_wait3A_70 : memref<8x128xi32, #tpu.memory_space<hbm>>) dst(%dma_wait3A_68 : memref<8x128xi32, #tpu.memory_space<vmem>>)
        tpu.yield
      }) : () -> ()
      %dma_start3A = arith.constant 0 : i32
      %dma_start3A_18 = arith.constant 0 : i32
      %dma_start3A_19 = tpu.memref_slice %arg7[%dma_start3A, %dma_start3A_18] : memref<48x128xi32, #tpu.memory_space<vmem>> -> memref<1x128xi32, #tpu.memory_space<vmem>>
      %dma_start3A_20 = tpu.memref_squeeze %dma_start3A_19 : memref<1x128xi32, #tpu.memory_space<vmem>> -> memref<128xi32, #tpu.memory_space<vmem>>
      %dma_start3A_21 = arith.constant 0 : i32
      %dma_start3A_22 = arith.constant 0 : i32
      %dma_start3A_23 = tpu.memref_slice %arg4[%dma_start3A_21, %dma_start3A_22] : memref<10000x128xf32, #tpu.memory_space<hbm>> -> memref<10000x128xf32, #tpu.memory_space<hbm>>
      tpu.enqueue_indirect_dma source(%dma_start3A_23 : memref<10000x128xf32, #tpu.memory_space<hbm>>) target(%arg9 : memref<128x128xf32, #tpu.memory_space<vmem>>) offsets(%dma_start3A_20 : memref<128xi32, #tpu.memory_space<vmem>>) semaphore(%arg12 : memref<!tpu.dma_semaphore, #tpu.memory_space<semaphore_mem>>)
      %dma_start3A_24 = arith.constant 1 : i32
      %dma_start3A_25 = arith.constant 0 : i32
      %dma_start3A_26 = tpu.memref_slice %arg7[%dma_start3A_24, %dma_start3A_25] : memref<48x128xi32, #tpu.memory_space<vmem>> -> memref<1x128xi32, #tpu.memory_space<vmem>>
      %dma_start3A_27 = tpu.memref_squeeze %dma_start3A_26 : memref<1x128xi32, #tpu.memory_space<vmem>> -> memref<128xi32, #tpu.memory_space<vmem>>
      %dma_start3A_28 = arith.constant 0 : i32
      %dma_start3A_29 = arith.constant 0 : i32
      %dma_start3A_30 = tpu.memref_slice %arg4[%dma_start3A_28, %dma_start3A_29] : memref<10000x128xf32, #tpu.memory_space<hbm>> -> memref<10000x128xf32, #tpu.memory_space<hbm>>
      tpu.enqueue_indirect_dma source(%dma_start3A_30 : memref<10000x128xf32, #tpu.memory_space<hbm>>) target(%arg10 : memref<128x128xf32, #tpu.memory_space<vmem>>) offsets(%dma_start3A_27 : memref<128xi32, #tpu.memory_space<vmem>>) semaphore(%arg13 : memref<!tpu.dma_semaphore, #tpu.memory_space<semaphore_mem>>)
      %scan3A = arith.constant 0 : i32
      %scan3A_31 = arith.constant 0 : i32
      %scan3A_32 = arith.constant 3 : i32
      %scan3A_33 = arith.addi %scan3A_31, %scan3A_32 : i32
      %scan3A_34 = arith.constant 1 : i32
      scf.for %scan3A_50 = %scan3A_31 to %scan3A_33 step %scan3A_34  : i32 {
        %mul3A_51 = arith.constant 2 : i32
        %mul3A_52 = arith.muli %mul3A_51, %scan3A_50 : i32
        %dma_wait3A_53 = arith.constant 0 : i32
        %dma_wait3A_54 = tpu.memref_slice %arg7[%mul3A_52, %dma_wait3A_53] : memref<48x128xi32, #tpu.memory_space<vmem>> -> memref<1x128xi32, #tpu.memory_space<vmem>>
        %dma_wait3A_55 = tpu.memref_squeeze %dma_wait3A_54 : memref<1x128xi32, #tpu.memory_space<vmem>> -> memref<128xi32, #tpu.memory_space<vmem>>
        %dma_wait3A_56 = arith.constant 0 : i32
        %dma_wait3A_57 = arith.constant 0 : i32
        %dma_wait3A_58 = tpu.memref_slice %arg4[%dma_wait3A_56, %dma_wait3A_57] : memref<10000x128xf32, #tpu.memory_space<hbm>> -> memref<10000x128xf32, #tpu.memory_space<hbm>>
        tpu.wait_indirect_dma semaphore(%arg12 : memref<!tpu.dma_semaphore, #tpu.memory_space<semaphore_mem>>) src(%dma_wait3A_58 : memref<10000x128xf32, #tpu.memory_space<hbm>>) dst(%arg9 : memref<128x128xf32, #tpu.memory_space<vmem>>)
        "tpu.region"() ({
          %run_scoped3A_85 = tpu.sem_alloc : memref<!tpu.dma_semaphore, #tpu.memory_space<semaphore_mem>>
          %dma_start3A_86 = arith.constant 0 : i32
          %dma_start3A_87 = tpu.memref_slice %arg8[%mul3A_52, %dma_start3A_86] : memref<48x128xi32, #tpu.memory_space<vmem>> -> memref<1x128xi32, #tpu.memory_space<vmem>>
          %dma_start3A_88 = tpu.memref_squeeze %dma_start3A_87 : memref<1x128xi32, #tpu.memory_space<vmem>> -> memref<128xi32, #tpu.memory_space<vmem>>
          %dma_start3A_89 = arith.constant 0 : i32
          %dma_start3A_90 = arith.constant 0 : i32
          %dma_start3A_91 = tpu.memref_slice %arg11[%dma_start3A_89, %dma_start3A_90] : memref<10112x128xf32, #tpu.memory_space<vmem_shared>> -> memref<10112x128xf32, #tpu.memory_space<vmem_shared>>
          tpu.enqueue_indirect_dma source(%arg9 : memref<128x128xf32, #tpu.memory_space<vmem>>) target(%dma_start3A_91 : memref<10112x128xf32, #tpu.memory_space<vmem_shared>>) offsets(%dma_start3A_88 : memref<128xi32, #tpu.memory_space<vmem>>) semaphore(%run_scoped3A_85 : memref<!tpu.dma_semaphore, #tpu.memory_space<semaphore_mem>>) {add = true}
          %dma_wait3A_92 = arith.constant 0 : i32
          %dma_wait3A_93 = tpu.memref_slice %arg8[%mul3A_52, %dma_wait3A_92] : memref<48x128xi32, #tpu.memory_space<vmem>> -> memref<1x128xi32, #tpu.memory_space<vmem>>
          %dma_wait3A_94 = tpu.memref_squeeze %dma_wait3A_93 : memref<1x128xi32, #tpu.memory_space<vmem>> -> memref<128xi32, #tpu.memory_space<vmem>>
          %dma_wait3A_95 = arith.constant 0 : i32
          %dma_wait3A_96 = arith.constant 0 : i32
          %dma_wait3A_97 = tpu.memref_slice %arg11[%dma_wait3A_95, %dma_wait3A_96] : memref<10112x128xf32, #tpu.memory_space<vmem_shared>> -> memref<10112x128xf32, #tpu.memory_space<vmem_shared>>
          tpu.wait_indirect_dma semaphore(%run_scoped3A_85 : memref<!tpu.dma_semaphore, #tpu.memory_space<semaphore_mem>>) src(%arg9 : memref<128x128xf32, #tpu.memory_space<vmem>>) dst(%dma_wait3A_97 : memref<10112x128xf32, #tpu.memory_space<vmem_shared>>)
          tpu.yield
        }) : () -> ()
        %add3A_59 = arith.constant 2 : i32
        %add3A_60 = arith.addi %mul3A_52, %add3A_59 : i32
        %dma_start3A_61 = arith.constant 0 : i32
        %dma_start3A_62 = tpu.memref_slice %arg7[%add3A_60, %dma_start3A_61] : memref<48x128xi32, #tpu.memory_space<vmem>> -> memref<1x128xi32, #tpu.memory_space<vmem>>
        %dma_start3A_63 = tpu.memref_squeeze %dma_start3A_62 : memref<1x128xi32, #tpu.memory_space<vmem>> -> memref<128xi32, #tpu.memory_space<vmem>>
        %dma_start3A_64 = arith.constant 0 : i32
        %dma_start3A_65 = arith.constant 0 : i32
        %dma_start3A_66 = tpu.memref_slice %arg4[%dma_start3A_64, %dma_start3A_65] : memref<10000x128xf32, #tpu.memory_space<hbm>> -> memref<10000x128xf32, #tpu.memory_space<hbm>>
        tpu.enqueue_indirect_dma source(%dma_start3A_66 : memref<10000x128xf32, #tpu.memory_space<hbm>>) target(%arg9 : memref<128x128xf32, #tpu.memory_space<vmem>>) offsets(%dma_start3A_63 : memref<128xi32, #tpu.memory_space<vmem>>) semaphore(%arg12 : memref<!tpu.dma_semaphore, #tpu.memory_space<semaphore_mem>>)
        %add3A_67 = arith.constant 1 : i32
        %add3A_68 = arith.addi %mul3A_52, %add3A_67 : i32
        %dma_wait3A_69 = arith.constant 0 : i32
        %dma_wait3A_70 = tpu.memref_slice %arg7[%add3A_68, %dma_wait3A_69] : memref<48x128xi32, #tpu.memory_space<vmem>> -> memref<1x128xi32, #tpu.memory_space<vmem>>
        %dma_wait3A_71 = tpu.memref_squeeze %dma_wait3A_70 : memref<1x128xi32, #tpu.memory_space<vmem>> -> memref<128xi32, #tpu.memory_space<vmem>>
        %dma_wait3A_72 = arith.constant 0 : i32
        %dma_wait3A_73 = arith.constant 0 : i32
        %dma_wait3A_74 = tpu.memref_slice %arg4[%dma_wait3A_72, %dma_wait3A_73] : memref<10000x128xf32, #tpu.memory_space<hbm>> -> memref<10000x128xf32, #tpu.memory_space<hbm>>
        tpu.wait_indirect_dma semaphore(%arg13 : memref<!tpu.dma_semaphore, #tpu.memory_space<semaphore_mem>>) src(%dma_wait3A_74 : memref<10000x128xf32, #tpu.memory_space<hbm>>) dst(%arg10 : memref<128x128xf32, #tpu.memory_space<vmem>>)
        %add3A_75 = arith.constant 1 : i32
        %add3A_76 = arith.addi %mul3A_52, %add3A_75 : i32
        "tpu.region"() ({
          %run_scoped3A_85 = tpu.sem_alloc : memref<!tpu.dma_semaphore, #tpu.memory_space<semaphore_mem>>
          %dma_start3A_86 = arith.constant 0 : i32
          %dma_start3A_87 = tpu.memref_slice %arg8[%add3A_76, %dma_start3A_86] : memref<48x128xi32, #tpu.memory_space<vmem>> -> memref<1x128xi32, #tpu.memory_space<vmem>>
          %dma_start3A_88 = tpu.memref_squeeze %dma_start3A_87 : memref<1x128xi32, #tpu.memory_space<vmem>> -> memref<128xi32, #tpu.memory_space<vmem>>
          %dma_start3A_89 = arith.constant 0 : i32
          %dma_start3A_90 = arith.constant 0 : i32
          %dma_start3A_91 = tpu.memref_slice %arg11[%dma_start3A_89, %dma_start3A_90] : memref<10112x128xf32, #tpu.memory_space<vmem_shared>> -> memref<10112x128xf32, #tpu.memory_space<vmem_shared>>
          tpu.enqueue_indirect_dma source(%arg10 : memref<128x128xf32, #tpu.memory_space<vmem>>) target(%dma_start3A_91 : memref<10112x128xf32, #tpu.memory_space<vmem_shared>>) offsets(%dma_start3A_88 : memref<128xi32, #tpu.memory_space<vmem>>) semaphore(%run_scoped3A_85 : memref<!tpu.dma_semaphore, #tpu.memory_space<semaphore_mem>>) {add = true}
          %dma_wait3A_92 = arith.constant 0 : i32
          %dma_wait3A_93 = tpu.memref_slice %arg8[%add3A_76, %dma_wait3A_92] : memref<48x128xi32, #tpu.memory_space<vmem>> -> memref<1x128xi32, #tpu.memory_space<vmem>>
          %dma_wait3A_94 = tpu.memref_squeeze %dma_wait3A_93 : memref<1x128xi32, #tpu.memory_space<vmem>> -> memref<128xi32, #tpu.memory_space<vmem>>
          %dma_wait3A_95 = arith.constant 0 : i32
          %dma_wait3A_96 = arith.constant 0 : i32
          %dma_wait3A_97 = tpu.memref_slice %arg11[%dma_wait3A_95, %dma_wait3A_96] : memref<10112x128xf32, #tpu.memory_space<vmem_shared>> -> memref<10112x128xf32, #tpu.memory_space<vmem_shared>>
          tpu.wait_indirect_dma semaphore(%run_scoped3A_85 : memref<!tpu.dma_semaphore, #tpu.memory_space<semaphore_mem>>) src(%arg10 : memref<128x128xf32, #tpu.memory_space<vmem>>) dst(%dma_wait3A_97 : memref<10112x128xf32, #tpu.memory_space<vmem_shared>>)
          tpu.yield
        }) : () -> ()
        %add3A_77 = arith.constant 3 : i32
        %add3A_78 = arith.addi %mul3A_52, %add3A_77 : i32
        %dma_start3A_79 = arith.constant 0 : i32
        %dma_start3A_80 = tpu.memref_slice %arg7[%add3A_78, %dma_start3A_79] : memref<48x128xi32, #tpu.memory_space<vmem>> -> memref<1x128xi32, #tpu.memory_space<vmem>>
        %dma_start3A_81 = tpu.memref_squeeze %dma_start3A_80 : memref<1x128xi32, #tpu.memory_space<vmem>> -> memref<128xi32, #tpu.memory_space<vmem>>
        %dma_start3A_82 = arith.constant 0 : i32
        %dma_start3A_83 = arith.constant 0 : i32
        %dma_start3A_84 = tpu.memref_slice %arg4[%dma_start3A_82, %dma_start3A_83] : memref<10000x128xf32, #tpu.memory_space<hbm>> -> memref<10000x128xf32, #tpu.memory_space<hbm>>
        tpu.enqueue_indirect_dma source(%dma_start3A_84 : memref<10000x128xf32, #tpu.memory_space<hbm>>) target(%arg10 : memref<128x128xf32, #tpu.memory_space<vmem>>) offsets(%dma_start3A_81 : memref<128xi32, #tpu.memory_space<vmem>>) semaphore(%arg13 : memref<!tpu.dma_semaphore, #tpu.memory_space<semaphore_mem>>)
      }
      %scan3A_35 = arith.constant 3 : i32
      %dma_wait3A = arith.constant 6 : i32
      %dma_wait3A_36 = arith.constant 0 : i32
      %dma_wait3A_37 = tpu.memref_slice %arg7[%dma_wait3A, %dma_wait3A_36] : memref<48x128xi32, #tpu.memory_space<vmem>> -> memref<1x128xi32, #tpu.memory_space<vmem>>
      %dma_wait3A_38 = tpu.memref_squeeze %dma_wait3A_37 : memref<1x128xi32, #tpu.memory_space<vmem>> -> memref<128xi32, #tpu.memory_space<vmem>>
      %dma_wait3A_39 = arith.constant 0 : i32
      %dma_wait3A_40 = arith.constant 0 : i32
      %dma_wait3A_41 = tpu.memref_slice %arg4[%dma_wait3A_39, %dma_wait3A_40] : memref<10000x128xf32, #tpu.memory_space<hbm>> -> memref<10000x128xf32, #tpu.memory_space<hbm>>
      tpu.wait_indirect_dma semaphore(%arg12 : memref<!tpu.dma_semaphore, #tpu.memory_space<semaphore_mem>>) src(%dma_wait3A_41 : memref<10000x128xf32, #tpu.memory_space<hbm>>) dst(%arg9 : memref<128x128xf32, #tpu.memory_space<vmem>>)
      %run_scoped3A = arith.constant 6 : i32
      "tpu.region"() ({
        %run_scoped3A_50 = tpu.sem_alloc : memref<!tpu.dma_semaphore, #tpu.memory_space<semaphore_mem>>
        %dma_start3A_51 = arith.constant 0 : i32
        %dma_start3A_52 = tpu.memref_slice %arg8[%run_scoped3A, %dma_start3A_51] : memref<48x128xi32, #tpu.memory_space<vmem>> -> memref<1x128xi32, #tpu.memory_space<vmem>>
        %dma_start3A_53 = tpu.memref_squeeze %dma_start3A_52 : memref<1x128xi32, #tpu.memory_space<vmem>> -> memref<128xi32, #tpu.memory_space<vmem>>
        %dma_start3A_54 = arith.constant 0 : i32
        %dma_start3A_55 = arith.constant 0 : i32
        %dma_start3A_56 = tpu.memref_slice %arg11[%dma_start3A_54, %dma_start3A_55] : memref<10112x128xf32, #tpu.memory_space<vmem_shared>> -> memref<10112x128xf32, #tpu.memory_space<vmem_shared>>
        tpu.enqueue_indirect_dma source(%arg9 : memref<128x128xf32, #tpu.memory_space<vmem>>) target(%dma_start3A_56 : memref<10112x128xf32, #tpu.memory_space<vmem_shared>>) offsets(%dma_start3A_53 : memref<128xi32, #tpu.memory_space<vmem>>) semaphore(%run_scoped3A_50 : memref<!tpu.dma_semaphore, #tpu.memory_space<semaphore_mem>>) {add = true}
        %dma_wait3A_57 = arith.constant 0 : i32
        %dma_wait3A_58 = tpu.memref_slice %arg8[%run_scoped3A, %dma_wait3A_57] : memref<48x128xi32, #tpu.memory_space<vmem>> -> memref<1x128xi32, #tpu.memory_space<vmem>>
        %dma_wait3A_59 = tpu.memref_squeeze %dma_wait3A_58 : memref<1x128xi32, #tpu.memory_space<vmem>> -> memref<128xi32, #tpu.memory_space<vmem>>
        %dma_wait3A_60 = arith.constant 0 : i32
        %dma_wait3A_61 = arith.constant 0 : i32
        %dma_wait3A_62 = tpu.memref_slice %arg11[%dma_wait3A_60, %dma_wait3A_61] : memref<10112x128xf32, #tpu.memory_space<vmem_shared>> -> memref<10112x128xf32, #tpu.memory_space<vmem_shared>>
        tpu.wait_indirect_dma semaphore(%run_scoped3A_50 : memref<!tpu.dma_semaphore, #tpu.memory_space<semaphore_mem>>) src(%arg9 : memref<128x128xf32, #tpu.memory_space<vmem>>) dst(%dma_wait3A_62 : memref<10112x128xf32, #tpu.memory_space<vmem_shared>>)
        tpu.yield
      }) : () -> ()
      %dma_wait3A_42 = arith.constant 7 : i32
      %dma_wait3A_43 = arith.constant 0 : i32
      %dma_wait3A_44 = tpu.memref_slice %arg7[%dma_wait3A_42, %dma_wait3A_43] : memref<48x128xi32, #tpu.memory_space<vmem>> -> memref<1x128xi32, #tpu.memory_space<vmem>>
      %dma_wait3A_45 = tpu.memref_squeeze %dma_wait3A_44 : memref<1x128xi32, #tpu.memory_space<vmem>> -> memref<128xi32, #tpu.memory_space<vmem>>
      %dma_wait3A_46 = arith.constant 0 : i32
      %dma_wait3A_47 = arith.constant 0 : i32
      %dma_wait3A_48 = tpu.memref_slice %arg4[%dma_wait3A_46, %dma_wait3A_47] : memref<10000x128xf32, #tpu.memory_space<hbm>> -> memref<10000x128xf32, #tpu.memory_space<hbm>>
      tpu.wait_indirect_dma semaphore(%arg13 : memref<!tpu.dma_semaphore, #tpu.memory_space<semaphore_mem>>) src(%dma_wait3A_48 : memref<10000x128xf32, #tpu.memory_space<hbm>>) dst(%arg10 : memref<128x128xf32, #tpu.memory_space<vmem>>)
      %run_scoped3A_49 = arith.constant 7 : i32
      "tpu.region"() ({
        %run_scoped3A_50 = tpu.sem_alloc : memref<!tpu.dma_semaphore, #tpu.memory_space<semaphore_mem>>
        %dma_start3A_51 = arith.constant 0 : i32
        %dma_start3A_52 = tpu.memref_slice %arg8[%run_scoped3A_49, %dma_start3A_51] : memref<48x128xi32, #tpu.memory_space<vmem>> -> memref<1x128xi32, #tpu.memory_space<vmem>>
        %dma_start3A_53 = tpu.memref_squeeze %dma_start3A_52 : memref<1x128xi32, #tpu.memory_space<vmem>> -> memref<128xi32, #tpu.memory_space<vmem>>
        %dma_start3A_54 = arith.constant 0 : i32
        %dma_start3A_55 = arith.constant 0 : i32
        %dma_start3A_56 = tpu.memref_slice %arg11[%dma_start3A_54, %dma_start3A_55] : memref<10112x128xf32, #tpu.memory_space<vmem_shared>> -> memref<10112x128xf32, #tpu.memory_space<vmem_shared>>
        tpu.enqueue_indirect_dma source(%arg10 : memref<128x128xf32, #tpu.memory_space<vmem>>) target(%dma_start3A_56 : memref<10112x128xf32, #tpu.memory_space<vmem_shared>>) offsets(%dma_start3A_53 : memref<128xi32, #tpu.memory_space<vmem>>) semaphore(%run_scoped3A_50 : memref<!tpu.dma_semaphore, #tpu.memory_space<semaphore_mem>>) {add = true}
        %dma_wait3A_57 = arith.constant 0 : i32
        %dma_wait3A_58 = tpu.memref_slice %arg8[%run_scoped3A_49, %dma_wait3A_57] : memref<48x128xi32, #tpu.memory_space<vmem>> -> memref<1x128xi32, #tpu.memory_space<vmem>>
        %dma_wait3A_59 = tpu.memref_squeeze %dma_wait3A_58 : memref<1x128xi32, #tpu.memory_space<vmem>> -> memref<128xi32, #tpu.memory_space<vmem>>
        %dma_wait3A_60 = arith.constant 0 : i32
        %dma_wait3A_61 = arith.constant 0 : i32
        %dma_wait3A_62 = tpu.memref_slice %arg11[%dma_wait3A_60, %dma_wait3A_61] : memref<10112x128xf32, #tpu.memory_space<vmem_shared>> -> memref<10112x128xf32, #tpu.memory_space<vmem_shared>>
        tpu.wait_indirect_dma semaphore(%run_scoped3A_50 : memref<!tpu.dma_semaphore, #tpu.memory_space<semaphore_mem>>) src(%arg10 : memref<128x128xf32, #tpu.memory_space<vmem>>) dst(%dma_wait3A_62 : memref<10112x128xf32, #tpu.memory_space<vmem_shared>>)
        tpu.yield
      }) : () -> ()
    } else {
    }
    %barrier3A_10 = arith.constant 0 : index
    tpu.barrier barrier_id(%barrier3A_10)
    %mul3A_11 = arith.constant 632 : i32
    %mul3A_12 = arith.muli %arg1, %mul3A_11 : i32
    %mul3A_13 = arith.constant 632 : i32
    %mul3A_14 = arith.muli %arg1, %mul3A_13 : i32
    "tpu.region"() ({
      %run_scoped3A = tpu.sem_alloc : memref<!tpu.dma_semaphore, #tpu.memory_space<semaphore_mem>>
      %dma_start3A = arith.constant 0 : i32
      %dma_start3A_15 = tpu.memref_slice %arg6[%arg0, %mul3A_14, %dma_start3A] : memref<2x10112x128xf32, #tpu.memory_space<hbm>> -> memref<1x632x128xf32, #tpu.memory_space<hbm>>
      %dma_start3A_16 = tpu.memref_squeeze %dma_start3A_15 : memref<1x632x128xf32, #tpu.memory_space<hbm>> -> memref<632x128xf32, #tpu.memory_space<hbm>>
      %dma_start3A_17 = arith.constant 0 : i32
      %dma_start3A_18 = tpu.memref_slice %arg11[%mul3A_12, %dma_start3A_17] : memref<10112x128xf32, #tpu.memory_space<vmem_shared>> -> memref<632x128xf32, #tpu.memory_space<vmem_shared>>
      tpu.enqueue_dma source(%dma_start3A_18 : memref<632x128xf32, #tpu.memory_space<vmem_shared>>) target(%dma_start3A_16 : memref<632x128xf32, #tpu.memory_space<hbm>>) target_semaphore(%run_scoped3A : memref<!tpu.dma_semaphore, #tpu.memory_space<semaphore_mem>>)
      %dma_wait3A = arith.constant 0 : i32
      %dma_wait3A_19 = tpu.memref_slice %arg6[%arg0, %mul3A_14, %dma_wait3A] : memref<2x10112x128xf32, #tpu.memory_space<hbm>> -> memref<1x632x128xf32, #tpu.memory_space<hbm>>
      %dma_wait3A_20 = tpu.memref_squeeze %dma_wait3A_19 : memref<1x632x128xf32, #tpu.memory_space<hbm>> -> memref<632x128xf32, #tpu.memory_space<hbm>>
      %dma_wait3A_21 = arith.constant 0 : i32
      %dma_wait3A_22 = tpu.memref_slice %arg11[%mul3A_12, %dma_wait3A_21] : memref<10112x128xf32, #tpu.memory_space<vmem_shared>> -> memref<632x128xf32, #tpu.memory_space<vmem_shared>>
      tpu.wait_dma2 semaphore(%run_scoped3A : memref<!tpu.dma_semaphore, #tpu.memory_space<semaphore_mem>>) src(%dma_wait3A_22 : memref<632x128xf32, #tpu.memory_space<vmem_shared>>) dst(%dma_wait3A_20 : memref<632x128xf32, #tpu.memory_space<hbm>>)
      tpu.yield
    }) : () -> ()
    return
  }
}

module attributes {stable_mosaic.version = 14 : i64} {
  func.func @_tca_body(%arg0: memref<2x10112x128xf32, #tpu.memory_space<vmem>>, %arg1: memref<10000x128xf32, #tpu.memory_space<vmem>>, %arg2: memref<128x128xf32, #tpu.memory_space<vmem>>, %arg3: memref<10000x1xf32, #tpu.memory_space<vmem>>, %arg4: memref<10000x128xf32, #tpu.memory_space<vmem>>) attributes {dimension_semantics = [], scalar_prefetch = 0 : i64, scratch_operands = 0 : i64, tpu.core_type = #tpu.core_type<tc>} {
    %get3A = arith.constant 0 : index
    %get3A_0 = arith.constant 0 : index
    %get3A_1 = arith.constant 0 : index
    %get3A_2 = vector.load %arg0[%get3A, %get3A_0, %get3A_1] : memref<2x10112x128xf32, #tpu.memory_space<vmem>>, vector<1x10000x128xf32>
    %get3A_3 = vector.shape_cast %get3A_2 : vector<1x10000x128xf32> to vector<10000x128xf32>
    %get3A_4 = arith.constant 1 : index
    %get3A_5 = arith.constant 0 : index
    %get3A_6 = arith.constant 0 : index
    %get3A_7 = vector.load %arg0[%get3A_4, %get3A_5, %get3A_6] : memref<2x10112x128xf32, #tpu.memory_space<vmem>>, vector<1x10000x128xf32>
    %get3A_8 = vector.shape_cast %get3A_7 : vector<1x10000x128xf32> to vector<10000x128xf32>
    %add3A = arith.addf %get3A_3, %get3A_8 : vector<10000x128xf32>
    %reduce_sum3A = arith.constant dense<0.000000e+00> : vector<10000xf32>
    %reduce_sum3A_9 = vector.multi_reduction <add>, %add3A, %reduce_sum3A [1] : vector<10000x128xf32> to vector<10000xf32>
    %broadcast_in_dim3A = vector.shape_cast %reduce_sum3A_9 : vector<10000xf32> to vector<10000x1xf32>
    %mul3A = arith.constant 7.812500e-03 : f32
    %mul3A_10 = vector.broadcast %mul3A : f32 to vector<10000x1xf32>
    %mul3A_11 = arith.mulf %broadcast_in_dim3A, %mul3A_10 : vector<10000x1xf32>
    %add3A_12 = arith.constant 1.000000e+00 : f32
    %add3A_13 = vector.broadcast %add3A_12 : f32 to vector<10000x1xf32>
    %add3A_14 = arith.addf %mul3A_11, %add3A_13 : vector<10000x1xf32>
    %rsqrt3A = math.rsqrt %add3A_14 : vector<10000x1xf32>
    %swap3A = arith.constant 0 : index
    %swap3A_15 = arith.constant 0 : index
    %swap3A_16 = vector.load %arg3[%swap3A, %swap3A_15] : memref<10000x1xf32, #tpu.memory_space<vmem>>, vector<10000x1xf32>
    tpu.vector_store %arg3[%swap3A, %swap3A_15], %rsqrt3A {strides = array<i32>} : memref<10000x1xf32, #tpu.memory_space<vmem>>, vector<10000x1xf32>,
    %get3A_17 = arith.constant 0 : index
    %get3A_18 = arith.constant 0 : index
    %get3A_19 = vector.load %arg1[%get3A_17, %get3A_18] : memref<10000x128xf32, #tpu.memory_space<vmem>>, vector<10000x128xf32>
    %get3A_20 = arith.constant 0 : index
    %get3A_21 = arith.constant 0 : index
    %get3A_22 = vector.load %arg2[%get3A_20, %get3A_21] : memref<128x128xf32, #tpu.memory_space<vmem>>, vector<128x128xf32>
    %dot_general3A = arith.constant dense<0.000000e+00> : vector<10000x128xf32>
    %dot_general3A_23 = tpu.matmul %get3A_19, %get3A_22, %dot_general3A {dimension_numbers = #tpu.dot_dimension_numbers<[1], [0], [0], [1], [0, 0, 1, 1], [], []>, transpose_lhs_hint = false} : vector<10000x128xf32>, vector<128x128xf32>, vector<10000x128xf32> -> vector<10000x128xf32>
    %mul3A_24 = vector.broadcast %rsqrt3A : vector<10000x1xf32> to vector<10000x128xf32>
    %mul3A_25 = arith.mulf %mul3A_24, %dot_general3A_23 : vector<10000x128xf32>
    %swap3A_26 = arith.constant 0 : index
    %swap3A_27 = arith.constant 0 : index
    %swap3A_28 = vector.load %arg4[%swap3A_26, %swap3A_27] : memref<10000x128xf32, #tpu.memory_space<vmem>>, vector<10000x128xf32>
    tpu.vector_store %arg4[%swap3A_26, %swap3A_27], %mul3A_25 {strides = array<i32>} : memref<10000x128xf32, #tpu.memory_space<vmem>>, vector<10000x128xf32>,
    return
  }
}

module attributes {stable_mosaic.version = 14 : i64} {
  func.func @_tcb_body(%arg0: memref<2x10112x128xf32, #tpu.memory_space<vmem>>, %arg1: memref<10000x1xf32, #tpu.memory_space<vmem>>, %arg2: memref<10000x128xf32, #tpu.memory_space<vmem>>, %arg3: memref<1x128xf32, #tpu.memory_space<vmem>>, %arg4: memref<128x128xf32, #tpu.memory_space<vmem>>, %arg5: memref<10000x128xf32, #tpu.memory_space<vmem>>) attributes {dimension_semantics = [], scalar_prefetch = 0 : i64, scratch_operands = 0 : i64, tpu.core_type = #tpu.core_type<tc>} {
    %get3A = arith.constant 0 : index
    %get3A_0 = arith.constant 0 : index
    %get3A_1 = vector.load %arg1[%get3A, %get3A_0] : memref<10000x1xf32, #tpu.memory_space<vmem>>, vector<10000x1xf32>
    %get3A_2 = arith.constant 0 : index
    %get3A_3 = arith.constant 0 : index
    %get3A_4 = arith.constant 0 : index
    %get3A_5 = vector.load %arg0[%get3A_2, %get3A_3, %get3A_4] : memref<2x10112x128xf32, #tpu.memory_space<vmem>>, vector<1x10000x128xf32>
    %get3A_6 = vector.shape_cast %get3A_5 : vector<1x10000x128xf32> to vector<10000x128xf32>
    %get3A_7 = arith.constant 1 : index
    %get3A_8 = arith.constant 0 : index
    %get3A_9 = arith.constant 0 : index
    %get3A_10 = vector.load %arg0[%get3A_7, %get3A_8, %get3A_9] : memref<2x10112x128xf32, #tpu.memory_space<vmem>>, vector<1x10000x128xf32>
    %get3A_11 = vector.shape_cast %get3A_10 : vector<1x10000x128xf32> to vector<10000x128xf32>
    %add3A = arith.addf %get3A_6, %get3A_11 : vector<10000x128xf32>
    %get3A_12 = arith.constant 0 : index
    %get3A_13 = arith.constant 0 : index
    %get3A_14 = vector.load %arg2[%get3A_12, %get3A_13] : memref<10000x128xf32, #tpu.memory_space<vmem>>, vector<10000x128xf32>
    %add3A_15 = arith.addf %add3A, %get3A_14 : vector<10000x128xf32>
    %mul3A = vector.broadcast %get3A_1 : vector<10000x1xf32> to vector<10000x128xf32>
    %mul3A_16 = arith.mulf %mul3A, %add3A_15 : vector<10000x128xf32>
    %get3A_17 = arith.constant 0 : index
    %get3A_18 = arith.constant 0 : index
    %get3A_19 = vector.load %arg3[%get3A_17, %get3A_18] : memref<1x128xf32, #tpu.memory_space<vmem>>, vector<1x128xf32>
    %add3A_20 = vector.broadcast %get3A_19 : vector<1x128xf32> to vector<10000x128xf32>
    %add3A_21 = arith.addf %mul3A_16, %add3A_20 : vector<10000x128xf32>
    %max3A = arith.constant 0.000000e+00 : f32
    %max3A_22 = vector.broadcast %max3A : f32 to vector<10000x128xf32>
    %max3A_23 = arith.maximumf %add3A_21, %max3A_22 : vector<10000x128xf32>
    %get3A_24 = arith.constant 0 : index
    %get3A_25 = arith.constant 0 : index
    %get3A_26 = vector.load %arg4[%get3A_24, %get3A_25] : memref<128x128xf32, #tpu.memory_space<vmem>>, vector<128x128xf32>
    %dot_general3A = arith.constant dense<0.000000e+00> : vector<10000x128xf32>
    %dot_general3A_27 = tpu.matmul %max3A_23, %get3A_26, %dot_general3A {dimension_numbers = #tpu.dot_dimension_numbers<[1], [0], [0], [1], [0, 0, 1, 1], [], []>, transpose_lhs_hint = false} : vector<10000x128xf32>, vector<128x128xf32>, vector<10000x128xf32> -> vector<10000x128xf32>
    %mul3A_28 = vector.broadcast %get3A_1 : vector<10000x1xf32> to vector<10000x128xf32>
    %mul3A_29 = arith.mulf %mul3A_28, %dot_general3A_27 : vector<10000x128xf32>
    %swap3A = arith.constant 0 : index
    %swap3A_30 = arith.constant 0 : index
    %swap3A_31 = vector.load %arg5[%swap3A, %swap3A_30] : memref<10000x128xf32, #tpu.memory_space<vmem>>, vector<10000x128xf32>
    tpu.vector_store %arg5[%swap3A, %swap3A_30], %mul3A_29 {strides = array<i32>} : memref<10000x128xf32, #tpu.memory_space<vmem>>, vector<10000x128xf32>,
    return
  }
}

module attributes {stable_mosaic.version = 14 : i64} {
  func.func @_tcc_body(%arg0: memref<2x10112x128xf32, #tpu.memory_space<vmem>>, %arg1: memref<10000x1xf32, #tpu.memory_space<vmem>>, %arg2: memref<10000x128xf32, #tpu.memory_space<vmem>>, %arg3: memref<1x128xf32, #tpu.memory_space<vmem>>, %arg4: memref<10000x128xf32, #tpu.memory_space<vmem>>) attributes {dimension_semantics = [], scalar_prefetch = 0 : i64, scratch_operands = 0 : i64, tpu.core_type = #tpu.core_type<tc>} {
    %get3A = arith.constant 0 : index
    %get3A_0 = arith.constant 0 : index
    %get3A_1 = vector.load %arg1[%get3A, %get3A_0] : memref<10000x1xf32, #tpu.memory_space<vmem>>, vector<10000x1xf32>
    %get3A_2 = arith.constant 0 : index
    %get3A_3 = arith.constant 0 : index
    %get3A_4 = arith.constant 0 : index
    %get3A_5 = vector.load %arg0[%get3A_2, %get3A_3, %get3A_4] : memref<2x10112x128xf32, #tpu.memory_space<vmem>>, vector<1x10000x128xf32>
    %get3A_6 = vector.shape_cast %get3A_5 : vector<1x10000x128xf32> to vector<10000x128xf32>
    %get3A_7 = arith.constant 1 : index
    %get3A_8 = arith.constant 0 : index
    %get3A_9 = arith.constant 0 : index
    %get3A_10 = vector.load %arg0[%get3A_7, %get3A_8, %get3A_9] : memref<2x10112x128xf32, #tpu.memory_space<vmem>>, vector<1x10000x128xf32>
    %get3A_11 = vector.shape_cast %get3A_10 : vector<1x10000x128xf32> to vector<10000x128xf32>
    %add3A = arith.addf %get3A_6, %get3A_11 : vector<10000x128xf32>
    %get3A_12 = arith.constant 0 : index
    %get3A_13 = arith.constant 0 : index
    %get3A_14 = vector.load %arg2[%get3A_12, %get3A_13] : memref<10000x128xf32, #tpu.memory_space<vmem>>, vector<10000x128xf32>
    %add3A_15 = arith.addf %add3A, %get3A_14 : vector<10000x128xf32>
    %mul3A = vector.broadcast %get3A_1 : vector<10000x1xf32> to vector<10000x128xf32>
    %mul3A_16 = arith.mulf %mul3A, %add3A_15 : vector<10000x128xf32>
    %get3A_17 = arith.constant 0 : index
    %get3A_18 = arith.constant 0 : index
    %get3A_19 = vector.load %arg3[%get3A_17, %get3A_18] : memref<1x128xf32, #tpu.memory_space<vmem>>, vector<1x128xf32>
    %add3A_20 = vector.broadcast %get3A_19 : vector<1x128xf32> to vector<10000x128xf32>
    %add3A_21 = arith.addf %mul3A_16, %add3A_20 : vector<10000x128xf32>
    %swap3A = arith.constant 0 : index
    %swap3A_22 = arith.constant 0 : index
    %swap3A_23 = vector.load %arg4[%swap3A, %swap3A_22] : memref<10000x128xf32, #tpu.memory_space<vmem>>, vector<10000x128xf32>
    tpu.vector_store %arg4[%swap3A, %swap3A_22], %add3A_21 {strides = array<i32>} : memref<10000x128xf32, #tpu.memory_space<vmem>>, vector<10000x128xf32>,
    return
  }
}

</mosaic_0001>

<sc_bundles>
// kernel: kernel.11.cloned.1.call-start
scs
__scs_entry_jumppad:
0x0: {  	(pc) =	sbr.rel $0x88, $3  }
0x1: {  	(tag) =	ssettag $0x0;
	lr =	simm.s32 $0x1  }
0x2: {  	[smem:$0x3F9B] =	sst lr;
	_ =	strace $0xD0000000  }
0x3: {  	_ = 	snop  }
0x4: {  	_ = 	snop  }
0x5: {  	_ = 	snop  }
0x6: {  	_ = 	snop  }
0x7: {  	_ = 	snop  }
__scs_overlays_trampoline_lowered:
0x8: {  	[smem:$0x3FAA] =	sst s0  }
0x9: {  	[smem:$0x3FAB] =	sst s1  }
0xa: {  	[smem:$0x3FAC] =	sst s2  }
0xb: {  	[smem:$0x3FAD] =	sst s3  }
0xc: {  	[smem:$0x3FAE] =	sst s4  }
0xd: {  	[smem:$0x3FAF] =	sst s5  }
0xe: {  	[smem:$0x3FB0] =	sst s6  }
0xf: {  	[smem:$0x3FB1] =	sst s7  }
0x10: {  	[smem:$0x3FB2] =	sst s8  }
0x11: {  	[smem:$0x3FB3] =	sst s9;
	s0 =	simm.s32 @!p0 $0x0  }
0x12: {  	s1 =	sld [smem:$0x3F99];
	s0 =	simm.s32 @p0 $0x1  }
0x13: {  	[smem:$0x3FB4] =	sst s0;
	s0 =	simm.s32 @!p1 $0x0  }
0x14: {  	s2 =	sld [smem:$0x3F98];
	s0 =	simm.s32 @p1 $0x1  }
0x15: {  	[smem:$0x3FB5] =	sst s0;
	s0 =	simm.s32 @!p2 $0x0  }
0x16: {  	s3 =	sld [smem:$0x3FDB];
	s0 =	simm.s32 @p2 $0x1  }
0x17: {  	s4 =	simm.s32 $0x1BF5;
	[smem:$0x3FB7] =	sst s0  }
0x18: {  	s0 =	sld [smem:$0x3F9A];
	_ =	swait.ge [sflag:s4], $0x0  }
0x19: {  	s7 =	sld [smem:$0x3F9B]  }
0x1a: {  	s8 =	sadd.s32 $0xFFFFE003, lr  }
0x1b: {  	s9 =	sadd.s32 $0xFFFFFEF7, lr;
	s5 =	simm.s32 $0xFFFFFFFF;
	p2 =	slt.u32 s8, $0xFFFFF086  }
0x1c: {  	p1 =	slt.u32 s9, $0xF7A;
	s5 =	simm.s32 @!p2 $0x0  }
0x1d: {  	s5 =	simm.s32 @p1 $0x1;
	p0 =	seq.s32 s7, s2  }
0x1e: {  	s7 =	smul.u32 @!p0 $0xF7A, s2;
	p2 =	seq.s32 @!p0 s5, $0x0  }
0x1f: {  	s9 =	smul.u32 $0xF7A, s1;
	s8 =	simm.s32 @!p0 $0x1BF5;
	p2 =	por !p2, p0  }
0x20: {  	[sflag:s8] =	ssyncset.s32 @!p0 $0xFFFFF086;
	s6 =	sadd.s32 @!p0 s3, s7;
	s7 =	simm.s32 @!p0 $0x108  }
0x21: {  	s3 =	sadd.s32 s3, s9;
	s6 =	sadd.s32 @!p0 $0x88, s6;
	s7 =	simm.s32 @p2 $0x1082  }
0x22: {  	[simem:s7], [sflag:s8] =	dma.local @!p0 [hbm:s6], $0xF7A  }
0x23: {  	s9 =	sor.u32 $0xD0000000, s2;
	s6 =	simm.s32 $0x108;
	_ =	swait.ge @!p0 [sflag:s8], $0x0  }
0x24: {  	s3 =	sadd.s32 $0x88, s3;
	s6 =	simm.s32 @!p1 $0x1082;
	[sflag:s4] =	ssyncset.s32 $0xFFFFF086  }
0x25: {  	[simem:s6], [sflag:s4] =	dma.local [hbm:s3], $0xF7A  }
0x26: {  	[smem:$0x3F9B] =	sst s1;
	(tag) =	ssettag s2;
	_ =	strace s9  }
0x27: {  	s1 =	sld [smem:$0x3FAB]  }
0x28: {  	s2 =	sld [smem:$0x3FAC]  }
0x29: {  	s4 =	sld [smem:$0x3FAE]  }
0x2a: {  	p0 =	seq.s32 s5, $0x0;
	s5 =	sld [smem:$0x3FAF]  }
0x2b: {  	s6 =	sld [smem:$0x3FB0]  }
0x2c: {  	s7 =	sld [smem:$0x3FB1]  }
0x2d: {  	s3 =	simm.s32 $0x108;
	s8 =	sld [smem:$0x3FB2]  }
0x2e: {  	s3 =	simm.s32 @!p0 $0x1082;
	s9 =	sld [smem:$0x3FB3]  }
0x2f: {  	lr =	sadd.s32 s0, s3;
	s0 =	sld [smem:$0x3FAA]  }
0x30: {  	s3 =	sld [smem:$0x3FAD]  }
0x31: {  	[smem:$0x3FB6] =	sst s10  }
0x32: {  	s10 =	sld [smem:$0x3FB4];
	_ =	sdelay $0x3  }
0x33: {  	p0 =	seq.s32 s10, $0x1;
	s10 =	sld [smem:$0x3FB6];
	_ =	sdelay $0x3  }
0x34: {  	[smem:$0x3FB6] =	sst s10  }
0x35: {  	s10 =	sld [smem:$0x3FB5];
	_ =	sdelay $0x3  }
0x36: {  	p1 =	seq.s32 s10, $0x1;
	s10 =	sld [smem:$0x3FB6];
	_ =	sdelay $0x3  }
0x37: {  	[smem:$0x3FB6] =	sst s10  }
0x38: {  	s10 =	sld [smem:$0x3FB7]  }
0x39: {  	_ = 	snop;
	(pc) =	sbr.ind lr, $3  }
0x3a: {  	_ = 	snop  }
0x3b: {  	_ = 	snop  }
0x3c: {  	p2 =	seq.s32 s10, $0x1;
	s10 =	sld [smem:$0x3FB6]  }
0x3d: {  	_ =	shalt  }
0x3e: {  	_ =	shalt  }
0x3f: {  	_ =	shalt  }
0x40: {  	_ =	shalt  }
0x41: {  	_ =	shalt  }
0x42: {  	_ =	shalt  }
0x43: {  	_ =	shalt  }
0x44: {  	_ =	shalt  }
0x45: {  	_ =	shalt  }
0x46: {  	_ =	shalt  }
0x47: {  	_ =	shalt  }
0x48: {  	_ =	shalt  }
0x49: {  	_ =	shalt  }
0x4a: {  	_ =	shalt  }
0x4b: {  	_ =	shalt  }
0x4c: {  	_ =	shalt  }
0x4d: {  	_ =	shalt  }
0x4e: {  	_ =	shalt  }
0x4f: {  	_ =	shalt  }
0x50: {  	_ =	shalt  }
0x51: {  	_ =	shalt  }
0x52: {  	_ =	shalt  }
0x53: {  	_ =	shalt  }
0x54: {  	_ =	shalt  }
0x55: {  	_ =	shalt  }
0x56: {  	_ =	shalt  }
0x57: {  	_ =	shalt  }
0x58: {  	_ =	shalt  }
0x59: {  	_ =	shalt  }
0x5a: {  	_ =	shalt  }
0x5b: {  	_ =	shalt  }
0x5c: {  	_ =	shalt  }
0x5d: {  	_ =	shalt  }
0x5e: {  	_ =	shalt  }
0x5f: {  	_ =	shalt  }
0x60: {  	_ =	shalt  }
0x61: {  	_ =	shalt  }
0x62: {  	_ =	shalt  }
0x63: {  	_ =	shalt  }
0x64: {  	_ =	shalt  }
0x65: {  	_ =	shalt  }
0x66: {  	_ =	shalt  }
0x67: {  	_ =	shalt  }
0x68: {  	_ =	shalt  }
0x69: {  	_ =	shalt  }
0x6a: {  	_ =	shalt  }
0x6b: {  	_ =	shalt  }
0x6c: {  	_ =	shalt  }
0x6d: {  	_ =	shalt  }
0x6e: {  	_ =	shalt  }
0x6f: {  	_ =	shalt  }
0x70: {  	_ =	shalt  }
0x71: {  	_ =	shalt  }
0x72: {  	_ =	shalt  }
0x73: {  	_ =	shalt  }
0x74: {  	_ =	shalt  }
0x75: {  	_ =	shalt  }
0x76: {  	_ =	shalt  }
0x77: {  	_ =	shalt  }
0x78: {  	_ =	shalt  }
0x79: {  	_ =	shalt  }
0x7a: {  	_ =	shalt  }
0x7b: {  	_ =	shalt  }
0x7c: {  	_ =	shalt  }
0x7d: {  	_ =	shalt  }
0x7e: {  	_ =	shalt  }
0x7f: {  	_ =	shalt  }
0x80: {  	_ =	shalt  }
0x81: {  	_ =	shalt  }
0x82: {  	_ =	shalt  }
0x83: {  	_ =	shalt  }
0x84: {  	_ =	shalt  }
0x85: {  	_ =	shalt  }
0x86: {  	_ =	shalt  }
0x87: {  	_ =	shalt  }
.Lfunc_end0:
.L_simem_size_0:
called_computation.1_lowered:
.L_overlay_start_0:
0x88: {  	s2 =	sld [smem:$0x3FD9]  }
0x89: {  	s3 =	sld [smem:$0x3FFE];
	_ =	sdelay $0x1  }
0x8a: {  	s1 =	srdreg.scid  }
0x8b: {  	s0 =	sand.u32 $0x1, s1  }
0x8c: {  	s17 =	sshll.u32 s0, $0xA;
	s2 =	sadd.s32 s3, s2  }
0x8d: {  	s2 =	sadd.s32 s2, s17  }
0x8e: {  	[smem:$0x3FC2] =	sst s2  }
0x8f: {  	_ = 	snop  }
0x90: {  	s2 =	sld [smem:$0x3FD0];
	(tm) =	ssettm $0x1  }
0x91: {  	s18 =	sld [smem:$0x3FFB];
	_ =	sdelay $0x3  }
0x92: {  	_ =	strace s18  }
0x93: {  	s3 =	sld [smem:$0x3FFC];
	_ =	sdelay $0x3  }
0x94: {  	_ =	strace s3  }
0x95: {  	s3 =	sld [smem:$0x3FFD];
	_ =	sdelay $0x3  }
0x96: {  	_ =	strace s3  }
0x97: {  	_ =	strace $0x8FFFFFFF  }
0x98: {  	s19 =	sld [smem:$0x3FDB];
	_ =	sdelay $0x1  }
0x99: {  	s4 =	simm.s32 $_scs_section_size  }
0x9a: {  	s5 =	simm.s32 $_size__tile_overlayer_lowered;
	s6 =	simm.s32 $_tile_overlayer_lowered  }
0x9b: {  	s22 =	simm.s32 $0x1BFF;
	s21 =	sshll.u32 s6, $0x1;
	s3 =	sadd.s32 s4, s19  }
0x9c: {  	s7 =	simm.s32 $0x0;
	s20 =	sshll.u32 s5, $0x1;
	s5 =	sadd.s32 s21, s3  }
0x9d: {  	[timem:s7], [sflag:s22] =	dma.local [hbm:s5], s20  }
0x9e: {  	_ =	swait.ge [sflag:s22], s20  }
0x9f: {  	s4 =	ssub.s32 $0x0, s20;
	[sflag:s22] =	ssyncset.done $0x0  }
0xa0: {  	[sflag:s22] =	ssyncadd.s32 s4;
	_ =	sdelay $0x1  }
0xa1: {  	s23 =	simm.s32 $0x1B8B  }
0xa2: {  	_ =	swait.ge [sflag:s23], $0x1  }
0xa3: {  	[sflag:s23] =	ssyncset.done $0x0  }
0xa4: {  	s25 =	simm.s32 $0x1B8E;
	s24 =	sld [smem:$0x3FFE];
	[sflag:s23] =	ssyncadd.s32 $0xFFFFFFFF  }
0xa5: {  	s26 =	simm.s32 $execute0_lowered;
	[smem:$0x3FD2] =	sst s25  }
0xa6: {  	s5 =	sshll.u32 s26, $0x1;
	_ =	strace $0x80000049;
	[dreg:$0x1] =	wrdreg $0xFFFFFFFF  }
0xa7: {  	s28 =	simm.s32 $_size_execute0_lowered;
	s3 =	sadd.s32 s3, s5;
	[dreg:$0x0] =	wrdreg $0x0  }
0xa8: {  	s5 =	sshll.u32 s28, $0x1;
	[dreg:$0x2] =	wrdreg s3  }
0xa9: {  	[dreg:$0x3] =	wrdreg s5  }
0xaa: {  	[dreg:$0x4] =	wrdreg $0xC0  }
0xab: {  	_ =	task [dreg:s7], $0x5FFFF  }
0xac: {  	[dreg:$0x1] =	wrdreg $0xFFFFFFFF  }
0xad: {  	[dreg:$0x0] =	wrdreg $0x60  }
0xae: {  	[dreg:$0x2] =	wrdreg s24  }
0xaf: {  	[dreg:$0x3] =	wrdreg s2  }
0xb0: {  	[dreg:$0x4] =	wrdreg $0xB0000  }
0xb1: {  	[dreg:$0x5] =	wrdreg $0x9  }
0xb2: {  	_ =	task.clear_ibuf [dreg:s7], $0x6FFFF;
	_ =	strace $0x90000049  }
0xb3: {  	s29 =	simm.s32 $0x9;
	_ =	strace $0x8000004B  }
0xb4: {  	_ =	swait.ge [sflag:s29], $0x1  }
0xb5: {  	[sflag:s29] =	ssyncadd.s32 $0xFFFFFFFF  }
0xb6: {  	_ =	strace $0x9000004B  }
0xb7: {  	_ =	sfence  }
0xb8: {  	s30 =	sld [smem:$0x0];
	_ =	sdelay $0x2  }
0xb9: {  	s31 =	sshll.u32 s1, $0xD;
	s1 =	sshrl.u32 s1, $0x2  }
0xba: {  	s3 =	sand.u32 $0x4000, s31;
	s1 =	sadd.s32 s1, s30  }
0xbb: {  	s0 =	sor.u32 s3, s0;
	s1 =	sshll.u32 s1, $0x11  }
0xbc: {  	s0 =	sor.u32 s1, s0  }
0xbd: {  	s0 =	sadd.s32 $0x8F2B, s0  }
0xbe: {  	[sflag:s0] =	ssyncadd.remote.s32 $0x1  }
0xbf: {  	_ =	sfence.sel $0xFFFF  }
0xc0: {  	[dreg:$0x0] =	wrdreg $0xFFFFFFFF;
	(pc) =	sbr.abs _section_cstart, $3  }
0xc1: {  	[dreg:$0x1] =	wrdreg $0xFFFFFFFF  }
0xc2: {  	_ =	task.clear_ibuf [dreg:s7], $0x2FFFF;
	_ =	strace $0x9FFFFFFF  }
0xc3: {  	(tm) =	ssettm $0x7FFFFFFF  }
tec
execute0_lowered:
.L_overlay_start_1:
0x0: {  	(tag) =	ssettag $0x1  }
0x1: {  	s0 =	rddreg [dreg:$0x0]  }
0x2: {  	s2 =	rddreg [dreg:$0x1]  }
0x3: {  	s3 =	rddreg [dreg:$0x2];
	s4 =	simm.s32 $0x0;
	s14 =	stileid.u32  }
0x4: {  	s1 =	srdreg.scid;
	s28 =	simm.s32 $0x2;
	s29 =	simm.s32 $0x2F00  }
0x5: {  	s30 =	simm.s32 $0x2F80;
	s31 =	simm.s32 $0x0;
	s7 =	smul.u32 $0x13C00, s14  }
0x6: {  	[smem:$0x7FF] =	sst s4;
	s1 =	sand.u32 $0x1, s1;
	s11 =	smul.u32 $0x4F000, s14  }
0x7: {  	s5 =	sadd.s32 $0xC800, s0;
	s6 =	sadd.s32 $0x2800, s0;
	s12 =	smul.u32 $0x980, s14  }
0x8: {  	s17 =	sshll.u32 s14, $0x6;
	s18 =	smul.u32 $0x4C00, s14;
	s26 =	sshll.u32 s14, $0x7  }
0x9: {  	s14 =	simm.s32 $0x1B00;
	_ =	strace $0x8000004A;
	s8 =	smul.u32 $0x13C000, s1  }
0xa: {  	s15 =	ssub.s32 $0x2, s1;
	p0 =	seq.s32 s1, $0x1;
	s9 =	sshrl.u32 s7, $0x3  }
0xb: {  	s10 =	sshrl.u32 s15, $0x1;
	s16 =	sshrl.u32 s11, $0x2;
	s19 =	sadd.s32 s5, s12  }
0xc: {  	s20 =	sshrl.u32 s18, $0x3;
	s21 =	sadd.s32 s6, s12;
	s12 =	simm.s32 $0x1A80  }
0xd: {  	s9 =	sadd.s32 s9, s0;
	s7 =	sadd.s32 s7, s8;
	s10 =	ssub.s32 s15, s10  }
0xe: {  	s13 =	sadd.s32 s16, s3;
	s8 =	sor.u32 $0x1C03, s17;
	[dreg:$0x4] =	wrdreg s19  }
0xf: {  	[dreg:$0x5] =	wrdreg s21;
	s22 =	sadd.s32 $0x300, s20;
	s11 =	sadd.s32 $0x600, s20  }
0x10: {  	s1 =	sadd.s32 $0x900, s20;
	s16 =	sor.u32 $0x9800, s26;
	s20 =	simm.s32 $0x3  }
0x11: {  	s21 =	simm.s32 $0x1800;
	s26 =	simm.s32 $0x1B80;
	s7 =	sshrl.u32 s7, $0x3  }
0x12: {  	s23 =	sadd.s32 s5, s22;
	s24 =	sadd.s32 s5, s11;
	s25 =	sadd.s32 s6, s11  }
0x13: {  	[dreg:$0xa] =	wrdreg s1;
	s18 =	smax.u32 s10, $0x1;
	s19 =	sshrl.u32 s13, $0x3  }
0x14: {  	s1 =	simm.s32 $0x100;
	s10 =	simm.s32 $0x1A00;
	s11 =	simm.s32 $0x300  }
.Ltmp0:
0x15: {  	s13 =	simm.s32 $0x380;
	[dreg:$0x6] =	wrdreg s23;
	(pc) =	sbr.rel .LBB2_1-.Ltmp0, $4  }
0x16: {  	s0 =	sadd.s32 s7, s0;
	s7 =	sadd.s32 $0x16800, s9;
	[dreg:$0x8] =	wrdreg s24  }
0x17: {  	s9 =	sadd.s32 s6, s22;
	[dreg:$0x9] =	wrdreg s25;
	s22 =	simm.s32 $0x80  }
0x18: {  	s23 =	simm.s32 $0x3000;
	s24 =	simm.s32 $0x7000;
	s25 =	simm.s32 $0x1  }
0x19: {  	[dreg:$0x7] =	wrdreg s9;
	s17 =	sadd.s32 $0x3E000, s0;
	s9 =	simm.s32 $0x280  }
.LBB2_8:
0x1a: {  	[tilespmem:s24], [sflag:$0x2] =	stream.indirect.gather [hbm4b:s2+s22], $0x80, s0, s22, $0xb8;
	[tilespmem:$0x1EC00] =	vst v63  }
0x1b: {  	_ =	swait.ge [sflag:s25], $0x4000  }
0x1c: {  	[sflag:s25] =	ssyncset.done $0x0  }
0x1d: {  	[sflag:s25] =	ssyncadd.s32 $0xFFFFC000  }
0x1e: {  	[spmem:s3] =	stream.indirect.scatter.add.f32 [tilespmem:s23], [sflag:$0x3], $0x80, s29, s22, $0xb8;
	[tilespmem:$0x1EC00] =	vst v63  }
0x1f: {  	_ =	swait.ge [sflag:s20], $0x4000  }
0x20: {  	[sflag:s20] =	ssyncset.done $0x0  }
0x21: {  	[sflag:s20] =	ssyncadd.s32 $0xFFFFC000  }
0x22: {  	_ =	swait.ge [sflag:s28], $0x4000  }
0x23: {  	[sflag:s28] =	ssyncset.done $0x0  }
0x24: {  	[sflag:s28] =	ssyncadd.s32 $0xFFFFC000  }
0x25: {  	[spmem:s3] =	stream.indirect.scatter.add.f32 [tilespmem:s24], [sflag:$0x3], $0x80, s30, s22, $0xb8;
	[tilespmem:$0x1EC00] =	vst v63  }
0x26: {  	_ =	swait.ge [sflag:s20], $0x4000  }
0x27: {  	[sflag:s20] =	ssyncset.done $0x0  }
0x28: {  	s1 =	simm.s32 $0x100;
	s15 =	rddreg [dreg:$0xa];
	[sflag:s20] =	ssyncadd.s32 $0xFFFFC000  }
.LBB2_9:
0x29: {  	s0 =	sadd.s32 s5, s15  }
0x2a: {  	[tilespmem:s4], [sflag:$0x3] =	stream.linear.gather [hbm4b:s0+s4], $0x400, $0x38;
	[tilespmem:$0x1EC00] =	vst v63  }
0x2b: {  	_ =	swait.ge [sflag:s20], $0x400  }
0x2c: {  	[sflag:s20] =	ssyncset.done $0x0  }
0x2d: {  	s15 =	sadd.s32 s6, s15;
	[sflag:s20] =	ssyncadd.s32 $0xFFFFFC00  }
0x2e: {  	[tilespmem:s21], [sflag:$0x3] =	stream.linear.gather [hbm4b:s15+s4], $0x400, $0x38;
	[tilespmem:$0x1EC00] =	vst v63  }
0x2f: {  	_ =	swait.ge [sflag:s20], $0x400  }
0x30: {  	[sflag:s20] =	ssyncset.done $0x0  }
0x31: {  	[sflag:s20] =	ssyncadd.s32 $0xFFFFFC00  }
0x32: {  	[tilespmem:s23], [sflag:$0x1] =	stream.indirect.gather [hbm4b:s2+s22], $0x80, s4, s22, $0xb8;
	[tilespmem:$0x1EC00] =	vst v63  }
0x33: {  	_ = 	snop  }
0x34: {  	[tilespmem:s24], [sflag:$0x2] =	stream.indirect.gather [hbm4b:s2+s22], $0x80, s22, s22, $0xb8;
	[tilespmem:$0x1EC00] =	vst v63  }
0x35: {  	_ =	swait.ge [sflag:s25], $0x4000  }
0x36: {  	[sflag:s25] =	ssyncset.done $0x0  }
0x37: {  	[sflag:s25] =	ssyncadd.s32 $0xFFFFC000  }
0x38: {  	[spmem:s3] =	stream.indirect.scatter.add.f32 [tilespmem:s23], [sflag:$0x3], $0x80, s21, s22, $0xb8;
	[tilespmem:$0x1EC00] =	vst v63  }
0x39: {  	_ =	swait.ge [sflag:s20], $0x4000  }
0x3a: {  	[sflag:s20] =	ssyncset.done $0x0  }
0x3b: {  	[sflag:s20] =	ssyncadd.s32 $0xFFFFC000  }
0x3c: {  	[tilespmem:s23], [sflag:$0x1] =	stream.indirect.gather [hbm4b:s2+s22], $0x80, s1, s22, $0xb8;
	[tilespmem:$0x1EC00] =	vst v63  }
0x3d: {  	_ =	swait.ge [sflag:s28], $0x4000  }
0x3e: {  	[sflag:s28] =	ssyncset.done $0x0  }
0x3f: {  	s15 =	simm.s32 $0x1880;
	[sflag:s28] =	ssyncadd.s32 $0xFFFFC000  }
0x40: {  	[spmem:s3] =	stream.indirect.scatter.add.f32 [tilespmem:s24], [sflag:$0x3], $0x80, s15, s22, $0xb8;
	[tilespmem:$0x1EC00] =	vst v63  }
0x41: {  	_ =	swait.ge [sflag:s20], $0x4000  }
0x42: {  	[sflag:s20] =	ssyncset.done $0x0  }
0x43: {  	s15 =	simm.s32 $0x180;
	[sflag:s20] =	ssyncadd.s32 $0xFFFFC000  }
0x44: {  	[tilespmem:s24], [sflag:$0x2] =	stream.indirect.gather [hbm4b:s2+s22], $0x80, s15, s22, $0xb8;
	[tilespmem:$0x1EC00] =	vst v63  }
0x45: {  	_ =	swait.ge [sflag:s25], $0x4000  }
0x46: {  	[sflag:s25] =	ssyncset.done $0x0  }
0x47: {  	s15 =	simm.s32 $0x1900;
	[sflag:s25] =	ssyncadd.s32 $0xFFFFC000  }
0x48: {  	[spmem:s3] =	stream.indirect.scatter.add.f32 [tilespmem:s23], [sflag:$0x3], $0x80, s15, s22, $0xb8;
	[tilespmem:$0x1EC00] =	vst v63  }
0x49: {  	_ =	swait.ge [sflag:s20], $0x4000  }
0x4a: {  	[sflag:s20] =	ssyncset.done $0x0  }
0x4b: {  	s15 =	simm.s32 $0x200;
	[sflag:s20] =	ssyncadd.s32 $0xFFFFC000  }
0x4c: {  	[tilespmem:s23], [sflag:$0x1] =	stream.indirect.gather [hbm4b:s2+s22], $0x80, s15, s22, $0xb8;
	[tilespmem:$0x1EC00] =	vst v63  }
0x4d: {  	_ =	swait.ge [sflag:s28], $0x4000  }
0x4e: {  	[sflag:s28] =	ssyncset.done $0x0  }
0x4f: {  	s15 =	simm.s32 $0x1980;
	[sflag:s28] =	ssyncadd.s32 $0xFFFFC000  }
0x50: {  	[spmem:s3] =	stream.indirect.scatter.add.f32 [tilespmem:s24], [sflag:$0x3], $0x80, s15, s22, $0xb8;
	[tilespmem:$0x1EC00] =	vst v63  }
0x51: {  	_ =	swait.ge [sflag:s20], $0x4000  }
0x52: {  	[sflag:s20] =	ssyncset.done $0x0  }
0x53: {  	[sflag:s20] =	ssyncadd.s32 $0xFFFFC000  }
0x54: {  	[tilespmem:s24], [sflag:$0x2] =	stream.indirect.gather [hbm4b:s2+s22], $0x80, s9, s22, $0xb8;
	[tilespmem:$0x1EC00] =	vst v63  }
0x55: {  	_ =	swait.ge [sflag:s25], $0x4000  }
0x56: {  	[sflag:s25] =	ssyncset.done $0x0  }
0x57: {  	[sflag:s25] =	ssyncadd.s32 $0xFFFFC000  }
0x58: {  	[spmem:s3] =	stream.indirect.scatter.add.f32 [tilespmem:s23], [sflag:$0x3], $0x80, s10, s22, $0xb8;
	[tilespmem:$0x1EC00] =	vst v63  }
0x59: {  	_ =	swait.ge [sflag:s20], $0x4000  }
0x5a: {  	[sflag:s20] =	ssyncset.done $0x0  }
0x5b: {  	[sflag:s20] =	ssyncadd.s32 $0xFFFFC000  }
0x5c: {  	[tilespmem:s23], [sflag:$0x1] =	stream.indirect.gather [hbm4b:s2+s22], $0x80, s11, s22, $0xb8;
	[tilespmem:$0x1EC00] =	vst v63  }
0x5d: {  	_ =	swait.ge [sflag:s28], $0x4000  }
0x5e: {  	[sflag:s28] =	ssyncset.done $0x0  }
0x5f: {  	[sflag:s28] =	ssyncadd.s32 $0xFFFFC000  }
0x60: {  	[spmem:s3] =	stream.indirect.scatter.add.f32 [tilespmem:s24], [sflag:$0x3], $0x80, s12, s22, $0xb8;
	[tilespmem:$0x1EC00] =	vst v63  }
0x61: {  	_ =	swait.ge [sflag:s20], $0x4000  }
0x62: {  	[sflag:s20] =	ssyncset.done $0x0  }
0x63: {  	[sflag:s20] =	ssyncadd.s32 $0xFFFFC000  }
0x64: {  	[tilespmem:s24], [sflag:$0x2] =	stream.indirect.gather [hbm4b:s2+s22], $0x80, s13, s22, $0xb8;
	[tilespmem:$0x1EC00] =	vst v63  }
0x65: {  	_ =	swait.ge [sflag:s25], $0x4000  }
0x66: {  	[sflag:s25] =	ssyncset.done $0x0  }
0x67: {  	[sflag:s25] =	ssyncadd.s32 $0xFFFFC000  }
0x68: {  	[spmem:s3] =	stream.indirect.scatter.add.f32 [tilespmem:s23], [sflag:$0x3], $0x80, s14, s22, $0xb8;
	[tilespmem:$0x1EC00] =	vst v63  }
0x69: {  	_ =	swait.ge [sflag:s20], $0x4000  }
0x6a: {  	[sflag:s20] =	ssyncset.done $0x0  }
0x6b: {  	[sflag:s20] =	ssyncadd.s32 $0xFFFFC000  }
0x6c: {  	_ =	swait.ge [sflag:s28], $0x4000  }
0x6d: {  	[sflag:s28] =	ssyncset.done $0x0  }
0x6e: {  	[sflag:s28] =	ssyncadd.s32 $0xFFFFC000  }
0x6f: {  	[spmem:s3] =	stream.indirect.scatter.add.f32 [tilespmem:s24], [sflag:$0x3], $0x80, s26, s22, $0xb8;
	[tilespmem:$0x1EC00] =	vst v63  }
0x70: {  	_ =	swait.ge [sflag:s20], $0x4000  }
0x71: {  	s31 =	sadd.s32 $0x1, s31;
	[sflag:s20] =	ssyncset.done $0x0  }
0x72: {  	p1 =	sne.s32 s31, s18;
	[sflag:s20] =	ssyncadd.s32 $0xFFFFC000  }
.Ltmp1:
0x73: {  	[bflag:$0x0] =	sbarrier.arrive $0xFFFF;
	(pc) =	sbr.rel @!p1 .LBB2_10-.Ltmp1, $4  }
0x74: {  	[hbm:s17], [sflag:s8] =	dma.local [spmem:s19], $0x2780  }
0x75: {  	_ =	swait.ge [sflag:s20], $0x2780  }
0x76: {  	[sflag:s20] =	ssyncset.done $0x0  }
0x77: {  	[sflag:s20] =	ssyncadd.s32 $0xFFFFD880  }
.LBB2_1:
0x78: {  	[spmem:s19], [sflag:s8] =	dma.local [hbm:s7], $0x2780  }
.Ltmp2:
0x79: {  	_ =	swait.ge [sflag:s20], $0x2780;
	(pc) =	sbr.rel @p0 .LBB2_9-.Ltmp2, $4  }
0x7a: {  	[sflag:s20] =	ssyncset.done $0x0  }
0x7b: {  	[sflag:s20] =	ssyncadd.s32 $0xFFFFD880  }
0x7c: {  	[bflag:$0x0] =	sbarrier.arrive $0xFFFF  }
0x7d: {  	s15 =	smov.u32 s16  }
0x7e: {  	s0 =	simm.s32 $0x0;
	s1 =	rddreg [dreg:$0x4]  }
0x7f: {  	[tilespmem:s0], [sflag:$0x3] =	stream.linear.gather [hbm4b:s1+s0], $0x1800, $0x38;
	[tilespmem:$0x1EC00] =	vst v63  }
0x80: {  	_ =	swait.ge [sflag:s20], $0x1800  }
0x81: {  	[sflag:s20] =	ssyncset.done $0x0  }
0x82: {  	s15 =	rddreg [dreg:$0x5];
	[sflag:s20] =	ssyncadd.s32 $0xFFFFE800  }
0x83: {  	[tilespmem:s21], [sflag:$0x3] =	stream.linear.gather [hbm4b:s15+s0], $0x1800, $0x38;
	[tilespmem:$0x1EC00] =	vst v63  }
0x84: {  	_ =	swait.ge [sflag:s20], $0x1800  }
0x85: {  	[sflag:s20] =	ssyncset.done $0x0  }
0x86: {  	[sflag:s20] =	ssyncadd.s32 $0xFFFFE800  }
0x87: {  	[tilespmem:s23], [sflag:$0x1] =	stream.indirect.gather [hbm4b:s2+s22], $0x80, s0, s22, $0xb8;
	[tilespmem:$0x1EC00] =	vst v63  }
0x88: {  	_ = 	snop  }
0x89: {  	[tilespmem:s24], [sflag:$0x2] =	stream.indirect.gather [hbm4b:s2+s22], $0x80, s22, s22, $0xb8;
	[tilespmem:$0x1EC00] =	vst v63  }
0x8a: {  	_ =	swait.ge [sflag:s25], $0x4000  }
0x8b: {  	[sflag:s25] =	ssyncset.done $0x0  }
0x8c: {  	s15 =	simm.s32 $0x1800;
	[sflag:s25] =	ssyncadd.s32 $0xFFFFC000  }
0x8d: {  	[spmem:s3] =	stream.indirect.scatter.add.f32 [tilespmem:s23], [sflag:$0x3], $0x80, s15, s22, $0xb8;
	[tilespmem:$0x1EC00] =	vst v63  }
0x8e: {  	_ =	swait.ge [sflag:s20], $0x4000  }
0x8f: {  	[sflag:s20] =	ssyncset.done $0x0  }
0x90: {  	s1 =	simm.s32 $0x100;
	[sflag:s20] =	ssyncadd.s32 $0xFFFFC000  }
0x91: {  	[tilespmem:s23], [sflag:$0x1] =	stream.indirect.gather [hbm4b:s2+s22], $0x80, s1, s22, $0xb8;
	[tilespmem:$0x1EC00] =	vst v63  }
0x92: {  	_ =	swait.ge [sflag:s28], $0x4000  }
0x93: {  	[sflag:s28] =	ssyncset.done $0x0  }
0x94: {  	s15 =	simm.s32 $0x1880;
	[sflag:s28] =	ssyncadd.s32 $0xFFFFC000  }
0x95: {  	[spmem:s3] =	stream.indirect.scatter.add.f32 [tilespmem:s24], [sflag:$0x3], $0x80, s15, s22, $0xb8;
	[tilespmem:$0x1EC00] =	vst v63  }
0x96: {  	_ =	swait.ge [sflag:s20], $0x4000  }
0x97: {  	[sflag:s20] =	ssyncset.done $0x0  }
0x98: {  	s0 =	simm.s32 $0x180;
	s15 =	simm.s32 $0x400;
	[sflag:s20] =	ssyncadd.s32 $0xFFFFC000  }
.LBB2_3:
0x99: {  	[tilespmem:s24], [sflag:$0x2] =	stream.indirect.gather [hbm4b:s2+s22], $0x80, s0, s22, $0xb8;
	[tilespmem:$0x1EC00] =	vst v63  }
0x9a: {  	s0 =	smov.u32 s15  }
0x9b: {  	p1 =	sne.s32 s15, $0x5800;
	s15 =	sadd.s32 $0x400, s15;
	_ =	swait.ge [sflag:s25], $0x4000  }
0x9c: {  	s0 =	sshra.s32 s0, $0x2;
	[sflag:s25] =	ssyncset.done $0x0  }
0x9d: {  	s1 =	sadd.s32 $0x1800, s0;
	[sflag:s25] =	ssyncadd.s32 $0xFFFFC000  }
0x9e: {  	[spmem:s3] =	stream.indirect.scatter.add.f32 [tilespmem:s23], [sflag:$0x3], $0x80, s1, s22, $0xb8;
	[tilespmem:$0x1EC00] =	vst v63  }
0x9f: {  	_ =	swait.ge [sflag:s20], $0x4000  }
0xa0: {  	[sflag:s20] =	ssyncset.done $0x0  }
0xa1: {  	s1 =	sadd.s32 $0x100, s0;
	[sflag:s20] =	ssyncadd.s32 $0xFFFFC000  }
0xa2: {  	[tilespmem:s23], [sflag:$0x1] =	stream.indirect.gather [hbm4b:s2+s22], $0x80, s1, s22, $0xb8;
	[tilespmem:$0x1EC00] =	vst v63  }
0xa3: {  	_ =	swait.ge [sflag:s28], $0x4000  }
0xa4: {  	[sflag:s28] =	ssyncset.done $0x0  }
.Ltmp3:
0xa5: {  	s1 =	sadd.s32 $0x1880, s0;
	[sflag:s28] =	ssyncadd.s32 $0xFFFFC000;
	(pc) =	sbr.rel @p1 .LBB2_3-.Ltmp3, $4  }
0xa6: {  	[spmem:s3] =	stream.indirect.scatter.add.f32 [tilespmem:s24], [sflag:$0x3], $0x80, s1, s22, $0xb8;
	[tilespmem:$0x1EC00] =	vst v63  }
0xa7: {  	_ =	swait.ge [sflag:s20], $0x4000  }
0xa8: {  	[sflag:s20] =	ssyncset.done $0x0  }
0xa9: {  	s0 =	sadd.s32 $0x180, s0;
	[sflag:s20] =	ssyncadd.s32 $0xFFFFC000  }
0xaa: {  	[tilespmem:s24], [sflag:$0x2] =	stream.indirect.gather [hbm4b:s2+s22], $0x80, s0, s22, $0xb8;
	[tilespmem:$0x1EC00] =	vst v63  }
0xab: {  	_ =	swait.ge [sflag:s25], $0x4000  }
0xac: {  	[sflag:s25] =	ssyncset.done $0x0  }
0xad: {  	[sflag:s25] =	ssyncadd.s32 $0xFFFFC000  }
0xae: {  	[spmem:s3] =	stream.indirect.scatter.add.f32 [tilespmem:s23], [sflag:$0x3], $0x80, s29, s22, $0xb8;
	[tilespmem:$0x1EC00] =	vst v63  }
0xaf: {  	_ =	swait.ge [sflag:s20], $0x4000  }
0xb0: {  	[sflag:s20] =	ssyncset.done $0x0  }
0xb1: {  	[sflag:s20] =	ssyncadd.s32 $0xFFFFC000  }
0xb2: {  	_ =	swait.ge [sflag:s28], $0x4000  }
0xb3: {  	[sflag:s28] =	ssyncset.done $0x0  }
0xb4: {  	[sflag:s28] =	ssyncadd.s32 $0xFFFFC000  }
0xb5: {  	[spmem:s3] =	stream.indirect.scatter.add.f32 [tilespmem:s24], [sflag:$0x3], $0x80, s30, s22, $0xb8;
	[tilespmem:$0x1EC00] =	vst v63  }
0xb6: {  	_ =	swait.ge [sflag:s20], $0x4000  }
0xb7: {  	[sflag:s20] =	ssyncset.done $0x0  }
0xb8: {  	s0 =	simm.s32 $0x0;
	s1 =	rddreg [dreg:$0x6];
	[sflag:s20] =	ssyncadd.s32 $0xFFFFC000  }
0xb9: {  	[tilespmem:s0], [sflag:$0x3] =	stream.linear.gather [hbm4b:s1+s0], $0x1800, $0x38;
	[tilespmem:$0x1EC00] =	vst v63  }
0xba: {  	_ =	swait.ge [sflag:s20], $0x1800  }
0xbb: {  	[sflag:s20] =	ssyncset.done $0x0  }
0xbc: {  	s15 =	rddreg [dreg:$0x7];
	[sflag:s20] =	ssyncadd.s32 $0xFFFFE800  }
0xbd: {  	[tilespmem:s21], [sflag:$0x3] =	stream.linear.gather [hbm4b:s15+s0], $0x1800, $0x38;
	[tilespmem:$0x1EC00] =	vst v63  }
0xbe: {  	_ =	swait.ge [sflag:s20], $0x1800  }
0xbf: {  	[sflag:s20] =	ssyncset.done $0x0  }
0xc0: {  	[sflag:s20] =	ssyncadd.s32 $0xFFFFE800  }
0xc1: {  	[tilespmem:s23], [sflag:$0x1] =	stream.indirect.gather [hbm4b:s2+s22], $0x80, s0, s22, $0xb8;
	[tilespmem:$0x1EC00] =	vst v63  }
0xc2: {  	_ = 	snop  }
0xc3: {  	[tilespmem:s24], [sflag:$0x2] =	stream.indirect.gather [hbm4b:s2+s22], $0x80, s22, s22, $0xb8;
	[tilespmem:$0x1EC00] =	vst v63  }
0xc4: {  	_ =	swait.ge [sflag:s25], $0x4000  }
0xc5: {  	[sflag:s25] =	ssyncset.done $0x0  }
0xc6: {  	s15 =	simm.s32 $0x1800;
	[sflag:s25] =	ssyncadd.s32 $0xFFFFC000  }
0xc7: {  	[spmem:s3] =	stream.indirect.scatter.add.f32 [tilespmem:s23], [sflag:$0x3], $0x80, s15, s22, $0xb8;
	[tilespmem:$0x1EC00] =	vst v63  }
0xc8: {  	_ =	swait.ge [sflag:s20], $0x4000  }
0xc9: {  	[sflag:s20] =	ssyncset.done $0x0  }
0xca: {  	s1 =	simm.s32 $0x100;
	[sflag:s20] =	ssyncadd.s32 $0xFFFFC000  }
0xcb: {  	[tilespmem:s23], [sflag:$0x1] =	stream.indirect.gather [hbm4b:s2+s22], $0x80, s1, s22, $0xb8;
	[tilespmem:$0x1EC00] =	vst v63  }
0xcc: {  	_ =	swait.ge [sflag:s28], $0x4000  }
0xcd: {  	[sflag:s28] =	ssyncset.done $0x0  }
0xce: {  	s15 =	simm.s32 $0x1880;
	[sflag:s28] =	ssyncadd.s32 $0xFFFFC000  }
0xcf: {  	[spmem:s3] =	stream.indirect.scatter.add.f32 [tilespmem:s24], [sflag:$0x3], $0x80, s15, s22, $0xb8;
	[tilespmem:$0x1EC00] =	vst v63  }
0xd0: {  	_ =	swait.ge [sflag:s20], $0x4000  }
0xd1: {  	[sflag:s20] =	ssyncset.done $0x0  }
0xd2: {  	s0 =	simm.s32 $0x180;
	s15 =	simm.s32 $0x400;
	[sflag:s20] =	ssyncadd.s32 $0xFFFFC000  }
.LBB2_5:
0xd3: {  	[tilespmem:s24], [sflag:$0x2] =	stream.indirect.gather [hbm4b:s2+s22], $0x80, s0, s22, $0xb8;
	[tilespmem:$0x1EC00] =	vst v63  }
0xd4: {  	s0 =	smov.u32 s15  }
0xd5: {  	p1 =	sne.s32 s15, $0x5800;
	s15 =	sadd.s32 $0x400, s15;
	_ =	swait.ge [sflag:s25], $0x4000  }
0xd6: {  	s0 =	sshra.s32 s0, $0x2;
	[sflag:s25] =	ssyncset.done $0x0  }
0xd7: {  	s1 =	sadd.s32 $0x1800, s0;
	[sflag:s25] =	ssyncadd.s32 $0xFFFFC000  }
0xd8: {  	[spmem:s3] =	stream.indirect.scatter.add.f32 [tilespmem:s23], [sflag:$0x3], $0x80, s1, s22, $0xb8;
	[tilespmem:$0x1EC00] =	vst v63  }
0xd9: {  	_ =	swait.ge [sflag:s20], $0x4000  }
0xda: {  	[sflag:s20] =	ssyncset.done $0x0  }
0xdb: {  	s1 =	sadd.s32 $0x100, s0;
	[sflag:s20] =	ssyncadd.s32 $0xFFFFC000  }
0xdc: {  	[tilespmem:s23], [sflag:$0x1] =	stream.indirect.gather [hbm4b:s2+s22], $0x80, s1, s22, $0xb8;
	[tilespmem:$0x1EC00] =	vst v63  }
0xdd: {  	_ =	swait.ge [sflag:s28], $0x4000  }
0xde: {  	[sflag:s28] =	ssyncset.done $0x0  }
.Ltmp4:
0xdf: {  	s1 =	sadd.s32 $0x1880, s0;
	[sflag:s28] =	ssyncadd.s32 $0xFFFFC000;
	(pc) =	sbr.rel @p1 .LBB2_5-.Ltmp4, $4  }
0xe0: {  	[spmem:s3] =	stream.indirect.scatter.add.f32 [tilespmem:s24], [sflag:$0x3], $0x80, s1, s22, $0xb8;
	[tilespmem:$0x1EC00] =	vst v63  }
0xe1: {  	_ =	swait.ge [sflag:s20], $0x4000  }
0xe2: {  	[sflag:s20] =	ssyncset.done $0x0  }
0xe3: {  	s0 =	sadd.s32 $0x180, s0;
	[sflag:s20] =	ssyncadd.s32 $0xFFFFC000  }
0xe4: {  	[tilespmem:s24], [sflag:$0x2] =	stream.indirect.gather [hbm4b:s2+s22], $0x80, s0, s22, $0xb8;
	[tilespmem:$0x1EC00] =	vst v63  }
0xe5: {  	_ =	swait.ge [sflag:s25], $0x4000  }
0xe6: {  	[sflag:s25] =	ssyncset.done $0x0  }
0xe7: {  	[sflag:s25] =	ssyncadd.s32 $0xFFFFC000  }
0xe8: {  	[spmem:s3] =	stream.indirect.scatter.add.f32 [tilespmem:s23], [sflag:$0x3], $0x80, s29, s22, $0xb8;
	[tilespmem:$0x1EC00] =	vst v63  }
0xe9: {  	_ =	swait.ge [sflag:s20], $0x4000  }
0xea: {  	[sflag:s20] =	ssyncset.done $0x0  }
0xeb: {  	[sflag:s20] =	ssyncadd.s32 $0xFFFFC000  }
0xec: {  	_ =	swait.ge [sflag:s28], $0x4000  }
0xed: {  	[sflag:s28] =	ssyncset.done $0x0  }
0xee: {  	[sflag:s28] =	ssyncadd.s32 $0xFFFFC000  }
0xef: {  	[spmem:s3] =	stream.indirect.scatter.add.f32 [tilespmem:s24], [sflag:$0x3], $0x80, s30, s22, $0xb8;
	[tilespmem:$0x1EC00] =	vst v63  }
0xf0: {  	_ =	swait.ge [sflag:s20], $0x4000  }
0xf1: {  	[sflag:s20] =	ssyncset.done $0x0  }
0xf2: {  	s0 =	simm.s32 $0x0;
	s1 =	rddreg [dreg:$0x8];
	[sflag:s20] =	ssyncadd.s32 $0xFFFFC000  }
0xf3: {  	[tilespmem:s0], [sflag:$0x3] =	stream.linear.gather [hbm4b:s1+s0], $0x1800, $0x38;
	[tilespmem:$0x1EC00] =	vst v63  }
0xf4: {  	_ =	swait.ge [sflag:s20], $0x1800  }
0xf5: {  	[sflag:s20] =	ssyncset.done $0x0  }
0xf6: {  	s15 =	rddreg [dreg:$0x9];
	[sflag:s20] =	ssyncadd.s32 $0xFFFFE800  }
0xf7: {  	[tilespmem:s21], [sflag:$0x3] =	stream.linear.gather [hbm4b:s15+s0], $0x1800, $0x38;
	[tilespmem:$0x1EC00] =	vst v63  }
0xf8: {  	_ =	swait.ge [sflag:s20], $0x1800  }
0xf9: {  	[sflag:s20] =	ssyncset.done $0x0  }
0xfa: {  	[sflag:s20] =	ssyncadd.s32 $0xFFFFE800  }
0xfb: {  	[tilespmem:s23], [sflag:$0x1] =	stream.indirect.gather [hbm4b:s2+s22], $0x80, s0, s22, $0xb8;
	[tilespmem:$0x1EC00] =	vst v63  }
0xfc: {  	_ = 	snop  }
0xfd: {  	[tilespmem:s24], [sflag:$0x2] =	stream.indirect.gather [hbm4b:s2+s22], $0x80, s22, s22, $0xb8;
	[tilespmem:$0x1EC00] =	vst v63  }
0xfe: {  	_ =	swait.ge [sflag:s25], $0x4000  }
0xff: {  	[sflag:s25] =	ssyncset.done $0x0  }
0x100: {  	s15 =	simm.s32 $0x1800;
	[sflag:s25] =	ssyncadd.s32 $0xFFFFC000  }
0x101: {  	[spmem:s3] =	stream.indirect.scatter.add.f32 [tilespmem:s23], [sflag:$0x3], $0x80, s15, s22, $0xb8;
	[tilespmem:$0x1EC00] =	vst v63  }
0x102: {  	_ =	swait.ge [sflag:s20], $0x4000  }
0x103: {  	[sflag:s20] =	ssyncset.done $0x0  }
0x104: {  	s1 =	simm.s32 $0x100;
	[sflag:s20] =	ssyncadd.s32 $0xFFFFC000  }
0x105: {  	[tilespmem:s23], [sflag:$0x1] =	stream.indirect.gather [hbm4b:s2+s22], $0x80, s1, s22, $0xb8;
	[tilespmem:$0x1EC00] =	vst v63  }
0x106: {  	_ =	swait.ge [sflag:s28], $0x4000  }
0x107: {  	[sflag:s28] =	ssyncset.done $0x0  }
0x108: {  	s15 =	simm.s32 $0x1880;
	[sflag:s28] =	ssyncadd.s32 $0xFFFFC000  }
0x109: {  	[spmem:s3] =	stream.indirect.scatter.add.f32 [tilespmem:s24], [sflag:$0x3], $0x80, s15, s22, $0xb8;
	[tilespmem:$0x1EC00] =	vst v63  }
0x10a: {  	_ =	swait.ge [sflag:s20], $0x4000  }
0x10b: {  	[sflag:s20] =	ssyncset.done $0x0  }
0x10c: {  	s0 =	simm.s32 $0x180;
	s15 =	simm.s32 $0x400;
	[sflag:s20] =	ssyncadd.s32 $0xFFFFC000  }
.LBB2_7:
0x10d: {  	[tilespmem:s24], [sflag:$0x2] =	stream.indirect.gather [hbm4b:s2+s22], $0x80, s0, s22, $0xb8;
	[tilespmem:$0x1EC00] =	vst v63  }
0x10e: {  	s0 =	smov.u32 s15  }
0x10f: {  	p1 =	sne.s32 s15, $0x5800;
	s15 =	sadd.s32 $0x400, s15;
	_ =	swait.ge [sflag:s25], $0x4000  }
0x110: {  	s0 =	sshra.s32 s0, $0x2;
	[sflag:s25] =	ssyncset.done $0x0  }
0x111: {  	s1 =	sadd.s32 $0x1800, s0;
	[sflag:s25] =	ssyncadd.s32 $0xFFFFC000  }
0x112: {  	[spmem:s3] =	stream.indirect.scatter.add.f32 [tilespmem:s23], [sflag:$0x3], $0x80, s1, s22, $0xb8;
	[tilespmem:$0x1EC00] =	vst v63  }
0x113: {  	_ =	swait.ge [sflag:s20], $0x4000  }
0x114: {  	[sflag:s20] =	ssyncset.done $0x0  }
0x115: {  	s1 =	sadd.s32 $0x100, s0;
	[sflag:s20] =	ssyncadd.s32 $0xFFFFC000  }
0x116: {  	[tilespmem:s23], [sflag:$0x1] =	stream.indirect.gather [hbm4b:s2+s22], $0x80, s1, s22, $0xb8;
	[tilespmem:$0x1EC00] =	vst v63  }
0x117: {  	_ =	swait.ge [sflag:s28], $0x4000  }
0x118: {  	[sflag:s28] =	ssyncset.done $0x0  }
.Ltmp5:
0x119: {  	s1 =	sadd.s32 $0x1880, s0;
	[sflag:s28] =	ssyncadd.s32 $0xFFFFC000;
	(pc) =	sbr.rel @p1 .LBB2_7-.Ltmp5, $4  }
0x11a: {  	[spmem:s3] =	stream.indirect.scatter.add.f32 [tilespmem:s24], [sflag:$0x3], $0x80, s1, s22, $0xb8;
	[tilespmem:$0x1EC00] =	vst v63  }
0x11b: {  	_ =	swait.ge [sflag:s20], $0x4000  }
0x11c: {  	[sflag:s20] =	ssyncset.done $0x0  }
0x11d: {  	s0 =	sadd.s32 $0x180, s0;
	[sflag:s20] =	ssyncadd.s32 $0xFFFFC000  }
.Ltmp6:
0x11e: {  	_ = 	snop;
	(pc) =	sbr.rel .LBB2_8-.Ltmp6, $1  }
0x11f: {  	_ =	sdelay $0x3  }
.LBB2_10:
0x120: {  	_ =	sfence.sel $0x180000  }
0x121: {  	[bflag:$0x0] =	sbarrier.arrive $0xFFFF  }
0x122: {  	_ =	strace $0x9000004A  }
0x123: {  	s0 =	stileid.u32;
	[bflag:$0x2] =	sbarrier.arrive $0xFFFF  }
0x124: {  	p0 =	sne.s32 s0, $0x0;
	s0 =	rddreg [dreg:$0x3]  }
0x125: {  	s0 =	sadd.s32 @!p0 $0x100000, s0  }
0x126: {  	[sflag:s0] =	ssyncadd.tile.s32 @!p0 $0x1;
	_ =	shalt  }
.Lfunc_end2:
_tile_overlayer_lowered:
.L_overlay_start_2:
0x127: {  	(tag) =	ssettag $0x2  }
0x128: {  	s0 =	rddreg [dreg:$0x0];
	s2 =	stileid.u32  }
0x129: {  	s1 =	rddreg [dreg:$0x1];
	p0 =	sne.s32 s2, $0x0  }
0x12a: {  	s3 =	rddreg [dreg:$0x2];
	[bflag:$0x3] =	sbarrier.arrive $0xFFFF;
	s2 =	simm.s32 @!p0 $0x1C03  }
0x12b: {  	[timem:s3], [sflag:s2] =	dma.local @!p0 [hbm:s0], s1  }
0x12c: {  	s0 =	simm.s32 @!p0 $0x3  }
0x12d: {  	_ =	swait.ge @!p0 [sflag:s0], s1  }
0x12e: {  	s1 =	ssub.s32 @!p0 $0x0, s1;
	[sflag:s0] =	ssyncset.done @!p0 $0x0  }
0x12f: {  	[sflag:s0] =	ssyncadd.s32 @!p0 s1  }
0x130: {  	[bflag:$0x3] =	sbarrier.arrive $0xFFFF  }
0x131: {  	_ =	shalt  }

// kernel: kernel.14.cloned.1.call-start
scs
__scs_entry_jumppad:
0x0: {  	(pc) =	sbr.rel $0x88, $3  }
0x1: {  	(tag) =	ssettag $0x0;
	lr =	simm.s32 $0x1  }
0x2: {  	[smem:$0x3F9B] =	sst lr;
	_ =	strace $0xD0000000  }
0x3: {  	_ = 	snop  }
0x4: {  	_ = 	snop  }
0x5: {  	_ = 	snop  }
0x6: {  	_ = 	snop  }
0x7: {  	_ = 	snop  }
__scs_overlays_trampoline_lowered:
0x8: {  	[smem:$0x3FAA] =	sst s0  }
0x9: {  	[smem:$0x3FAB] =	sst s1  }
0xa: {  	[smem:$0x3FAC] =	sst s2  }
0xb: {  	[smem:$0x3FAD] =	sst s3  }
0xc: {  	[smem:$0x3FAE] =	sst s4  }
0xd: {  	[smem:$0x3FAF] =	sst s5  }
0xe: {  	[smem:$0x3FB0] =	sst s6  }
0xf: {  	[smem:$0x3FB1] =	sst s7  }
0x10: {  	[smem:$0x3FB2] =	sst s8  }
0x11: {  	[smem:$0x3FB3] =	sst s9;
	s0 =	simm.s32 @!p0 $0x0  }
0x12: {  	s1 =	sld [smem:$0x3F99];
	s0 =	simm.s32 @p0 $0x1  }
0x13: {  	[smem:$0x3FB4] =	sst s0;
	s0 =	simm.s32 @!p1 $0x0  }
0x14: {  	s2 =	sld [smem:$0x3F98];
	s0 =	simm.s32 @p1 $0x1  }
0x15: {  	[smem:$0x3FB5] =	sst s0;
	s0 =	simm.s32 @!p2 $0x0  }
0x16: {  	s3 =	sld [smem:$0x3FDB];
	s0 =	simm.s32 @p2 $0x1  }
0x17: {  	s4 =	simm.s32 $0x1BF5;
	[smem:$0x3FB7] =	sst s0  }
0x18: {  	s0 =	sld [smem:$0x3F9A];
	_ =	swait.ge [sflag:s4], $0x0  }
0x19: {  	s7 =	sld [smem:$0x3F9B]  }
0x1a: {  	s8 =	sadd.s32 $0xFFFFE003, lr  }
0x1b: {  	s9 =	sadd.s32 $0xFFFFFEF7, lr;
	s5 =	simm.s32 $0xFFFFFFFF;
	p2 =	slt.u32 s8, $0xFFFFF086  }
0x1c: {  	p1 =	slt.u32 s9, $0xF7A;
	s5 =	simm.s32 @!p2 $0x0  }
0x1d: {  	s5 =	simm.s32 @p1 $0x1;
	p0 =	seq.s32 s7, s2  }
0x1e: {  	s7 =	smul.u32 @!p0 $0xF7A, s2;
	p2 =	seq.s32 @!p0 s5, $0x0  }
0x1f: {  	s9 =	smul.u32 $0xF7A, s1;
	s8 =	simm.s32 @!p0 $0x1BF5;
	p2 =	por !p2, p0  }
0x20: {  	[sflag:s8] =	ssyncset.s32 @!p0 $0xFFFFF086;
	s6 =	sadd.s32 @!p0 s3, s7;
	s7 =	simm.s32 @!p0 $0x108  }
0x21: {  	s3 =	sadd.s32 s3, s9;
	s6 =	sadd.s32 @!p0 $0x88, s6;
	s7 =	simm.s32 @p2 $0x1082  }
0x22: {  	[simem:s7], [sflag:s8] =	dma.local @!p0 [hbm:s6], $0xF7A  }
0x23: {  	s9 =	sor.u32 $0xD0000000, s2;
	s6 =	simm.s32 $0x108;
	_ =	swait.ge @!p0 [sflag:s8], $0x0  }
0x24: {  	s3 =	sadd.s32 $0x88, s3;
	s6 =	simm.s32 @!p1 $0x1082;
	[sflag:s4] =	ssyncset.s32 $0xFFFFF086  }
0x25: {  	[simem:s6], [sflag:s4] =	dma.local [hbm:s3], $0xF7A  }
0x26: {  	[smem:$0x3F9B] =	sst s1;
	(tag) =	ssettag s2;
	_ =	strace s9  }
0x27: {  	s1 =	sld [smem:$0x3FAB]  }
0x28: {  	s2 =	sld [smem:$0x3FAC]  }
0x29: {  	s4 =	sld [smem:$0x3FAE]  }
0x2a: {  	p0 =	seq.s32 s5, $0x0;
	s5 =	sld [smem:$0x3FAF]  }
0x2b: {  	s6 =	sld [smem:$0x3FB0]  }
0x2c: {  	s7 =	sld [smem:$0x3FB1]  }
0x2d: {  	s3 =	simm.s32 $0x108;
	s8 =	sld [smem:$0x3FB2]  }
0x2e: {  	s3 =	simm.s32 @!p0 $0x1082;
	s9 =	sld [smem:$0x3FB3]  }
0x2f: {  	lr =	sadd.s32 s0, s3;
	s0 =	sld [smem:$0x3FAA]  }
0x30: {  	s3 =	sld [smem:$0x3FAD]  }
0x31: {  	[smem:$0x3FB6] =	sst s10  }
0x32: {  	s10 =	sld [smem:$0x3FB4];
	_ =	sdelay $0x3  }
0x33: {  	p0 =	seq.s32 s10, $0x1;
	s10 =	sld [smem:$0x3FB6];
	_ =	sdelay $0x3  }
0x34: {  	[smem:$0x3FB6] =	sst s10  }
0x35: {  	s10 =	sld [smem:$0x3FB5];
	_ =	sdelay $0x3  }
0x36: {  	p1 =	seq.s32 s10, $0x1;
	s10 =	sld [smem:$0x3FB6];
	_ =	sdelay $0x3  }
0x37: {  	[smem:$0x3FB6] =	sst s10  }
0x38: {  	s10 =	sld [smem:$0x3FB7]  }
0x39: {  	_ = 	snop;
	(pc) =	sbr.ind lr, $3  }
0x3a: {  	_ = 	snop  }
0x3b: {  	_ = 	snop  }
0x3c: {  	p2 =	seq.s32 s10, $0x1;
	s10 =	sld [smem:$0x3FB6]  }
0x3d: {  	_ =	shalt  }
0x3e: {  	_ =	shalt  }
0x3f: {  	_ =	shalt  }
0x40: {  	_ =	shalt  }
0x41: {  	_ =	shalt  }
0x42: {  	_ =	shalt  }
0x43: {  	_ =	shalt  }
0x44: {  	_ =	shalt  }
0x45: {  	_ =	shalt  }
0x46: {  	_ =	shalt  }
0x47: {  	_ =	shalt  }
0x48: {  	_ =	shalt  }
0x49: {  	_ =	shalt  }
0x4a: {  	_ =	shalt  }
0x4b: {  	_ =	shalt  }
0x4c: {  	_ =	shalt  }
0x4d: {  	_ =	shalt  }
0x4e: {  	_ =	shalt  }
0x4f: {  	_ =	shalt  }
0x50: {  	_ =	shalt  }
0x51: {  	_ =	shalt  }
0x52: {  	_ =	shalt  }
0x53: {  	_ =	shalt  }
0x54: {  	_ =	shalt  }
0x55: {  	_ =	shalt  }
0x56: {  	_ =	shalt  }
0x57: {  	_ =	shalt  }
0x58: {  	_ =	shalt  }
0x59: {  	_ =	shalt  }
0x5a: {  	_ =	shalt  }
0x5b: {  	_ =	shalt  }
0x5c: {  	_ =	shalt  }
0x5d: {  	_ =	shalt  }
0x5e: {  	_ =	shalt  }
0x5f: {  	_ =	shalt  }
0x60: {  	_ =	shalt  }
0x61: {  	_ =	shalt  }
0x62: {  	_ =	shalt  }
0x63: {  	_ =	shalt  }
0x64: {  	_ =	shalt  }
0x65: {  	_ =	shalt  }
0x66: {  	_ =	shalt  }
0x67: {  	_ =	shalt  }
0x68: {  	_ =	shalt  }
0x69: {  	_ =	shalt  }
0x6a: {  	_ =	shalt  }
0x6b: {  	_ =	shalt  }
0x6c: {  	_ =	shalt  }
0x6d: {  	_ =	shalt  }
0x6e: {  	_ =	shalt  }
0x6f: {  	_ =	shalt  }
0x70: {  	_ =	shalt  }
0x71: {  	_ =	shalt  }
0x72: {  	_ =	shalt  }
0x73: {  	_ =	shalt  }
0x74: {  	_ =	shalt  }
0x75: {  	_ =	shalt  }
0x76: {  	_ =	shalt  }
0x77: {  	_ =	shalt  }
0x78: {  	_ =	shalt  }
0x79: {  	_ =	shalt  }
0x7a: {  	_ =	shalt  }
0x7b: {  	_ =	shalt  }
0x7c: {  	_ =	shalt  }
0x7d: {  	_ =	shalt  }
0x7e: {  	_ =	shalt  }
0x7f: {  	_ =	shalt  }
0x80: {  	_ =	shalt  }
0x81: {  	_ =	shalt  }
0x82: {  	_ =	shalt  }
0x83: {  	_ =	shalt  }
0x84: {  	_ =	shalt  }
0x85: {  	_ =	shalt  }
0x86: {  	_ =	shalt  }
0x87: {  	_ =	shalt  }
.Lfunc_end0:
.L_simem_size_0:
called_computation.2_lowered:
.L_overlay_start_0:
0x88: {  	s2 =	sld [smem:$0x3FD9]  }
0x89: {  	s3 =	sld [smem:$0x3FFE];
	_ =	sdelay $0x1  }
0x8a: {  	s1 =	srdreg.scid  }
0x8b: {  	s0 =	sand.u32 $0x1, s1  }
0x8c: {  	s17 =	sshll.u32 s0, $0xA;
	s2 =	sadd.s32 s3, s2  }
0x8d: {  	s2 =	sadd.s32 s2, s17  }
0x8e: {  	[smem:$0x3FC2] =	sst s2  }
0x8f: {  	_ = 	snop  }
0x90: {  	s2 =	sld [smem:$0x3FD0];
	(tm) =	ssettm $0x1  }
0x91: {  	s18 =	sld [smem:$0x3FFB];
	_ =	sdelay $0x3  }
0x92: {  	_ =	strace s18  }
0x93: {  	s3 =	sld [smem:$0x3FFC];
	_ =	sdelay $0x3  }
0x94: {  	_ =	strace s3  }
0x95: {  	s3 =	sld [smem:$0x3FFD];
	_ =	sdelay $0x3  }
0x96: {  	_ =	strace s3  }
0x97: {  	_ =	strace $0x8FFFFFFF  }
0x98: {  	s19 =	sld [smem:$0x3FDB];
	_ =	sdelay $0x1  }
0x99: {  	s4 =	simm.s32 $_scs_section_size  }
0x9a: {  	s5 =	simm.s32 $_size__tile_overlayer_lowered;
	s6 =	simm.s32 $_tile_overlayer_lowered  }
0x9b: {  	s22 =	simm.s32 $0x1BFF;
	s21 =	sshll.u32 s6, $0x1;
	s3 =	sadd.s32 s4, s19  }
0x9c: {  	s7 =	simm.s32 $0x0;
	s20 =	sshll.u32 s5, $0x1;
	s5 =	sadd.s32 s21, s3  }
0x9d: {  	[timem:s7], [sflag:s22] =	dma.local [hbm:s5], s20  }
0x9e: {  	_ =	swait.ge [sflag:s22], s20  }
0x9f: {  	s4 =	ssub.s32 $0x0, s20;
	[sflag:s22] =	ssyncset.done $0x0  }
0xa0: {  	[sflag:s22] =	ssyncadd.s32 s4;
	_ =	sdelay $0x1  }
0xa1: {  	s23 =	simm.s32 $0x1B8B  }
0xa2: {  	_ =	swait.ge [sflag:s23], $0x1  }
0xa3: {  	[sflag:s23] =	ssyncset.done $0x0  }
0xa4: {  	s25 =	simm.s32 $0x1B8E;
	s24 =	sld [smem:$0x3FFE];
	[sflag:s23] =	ssyncadd.s32 $0xFFFFFFFF  }
0xa5: {  	s26 =	simm.s32 $execute0_lowered;
	[smem:$0x3FD2] =	sst s25  }
0xa6: {  	s5 =	sshll.u32 s26, $0x1;
	_ =	strace $0x8000004C;
	[dreg:$0x1] =	wrdreg $0xFFFFFFFF  }
0xa7: {  	s28 =	simm.s32 $_size_execute0_lowered;
	s3 =	sadd.s32 s3, s5;
	[dreg:$0x0] =	wrdreg $0x0  }
0xa8: {  	s5 =	sshll.u32 s28, $0x1;
	[dreg:$0x2] =	wrdreg s3  }
0xa9: {  	[dreg:$0x3] =	wrdreg s5  }
0xaa: {  	[dreg:$0x4] =	wrdreg $0xC0  }
0xab: {  	_ =	task [dreg:s7], $0x5FFFF  }
0xac: {  	[dreg:$0x1] =	wrdreg $0xFFFFFFFF  }
0xad: {  	[dreg:$0x0] =	wrdreg $0x60  }
0xae: {  	[dreg:$0x2] =	wrdreg s24  }
0xaf: {  	[dreg:$0x3] =	wrdreg s2  }
0xb0: {  	[dreg:$0x4] =	wrdreg $0xB0000  }
0xb1: {  	[dreg:$0x5] =	wrdreg $0x9  }
0xb2: {  	_ =	task.clear_ibuf [dreg:s7], $0x6FFFF;
	_ =	strace $0x9000004C  }
0xb3: {  	s29 =	simm.s32 $0x9;
	_ =	strace $0x8000004E  }
0xb4: {  	_ =	swait.ge [sflag:s29], $0x1  }
0xb5: {  	[sflag:s29] =	ssyncadd.s32 $0xFFFFFFFF  }
0xb6: {  	_ =	strace $0x9000004E  }
0xb7: {  	_ =	sfence  }
0xb8: {  	s30 =	sld [smem:$0x0];
	_ =	sdelay $0x2  }
0xb9: {  	s31 =	sshll.u32 s1, $0xD;
	s1 =	sshrl.u32 s1, $0x2  }
0xba: {  	s3 =	sand.u32 $0x4000, s31;
	s1 =	sadd.s32 s1, s30  }
0xbb: {  	s0 =	sor.u32 s3, s0;
	s1 =	sshll.u32 s1, $0x11  }
0xbc: {  	s0 =	sor.u32 s1, s0  }
0xbd: {  	s0 =	sadd.s32 $0x8F2B, s0  }
0xbe: {  	[sflag:s0] =	ssyncadd.remote.s32 $0x1  }
0xbf: {  	_ =	sfence.sel $0xFFFF  }
0xc0: {  	[dreg:$0x0] =	wrdreg $0xFFFFFFFF;
	(pc) =	sbr.abs _section_cstart, $3  }
0xc1: {  	[dreg:$0x1] =	wrdreg $0xFFFFFFFF  }
0xc2: {  	_ =	task.clear_ibuf [dreg:s7], $0x2FFFF;
	_ =	strace $0x9FFFFFFF  }
0xc3: {  	(tm) =	ssettm $0x7FFFFFFF  }
tec
execute0_lowered:
.L_overlay_start_1:
0x0: {  	(tag) =	ssettag $0x1  }
0x1: {  	s0 =	rddreg [dreg:$0x0]  }
0x2: {  	s2 =	rddreg [dreg:$0x1]  }
0x3: {  	s3 =	rddreg [dreg:$0x2];
	s4 =	simm.s32 $0x0;
	s14 =	stileid.u32  }
0x4: {  	s1 =	srdreg.scid;
	s28 =	simm.s32 $0x2;
	s29 =	simm.s32 $0x2F00  }
0x5: {  	s30 =	simm.s32 $0x2F80;
	s31 =	simm.s32 $0x0;
	s7 =	smul.u32 $0x13C00, s14  }
0x6: {  	[smem:$0x7FF] =	sst s4;
	s1 =	sand.u32 $0x1, s1;
	s11 =	smul.u32 $0x4F000, s14  }
0x7: {  	s5 =	sadd.s32 $0xC800, s0;
	s6 =	sadd.s32 $0x2800, s0;
	s12 =	smul.u32 $0x980, s14  }
0x8: {  	s17 =	sshll.u32 s14, $0x6;
	s18 =	smul.u32 $0x4C00, s14;
	s26 =	sshll.u32 s14, $0x7  }
0x9: {  	s14 =	simm.s32 $0x1B00;
	_ =	strace $0x8000004D;
	s8 =	smul.u32 $0x13C000, s1  }
0xa: {  	s15 =	ssub.s32 $0x2, s1;
	p0 =	seq.s32 s1, $0x1;
	s9 =	sshrl.u32 s7, $0x3  }
0xb: {  	s10 =	sshrl.u32 s15, $0x1;
	s16 =	sshrl.u32 s11, $0x2;
	s19 =	sadd.s32 s5, s12  }
0xc: {  	s20 =	sshrl.u32 s18, $0x3;
	s21 =	sadd.s32 s6, s12;
	s12 =	simm.s32 $0x1A80  }
0xd: {  	s9 =	sadd.s32 s9, s0;
	s7 =	sadd.s32 s7, s8;
	s10 =	ssub.s32 s15, s10  }
0xe: {  	s13 =	sadd.s32 s16, s3;
	s8 =	sor.u32 $0x1C03, s17;
	[dreg:$0x4] =	wrdreg s19  }
0xf: {  	[dreg:$0x5] =	wrdreg s21;
	s22 =	sadd.s32 $0x300, s20;
	s11 =	sadd.s32 $0x600, s20  }
0x10: {  	s1 =	sadd.s32 $0x900, s20;
	s16 =	sor.u32 $0x9800, s26;
	s20 =	simm.s32 $0x3  }
0x11: {  	s21 =	simm.s32 $0x1800;
	s26 =	simm.s32 $0x1B80;
	s7 =	sshrl.u32 s7, $0x3  }
0x12: {  	s23 =	sadd.s32 s5, s22;
	s24 =	sadd.s32 s5, s11;
	s25 =	sadd.s32 s6, s11  }
0x13: {  	[dreg:$0xa] =	wrdreg s1;
	s18 =	smax.u32 s10, $0x1;
	s19 =	sshrl.u32 s13, $0x3  }
0x14: {  	s1 =	simm.s32 $0x100;
	s10 =	simm.s32 $0x1A00;
	s11 =	simm.s32 $0x300  }
.Ltmp0:
0x15: {  	s13 =	simm.s32 $0x380;
	[dreg:$0x6] =	wrdreg s23;
	(pc) =	sbr.rel .LBB2_1-.Ltmp0, $4  }
0x16: {  	s0 =	sadd.s32 s7, s0;
	s7 =	sadd.s32 $0x16800, s9;
	[dreg:$0x8] =	wrdreg s24  }
0x17: {  	s9 =	sadd.s32 s6, s22;
	[dreg:$0x9] =	wrdreg s25;
	s22 =	simm.s32 $0x80  }
0x18: {  	s23 =	simm.s32 $0x3000;
	s24 =	simm.s32 $0x7000;
	s25 =	simm.s32 $0x1  }
0x19: {  	[dreg:$0x7] =	wrdreg s9;
	s17 =	sadd.s32 $0x3E000, s0;
	s9 =	simm.s32 $0x280  }
.LBB2_8:
0x1a: {  	[tilespmem:s24], [sflag:$0x2] =	stream.indirect.gather [hbm4b:s2+s22], $0x80, s0, s22, $0xb8;
	[tilespmem:$0x1EC00] =	vst v63  }
0x1b: {  	_ =	swait.ge [sflag:s25], $0x4000  }
0x1c: {  	[sflag:s25] =	ssyncset.done $0x0  }
0x1d: {  	[sflag:s25] =	ssyncadd.s32 $0xFFFFC000  }
0x1e: {  	[spmem:s3] =	stream.indirect.scatter.add.f32 [tilespmem:s23], [sflag:$0x3], $0x80, s29, s22, $0xb8;
	[tilespmem:$0x1EC00] =	vst v63  }
0x1f: {  	_ =	swait.ge [sflag:s20], $0x4000  }
0x20: {  	[sflag:s20] =	ssyncset.done $0x0  }
0x21: {  	[sflag:s20] =	ssyncadd.s32 $0xFFFFC000  }
0x22: {  	_ =	swait.ge [sflag:s28], $0x4000  }
0x23: {  	[sflag:s28] =	ssyncset.done $0x0  }
0x24: {  	[sflag:s28] =	ssyncadd.s32 $0xFFFFC000  }
0x25: {  	[spmem:s3] =	stream.indirect.scatter.add.f32 [tilespmem:s24], [sflag:$0x3], $0x80, s30, s22, $0xb8;
	[tilespmem:$0x1EC00] =	vst v63  }
0x26: {  	_ =	swait.ge [sflag:s20], $0x4000  }
0x27: {  	[sflag:s20] =	ssyncset.done $0x0  }
0x28: {  	s1 =	simm.s32 $0x100;
	s15 =	rddreg [dreg:$0xa];
	[sflag:s20] =	ssyncadd.s32 $0xFFFFC000  }
.LBB2_9:
0x29: {  	s0 =	sadd.s32 s5, s15  }
0x2a: {  	[tilespmem:s4], [sflag:$0x3] =	stream.linear.gather [hbm4b:s0+s4], $0x400, $0x38;
	[tilespmem:$0x1EC00] =	vst v63  }
0x2b: {  	_ =	swait.ge [sflag:s20], $0x400  }
0x2c: {  	[sflag:s20] =	ssyncset.done $0x0  }
0x2d: {  	s15 =	sadd.s32 s6, s15;
	[sflag:s20] =	ssyncadd.s32 $0xFFFFFC00  }
0x2e: {  	[tilespmem:s21], [sflag:$0x3] =	stream.linear.gather [hbm4b:s15+s4], $0x400, $0x38;
	[tilespmem:$0x1EC00] =	vst v63  }
0x2f: {  	_ =	swait.ge [sflag:s20], $0x400  }
0x30: {  	[sflag:s20] =	ssyncset.done $0x0  }
0x31: {  	[sflag:s20] =	ssyncadd.s32 $0xFFFFFC00  }
0x32: {  	[tilespmem:s23], [sflag:$0x1] =	stream.indirect.gather [hbm4b:s2+s22], $0x80, s4, s22, $0xb8;
	[tilespmem:$0x1EC00] =	vst v63  }
0x33: {  	_ = 	snop  }
0x34: {  	[tilespmem:s24], [sflag:$0x2] =	stream.indirect.gather [hbm4b:s2+s22], $0x80, s22, s22, $0xb8;
	[tilespmem:$0x1EC00] =	vst v63  }
0x35: {  	_ =	swait.ge [sflag:s25], $0x4000  }
0x36: {  	[sflag:s25] =	ssyncset.done $0x0  }
0x37: {  	[sflag:s25] =	ssyncadd.s32 $0xFFFFC000  }
0x38: {  	[spmem:s3] =	stream.indirect.scatter.add.f32 [tilespmem:s23], [sflag:$0x3], $0x80, s21, s22, $0xb8;
	[tilespmem:$0x1EC00] =	vst v63  }
0x39: {  	_ =	swait.ge [sflag:s20], $0x4000  }
0x3a: {  	[sflag:s20] =	ssyncset.done $0x0  }
0x3b: {  	[sflag:s20] =	ssyncadd.s32 $0xFFFFC000  }
0x3c: {  	[tilespmem:s23], [sflag:$0x1] =	stream.indirect.gather [hbm4b:s2+s22], $0x80, s1, s22, $0xb8;
	[tilespmem:$0x1EC00] =	vst v63  }
0x3d: {  	_ =	swait.ge [sflag:s28], $0x4000  }
0x3e: {  	[sflag:s28] =	ssyncset.done $0x0  }
0x3f: {  	s15 =	simm.s32 $0x1880;
	[sflag:s28] =	ssyncadd.s32 $0xFFFFC000  }
0x40: {  	[spmem:s3] =	stream.indirect.scatter.add.f32 [tilespmem:s24], [sflag:$0x3], $0x80, s15, s22, $0xb8;
	[tilespmem:$0x1EC00] =	vst v63  }
0x41: {  	_ =	swait.ge [sflag:s20], $0x4000  }
0x42: {  	[sflag:s20] =	ssyncset.done $0x0  }
0x43: {  	s15 =	simm.s32 $0x180;
	[sflag:s20] =	ssyncadd.s32 $0xFFFFC000  }
0x44: {  	[tilespmem:s24], [sflag:$0x2] =	stream.indirect.gather [hbm4b:s2+s22], $0x80, s15, s22, $0xb8;
	[tilespmem:$0x1EC00] =	vst v63  }
0x45: {  	_ =	swait.ge [sflag:s25], $0x4000  }
0x46: {  	[sflag:s25] =	ssyncset.done $0x0  }
0x47: {  	s15 =	simm.s32 $0x1900;
	[sflag:s25] =	ssyncadd.s32 $0xFFFFC000  }
0x48: {  	[spmem:s3] =	stream.indirect.scatter.add.f32 [tilespmem:s23], [sflag:$0x3], $0x80, s15, s22, $0xb8;
	[tilespmem:$0x1EC00] =	vst v63  }
0x49: {  	_ =	swait.ge [sflag:s20], $0x4000  }
0x4a: {  	[sflag:s20] =	ssyncset.done $0x0  }
0x4b: {  	s15 =	simm.s32 $0x200;
	[sflag:s20] =	ssyncadd.s32 $0xFFFFC000  }
0x4c: {  	[tilespmem:s23], [sflag:$0x1] =	stream.indirect.gather [hbm4b:s2+s22], $0x80, s15, s22, $0xb8;
	[tilespmem:$0x1EC00] =	vst v63  }
0x4d: {  	_ =	swait.ge [sflag:s28], $0x4000  }
0x4e: {  	[sflag:s28] =	ssyncset.done $0x0  }
0x4f: {  	s15 =	simm.s32 $0x1980;
	[sflag:s28] =	ssyncadd.s32 $0xFFFFC000  }
0x50: {  	[spmem:s3] =	stream.indirect.scatter.add.f32 [tilespmem:s24], [sflag:$0x3], $0x80, s15, s22, $0xb8;
	[tilespmem:$0x1EC00] =	vst v63  }
0x51: {  	_ =	swait.ge [sflag:s20], $0x4000  }
0x52: {  	[sflag:s20] =	ssyncset.done $0x0  }
0x53: {  	[sflag:s20] =	ssyncadd.s32 $0xFFFFC000  }
0x54: {  	[tilespmem:s24], [sflag:$0x2] =	stream.indirect.gather [hbm4b:s2+s22], $0x80, s9, s22, $0xb8;
	[tilespmem:$0x1EC00] =	vst v63  }
0x55: {  	_ =	swait.ge [sflag:s25], $0x4000  }
0x56: {  	[sflag:s25] =	ssyncset.done $0x0  }
0x57: {  	[sflag:s25] =	ssyncadd.s32 $0xFFFFC000  }
0x58: {  	[spmem:s3] =	stream.indirect.scatter.add.f32 [tilespmem:s23], [sflag:$0x3], $0x80, s10, s22, $0xb8;
	[tilespmem:$0x1EC00] =	vst v63  }
0x59: {  	_ =	swait.ge [sflag:s20], $0x4000  }
0x5a: {  	[sflag:s20] =	ssyncset.done $0x0  }
0x5b: {  	[sflag:s20] =	ssyncadd.s32 $0xFFFFC000  }
0x5c: {  	[tilespmem:s23], [sflag:$0x1] =	stream.indirect.gather [hbm4b:s2+s22], $0x80, s11, s22, $0xb8;
	[tilespmem:$0x1EC00] =	vst v63  }
0x5d: {  	_ =	swait.ge [sflag:s28], $0x4000  }
0x5e: {  	[sflag:s28] =	ssyncset.done $0x0  }
0x5f: {  	[sflag:s28] =	ssyncadd.s32 $0xFFFFC000  }
0x60: {  	[spmem:s3] =	stream.indirect.scatter.add.f32 [tilespmem:s24], [sflag:$0x3], $0x80, s12, s22, $0xb8;
	[tilespmem:$0x1EC00] =	vst v63  }
0x61: {  	_ =	swait.ge [sflag:s20], $0x4000  }
0x62: {  	[sflag:s20] =	ssyncset.done $0x0  }
0x63: {  	[sflag:s20] =	ssyncadd.s32 $0xFFFFC000  }
0x64: {  	[tilespmem:s24], [sflag:$0x2] =	stream.indirect.gather [hbm4b:s2+s22], $0x80, s13, s22, $0xb8;
	[tilespmem:$0x1EC00] =	vst v63  }
0x65: {  	_ =	swait.ge [sflag:s25], $0x4000  }
0x66: {  	[sflag:s25] =	ssyncset.done $0x0  }
0x67: {  	[sflag:s25] =	ssyncadd.s32 $0xFFFFC000  }
0x68: {  	[spmem:s3] =	stream.indirect.scatter.add.f32 [tilespmem:s23], [sflag:$0x3], $0x80, s14, s22, $0xb8;
	[tilespmem:$0x1EC00] =	vst v63  }
0x69: {  	_ =	swait.ge [sflag:s20], $0x4000  }
0x6a: {  	[sflag:s20] =	ssyncset.done $0x0  }
0x6b: {  	[sflag:s20] =	ssyncadd.s32 $0xFFFFC000  }
0x6c: {  	_ =	swait.ge [sflag:s28], $0x4000  }
0x6d: {  	[sflag:s28] =	ssyncset.done $0x0  }
0x6e: {  	[sflag:s28] =	ssyncadd.s32 $0xFFFFC000  }
0x6f: {  	[spmem:s3] =	stream.indirect.scatter.add.f32 [tilespmem:s24], [sflag:$0x3], $0x80, s26, s22, $0xb8;
	[tilespmem:$0x1EC00] =	vst v63  }
0x70: {  	_ =	swait.ge [sflag:s20], $0x4000  }
0x71: {  	s31 =	sadd.s32 $0x1, s31;
	[sflag:s20] =	ssyncset.done $0x0  }
0x72: {  	p1 =	sne.s32 s31, s18;
	[sflag:s20] =	ssyncadd.s32 $0xFFFFC000  }
.Ltmp1:
0x73: {  	[bflag:$0x0] =	sbarrier.arrive $0xFFFF;
	(pc) =	sbr.rel @!p1 .LBB2_10-.Ltmp1, $4  }
0x74: {  	[hbm:s17], [sflag:s8] =	dma.local [spmem:s19], $0x2780  }
0x75: {  	_ =	swait.ge [sflag:s20], $0x2780  }
0x76: {  	[sflag:s20] =	ssyncset.done $0x0  }
0x77: {  	[sflag:s20] =	ssyncadd.s32 $0xFFFFD880  }
.LBB2_1:
0x78: {  	[spmem:s19], [sflag:s8] =	dma.local [hbm:s7], $0x2780  }
.Ltmp2:
0x79: {  	_ =	swait.ge [sflag:s20], $0x2780;
	(pc) =	sbr.rel @p0 .LBB2_9-.Ltmp2, $4  }
0x7a: {  	[sflag:s20] =	ssyncset.done $0x0  }
0x7b: {  	[sflag:s20] =	ssyncadd.s32 $0xFFFFD880  }
0x7c: {  	[bflag:$0x0] =	sbarrier.arrive $0xFFFF  }
0x7d: {  	s15 =	smov.u32 s16  }
0x7e: {  	s0 =	simm.s32 $0x0;
	s1 =	rddreg [dreg:$0x4]  }
0x7f: {  	[tilespmem:s0], [sflag:$0x3] =	stream.linear.gather [hbm4b:s1+s0], $0x1800, $0x38;
	[tilespmem:$0x1EC00] =	vst v63  }
0x80: {  	_ =	swait.ge [sflag:s20], $0x1800  }
0x81: {  	[sflag:s20] =	ssyncset.done $0x0  }
0x82: {  	s15 =	rddreg [dreg:$0x5];
	[sflag:s20] =	ssyncadd.s32 $0xFFFFE800  }
0x83: {  	[tilespmem:s21], [sflag:$0x3] =	stream.linear.gather [hbm4b:s15+s0], $0x1800, $0x38;
	[tilespmem:$0x1EC00] =	vst v63  }
0x84: {  	_ =	swait.ge [sflag:s20], $0x1800  }
0x85: {  	[sflag:s20] =	ssyncset.done $0x0  }
0x86: {  	[sflag:s20] =	ssyncadd.s32 $0xFFFFE800  }
0x87: {  	[tilespmem:s23], [sflag:$0x1] =	stream.indirect.gather [hbm4b:s2+s22], $0x80, s0, s22, $0xb8;
	[tilespmem:$0x1EC00] =	vst v63  }
0x88: {  	_ = 	snop  }
0x89: {  	[tilespmem:s24], [sflag:$0x2] =	stream.indirect.gather [hbm4b:s2+s22], $0x80, s22, s22, $0xb8;
	[tilespmem:$0x1EC00] =	vst v63  }
0x8a: {  	_ =	swait.ge [sflag:s25], $0x4000  }
0x8b: {  	[sflag:s25] =	ssyncset.done $0x0  }
0x8c: {  	s15 =	simm.s32 $0x1800;
	[sflag:s25] =	ssyncadd.s32 $0xFFFFC000  }
0x8d: {  	[spmem:s3] =	stream.indirect.scatter.add.f32 [tilespmem:s23], [sflag:$0x3], $0x80, s15, s22, $0xb8;
	[tilespmem:$0x1EC00] =	vst v63  }
0x8e: {  	_ =	swait.ge [sflag:s20], $0x4000  }
0x8f: {  	[sflag:s20] =	ssyncset.done $0x0  }
0x90: {  	s1 =	simm.s32 $0x100;
	[sflag:s20] =	ssyncadd.s32 $0xFFFFC000  }
0x91: {  	[tilespmem:s23], [sflag:$0x1] =	stream.indirect.gather [hbm4b:s2+s22], $0x80, s1, s22, $0xb8;
	[tilespmem:$0x1EC00] =	vst v63  }
0x92: {  	_ =	swait.ge [sflag:s28], $0x4000  }
0x93: {  	[sflag:s28] =	ssyncset.done $0x0  }
0x94: {  	s15 =	simm.s32 $0x1880;
	[sflag:s28] =	ssyncadd.s32 $0xFFFFC000  }
0x95: {  	[spmem:s3] =	stream.indirect.scatter.add.f32 [tilespmem:s24], [sflag:$0x3], $0x80, s15, s22, $0xb8;
	[tilespmem:$0x1EC00] =	vst v63  }
0x96: {  	_ =	swait.ge [sflag:s20], $0x4000  }
0x97: {  	[sflag:s20] =	ssyncset.done $0x0  }
0x98: {  	s0 =	simm.s32 $0x180;
	s15 =	simm.s32 $0x400;
	[sflag:s20] =	ssyncadd.s32 $0xFFFFC000  }
.LBB2_3:
0x99: {  	[tilespmem:s24], [sflag:$0x2] =	stream.indirect.gather [hbm4b:s2+s22], $0x80, s0, s22, $0xb8;
	[tilespmem:$0x1EC00] =	vst v63  }
0x9a: {  	s0 =	smov.u32 s15  }
0x9b: {  	p1 =	sne.s32 s15, $0x5800;
	s15 =	sadd.s32 $0x400, s15;
	_ =	swait.ge [sflag:s25], $0x4000  }
0x9c: {  	s0 =	sshra.s32 s0, $0x2;
	[sflag:s25] =	ssyncset.done $0x0  }
0x9d: {  	s1 =	sadd.s32 $0x1800, s0;
	[sflag:s25] =	ssyncadd.s32 $0xFFFFC000  }
0x9e: {  	[spmem:s3] =	stream.indirect.scatter.add.f32 [tilespmem:s23], [sflag:$0x3], $0x80, s1, s22, $0xb8;
	[tilespmem:$0x1EC00] =	vst v63  }
0x9f: {  	_ =	swait.ge [sflag:s20], $0x4000  }
0xa0: {  	[sflag:s20] =	ssyncset.done $0x0  }
0xa1: {  	s1 =	sadd.s32 $0x100, s0;
	[sflag:s20] =	ssyncadd.s32 $0xFFFFC000  }
0xa2: {  	[tilespmem:s23], [sflag:$0x1] =	stream.indirect.gather [hbm4b:s2+s22], $0x80, s1, s22, $0xb8;
	[tilespmem:$0x1EC00] =	vst v63  }
0xa3: {  	_ =	swait.ge [sflag:s28], $0x4000  }
0xa4: {  	[sflag:s28] =	ssyncset.done $0x0  }
.Ltmp3:
0xa5: {  	s1 =	sadd.s32 $0x1880, s0;
	[sflag:s28] =	ssyncadd.s32 $0xFFFFC000;
	(pc) =	sbr.rel @p1 .LBB2_3-.Ltmp3, $4  }
0xa6: {  	[spmem:s3] =	stream.indirect.scatter.add.f32 [tilespmem:s24], [sflag:$0x3], $0x80, s1, s22, $0xb8;
	[tilespmem:$0x1EC00] =	vst v63  }
0xa7: {  	_ =	swait.ge [sflag:s20], $0x4000  }
0xa8: {  	[sflag:s20] =	ssyncset.done $0x0  }
0xa9: {  	s0 =	sadd.s32 $0x180, s0;
	[sflag:s20] =	ssyncadd.s32 $0xFFFFC000  }
0xaa: {  	[tilespmem:s24], [sflag:$0x2] =	stream.indirect.gather [hbm4b:s2+s22], $0x80, s0, s22, $0xb8;
	[tilespmem:$0x1EC00] =	vst v63  }
0xab: {  	_ =	swait.ge [sflag:s25], $0x4000  }
0xac: {  	[sflag:s25] =	ssyncset.done $0x0  }
0xad: {  	[sflag:s25] =	ssyncadd.s32 $0xFFFFC000  }
0xae: {  	[spmem:s3] =	stream.indirect.scatter.add.f32 [tilespmem:s23], [sflag:$0x3], $0x80, s29, s22, $0xb8;
	[tilespmem:$0x1EC00] =	vst v63  }
0xaf: {  	_ =	swait.ge [sflag:s20], $0x4000  }
0xb0: {  	[sflag:s20] =	ssyncset.done $0x0  }
0xb1: {  	[sflag:s20] =	ssyncadd.s32 $0xFFFFC000  }
0xb2: {  	_ =	swait.ge [sflag:s28], $0x4000  }
0xb3: {  	[sflag:s28] =	ssyncset.done $0x0  }
0xb4: {  	[sflag:s28] =	ssyncadd.s32 $0xFFFFC000  }
0xb5: {  	[spmem:s3] =	stream.indirect.scatter.add.f32 [tilespmem:s24], [sflag:$0x3], $0x80, s30, s22, $0xb8;
	[tilespmem:$0x1EC00] =	vst v63  }
0xb6: {  	_ =	swait.ge [sflag:s20], $0x4000  }
0xb7: {  	[sflag:s20] =	ssyncset.done $0x0  }
0xb8: {  	s0 =	simm.s32 $0x0;
	s1 =	rddreg [dreg:$0x6];
	[sflag:s20] =	ssyncadd.s32 $0xFFFFC000  }
0xb9: {  	[tilespmem:s0], [sflag:$0x3] =	stream.linear.gather [hbm4b:s1+s0], $0x1800, $0x38;
	[tilespmem:$0x1EC00] =	vst v63  }
0xba: {  	_ =	swait.ge [sflag:s20], $0x1800  }
0xbb: {  	[sflag:s20] =	ssyncset.done $0x0  }
0xbc: {  	s15 =	rddreg [dreg:$0x7];
	[sflag:s20] =	ssyncadd.s32 $0xFFFFE800  }
0xbd: {  	[tilespmem:s21], [sflag:$0x3] =	stream.linear.gather [hbm4b:s15+s0], $0x1800, $0x38;
	[tilespmem:$0x1EC00] =	vst v63  }
0xbe: {  	_ =	swait.ge [sflag:s20], $0x1800  }
0xbf: {  	[sflag:s20] =	ssyncset.done $0x0  }
0xc0: {  	[sflag:s20] =	ssyncadd.s32 $0xFFFFE800  }
0xc1: {  	[tilespmem:s23], [sflag:$0x1] =	stream.indirect.gather [hbm4b:s2+s22], $0x80, s0, s22, $0xb8;
	[tilespmem:$0x1EC00] =	vst v63  }
0xc2: {  	_ = 	snop  }
0xc3: {  	[tilespmem:s24], [sflag:$0x2] =	stream.indirect.gather [hbm4b:s2+s22], $0x80, s22, s22, $0xb8;
	[tilespmem:$0x1EC00] =	vst v63  }
0xc4: {  	_ =	swait.ge [sflag:s25], $0x4000  }
0xc5: {  	[sflag:s25] =	ssyncset.done $0x0  }
0xc6: {  	s15 =	simm.s32 $0x1800;
	[sflag:s25] =	ssyncadd.s32 $0xFFFFC000  }
0xc7: {  	[spmem:s3] =	stream.indirect.scatter.add.f32 [tilespmem:s23], [sflag:$0x3], $0x80, s15, s22, $0xb8;
	[tilespmem:$0x1EC00] =	vst v63  }
0xc8: {  	_ =	swait.ge [sflag:s20], $0x4000  }
0xc9: {  	[sflag:s20] =	ssyncset.done $0x0  }
0xca: {  	s1 =	simm.s32 $0x100;
	[sflag:s20] =	ssyncadd.s32 $0xFFFFC000  }
0xcb: {  	[tilespmem:s23], [sflag:$0x1] =	stream.indirect.gather [hbm4b:s2+s22], $0x80, s1, s22, $0xb8;
	[tilespmem:$0x1EC00] =	vst v63  }
0xcc: {  	_ =	swait.ge [sflag:s28], $0x4000  }
0xcd: {  	[sflag:s28] =	ssyncset.done $0x0  }
0xce: {  	s15 =	simm.s32 $0x1880;
	[sflag:s28] =	ssyncadd.s32 $0xFFFFC000  }
0xcf: {  	[spmem:s3] =	stream.indirect.scatter.add.f32 [tilespmem:s24], [sflag:$0x3], $0x80, s15, s22, $0xb8;
	[tilespmem:$0x1EC00] =	vst v63  }
0xd0: {  	_ =	swait.ge [sflag:s20], $0x4000  }
0xd1: {  	[sflag:s20] =	ssyncset.done $0x0  }
0xd2: {  	s0 =	simm.s32 $0x180;
	s15 =	simm.s32 $0x400;
	[sflag:s20] =	ssyncadd.s32 $0xFFFFC000  }
.LBB2_5:
0xd3: {  	[tilespmem:s24], [sflag:$0x2] =	stream.indirect.gather [hbm4b:s2+s22], $0x80, s0, s22, $0xb8;
	[tilespmem:$0x1EC00] =	vst v63  }
0xd4: {  	s0 =	smov.u32 s15  }
0xd5: {  	p1 =	sne.s32 s15, $0x5800;
	s15 =	sadd.s32 $0x400, s15;
	_ =	swait.ge [sflag:s25], $0x4000  }
0xd6: {  	s0 =	sshra.s32 s0, $0x2;
	[sflag:s25] =	ssyncset.done $0x0  }
0xd7: {  	s1 =	sadd.s32 $0x1800, s0;
	[sflag:s25] =	ssyncadd.s32 $0xFFFFC000  }
0xd8: {  	[spmem:s3] =	stream.indirect.scatter.add.f32 [tilespmem:s23], [sflag:$0x3], $0x80, s1, s22, $0xb8;
	[tilespmem:$0x1EC00] =	vst v63  }
0xd9: {  	_ =	swait.ge [sflag:s20], $0x4000  }
0xda: {  	[sflag:s20] =	ssyncset.done $0x0  }
0xdb: {  	s1 =	sadd.s32 $0x100, s0;
	[sflag:s20] =	ssyncadd.s32 $0xFFFFC000  }
0xdc: {  	[tilespmem:s23], [sflag:$0x1] =	stream.indirect.gather [hbm4b:s2+s22], $0x80, s1, s22, $0xb8;
	[tilespmem:$0x1EC00] =	vst v63  }
0xdd: {  	_ =	swait.ge [sflag:s28], $0x4000  }
0xde: {  	[sflag:s28] =	ssyncset.done $0x0  }
.Ltmp4:
0xdf: {  	s1 =	sadd.s32 $0x1880, s0;
	[sflag:s28] =	ssyncadd.s32 $0xFFFFC000;
	(pc) =	sbr.rel @p1 .LBB2_5-.Ltmp4, $4  }
0xe0: {  	[spmem:s3] =	stream.indirect.scatter.add.f32 [tilespmem:s24], [sflag:$0x3], $0x80, s1, s22, $0xb8;
	[tilespmem:$0x1EC00] =	vst v63  }
0xe1: {  	_ =	swait.ge [sflag:s20], $0x4000  }
0xe2: {  	[sflag:s20] =	ssyncset.done $0x0  }
0xe3: {  	s0 =	sadd.s32 $0x180, s0;
	[sflag:s20] =	ssyncadd.s32 $0xFFFFC000  }
0xe4: {  	[tilespmem:s24], [sflag:$0x2] =	stream.indirect.gather [hbm4b:s2+s22], $0x80, s0, s22, $0xb8;
	[tilespmem:$0x1EC00] =	vst v63  }
0xe5: {  	_ =	swait.ge [sflag:s25], $0x4000  }
0xe6: {  	[sflag:s25] =	ssyncset.done $0x0  }
0xe7: {  	[sflag:s25] =	ssyncadd.s32 $0xFFFFC000  }
0xe8: {  	[spmem:s3] =	stream.indirect.scatter.add.f32 [tilespmem:s23], [sflag:$0x3], $0x80, s29, s22, $0xb8;
	[tilespmem:$0x1EC00] =	vst v63  }
0xe9: {  	_ =	swait.ge [sflag:s20], $0x4000  }
0xea: {  	[sflag:s20] =	ssyncset.done $0x0  }
0xeb: {  	[sflag:s20] =	ssyncadd.s32 $0xFFFFC000  }
0xec: {  	_ =	swait.ge [sflag:s28], $0x4000  }
0xed: {  	[sflag:s28] =	ssyncset.done $0x0  }
0xee: {  	[sflag:s28] =	ssyncadd.s32 $0xFFFFC000  }
0xef: {  	[spmem:s3] =	stream.indirect.scatter.add.f32 [tilespmem:s24], [sflag:$0x3], $0x80, s30, s22, $0xb8;
	[tilespmem:$0x1EC00] =	vst v63  }
0xf0: {  	_ =	swait.ge [sflag:s20], $0x4000  }
0xf1: {  	[sflag:s20] =	ssyncset.done $0x0  }
0xf2: {  	s0 =	simm.s32 $0x0;
	s1 =	rddreg [dreg:$0x8];
	[sflag:s20] =	ssyncadd.s32 $0xFFFFC000  }
0xf3: {  	[tilespmem:s0], [sflag:$0x3] =	stream.linear.gather [hbm4b:s1+s0], $0x1800, $0x38;
	[tilespmem:$0x1EC00] =	vst v63  }
0xf4: {  	_ =	swait.ge [sflag:s20], $0x1800  }
0xf5: {  	[sflag:s20] =	ssyncset.done $0x0  }
0xf6: {  	s15 =	rddreg [dreg:$0x9];
	[sflag:s20] =	ssyncadd.s32 $0xFFFFE800  }
0xf7: {  	[tilespmem:s21], [sflag:$0x3] =	stream.linear.gather [hbm4b:s15+s0], $0x1800, $0x38;
	[tilespmem:$0x1EC00] =	vst v63  }
0xf8: {  	_ =	swait.ge [sflag:s20], $0x1800  }
0xf9: {  	[sflag:s20] =	ssyncset.done $0x0  }
0xfa: {  	[sflag:s20] =	ssyncadd.s32 $0xFFFFE800  }
0xfb: {  	[tilespmem:s23], [sflag:$0x1] =	stream.indirect.gather [hbm4b:s2+s22], $0x80, s0, s22, $0xb8;
	[tilespmem:$0x1EC00] =	vst v63  }
0xfc: {  	_ = 	snop  }
0xfd: {  	[tilespmem:s24], [sflag:$0x2] =	stream.indirect.gather [hbm4b:s2+s22], $0x80, s22, s22, $0xb8;
	[tilespmem:$0x1EC00] =	vst v63  }
0xfe: {  	_ =	swait.ge [sflag:s25], $0x4000  }
0xff: {  	[sflag:s25] =	ssyncset.done $0x0  }
0x100: {  	s15 =	simm.s32 $0x1800;
	[sflag:s25] =	ssyncadd.s32 $0xFFFFC000  }
0x101: {  	[spmem:s3] =	stream.indirect.scatter.add.f32 [tilespmem:s23], [sflag:$0x3], $0x80, s15, s22, $0xb8;
	[tilespmem:$0x1EC00] =	vst v63  }
0x102: {  	_ =	swait.ge [sflag:s20], $0x4000  }
0x103: {  	[sflag:s20] =	ssyncset.done $0x0  }
0x104: {  	s1 =	simm.s32 $0x100;
	[sflag:s20] =	ssyncadd.s32 $0xFFFFC000  }
0x105: {  	[tilespmem:s23], [sflag:$0x1] =	stream.indirect.gather [hbm4b:s2+s22], $0x80, s1, s22, $0xb8;
	[tilespmem:$0x1EC00] =	vst v63  }
0x106: {  	_ =	swait.ge [sflag:s28], $0x4000  }
0x107: {  	[sflag:s28] =	ssyncset.done $0x0  }
0x108: {  	s15 =	simm.s32 $0x1880;
	[sflag:s28] =	ssyncadd.s32 $0xFFFFC000  }
0x109: {  	[spmem:s3] =	stream.indirect.scatter.add.f32 [tilespmem:s24], [sflag:$0x3], $0x80, s15, s22, $0xb8;
	[tilespmem:$0x1EC00] =	vst v63  }
0x10a: {  	_ =	swait.ge [sflag:s20], $0x4000  }
0x10b: {  	[sflag:s20] =	ssyncset.done $0x0  }
0x10c: {  	s0 =	simm.s32 $0x180;
	s15 =	simm.s32 $0x400;
	[sflag:s20] =	ssyncadd.s32 $0xFFFFC000  }
.LBB2_7:
0x10d: {  	[tilespmem:s24], [sflag:$0x2] =	stream.indirect.gather [hbm4b:s2+s22], $0x80, s0, s22, $0xb8;
	[tilespmem:$0x1EC00] =	vst v63  }
0x10e: {  	s0 =	smov.u32 s15  }
0x10f: {  	p1 =	sne.s32 s15, $0x5800;
	s15 =	sadd.s32 $0x400, s15;
	_ =	swait.ge [sflag:s25], $0x4000  }
0x110: {  	s0 =	sshra.s32 s0, $0x2;
	[sflag:s25] =	ssyncset.done $0x0  }
0x111: {  	s1 =	sadd.s32 $0x1800, s0;
	[sflag:s25] =	ssyncadd.s32 $0xFFFFC000  }
0x112: {  	[spmem:s3] =	stream.indirect.scatter.add.f32 [tilespmem:s23], [sflag:$0x3], $0x80, s1, s22, $0xb8;
	[tilespmem:$0x1EC00] =	vst v63  }
0x113: {  	_ =	swait.ge [sflag:s20], $0x4000  }
0x114: {  	[sflag:s20] =	ssyncset.done $0x0  }
0x115: {  	s1 =	sadd.s32 $0x100, s0;
	[sflag:s20] =	ssyncadd.s32 $0xFFFFC000  }
0x116: {  	[tilespmem:s23], [sflag:$0x1] =	stream.indirect.gather [hbm4b:s2+s22], $0x80, s1, s22, $0xb8;
	[tilespmem:$0x1EC00] =	vst v63  }
0x117: {  	_ =	swait.ge [sflag:s28], $0x4000  }
0x118: {  	[sflag:s28] =	ssyncset.done $0x0  }
.Ltmp5:
0x119: {  	s1 =	sadd.s32 $0x1880, s0;
	[sflag:s28] =	ssyncadd.s32 $0xFFFFC000;
	(pc) =	sbr.rel @p1 .LBB2_7-.Ltmp5, $4  }
0x11a: {  	[spmem:s3] =	stream.indirect.scatter.add.f32 [tilespmem:s24], [sflag:$0x3], $0x80, s1, s22, $0xb8;
	[tilespmem:$0x1EC00] =	vst v63  }
0x11b: {  	_ =	swait.ge [sflag:s20], $0x4000  }
0x11c: {  	[sflag:s20] =	ssyncset.done $0x0  }
0x11d: {  	s0 =	sadd.s32 $0x180, s0;
	[sflag:s20] =	ssyncadd.s32 $0xFFFFC000  }
.Ltmp6:
0x11e: {  	_ = 	snop;
	(pc) =	sbr.rel .LBB2_8-.Ltmp6, $1  }
0x11f: {  	_ =	sdelay $0x3  }
.LBB2_10:
0x120: {  	_ =	sfence.sel $0x180000  }
0x121: {  	[bflag:$0x0] =	sbarrier.arrive $0xFFFF  }
0x122: {  	_ =	strace $0x9000004D  }
0x123: {  	s0 =	stileid.u32;
	[bflag:$0x2] =	sbarrier.arrive $0xFFFF  }
0x124: {  	p0 =	sne.s32 s0, $0x0;
	s0 =	rddreg [dreg:$0x3]  }
0x125: {  	s0 =	sadd.s32 @!p0 $0x100000, s0  }
0x126: {  	[sflag:s0] =	ssyncadd.tile.s32 @!p0 $0x1;
	_ =	shalt  }
.Lfunc_end2:
_tile_overlayer_lowered:
.L_overlay_start_2:
0x127: {  	(tag) =	ssettag $0x2  }
0x128: {  	s0 =	rddreg [dreg:$0x0];
	s2 =	stileid.u32  }
0x129: {  	s1 =	rddreg [dreg:$0x1];
	p0 =	sne.s32 s2, $0x0  }
0x12a: {  	s3 =	rddreg [dreg:$0x2];
	[bflag:$0x3] =	sbarrier.arrive $0xFFFF;
	s2 =	simm.s32 @!p0 $0x1C03  }
0x12b: {  	[timem:s3], [sflag:s2] =	dma.local @!p0 [hbm:s0], s1  }
0x12c: {  	s0 =	simm.s32 @!p0 $0x3  }
0x12d: {  	_ =	swait.ge @!p0 [sflag:s0], s1  }
0x12e: {  	s1 =	ssub.s32 @!p0 $0x0, s1;
	[sflag:s0] =	ssyncset.done @!p0 $0x0  }
0x12f: {  	[sflag:s0] =	ssyncadd.s32 @!p0 s1  }
0x130: {  	[bflag:$0x3] =	sbarrier.arrive $0xFFFF  }
0x131: {  	_ =	shalt  }

// kernel: kernel.8.cloned.1.call-start
scs
__scs_entry_jumppad:
0x0: {  	(pc) =	sbr.rel $0x88, $3  }
0x1: {  	(tag) =	ssettag $0x0;
	lr =	simm.s32 $0x1  }
0x2: {  	[smem:$0x3F9B] =	sst lr;
	_ =	strace $0xD0000000  }
0x3: {  	_ = 	snop  }
0x4: {  	_ = 	snop  }
0x5: {  	_ = 	snop  }
0x6: {  	_ = 	snop  }
0x7: {  	_ = 	snop  }
__scs_overlays_trampoline_lowered:
0x8: {  	[smem:$0x3FAA] =	sst s0  }
0x9: {  	[smem:$0x3FAB] =	sst s1  }
0xa: {  	[smem:$0x3FAC] =	sst s2  }
0xb: {  	[smem:$0x3FAD] =	sst s3  }
0xc: {  	[smem:$0x3FAE] =	sst s4  }
0xd: {  	[smem:$0x3FAF] =	sst s5  }
0xe: {  	[smem:$0x3FB0] =	sst s6  }
0xf: {  	[smem:$0x3FB1] =	sst s7  }
0x10: {  	[smem:$0x3FB2] =	sst s8  }
0x11: {  	[smem:$0x3FB3] =	sst s9;
	s0 =	simm.s32 @!p0 $0x0  }
0x12: {  	s1 =	sld [smem:$0x3F99];
	s0 =	simm.s32 @p0 $0x1  }
0x13: {  	[smem:$0x3FB4] =	sst s0;
	s0 =	simm.s32 @!p1 $0x0  }
0x14: {  	s2 =	sld [smem:$0x3F98];
	s0 =	simm.s32 @p1 $0x1  }
0x15: {  	[smem:$0x3FB5] =	sst s0;
	s0 =	simm.s32 @!p2 $0x0  }
0x16: {  	s3 =	sld [smem:$0x3FDB];
	s0 =	simm.s32 @p2 $0x1  }
0x17: {  	s4 =	simm.s32 $0x1BF5;
	[smem:$0x3FB7] =	sst s0  }
0x18: {  	s0 =	sld [smem:$0x3F9A];
	_ =	swait.ge [sflag:s4], $0x0  }
0x19: {  	s7 =	sld [smem:$0x3F9B]  }
0x1a: {  	s8 =	sadd.s32 $0xFFFFE003, lr  }
0x1b: {  	s9 =	sadd.s32 $0xFFFFFEF7, lr;
	s5 =	simm.s32 $0xFFFFFFFF;
	p2 =	slt.u32 s8, $0xFFFFF086  }
0x1c: {  	p1 =	slt.u32 s9, $0xF7A;
	s5 =	simm.s32 @!p2 $0x0  }
0x1d: {  	s5 =	simm.s32 @p1 $0x1;
	p0 =	seq.s32 s7, s2  }
0x1e: {  	s7 =	smul.u32 @!p0 $0xF7A, s2;
	p2 =	seq.s32 @!p0 s5, $0x0  }
0x1f: {  	s9 =	smul.u32 $0xF7A, s1;
	s8 =	simm.s32 @!p0 $0x1BF5;
	p2 =	por !p2, p0  }
0x20: {  	[sflag:s8] =	ssyncset.s32 @!p0 $0xFFFFF086;
	s6 =	sadd.s32 @!p0 s3, s7;
	s7 =	simm.s32 @!p0 $0x108  }
0x21: {  	s3 =	sadd.s32 s3, s9;
	s6 =	sadd.s32 @!p0 $0x88, s6;
	s7 =	simm.s32 @p2 $0x1082  }
0x22: {  	[simem:s7], [sflag:s8] =	dma.local @!p0 [hbm:s6], $0xF7A  }
0x23: {  	s9 =	sor.u32 $0xD0000000, s2;
	s6 =	simm.s32 $0x108;
	_ =	swait.ge @!p0 [sflag:s8], $0x0  }
0x24: {  	s3 =	sadd.s32 $0x88, s3;
	s6 =	simm.s32 @!p1 $0x1082;
	[sflag:s4] =	ssyncset.s32 $0xFFFFF086  }
0x25: {  	[simem:s6], [sflag:s4] =	dma.local [hbm:s3], $0xF7A  }
0x26: {  	[smem:$0x3F9B] =	sst s1;
	(tag) =	ssettag s2;
	_ =	strace s9  }
0x27: {  	s1 =	sld [smem:$0x3FAB]  }
0x28: {  	s2 =	sld [smem:$0x3FAC]  }
0x29: {  	s4 =	sld [smem:$0x3FAE]  }
0x2a: {  	p0 =	seq.s32 s5, $0x0;
	s5 =	sld [smem:$0x3FAF]  }
0x2b: {  	s6 =	sld [smem:$0x3FB0]  }
0x2c: {  	s7 =	sld [smem:$0x3FB1]  }
0x2d: {  	s3 =	simm.s32 $0x108;
	s8 =	sld [smem:$0x3FB2]  }
0x2e: {  	s3 =	simm.s32 @!p0 $0x1082;
	s9 =	sld [smem:$0x3FB3]  }
0x2f: {  	lr =	sadd.s32 s0, s3;
	s0 =	sld [smem:$0x3FAA]  }
0x30: {  	s3 =	sld [smem:$0x3FAD]  }
0x31: {  	[smem:$0x3FB6] =	sst s10  }
0x32: {  	s10 =	sld [smem:$0x3FB4];
	_ =	sdelay $0x3  }
0x33: {  	p0 =	seq.s32 s10, $0x1;
	s10 =	sld [smem:$0x3FB6];
	_ =	sdelay $0x3  }
0x34: {  	[smem:$0x3FB6] =	sst s10  }
0x35: {  	s10 =	sld [smem:$0x3FB5];
	_ =	sdelay $0x3  }
0x36: {  	p1 =	seq.s32 s10, $0x1;
	s10 =	sld [smem:$0x3FB6];
	_ =	sdelay $0x3  }
0x37: {  	[smem:$0x3FB6] =	sst s10  }
0x38: {  	s10 =	sld [smem:$0x3FB7]  }
0x39: {  	_ = 	snop;
	(pc) =	sbr.ind lr, $3  }
0x3a: {  	_ = 	snop  }
0x3b: {  	_ = 	snop  }
0x3c: {  	p2 =	seq.s32 s10, $0x1;
	s10 =	sld [smem:$0x3FB6]  }
0x3d: {  	_ =	shalt  }
0x3e: {  	_ =	shalt  }
0x3f: {  	_ =	shalt  }
0x40: {  	_ =	shalt  }
0x41: {  	_ =	shalt  }
0x42: {  	_ =	shalt  }
0x43: {  	_ =	shalt  }
0x44: {  	_ =	shalt  }
0x45: {  	_ =	shalt  }
0x46: {  	_ =	shalt  }
0x47: {  	_ =	shalt  }
0x48: {  	_ =	shalt  }
0x49: {  	_ =	shalt  }
0x4a: {  	_ =	shalt  }
0x4b: {  	_ =	shalt  }
0x4c: {  	_ =	shalt  }
0x4d: {  	_ =	shalt  }
0x4e: {  	_ =	shalt  }
0x4f: {  	_ =	shalt  }
0x50: {  	_ =	shalt  }
0x51: {  	_ =	shalt  }
0x52: {  	_ =	shalt  }
0x53: {  	_ =	shalt  }
0x54: {  	_ =	shalt  }
0x55: {  	_ =	shalt  }
0x56: {  	_ =	shalt  }
0x57: {  	_ =	shalt  }
0x58: {  	_ =	shalt  }
0x59: {  	_ =	shalt  }
0x5a: {  	_ =	shalt  }
0x5b: {  	_ =	shalt  }
0x5c: {  	_ =	shalt  }
0x5d: {  	_ =	shalt  }
0x5e: {  	_ =	shalt  }
0x5f: {  	_ =	shalt  }
0x60: {  	_ =	shalt  }
0x61: {  	_ =	shalt  }
0x62: {  	_ =	shalt  }
0x63: {  	_ =	shalt  }
0x64: {  	_ =	shalt  }
0x65: {  	_ =	shalt  }
0x66: {  	_ =	shalt  }
0x67: {  	_ =	shalt  }
0x68: {  	_ =	shalt  }
0x69: {  	_ =	shalt  }
0x6a: {  	_ =	shalt  }
0x6b: {  	_ =	shalt  }
0x6c: {  	_ =	shalt  }
0x6d: {  	_ =	shalt  }
0x6e: {  	_ =	shalt  }
0x6f: {  	_ =	shalt  }
0x70: {  	_ =	shalt  }
0x71: {  	_ =	shalt  }
0x72: {  	_ =	shalt  }
0x73: {  	_ =	shalt  }
0x74: {  	_ =	shalt  }
0x75: {  	_ =	shalt  }
0x76: {  	_ =	shalt  }
0x77: {  	_ =	shalt  }
0x78: {  	_ =	shalt  }
0x79: {  	_ =	shalt  }
0x7a: {  	_ =	shalt  }
0x7b: {  	_ =	shalt  }
0x7c: {  	_ =	shalt  }
0x7d: {  	_ =	shalt  }
0x7e: {  	_ =	shalt  }
0x7f: {  	_ =	shalt  }
0x80: {  	_ =	shalt  }
0x81: {  	_ =	shalt  }
0x82: {  	_ =	shalt  }
0x83: {  	_ =	shalt  }
0x84: {  	_ =	shalt  }
0x85: {  	_ =	shalt  }
0x86: {  	_ =	shalt  }
0x87: {  	_ =	shalt  }
.Lfunc_end0:
.L_simem_size_0:
called_computation_lowered:
.L_overlay_start_0:
0x88: {  	s2 =	sld [smem:$0x3FD9]  }
0x89: {  	s3 =	sld [smem:$0x3FFE];
	_ =	sdelay $0x1  }
0x8a: {  	s1 =	srdreg.scid  }
0x8b: {  	s0 =	sand.u32 $0x1, s1  }
0x8c: {  	s17 =	sshll.u32 s0, $0xA;
	s2 =	sadd.s32 s3, s2  }
0x8d: {  	s2 =	sadd.s32 s2, s17  }
0x8e: {  	[smem:$0x3FC2] =	sst s2  }
0x8f: {  	_ = 	snop  }
0x90: {  	s2 =	sld [smem:$0x3FD0];
	(tm) =	ssettm $0x1  }
0x91: {  	s18 =	sld [smem:$0x3FFB];
	_ =	sdelay $0x3  }
0x92: {  	_ =	strace s18  }
0x93: {  	s3 =	sld [smem:$0x3FFC];
	_ =	sdelay $0x3  }
0x94: {  	_ =	strace s3  }
0x95: {  	s3 =	sld [smem:$0x3FFD];
	_ =	sdelay $0x3  }
0x96: {  	_ =	strace s3  }
0x97: {  	_ =	strace $0x8FFFFFFF  }
0x98: {  	s19 =	sld [smem:$0x3FDB];
	_ =	sdelay $0x1  }
0x99: {  	s4 =	simm.s32 $_scs_section_size  }
0x9a: {  	s5 =	simm.s32 $_size__tile_overlayer_lowered;
	s6 =	simm.s32 $_tile_overlayer_lowered  }
0x9b: {  	s22 =	simm.s32 $0x1BFF;
	s21 =	sshll.u32 s6, $0x1;
	s3 =	sadd.s32 s4, s19  }
0x9c: {  	s7 =	simm.s32 $0x0;
	s20 =	sshll.u32 s5, $0x1;
	s5 =	sadd.s32 s21, s3  }
0x9d: {  	[timem:s7], [sflag:s22] =	dma.local [hbm:s5], s20  }
0x9e: {  	_ =	swait.ge [sflag:s22], s20  }
0x9f: {  	s4 =	ssub.s32 $0x0, s20;
	[sflag:s22] =	ssyncset.done $0x0  }
0xa0: {  	[sflag:s22] =	ssyncadd.s32 s4;
	_ =	sdelay $0x1  }
0xa1: {  	s23 =	simm.s32 $0x1B8B  }
0xa2: {  	_ =	swait.ge [sflag:s23], $0x1  }
0xa3: {  	[sflag:s23] =	ssyncset.done $0x0  }
0xa4: {  	s25 =	simm.s32 $0x1B8E;
	s24 =	sld [smem:$0x3FFE];
	[sflag:s23] =	ssyncadd.s32 $0xFFFFFFFF  }
0xa5: {  	s26 =	simm.s32 $execute0_lowered;
	[smem:$0x3FD2] =	sst s25  }
0xa6: {  	s5 =	sshll.u32 s26, $0x1;
	_ =	strace $0x80000046;
	[dreg:$0x1] =	wrdreg $0xFFFFFFFF  }
0xa7: {  	s28 =	simm.s32 $_size_execute0_lowered;
	s3 =	sadd.s32 s3, s5;
	[dreg:$0x0] =	wrdreg $0x0  }
0xa8: {  	s5 =	sshll.u32 s28, $0x1;
	[dreg:$0x2] =	wrdreg s3  }
0xa9: {  	[dreg:$0x3] =	wrdreg s5  }
0xaa: {  	[dreg:$0x4] =	wrdreg $0xC0  }
0xab: {  	_ =	task [dreg:s7], $0x5FFFF  }
0xac: {  	[dreg:$0x1] =	wrdreg $0xFFFFFFFF  }
0xad: {  	[dreg:$0x0] =	wrdreg $0x60  }
0xae: {  	[dreg:$0x2] =	wrdreg s24  }
0xaf: {  	[dreg:$0x3] =	wrdreg s2  }
0xb0: {  	[dreg:$0x4] =	wrdreg $0x68000  }
0xb1: {  	[dreg:$0x5] =	wrdreg $0x9  }
0xb2: {  	_ =	task.clear_ibuf [dreg:s7], $0x6FFFF;
	_ =	strace $0x90000046  }
0xb3: {  	s29 =	simm.s32 $0x9;
	_ =	strace $0x80000048  }
0xb4: {  	_ =	swait.ge [sflag:s29], $0x1  }
0xb5: {  	[sflag:s29] =	ssyncadd.s32 $0xFFFFFFFF  }
0xb6: {  	_ =	strace $0x90000048  }
0xb7: {  	_ =	sfence  }
0xb8: {  	s30 =	sld [smem:$0x0];
	_ =	sdelay $0x2  }
0xb9: {  	s31 =	sshll.u32 s1, $0xD;
	s1 =	sshrl.u32 s1, $0x2  }
0xba: {  	s3 =	sand.u32 $0x4000, s31;
	s1 =	sadd.s32 s1, s30  }
0xbb: {  	s0 =	sor.u32 s3, s0;
	s1 =	sshll.u32 s1, $0x11  }
0xbc: {  	s0 =	sor.u32 s1, s0  }
0xbd: {  	s0 =	sadd.s32 $0x8F2B, s0  }
0xbe: {  	[sflag:s0] =	ssyncadd.remote.s32 $0x1  }
0xbf: {  	_ =	sfence.sel $0xFFFF  }
0xc0: {  	[dreg:$0x0] =	wrdreg $0xFFFFFFFF;
	(pc) =	sbr.abs _section_cstart, $3  }
0xc1: {  	[dreg:$0x1] =	wrdreg $0xFFFFFFFF  }
0xc2: {  	_ =	task.clear_ibuf [dreg:s7], $0x2FFFF;
	_ =	strace $0x9FFFFFFF  }
0xc3: {  	(tm) =	ssettm $0x7FFFFFFF  }
tec
execute0_lowered:
.L_overlay_start_1:
0x0: {  	(tag) =	ssettag $0x1  }
0x1: {  	s5 =	rddreg [dreg:$0x0]  }
0x2: {  	s1 =	srdreg.scid;
	s2 =	rddreg [dreg:$0x1]  }
0x3: {  	s0 =	stileid.u32;
	s3 =	rddreg [dreg:$0x2]  }
0x4: {  	s4 =	simm.s32 $0x0;
	s13 =	simm.s32 $0x80;
	s14 =	simm.s32 $0x0  }
0x5: {  	s6 =	sand.u32 $0x1, s1;
	s28 =	sshll.u32 s0, $0x1;
	s8 =	smul.u32 $0x13C00, s0  }
0x6: {  	[smem:$0x7FF] =	sst s4;
	s29 =	smul.u32 $0x4F000, s0;
	s31 =	sshll.u32 s0, $0x6  }
0x7: {  	s1 =	sor.u32 s6, s28;
	s9 =	smul.u32 $0x13C000, s6;
	s6 =	ssub.s32 $0x2, s6  }
0x8: {  	s7 =	smul.u32 $0x500, s1;
	s1 =	rddreg [dreg:$0x3];
	_ =	strace $0x80000047  }
0x9: {  	s10 =	sshrl.u32 s8, $0x3;
	s11 =	sshrl.u32 s6, $0x1;
	s30 =	sshrl.u32 s29, $0x2  }
0xa: {  	s8 =	sadd.s32 s8, s9;
	s10 =	sadd.s32 s10, s5;
	s11 =	ssub.s32 s6, s11  }
0xb: {  	s12 =	sadd.s32 s30, s3;
	s6 =	sor.u32 $0x1C01, s31;
	s7 =	sadd.s32 s7, s5  }
0xc: {  	s8 =	sshrl.u32 s8, $0x3;
	s9 =	smax.u32 s11, $0x1;
	s11 =	simm.s32 $0x1  }
0xd: {  	s8 =	sadd.s32 s8, s5;
	s5 =	sadd.s32 $0x16800, s10;
	s7 =	sadd.s32 $0x2800, s7  }
0xe: {  	s10 =	sshrl.u32 s12, $0x3;
	s12 =	simm.s32 $0x2800;
	s8 =	sadd.s32 $0x3E000, s8  }
.LBB2_1:
0xf: {  	[spmem:s10], [sflag:s6] =	dma.local [hbm:s5], $0x2780  }
0x10: {  	_ =	swait.ge [sflag:s11], $0x2780  }
0x11: {  	[sflag:s11] =	ssyncset.done $0x0  }
0x12: {  	[sflag:s11] =	ssyncadd.s32 $0xFFFFD880  }
0x13: {  	[tilespmem:s12], [sflag:$0x1] =	stream.linear.gather [hbm4b:s2+s4], $0x4000, $0x38;
	[tilespmem:$0x1A400] =	vst v63  }
0x14: {  	_ =	swait.ge [sflag:s11], $0x4000  }
0x15: {  	[sflag:s11] =	ssyncset.done $0x0  }
0x16: {  	[sflag:s11] =	ssyncadd.s32 $0xFFFFC000  }
0x17: {  	[tilespmem:s4], [sflag:$0x1] =	stream.linear.gather [hbm4b:s7+s4], $0x2800, $0x38;
	[tilespmem:$0x1A400] =	vst v63  }
0x18: {  	_ =	swait.ge [sflag:s11], $0x2800  }
0x19: {  	[sflag:s11] =	ssyncset.done $0x0  }
0x1a: {  	[sflag:s11] =	ssyncadd.s32 $0xFFFFD800  }
0x1b: {  	s15 =	simm.s32 $0x0;
	[bflag:$0x0] =	sbarrier.arrive $0xFFFF  }
0x1c: {  	[spmem:s3] =	stream.indirect.scatter.add.f32 [tilespmem:s12], [sflag:$0x1], $0x80, s15, s13, $0xb8;
	[tilespmem:$0x1A400] =	vst v63  }
0x1d: {  	_ =	swait.ge [sflag:s11], $0x4000  }
0x1e: {  	s15 =	simm.s32 $0x200;
	[sflag:s11] =	ssyncset.done $0x0  }
.LBB2_2:
0x1f: {  	s16 =	sshra.s32 s15, $0x2;
	[sflag:s11] =	ssyncadd.s32 $0xFFFFC000;
	p0 =	sne.s32 s15, $0x9E00  }
0x20: {  	[spmem:s3] =	stream.indirect.scatter.add.f32 [tilespmem:s12], [sflag:$0x1], $0x80, s16, s13, $0xb8;
	[tilespmem:$0x1A400] =	vst v63  }
.Ltmp0:
0x21: {  	_ = 	snop;
	(pc) =	sbr.rel @p0 .LBB2_2-.Ltmp0, $4  }
0x22: {  	_ = 	snop  }
0x23: {  	s15 =	sadd.s32 $0x200, s15  }
0x24: {  	_ =	swait.ge [sflag:s11], $0x4000  }
0x25: {  	[sflag:s11] =	ssyncset.done $0x0  }
0x26: {  	s14 =	sadd.s32 $0x1, s14  }
0x27: {  	[sflag:s11] =	ssyncadd.s32 $0xFFFFC000;
	p0 =	sne.s32 s14, s9  }
.Ltmp1:
0x28: {  	[bflag:$0x0] =	sbarrier.arrive $0xFFFF;
	(pc) =	sbr.rel @p0 .LBB2_1-.Ltmp1, $4  }
0x29: {  	[hbm:s8], [sflag:s6] =	dma.local [spmem:s10], $0x2780  }
0x2a: {  	_ =	swait.ge [sflag:s11], $0x2780  }
0x2b: {  	[sflag:s11] =	ssyncset.done $0x0  }
0x2c: {  	[sflag:s11] =	ssyncadd.s32 $0xFFFFD880  }
0x2d: {  	_ =	sfence.sel $0x180000  }
0x2e: {  	[bflag:$0x0] =	sbarrier.arrive $0xFFFF  }
0x2f: {  	p0 =	sne.s32 s0, $0x0;
	_ =	strace $0x90000047  }
0x30: {  	s0 =	sadd.s32 @!p0 $0x100000, s1;
	[bflag:$0x2] =	sbarrier.arrive $0xFFFF  }
0x31: {  	[sflag:s0] =	ssyncadd.tile.s32 @!p0 $0x1;
	_ =	shalt  }
.Lfunc_end2:
_tile_overlayer_lowered:
.L_overlay_start_2:
0x32: {  	(tag) =	ssettag $0x2  }
0x33: {  	s0 =	rddreg [dreg:$0x0];
	s2 =	stileid.u32  }
0x34: {  	s1 =	rddreg [dreg:$0x1];
	p0 =	sne.s32 s2, $0x0  }
0x35: {  	s3 =	rddreg [dreg:$0x2];
	[bflag:$0x3] =	sbarrier.arrive $0xFFFF;
	s2 =	simm.s32 @!p0 $0x1C01  }
0x36: {  	[timem:s3], [sflag:s2] =	dma.local @!p0 [hbm:s0], s1  }
0x37: {  	s0 =	simm.s32 @!p0 $0x1  }
0x38: {  	_ =	swait.ge @!p0 [sflag:s0], s1  }
0x39: {  	s1 =	ssub.s32 @!p0 $0x0, s1;
	[sflag:s0] =	ssyncset.done @!p0 $0x0  }
0x3a: {  	[sflag:s0] =	ssyncadd.s32 @!p0 s1  }
0x3b: {  	[bflag:$0x3] =	sbarrier.arrive $0xFFFF  }
0x3c: {  	_ =	shalt  }

</sc_bundles>
